<compile_context>
chip_gen: v7x
topology: tpu7x:2x2x1
jax: 0.10.2.dev20260603
libtpu: 0.0.44.dev20260713+nightly
codegen_flags: <defaults>
</compile_context>

<pallas_src>
import functools

import jax
import jax.numpy as jnp
from jax import lax
from jax.experimental import pallas as pl
from jax.experimental.pallas import tpu as pltpu
from jax.experimental.pallas import tpu_sc as plsc

NUM_ELEMENTS = 118
PAD_ROWS = 128
EMBED_DIM = 64

_NC = 2
_NS = 16
_NW = _NC * _NS
_L = 16


def _make_embed(N: int, M: int, R: int):
    B = N * M
    C = R * M
    assert B % (_NW * C) == 0 and C % _L == 0
    rows_per_w = N // _NW
    per_w = B // _NW
    n_chunks = per_w // C
    assert n_chunks % 2 == 0
    n_groups = C // _L
    mesh = plsc.VectorSubcoreMesh(core_axis_name="c", subcore_axis_name="s")

    @functools.partial(
        pl.kernel,
        mesh=mesh,
        out_type=jax.ShapeDtypeStruct((N, M, EMBED_DIM), jnp.float32),
        compiler_params=pltpu.CompilerParams(use_tc_tiling_on_sc=True),
        scratch_types=[
            pltpu.VMEM((PAD_ROWS * EMBED_DIM,), jnp.float32),
            pltpu.VMEM((C,), jnp.int32),
            pltpu.VMEM((C,), jnp.int32),
            pltpu.VMEM((C, EMBED_DIM), jnp.float32),
            pltpu.VMEM((C, EMBED_DIM), jnp.float32),
            pltpu.SemaphoreType.DMA,
            pltpu.SemaphoreType.DMA,
            pltpu.SemaphoreType.DMA,
            pltpu.SemaphoreType.DMA,
            pltpu.SemaphoreType.DMA,
        ],
    )
    def emb(table_hbm, idx_hbm, out_hbm, table_v, idx0, idx1, rows0, rows1,
            isem0, isem1, tsem, osem0, osem1):
        wid = lax.axis_index("s") * _NC + lax.axis_index("c")
        base = wid * per_w
        row0 = wid * rows_per_w
        idx_bufs = (idx0, idx1)
        rows_bufs = (rows0, rows1)
        isems = (isem0, isem1)
        osems = (osem0, osem1)

        pltpu.async_copy(table_hbm, table_v, tsem)
        idx_start_0 = pltpu.async_copy(
            idx_hbm.at[pl.ds(base, C)], idx_bufs[0], isems[0])
        del idx_start_0
        pltpu.async_copy(idx_hbm.at[pl.ds(base + C, C)], idx_bufs[1], isems[1])
        pltpu.make_async_copy(table_hbm, table_v, tsem).wait()

        def idx_start(g, b):
            pltpu.async_copy(idx_hbm.at[pl.ds(base + g * C, C)], idx_bufs[b], isems[b])

        def idx_wait(b):
            pltpu.make_async_copy(idx_hbm.at[pl.ds(0, C)], idx_bufs[b], isems[b]).wait()

        def out_start(g, b):
            r = row0 + g * R
            for j in range(R):
                pltpu.async_copy(rows_bufs[b].at[pl.ds(j * M, M)],
                                 out_hbm.at[r + j], osems[b])

        def out_wait(b):
            for j in range(R):
                pltpu.make_async_copy(rows_bufs[b].at[pl.ds(j * M, M)],
                                      out_hbm.at[0], osems[b]).wait()

        def expand(b):
            rows_b = rows_bufs[b]
            idx_b = idx_bufs[b]

            @plsc.parallel_loop(0, n_groups, 1, unroll=2)
            def group(q):
                zv = idx_b[pl.ds(q * _L, _L)] * EMBED_DIM
                srcs = [zv[k] for k in range(_L)]
                for k in range(_L):
                    p = q * _L + k
                    for m in range(0, EMBED_DIM, _L):
                        rows_b[p, pl.ds(m, _L)] = table_v[pl.ds(srcs[k] + m, _L)]

        def body(i, carry):
            for b in (0, 1):
                g = 2 * i + b
                idx_wait(b)
                @pl.when(g >= 2)
                def _():
                    out_wait(b)
                expand(b)
                @pl.when(g + 2 < n_chunks)
                def _():
                    idx_start(g + 2, b)
                out_start(g, b)
            return carry

        lax.fori_loop(0, n_chunks // 2, body, 0)
        out_wait(0)
        out_wait(1)

    return emb


def kernel(z, table):
    n, m = z.shape
    zf = z.reshape(n * m).astype(jnp.int32)
    tp = jnp.pad(table, ((0, PAD_ROWS - NUM_ELEMENTS), (0, 0))).reshape(-1)
    return _make_embed(n, m, 2)(tp, zf)

# --- scband reference (transcript-rebuilt; emitter-appended) ---
"""Pipeline reference for scband-element-embedding-35983236006253 (READ-ONLY COPY).

The authoritative reference and input builder live on the scoring server;
editing this copy changes nothing except your own understanding.
"""

import jax, jax.numpy as jnp
import numpy as np

NUM_ELEMENTS = 118
EMBED_DIM = 64

def setup_inputs(seed: int = 0) -> dict:
    key = jax.random.key(seed)
    k1, k2 = jax.random.split(key)
    z = jax.random.randint(k1, (16384, 200), 0, NUM_ELEMENTS, dtype=jnp.int64 if jax.config.jax_enable_x64 else jnp.int32)
    table = jax.random.normal(k2, (NUM_ELEMENTS, EMBED_DIM), dtype=jnp.float32)
    return {"z": z, "table": table}

def reference(z, table):
    # nn.Embedding forward: gather rows of the table by index
    return jnp.take(table, z, axis=0)

if __name__ == "__main__":
    import jax
    _d = setup_inputs()
    print(jax.jit(kernel)(*tuple(_d.values())))

</pallas_src>

<mosaic_0001>
#map = affine_map<(d0, d1) -> (0)>
#map1 = affine_map<(d0, d1) -> (0, 0, 0)>
module attributes {stable_mosaic.version = 14 : i64} {
  func.func @emb(%arg0: i32, %arg1: i32, %arg2: memref<8192xf32, #tpu.memory_space<hbm>>, %arg3: memref<3276800xi32, #tpu.memory_space<hbm>>, %arg4: memref<16384x200x64xf32, #tpu.memory_space<hbm>>, %arg5: memref<8192xf32, #tpu.memory_space<vmem>>, %arg6: memref<400xi32, #tpu.memory_space<vmem>>, %arg7: memref<400xi32, #tpu.memory_space<vmem>>, %arg8: memref<400x64xf32, #tpu.memory_space<vmem>>, %arg9: memref<400x64xf32, #tpu.memory_space<vmem>>, %arg10: memref<!tpu.dma_semaphore, #tpu.memory_space<semaphore_mem>>, %arg11: memref<!tpu.dma_semaphore, #tpu.memory_space<semaphore_mem>>, %arg12: memref<!tpu.dma_semaphore, #tpu.memory_space<semaphore_mem>>, %arg13: memref<!tpu.dma_semaphore, #tpu.memory_space<semaphore_mem>>, %arg14: memref<!tpu.dma_semaphore, #tpu.memory_space<semaphore_mem>>) attributes {dimension_semantics = [#tpu.dimension_semantics<core_parallel>, #tpu.dimension_semantics<subcore_parallel>], iteration_bounds = array<i64: 2, 16>, scalar_prefetch = 0 : i64, scratch_operands = 10 : i64, tpu.core_type = #tpu.core_type<sc_vector_subcore>, window_params = [{transform_indices = #map}, {transform_indices = #map}, {transform_indices = #map1}]} {
    %mul3A = arith.constant 2 : i32
    %mul3A_0 = arith.muli %arg1, %mul3A : i32
    %add3A = arith.addi %mul3A_0, %arg0 : i32
    %mul3A_1 = arith.constant 102400 : i32
    %mul3A_2 = arith.muli %add3A, %mul3A_1 : i32
    %mul3A_3 = arith.constant 512 : i32
    %mul3A_4 = arith.muli %add3A, %mul3A_3 : i32
    tpu.enqueue_dma source(%arg2 : memref<8192xf32, #tpu.memory_space<hbm>>) target(%arg5 : memref<8192xf32, #tpu.memory_space<vmem>>) target_semaphore(%arg12 : memref<!tpu.dma_semaphore, #tpu.memory_space<semaphore_mem>>)
    %dma_start3A = tpu.memref_slice %arg3[%mul3A_2] : memref<3276800xi32, #tpu.memory_space<hbm>> -> memref<400xi32, #tpu.memory_space<hbm>>
    %dma_start3A_5 = tpu.memref_slice %arg3[%mul3A_2] : memref<3276800xi32, #tpu.memory_space<hbm>> -> memref<400xi32, #tpu.memory_space<hbm>>
    tpu.enqueue_dma source(%dma_start3A_5 : memref<400xi32, #tpu.memory_space<hbm>>) target(%arg6 : memref<400xi32, #tpu.memory_space<vmem>>) target_semaphore(%arg10 : memref<!tpu.dma_semaphore, #tpu.memory_space<semaphore_mem>>)
    %add3A_6 = arith.constant 400 : i32
    %add3A_7 = arith.addi %mul3A_2, %add3A_6 : i32
    %dma_start3A_8 = tpu.memref_slice %arg3[%add3A_7] : memref<3276800xi32, #tpu.memory_space<hbm>> -> memref<400xi32, #tpu.memory_space<hbm>>
    %dma_start3A_9 = tpu.memref_slice %arg3[%add3A_7] : memref<3276800xi32, #tpu.memory_space<hbm>> -> memref<400xi32, #tpu.memory_space<hbm>>
    tpu.enqueue_dma source(%dma_start3A_9 : memref<400xi32, #tpu.memory_space<hbm>>) target(%arg7 : memref<400xi32, #tpu.memory_space<vmem>>) target_semaphore(%arg11 : memref<!tpu.dma_semaphore, #tpu.memory_space<semaphore_mem>>)
    tpu.wait_dma2 semaphore(%arg12 : memref<!tpu.dma_semaphore, #tpu.memory_space<semaphore_mem>>) src(%arg2 : memref<8192xf32, #tpu.memory_space<hbm>>) dst(%arg5 : memref<8192xf32, #tpu.memory_space<vmem>>)
    %scan3A = arith.constant 0 : i32
    %scan3A_10 = arith.constant 0 : i32
    %scan3A_11 = arith.constant 128 : i32
    %scan3A_12 = arith.addi %scan3A_10, %scan3A_11 : i32
    %scan3A_13 = arith.constant 1 : i32
    scf.for %scan3A_74 = %scan3A_10 to %scan3A_12 step %scan3A_13  : i32 {
      %mul3A_75 = arith.constant 2 : i32
      %mul3A_76 = arith.muli %mul3A_75, %scan3A_74 : i32
      %add3A_77 = arith.constant 0 : i32
      %add3A_78 = arith.addi %mul3A_76, %add3A_77 : i32
      %dma_wait3A_79 = arith.constant 0 : i32
      %dma_wait3A_80 = tpu.memref_slice %arg3[%dma_wait3A_79] : memref<3276800xi32, #tpu.memory_space<hbm>> -> memref<400xi32, #tpu.memory_space<hbm>>
      %dma_wait3A_81 = arith.constant 0 : i32
      %dma_wait3A_82 = tpu.memref_slice %arg3[%dma_wait3A_81] : memref<3276800xi32, #tpu.memory_space<hbm>> -> memref<400xi32, #tpu.memory_space<hbm>>
      tpu.wait_dma2 semaphore(%arg10 : memref<!tpu.dma_semaphore, #tpu.memory_space<semaphore_mem>>) src(%dma_wait3A_82 : memref<400xi32, #tpu.memory_space<hbm>>) dst(%arg6 : memref<400xi32, #tpu.memory_space<vmem>>)
      %ge3A = arith.constant 2 : i32
      %ge3A_83 = arith.cmpi sge, %add3A_78, %ge3A : i32
      %convert_element_type3A = arith.extui %ge3A_83 : i1 to i32
      %cond3A = arith.constant 0 : i32
      %cond3A_84 = arith.cmpi ne, %convert_element_type3A, %cond3A : i32
      scf.if %cond3A_84 {
        %dma_wait3A_186 = arith.constant 0 : i32
        %dma_wait3A_187 = arith.constant 0 : i32
        %dma_wait3A_188 = arith.constant 0 : i32
        %dma_wait3A_189 = tpu.memref_slice %arg8[%dma_wait3A_187, %dma_wait3A_188] : memref<400x64xf32, #tpu.memory_space<vmem>> -> memref<200x64xf32, #tpu.memory_space<vmem>>
        %dma_wait3A_190 = arith.constant 0 : i32
        %dma_wait3A_191 = arith.constant 0 : i32
        %dma_wait3A_192 = tpu.memref_slice %arg4[%dma_wait3A_186, %dma_wait3A_190, %dma_wait3A_191] : memref<16384x200x64xf32, #tpu.memory_space<hbm>> -> memref<1x200x64xf32, #tpu.memory_space<hbm>>
        %dma_wait3A_193 = tpu.memref_squeeze %dma_wait3A_192 : memref<1x200x64xf32, #tpu.memory_space<hbm>> -> memref<200x64xf32, #tpu.memory_space<hbm>>
        %dma_wait3A_194 = arith.constant 0 : i32
        %dma_wait3A_195 = arith.constant 0 : i32
        %dma_wait3A_196 = tpu.memref_slice %arg4[%dma_wait3A_186, %dma_wait3A_194, %dma_wait3A_195] : memref<16384x200x64xf32, #tpu.memory_space<hbm>> -> memref<1x200x64xf32, #tpu.memory_space<hbm>>
        %dma_wait3A_197 = tpu.memref_squeeze %dma_wait3A_196 : memref<1x200x64xf32, #tpu.memory_space<hbm>> -> memref<200x64xf32, #tpu.memory_space<hbm>>
        %dma_wait3A_198 = arith.constant 0 : i32
        %dma_wait3A_199 = arith.constant 0 : i32
        %dma_wait3A_200 = tpu.memref_slice %arg8[%dma_wait3A_198, %dma_wait3A_199] : memref<400x64xf32, #tpu.memory_space<vmem>> -> memref<200x64xf32, #tpu.memory_space<vmem>>
        tpu.wait_dma2 semaphore(%arg13 : memref<!tpu.dma_semaphore, #tpu.memory_space<semaphore_mem>>) src(%dma_wait3A_200 : memref<200x64xf32, #tpu.memory_space<vmem>>) dst(%dma_wait3A_197 : memref<200x64xf32, #tpu.memory_space<hbm>>)
        %dma_wait3A_201 = arith.constant 0 : i32
        %dma_wait3A_202 = arith.constant 200 : i32
        %dma_wait3A_203 = arith.constant 0 : i32
        %dma_wait3A_204 = tpu.memref_slice %arg8[%dma_wait3A_202, %dma_wait3A_203] : memref<400x64xf32, #tpu.memory_space<vmem>> -> memref<200x64xf32, #tpu.memory_space<vmem>>
        %dma_wait3A_205 = arith.constant 0 : i32
        %dma_wait3A_206 = arith.constant 0 : i32
        %dma_wait3A_207 = tpu.memref_slice %arg4[%dma_wait3A_201, %dma_wait3A_205, %dma_wait3A_206] : memref<16384x200x64xf32, #tpu.memory_space<hbm>> -> memref<1x200x64xf32, #tpu.memory_space<hbm>>
        %dma_wait3A_208 = tpu.memref_squeeze %dma_wait3A_207 : memref<1x200x64xf32, #tpu.memory_space<hbm>> -> memref<200x64xf32, #tpu.memory_space<hbm>>
        %dma_wait3A_209 = arith.constant 0 : i32
        %dma_wait3A_210 = arith.constant 0 : i32
        %dma_wait3A_211 = tpu.memref_slice %arg4[%dma_wait3A_201, %dma_wait3A_209, %dma_wait3A_210] : memref<16384x200x64xf32, #tpu.memory_space<hbm>> -> memref<1x200x64xf32, #tpu.memory_space<hbm>>
        %dma_wait3A_212 = tpu.memref_squeeze %dma_wait3A_211 : memref<1x200x64xf32, #tpu.memory_space<hbm>> -> memref<200x64xf32, #tpu.memory_space<hbm>>
        %dma_wait3A_213 = arith.constant 200 : i32
        %dma_wait3A_214 = arith.constant 0 : i32
        %dma_wait3A_215 = tpu.memref_slice %arg8[%dma_wait3A_213, %dma_wait3A_214] : memref<400x64xf32, #tpu.memory_space<vmem>> -> memref<200x64xf32, #tpu.memory_space<vmem>>
        tpu.wait_dma2 semaphore(%arg13 : memref<!tpu.dma_semaphore, #tpu.memory_space<semaphore_mem>>) src(%dma_wait3A_215 : memref<200x64xf32, #tpu.memory_space<vmem>>) dst(%dma_wait3A_212 : memref<200x64xf32, #tpu.memory_space<hbm>>)
      } else {
      }
      %parallel_loop3A = arith.constant 0 : i32
      %parallel_loop3A_85 = arith.constant 25 : i32
      %parallel_loop3A_86 = arith.constant 1 : i32
      scf.for %parallel_loop3A_186 = %parallel_loop3A to %parallel_loop3A_85 step %parallel_loop3A_86  : i32 {
        %parallel_loop3A_187 = arith.constant 16 : i32
        %parallel_loop3A_188 = arith.muli %parallel_loop3A_186, %parallel_loop3A_187 : i32
        %parallel_loop3A_189 = arith.index_cast %parallel_loop3A_188 : i32 to index
        %parallel_loop3A_190 = tpu.vector_load %arg6[%parallel_loop3A_189] {strides = array<i32>} : memref<400xi32, #tpu.memory_space<vmem>>, vector<16xi32>,
        %parallel_loop3A_191 = vector.shape_cast %parallel_loop3A_190 : vector<16xi32> to vector<16xi32>
        %parallel_loop3A_192 = arith.constant 64 : i32
        %parallel_loop3A_193 = vector.broadcast %parallel_loop3A_192 : i32 to vector<16xi32>
        %parallel_loop3A_194 = arith.muli %parallel_loop3A_191, %parallel_loop3A_193 : vector<16xi32>
        %parallel_loop3A_195 = vector.extract_strided_slice %parallel_loop3A_194 {offsets = [0], sizes = [1], strides = [1]} : vector<16xi32> to vector<1xi32>
        %parallel_loop3A_196 = vector.extract %parallel_loop3A_195[0] : i32 from vector<1xi32>
        %parallel_loop3A_197 = vector.extract_strided_slice %parallel_loop3A_194 {offsets = [1], sizes = [1], strides = [1]} : vector<16xi32> to vector<1xi32>
        %parallel_loop3A_198 = vector.extract %parallel_loop3A_197[0] : i32 from vector<1xi32>
        %parallel_loop3A_199 = vector.extract_strided_slice %parallel_loop3A_194 {offsets = [2], sizes = [1], strides = [1]} : vector<16xi32> to vector<1xi32>
        %parallel_loop3A_200 = vector.extract %parallel_loop3A_199[0] : i32 from vector<1xi32>
        %parallel_loop3A_201 = vector.extract_strided_slice %parallel_loop3A_194 {offsets = [3], sizes = [1], strides = [1]} : vector<16xi32> to vector<1xi32>
        %parallel_loop3A_202 = vector.extract %parallel_loop3A_201[0] : i32 from vector<1xi32>
        %parallel_loop3A_203 = vector.extract_strided_slice %parallel_loop3A_194 {offsets = [4], sizes = [1], strides = [1]} : vector<16xi32> to vector<1xi32>
        %parallel_loop3A_204 = vector.extract %parallel_loop3A_203[0] : i32 from vector<1xi32>
        %parallel_loop3A_205 = vector.extract_strided_slice %parallel_loop3A_194 {offsets = [5], sizes = [1], strides = [1]} : vector<16xi32> to vector<1xi32>
        %parallel_loop3A_206 = vector.extract %parallel_loop3A_205[0] : i32 from vector<1xi32>
        %parallel_loop3A_207 = vector.extract_strided_slice %parallel_loop3A_194 {offsets = [6], sizes = [1], strides = [1]} : vector<16xi32> to vector<1xi32>
        %parallel_loop3A_208 = vector.extract %parallel_loop3A_207[0] : i32 from vector<1xi32>
        %parallel_loop3A_209 = vector.extract_strided_slice %parallel_loop3A_194 {offsets = [7], sizes = [1], strides = [1]} : vector<16xi32> to vector<1xi32>
        %parallel_loop3A_210 = vector.extract %parallel_loop3A_209[0] : i32 from vector<1xi32>
        %parallel_loop3A_211 = vector.extract_strided_slice %parallel_loop3A_194 {offsets = [8], sizes = [1], strides = [1]} : vector<16xi32> to vector<1xi32>
        %parallel_loop3A_212 = vector.extract %parallel_loop3A_211[0] : i32 from vector<1xi32>
        %parallel_loop3A_213 = vector.extract_strided_slice %parallel_loop3A_194 {offsets = [9], sizes = [1], strides = [1]} : vector<16xi32> to vector<1xi32>
        %parallel_loop3A_214 = vector.extract %parallel_loop3A_213[0] : i32 from vector<1xi32>
        %parallel_loop3A_215 = vector.extract_strided_slice %parallel_loop3A_194 {offsets = [10], sizes = [1], strides = [1]} : vector<16xi32> to vector<1xi32>
        %parallel_loop3A_216 = vector.extract %parallel_loop3A_215[0] : i32 from vector<1xi32>
        %parallel_loop3A_217 = vector.extract_strided_slice %parallel_loop3A_194 {offsets = [11], sizes = [1], strides = [1]} : vector<16xi32> to vector<1xi32>
        %parallel_loop3A_218 = vector.extract %parallel_loop3A_217[0] : i32 from vector<1xi32>
        %parallel_loop3A_219 = vector.extract_strided_slice %parallel_loop3A_194 {offsets = [12], sizes = [1], strides = [1]} : vector<16xi32> to vector<1xi32>
        %parallel_loop3A_220 = vector.extract %parallel_loop3A_219[0] : i32 from vector<1xi32>
        %parallel_loop3A_221 = vector.extract_strided_slice %parallel_loop3A_194 {offsets = [13], sizes = [1], strides = [1]} : vector<16xi32> to vector<1xi32>
        %parallel_loop3A_222 = vector.extract %parallel_loop3A_221[0] : i32 from vector<1xi32>
        %parallel_loop3A_223 = vector.extract_strided_slice %parallel_loop3A_194 {offsets = [14], sizes = [1], strides = [1]} : vector<16xi32> to vector<1xi32>
        %parallel_loop3A_224 = vector.extract %parallel_loop3A_223[0] : i32 from vector<1xi32>
        %parallel_loop3A_225 = vector.extract_strided_slice %parallel_loop3A_194 {offsets = [15], sizes = [1], strides = [1]} : vector<16xi32> to vector<1xi32>
        %parallel_loop3A_226 = vector.extract %parallel_loop3A_225[0] : i32 from vector<1xi32>
        %parallel_loop3A_227 = arith.constant 16 : i32
        %parallel_loop3A_228 = arith.muli %parallel_loop3A_186, %parallel_loop3A_227 : i32
        %parallel_loop3A_229 = arith.constant 0 : i32
        %parallel_loop3A_230 = arith.addi %parallel_loop3A_228, %parallel_loop3A_229 : i32
        %parallel_loop3A_231 = arith.constant 0 : i32
        %parallel_loop3A_232 = arith.addi %parallel_loop3A_196, %parallel_loop3A_231 : i32
        %parallel_loop3A_233 = arith.index_cast %parallel_loop3A_232 : i32 to index
        %parallel_loop3A_234 = tpu.vector_load %arg5[%parallel_loop3A_233] {strides = array<i32>} : memref<8192xf32, #tpu.memory_space<vmem>>, vector<16xf32>,
        %parallel_loop3A_235 = vector.shape_cast %parallel_loop3A_234 : vector<16xf32> to vector<16xf32>
        %parallel_loop3A_236 = arith.index_cast %parallel_loop3A_230 : i32 to index
        %parallel_loop3A_237 = arith.constant 0 : index
        %parallel_loop3A_238 = tpu.vector_load %arg8[%parallel_loop3A_236, %parallel_loop3A_237] {strides = array<i32>} : memref<400x64xf32, #tpu.memory_space<vmem>>, vector<1x16xf32>,
        %parallel_loop3A_239 = vector.shape_cast %parallel_loop3A_238 : vector<1x16xf32> to vector<16xf32>
        %parallel_loop3A_240 = vector.shape_cast %parallel_loop3A_235 : vector<16xf32> to vector<1x16xf32>
        tpu.vector_store %arg8[%parallel_loop3A_236, %parallel_loop3A_237], %parallel_loop3A_240 {strides = array<i32>} : memref<400x64xf32, #tpu.memory_space<vmem>>, vector<1x16xf32>,
        %parallel_loop3A_241 = arith.constant 16 : i32
        %parallel_loop3A_242 = arith.addi %parallel_loop3A_196, %parallel_loop3A_241 : i32
        %parallel_loop3A_243 = arith.index_cast %parallel_loop3A_242 : i32 to index
        %parallel_loop3A_244 = tpu.vector_load %arg5[%parallel_loop3A_243] {strides = array<i32>} : memref<8192xf32, #tpu.memory_space<vmem>>, vector<16xf32>,
        %parallel_loop3A_245 = vector.shape_cast %parallel_loop3A_244 : vector<16xf32> to vector<16xf32>
        %parallel_loop3A_246 = arith.index_cast %parallel_loop3A_230 : i32 to index
        %parallel_loop3A_247 = arith.constant 16 : index
        %parallel_loop3A_248 = tpu.vector_load %arg8[%parallel_loop3A_246, %parallel_loop3A_247] {strides = array<i32>} : memref<400x64xf32, #tpu.memory_space<vmem>>, vector<1x16xf32>,
        %parallel_loop3A_249 = vector.shape_cast %parallel_loop3A_248 : vector<1x16xf32> to vector<16xf32>
        %parallel_loop3A_250 = vector.shape_cast %parallel_loop3A_245 : vector<16xf32> to vector<1x16xf32>
        tpu.vector_store %arg8[%parallel_loop3A_246, %parallel_loop3A_247], %parallel_loop3A_250 {strides = array<i32>} : memref<400x64xf32, #tpu.memory_space<vmem>>, vector<1x16xf32>,
        %parallel_loop3A_251 = arith.constant 32 : i32
        %parallel_loop3A_252 = arith.addi %parallel_loop3A_196, %parallel_loop3A_251 : i32
        %parallel_loop3A_253 = arith.index_cast %parallel_loop3A_252 : i32 to index
        %parallel_loop3A_254 = tpu.vector_load %arg5[%parallel_loop3A_253] {strides = array<i32>} : memref<8192xf32, #tpu.memory_space<vmem>>, vector<16xf32>,
        %parallel_loop3A_255 = vector.shape_cast %parallel_loop3A_254 : vector<16xf32> to vector<16xf32>
        %parallel_loop3A_256 = arith.index_cast %parallel_loop3A_230 : i32 to index
        %parallel_loop3A_257 = arith.constant 32 : index
        %parallel_loop3A_258 = tpu.vector_load %arg8[%parallel_loop3A_256, %parallel_loop3A_257] {strides = array<i32>} : memref<400x64xf32, #tpu.memory_space<vmem>>, vector<1x16xf32>,
        %parallel_loop3A_259 = vector.shape_cast %parallel_loop3A_258 : vector<1x16xf32> to vector<16xf32>
        %parallel_loop3A_260 = vector.shape_cast %parallel_loop3A_255 : vector<16xf32> to vector<1x16xf32>
        tpu.vector_store %arg8[%parallel_loop3A_256, %parallel_loop3A_257], %parallel_loop3A_260 {strides = array<i32>} : memref<400x64xf32, #tpu.memory_space<vmem>>, vector<1x16xf32>,
        %parallel_loop3A_261 = arith.constant 48 : i32
        %parallel_loop3A_262 = arith.addi %parallel_loop3A_196, %parallel_loop3A_261 : i32
        %parallel_loop3A_263 = arith.index_cast %parallel_loop3A_262 : i32 to index
        %parallel_loop3A_264 = tpu.vector_load %arg5[%parallel_loop3A_263] {strides = array<i32>} : memref<8192xf32, #tpu.memory_space<vmem>>, vector<16xf32>,
        %parallel_loop3A_265 = vector.shape_cast %parallel_loop3A_264 : vector<16xf32> to vector<16xf32>
        %parallel_loop3A_266 = arith.index_cast %parallel_loop3A_230 : i32 to index
        %parallel_loop3A_267 = arith.constant 48 : index
        %parallel_loop3A_268 = tpu.vector_load %arg8[%parallel_loop3A_266, %parallel_loop3A_267] {strides = array<i32>} : memref<400x64xf32, #tpu.memory_space<vmem>>, vector<1x16xf32>,
        %parallel_loop3A_269 = vector.shape_cast %parallel_loop3A_268 : vector<1x16xf32> to vector<16xf32>
        %parallel_loop3A_270 = vector.shape_cast %parallel_loop3A_265 : vector<16xf32> to vector<1x16xf32>
        tpu.vector_store %arg8[%parallel_loop3A_266, %parallel_loop3A_267], %parallel_loop3A_270 {strides = array<i32>} : memref<400x64xf32, #tpu.memory_space<vmem>>, vector<1x16xf32>,
        %parallel_loop3A_271 = arith.constant 16 : i32
        %parallel_loop3A_272 = arith.muli %parallel_loop3A_186, %parallel_loop3A_271 : i32
        %parallel_loop3A_273 = arith.constant 1 : i32
        %parallel_loop3A_274 = arith.addi %parallel_loop3A_272, %parallel_loop3A_273 : i32
        %parallel_loop3A_275 = arith.constant 0 : i32
        %parallel_loop3A_276 = arith.addi %parallel_loop3A_198, %parallel_loop3A_275 : i32
        %parallel_loop3A_277 = arith.index_cast %parallel_loop3A_276 : i32 to index
        %parallel_loop3A_278 = tpu.vector_load %arg5[%parallel_loop3A_277] {strides = array<i32>} : memref<8192xf32, #tpu.memory_space<vmem>>, vector<16xf32>,
        %parallel_loop3A_279 = vector.shape_cast %parallel_loop3A_278 : vector<16xf32> to vector<16xf32>
        %parallel_loop3A_280 = arith.index_cast %parallel_loop3A_274 : i32 to index
        %parallel_loop3A_281 = arith.constant 0 : index
        %parallel_loop3A_282 = tpu.vector_load %arg8[%parallel_loop3A_280, %parallel_loop3A_281] {strides = array<i32>} : memref<400x64xf32, #tpu.memory_space<vmem>>, vector<1x16xf32>,
        %parallel_loop3A_283 = vector.shape_cast %parallel_loop3A_282 : vector<1x16xf32> to vector<16xf32>
        %parallel_loop3A_284 = vector.shape_cast %parallel_loop3A_279 : vector<16xf32> to vector<1x16xf32>
        tpu.vector_store %arg8[%parallel_loop3A_280, %parallel_loop3A_281], %parallel_loop3A_284 {strides = array<i32>} : memref<400x64xf32, #tpu.memory_space<vmem>>, vector<1x16xf32>,
        %parallel_loop3A_285 = arith.constant 16 : i32
        %parallel_loop3A_286 = arith.addi %parallel_loop3A_198, %parallel_loop3A_285 : i32
        %parallel_loop3A_287 = arith.index_cast %parallel_loop3A_286 : i32 to index
        %parallel_loop3A_288 = tpu.vector_load %arg5[%parallel_loop3A_287] {strides = array<i32>} : memref<8192xf32, #tpu.memory_space<vmem>>, vector<16xf32>,
        %parallel_loop3A_289 = vector.shape_cast %parallel_loop3A_288 : vector<16xf32> to vector<16xf32>
        %parallel_loop3A_290 = arith.index_cast %parallel_loop3A_274 : i32 to index
        %parallel_loop3A_291 = arith.constant 16 : index
        %parallel_loop3A_292 = tpu.vector_load %arg8[%parallel_loop3A_290, %parallel_loop3A_291] {strides = array<i32>} : memref<400x64xf32, #tpu.memory_space<vmem>>, vector<1x16xf32>,
        %parallel_loop3A_293 = vector.shape_cast %parallel_loop3A_292 : vector<1x16xf32> to vector<16xf32>
        %parallel_loop3A_294 = vector.shape_cast %parallel_loop3A_289 : vector<16xf32> to vector<1x16xf32>
        tpu.vector_store %arg8[%parallel_loop3A_290, %parallel_loop3A_291], %parallel_loop3A_294 {strides = array<i32>} : memref<400x64xf32, #tpu.memory_space<vmem>>, vector<1x16xf32>,
        %parallel_loop3A_295 = arith.constant 32 : i32
        %parallel_loop3A_296 = arith.addi %parallel_loop3A_198, %parallel_loop3A_295 : i32
        %parallel_loop3A_297 = arith.index_cast %parallel_loop3A_296 : i32 to index
        %parallel_loop3A_298 = tpu.vector_load %arg5[%parallel_loop3A_297] {strides = array<i32>} : memref<8192xf32, #tpu.memory_space<vmem>>, vector<16xf32>,
        %parallel_loop3A_299 = vector.shape_cast %parallel_loop3A_298 : vector<16xf32> to vector<16xf32>
        %parallel_loop3A_300 = arith.index_cast %parallel_loop3A_274 : i32 to index
        %parallel_loop3A_301 = arith.constant 32 : index
        %parallel_loop3A_302 = tpu.vector_load %arg8[%parallel_loop3A_300, %parallel_loop3A_301] {strides = array<i32>} : memref<400x64xf32, #tpu.memory_space<vmem>>, vector<1x16xf32>,
        %parallel_loop3A_303 = vector.shape_cast %parallel_loop3A_302 : vector<1x16xf32> to vector<16xf32>
        %parallel_loop3A_304 = vector.shape_cast %parallel_loop3A_299 : vector<16xf32> to vector<1x16xf32>
        tpu.vector_store %arg8[%parallel_loop3A_300, %parallel_loop3A_301], %parallel_loop3A_304 {strides = array<i32>} : memref<400x64xf32, #tpu.memory_space<vmem>>, vector<1x16xf32>,
        %parallel_loop3A_305 = arith.constant 48 : i32
        %parallel_loop3A_306 = arith.addi %parallel_loop3A_198, %parallel_loop3A_305 : i32
        %parallel_loop3A_307 = arith.index_cast %parallel_loop3A_306 : i32 to index
        %parallel_loop3A_308 = tpu.vector_load %arg5[%parallel_loop3A_307] {strides = array<i32>} : memref<8192xf32, #tpu.memory_space<vmem>>, vector<16xf32>,
        %parallel_loop3A_309 = vector.shape_cast %parallel_loop3A_308 : vector<16xf32> to vector<16xf32>
        %parallel_loop3A_310 = arith.index_cast %parallel_loop3A_274 : i32 to index
        %parallel_loop3A_311 = arith.constant 48 : index
        %parallel_loop3A_312 = tpu.vector_load %arg8[%parallel_loop3A_310, %parallel_loop3A_311] {strides = array<i32>} : memref<400x64xf32, #tpu.memory_space<vmem>>, vector<1x16xf32>,
        %parallel_loop3A_313 = vector.shape_cast %parallel_loop3A_312 : vector<1x16xf32> to vector<16xf32>
        %parallel_loop3A_314 = vector.shape_cast %parallel_loop3A_309 : vector<16xf32> to vector<1x16xf32>
        tpu.vector_store %arg8[%parallel_loop3A_310, %parallel_loop3A_311], %parallel_loop3A_314 {strides = array<i32>} : memref<400x64xf32, #tpu.memory_space<vmem>>, vector<1x16xf32>,
        %parallel_loop3A_315 = arith.constant 16 : i32
        %parallel_loop3A_316 = arith.muli %parallel_loop3A_186, %parallel_loop3A_315 : i32
        %parallel_loop3A_317 = arith.constant 2 : i32
        %parallel_loop3A_318 = arith.addi %parallel_loop3A_316, %parallel_loop3A_317 : i32
        %parallel_loop3A_319 = arith.constant 0 : i32
        %parallel_loop3A_320 = arith.addi %parallel_loop3A_200, %parallel_loop3A_319 : i32
        %parallel_loop3A_321 = arith.index_cast %parallel_loop3A_320 : i32 to index
        %parallel_loop3A_322 = tpu.vector_load %arg5[%parallel_loop3A_321] {strides = array<i32>} : memref<8192xf32, #tpu.memory_space<vmem>>, vector<16xf32>,
        %parallel_loop3A_323 = vector.shape_cast %parallel_loop3A_322 : vector<16xf32> to vector<16xf32>
        %parallel_loop3A_324 = arith.index_cast %parallel_loop3A_318 : i32 to index
        %parallel_loop3A_325 = arith.constant 0 : index
        %parallel_loop3A_326 = tpu.vector_load %arg8[%parallel_loop3A_324, %parallel_loop3A_325] {strides = array<i32>} : memref<400x64xf32, #tpu.memory_space<vmem>>, vector<1x16xf32>,
        %parallel_loop3A_327 = vector.shape_cast %parallel_loop3A_326 : vector<1x16xf32> to vector<16xf32>
        %parallel_loop3A_328 = vector.shape_cast %parallel_loop3A_323 : vector<16xf32> to vector<1x16xf32>
        tpu.vector_store %arg8[%parallel_loop3A_324, %parallel_loop3A_325], %parallel_loop3A_328 {strides = array<i32>} : memref<400x64xf32, #tpu.memory_space<vmem>>, vector<1x16xf32>,
        %parallel_loop3A_329 = arith.constant 16 : i32
        %parallel_loop3A_330 = arith.addi %parallel_loop3A_200, %parallel_loop3A_329 : i32
        %parallel_loop3A_331 = arith.index_cast %parallel_loop3A_330 : i32 to index
        %parallel_loop3A_332 = tpu.vector_load %arg5[%parallel_loop3A_331] {strides = array<i32>} : memref<8192xf32, #tpu.memory_space<vmem>>, vector<16xf32>,
        %parallel_loop3A_333 = vector.shape_cast %parallel_loop3A_332 : vector<16xf32> to vector<16xf32>
        %parallel_loop3A_334 = arith.index_cast %parallel_loop3A_318 : i32 to index
        %parallel_loop3A_335 = arith.constant 16 : index
        %parallel_loop3A_336 = tpu.vector_load %arg8[%parallel_loop3A_334, %parallel_loop3A_335] {strides = array<i32>} : memref<400x64xf32, #tpu.memory_space<vmem>>, vector<1x16xf32>,
        %parallel_loop3A_337 = vector.shape_cast %parallel_loop3A_336 : vector<1x16xf32> to vector<16xf32>
        %parallel_loop3A_338 = vector.shape_cast %parallel_loop3A_333 : vector<16xf32> to vector<1x16xf32>
        tpu.vector_store %arg8[%parallel_loop3A_334, %parallel_loop3A_335], %parallel_loop3A_338 {strides = array<i32>} : memref<400x64xf32, #tpu.memory_space<vmem>>, vector<1x16xf32>,
        %parallel_loop3A_339 = arith.constant 32 : i32
        %parallel_loop3A_340 = arith.addi %parallel_loop3A_200, %parallel_loop3A_339 : i32
        %parallel_loop3A_341 = arith.index_cast %parallel_loop3A_340 : i32 to index
        %parallel_loop3A_342 = tpu.vector_load %arg5[%parallel_loop3A_341] {strides = array<i32>} : memref<8192xf32, #tpu.memory_space<vmem>>, vector<16xf32>,
        %parallel_loop3A_343 = vector.shape_cast %parallel_loop3A_342 : vector<16xf32> to vector<16xf32>
        %parallel_loop3A_344 = arith.index_cast %parallel_loop3A_318 : i32 to index
        %parallel_loop3A_345 = arith.constant 32 : index
        %parallel_loop3A_346 = tpu.vector_load %arg8[%parallel_loop3A_344, %parallel_loop3A_345] {strides = array<i32>} : memref<400x64xf32, #tpu.memory_space<vmem>>, vector<1x16xf32>,
        %parallel_loop3A_347 = vector.shape_cast %parallel_loop3A_346 : vector<1x16xf32> to vector<16xf32>
        %parallel_loop3A_348 = vector.shape_cast %parallel_loop3A_343 : vector<16xf32> to vector<1x16xf32>
        tpu.vector_store %arg8[%parallel_loop3A_344, %parallel_loop3A_345], %parallel_loop3A_348 {strides = array<i32>} : memref<400x64xf32, #tpu.memory_space<vmem>>, vector<1x16xf32>,
        %parallel_loop3A_349 = arith.constant 48 : i32
        %parallel_loop3A_350 = arith.addi %parallel_loop3A_200, %parallel_loop3A_349 : i32
        %parallel_loop3A_351 = arith.index_cast %parallel_loop3A_350 : i32 to index
        %parallel_loop3A_352 = tpu.vector_load %arg5[%parallel_loop3A_351] {strides = array<i32>} : memref<8192xf32, #tpu.memory_space<vmem>>, vector<16xf32>,
        %parallel_loop3A_353 = vector.shape_cast %parallel_loop3A_352 : vector<16xf32> to vector<16xf32>
        %parallel_loop3A_354 = arith.index_cast %parallel_loop3A_318 : i32 to index
        %parallel_loop3A_355 = arith.constant 48 : index
        %parallel_loop3A_356 = tpu.vector_load %arg8[%parallel_loop3A_354, %parallel_loop3A_355] {strides = array<i32>} : memref<400x64xf32, #tpu.memory_space<vmem>>, vector<1x16xf32>,
        %parallel_loop3A_357 = vector.shape_cast %parallel_loop3A_356 : vector<1x16xf32> to vector<16xf32>
        %parallel_loop3A_358 = vector.shape_cast %parallel_loop3A_353 : vector<16xf32> to vector<1x16xf32>
        tpu.vector_store %arg8[%parallel_loop3A_354, %parallel_loop3A_355], %parallel_loop3A_358 {strides = array<i32>} : memref<400x64xf32, #tpu.memory_space<vmem>>, vector<1x16xf32>,
        %parallel_loop3A_359 = arith.constant 16 : i32
        %parallel_loop3A_360 = arith.muli %parallel_loop3A_186, %parallel_loop3A_359 : i32
        %parallel_loop3A_361 = arith.constant 3 : i32
        %parallel_loop3A_362 = arith.addi %parallel_loop3A_360, %parallel_loop3A_361 : i32
        %parallel_loop3A_363 = arith.constant 0 : i32
        %parallel_loop3A_364 = arith.addi %parallel_loop3A_202, %parallel_loop3A_363 : i32
        %parallel_loop3A_365 = arith.index_cast %parallel_loop3A_364 : i32 to index
        %parallel_loop3A_366 = tpu.vector_load %arg5[%parallel_loop3A_365] {strides = array<i32>} : memref<8192xf32, #tpu.memory_space<vmem>>, vector<16xf32>,
        %parallel_loop3A_367 = vector.shape_cast %parallel_loop3A_366 : vector<16xf32> to vector<16xf32>
        %parallel_loop3A_368 = arith.index_cast %parallel_loop3A_362 : i32 to index
        %parallel_loop3A_369 = arith.constant 0 : index
        %parallel_loop3A_370 = tpu.vector_load %arg8[%parallel_loop3A_368, %parallel_loop3A_369] {strides = array<i32>} : memref<400x64xf32, #tpu.memory_space<vmem>>, vector<1x16xf32>,
        %parallel_loop3A_371 = vector.shape_cast %parallel_loop3A_370 : vector<1x16xf32> to vector<16xf32>
        %parallel_loop3A_372 = vector.shape_cast %parallel_loop3A_367 : vector<16xf32> to vector<1x16xf32>
        tpu.vector_store %arg8[%parallel_loop3A_368, %parallel_loop3A_369], %parallel_loop3A_372 {strides = array<i32>} : memref<400x64xf32, #tpu.memory_space<vmem>>, vector<1x16xf32>,
        %parallel_loop3A_373 = arith.constant 16 : i32
        %parallel_loop3A_374 = arith.addi %parallel_loop3A_202, %parallel_loop3A_373 : i32
        %parallel_loop3A_375 = arith.index_cast %parallel_loop3A_374 : i32 to index
        %parallel_loop3A_376 = tpu.vector_load %arg5[%parallel_loop3A_375] {strides = array<i32>} : memref<8192xf32, #tpu.memory_space<vmem>>, vector<16xf32>,
        %parallel_loop3A_377 = vector.shape_cast %parallel_loop3A_376 : vector<16xf32> to vector<16xf32>
        %parallel_loop3A_378 = arith.index_cast %parallel_loop3A_362 : i32 to index
        %parallel_loop3A_379 = arith.constant 16 : index
        %parallel_loop3A_380 = tpu.vector_load %arg8[%parallel_loop3A_378, %parallel_loop3A_379] {strides = array<i32>} : memref<400x64xf32, #tpu.memory_space<vmem>>, vector<1x16xf32>,
        %parallel_loop3A_381 = vector.shape_cast %parallel_loop3A_380 : vector<1x16xf32> to vector<16xf32>
        %parallel_loop3A_382 = vector.shape_cast %parallel_loop3A_377 : vector<16xf32> to vector<1x16xf32>
        tpu.vector_store %arg8[%parallel_loop3A_378, %parallel_loop3A_379], %parallel_loop3A_382 {strides = array<i32>} : memref<400x64xf32, #tpu.memory_space<vmem>>, vector<1x16xf32>,
        %parallel_loop3A_383 = arith.constant 32 : i32
        %parallel_loop3A_384 = arith.addi %parallel_loop3A_202, %parallel_loop3A_383 : i32
        %parallel_loop3A_385 = arith.index_cast %parallel_loop3A_384 : i32 to index
        %parallel_loop3A_386 = tpu.vector_load %arg5[%parallel_loop3A_385] {strides = array<i32>} : memref<8192xf32, #tpu.memory_space<vmem>>, vector<16xf32>,
        %parallel_loop3A_387 = vector.shape_cast %parallel_loop3A_386 : vector<16xf32> to vector<16xf32>
        %parallel_loop3A_388 = arith.index_cast %parallel_loop3A_362 : i32 to index
        %parallel_loop3A_389 = arith.constant 32 : index
        %parallel_loop3A_390 = tpu.vector_load %arg8[%parallel_loop3A_388, %parallel_loop3A_389] {strides = array<i32>} : memref<400x64xf32, #tpu.memory_space<vmem>>, vector<1x16xf32>,
        %parallel_loop3A_391 = vector.shape_cast %parallel_loop3A_390 : vector<1x16xf32> to vector<16xf32>
        %parallel_loop3A_392 = vector.shape_cast %parallel_loop3A_387 : vector<16xf32> to vector<1x16xf32>
        tpu.vector_store %arg8[%parallel_loop3A_388, %parallel_loop3A_389], %parallel_loop3A_392 {strides = array<i32>} : memref<400x64xf32, #tpu.memory_space<vmem>>, vector<1x16xf32>,
        %parallel_loop3A_393 = arith.constant 48 : i32
        %parallel_loop3A_394 = arith.addi %parallel_loop3A_202, %parallel_loop3A_393 : i32
        %parallel_loop3A_395 = arith.index_cast %parallel_loop3A_394 : i32 to index
        %parallel_loop3A_396 = tpu.vector_load %arg5[%parallel_loop3A_395] {strides = array<i32>} : memref<8192xf32, #tpu.memory_space<vmem>>, vector<16xf32>,
        %parallel_loop3A_397 = vector.shape_cast %parallel_loop3A_396 : vector<16xf32> to vector<16xf32>
        %parallel_loop3A_398 = arith.index_cast %parallel_loop3A_362 : i32 to index
        %parallel_loop3A_399 = arith.constant 48 : index
        %parallel_loop3A_400 = tpu.vector_load %arg8[%parallel_loop3A_398, %parallel_loop3A_399] {strides = array<i32>} : memref<400x64xf32, #tpu.memory_space<vmem>>, vector<1x16xf32>,
        %parallel_loop3A_401 = vector.shape_cast %parallel_loop3A_400 : vector<1x16xf32> to vector<16xf32>
        %parallel_loop3A_402 = vector.shape_cast %parallel_loop3A_397 : vector<16xf32> to vector<1x16xf32>
        tpu.vector_store %arg8[%parallel_loop3A_398, %parallel_loop3A_399], %parallel_loop3A_402 {strides = array<i32>} : memref<400x64xf32, #tpu.memory_space<vmem>>, vector<1x16xf32>,
        %parallel_loop3A_403 = arith.constant 16 : i32
        %parallel_loop3A_404 = arith.muli %parallel_loop3A_186, %parallel_loop3A_403 : i32
        %parallel_loop3A_405 = arith.constant 4 : i32
        %parallel_loop3A_406 = arith.addi %parallel_loop3A_404, %parallel_loop3A_405 : i32
        %parallel_loop3A_407 = arith.constant 0 : i32
        %parallel_loop3A_408 = arith.addi %parallel_loop3A_204, %parallel_loop3A_407 : i32
        %parallel_loop3A_409 = arith.index_cast %parallel_loop3A_408 : i32 to index
        %parallel_loop3A_410 = tpu.vector_load %arg5[%parallel_loop3A_409] {strides = array<i32>} : memref<8192xf32, #tpu.memory_space<vmem>>, vector<16xf32>,
        %parallel_loop3A_411 = vector.shape_cast %parallel_loop3A_410 : vector<16xf32> to vector<16xf32>
        %parallel_loop3A_412 = arith.index_cast %parallel_loop3A_406 : i32 to index
        %parallel_loop3A_413 = arith.constant 0 : index
        %parallel_loop3A_414 = tpu.vector_load %arg8[%parallel_loop3A_412, %parallel_loop3A_413] {strides = array<i32>} : memref<400x64xf32, #tpu.memory_space<vmem>>, vector<1x16xf32>,
        %parallel_loop3A_415 = vector.shape_cast %parallel_loop3A_414 : vector<1x16xf32> to vector<16xf32>
        %parallel_loop3A_416 = vector.shape_cast %parallel_loop3A_411 : vector<16xf32> to vector<1x16xf32>
        tpu.vector_store %arg8[%parallel_loop3A_412, %parallel_loop3A_413], %parallel_loop3A_416 {strides = array<i32>} : memref<400x64xf32, #tpu.memory_space<vmem>>, vector<1x16xf32>,
        %parallel_loop3A_417 = arith.constant 16 : i32
        %parallel_loop3A_418 = arith.addi %parallel_loop3A_204, %parallel_loop3A_417 : i32
        %parallel_loop3A_419 = arith.index_cast %parallel_loop3A_418 : i32 to index
        %parallel_loop3A_420 = tpu.vector_load %arg5[%parallel_loop3A_419] {strides = array<i32>} : memref<8192xf32, #tpu.memory_space<vmem>>, vector<16xf32>,
        %parallel_loop3A_421 = vector.shape_cast %parallel_loop3A_420 : vector<16xf32> to vector<16xf32>
        %parallel_loop3A_422 = arith.index_cast %parallel_loop3A_406 : i32 to index
        %parallel_loop3A_423 = arith.constant 16 : index
        %parallel_loop3A_424 = tpu.vector_load %arg8[%parallel_loop3A_422, %parallel_loop3A_423] {strides = array<i32>} : memref<400x64xf32, #tpu.memory_space<vmem>>, vector<1x16xf32>,
        %parallel_loop3A_425 = vector.shape_cast %parallel_loop3A_424 : vector<1x16xf32> to vector<16xf32>
        %parallel_loop3A_426 = vector.shape_cast %parallel_loop3A_421 : vector<16xf32> to vector<1x16xf32>
        tpu.vector_store %arg8[%parallel_loop3A_422, %parallel_loop3A_423], %parallel_loop3A_426 {strides = array<i32>} : memref<400x64xf32, #tpu.memory_space<vmem>>, vector<1x16xf32>,
        %parallel_loop3A_427 = arith.constant 32 : i32
        %parallel_loop3A_428 = arith.addi %parallel_loop3A_204, %parallel_loop3A_427 : i32
        %parallel_loop3A_429 = arith.index_cast %parallel_loop3A_428 : i32 to index
        %parallel_loop3A_430 = tpu.vector_load %arg5[%parallel_loop3A_429] {strides = array<i32>} : memref<8192xf32, #tpu.memory_space<vmem>>, vector<16xf32>,
        %parallel_loop3A_431 = vector.shape_cast %parallel_loop3A_430 : vector<16xf32> to vector<16xf32>
        %parallel_loop3A_432 = arith.index_cast %parallel_loop3A_406 : i32 to index
        %parallel_loop3A_433 = arith.constant 32 : index
        %parallel_loop3A_434 = tpu.vector_load %arg8[%parallel_loop3A_432, %parallel_loop3A_433] {strides = array<i32>} : memref<400x64xf32, #tpu.memory_space<vmem>>, vector<1x16xf32>,
        %parallel_loop3A_435 = vector.shape_cast %parallel_loop3A_434 : vector<1x16xf32> to vector<16xf32>
        %parallel_loop3A_436 = vector.shape_cast %parallel_loop3A_431 : vector<16xf32> to vector<1x16xf32>
        tpu.vector_store %arg8[%parallel_loop3A_432, %parallel_loop3A_433], %parallel_loop3A_436 {strides = array<i32>} : memref<400x64xf32, #tpu.memory_space<vmem>>, vector<1x16xf32>,
        %parallel_loop3A_437 = arith.constant 48 : i32
        %parallel_loop3A_438 = arith.addi %parallel_loop3A_204, %parallel_loop3A_437 : i32
        %parallel_loop3A_439 = arith.index_cast %parallel_loop3A_438 : i32 to index
        %parallel_loop3A_440 = tpu.vector_load %arg5[%parallel_loop3A_439] {strides = array<i32>} : memref<8192xf32, #tpu.memory_space<vmem>>, vector<16xf32>,
        %parallel_loop3A_441 = vector.shape_cast %parallel_loop3A_440 : vector<16xf32> to vector<16xf32>
        %parallel_loop3A_442 = arith.index_cast %parallel_loop3A_406 : i32 to index
        %parallel_loop3A_443 = arith.constant 48 : index
        %parallel_loop3A_444 = tpu.vector_load %arg8[%parallel_loop3A_442, %parallel_loop3A_443] {strides = array<i32>} : memref<400x64xf32, #tpu.memory_space<vmem>>, vector<1x16xf32>,
        %parallel_loop3A_445 = vector.shape_cast %parallel_loop3A_444 : vector<1x16xf32> to vector<16xf32>
        %parallel_loop3A_446 = vector.shape_cast %parallel_loop3A_441 : vector<16xf32> to vector<1x16xf32>
        tpu.vector_store %arg8[%parallel_loop3A_442, %parallel_loop3A_443], %parallel_loop3A_446 {strides = array<i32>} : memref<400x64xf32, #tpu.memory_space<vmem>>, vector<1x16xf32>,
        %parallel_loop3A_447 = arith.constant 16 : i32
        %parallel_loop3A_448 = arith.muli %parallel_loop3A_186, %parallel_loop3A_447 : i32
        %parallel_loop3A_449 = arith.constant 5 : i32
        %parallel_loop3A_450 = arith.addi %parallel_loop3A_448, %parallel_loop3A_449 : i32
        %parallel_loop3A_451 = arith.constant 0 : i32
        %parallel_loop3A_452 = arith.addi %parallel_loop3A_206, %parallel_loop3A_451 : i32
        %parallel_loop3A_453 = arith.index_cast %parallel_loop3A_452 : i32 to index
        %parallel_loop3A_454 = tpu.vector_load %arg5[%parallel_loop3A_453] {strides = array<i32>} : memref<8192xf32, #tpu.memory_space<vmem>>, vector<16xf32>,
        %parallel_loop3A_455 = vector.shape_cast %parallel_loop3A_454 : vector<16xf32> to vector<16xf32>
        %parallel_loop3A_456 = arith.index_cast %parallel_loop3A_450 : i32 to index
        %parallel_loop3A_457 = arith.constant 0 : index
        %parallel_loop3A_458 = tpu.vector_load %arg8[%parallel_loop3A_456, %parallel_loop3A_457] {strides = array<i32>} : memref<400x64xf32, #tpu.memory_space<vmem>>, vector<1x16xf32>,
        %parallel_loop3A_459 = vector.shape_cast %parallel_loop3A_458 : vector<1x16xf32> to vector<16xf32>
        %parallel_loop3A_460 = vector.shape_cast %parallel_loop3A_455 : vector<16xf32> to vector<1x16xf32>
        tpu.vector_store %arg8[%parallel_loop3A_456, %parallel_loop3A_457], %parallel_loop3A_460 {strides = array<i32>} : memref<400x64xf32, #tpu.memory_space<vmem>>, vector<1x16xf32>,
        %parallel_loop3A_461 = arith.constant 16 : i32
        %parallel_loop3A_462 = arith.addi %parallel_loop3A_206, %parallel_loop3A_461 : i32
        %parallel_loop3A_463 = arith.index_cast %parallel_loop3A_462 : i32 to index
        %parallel_loop3A_464 = tpu.vector_load %arg5[%parallel_loop3A_463] {strides = array<i32>} : memref<8192xf32, #tpu.memory_space<vmem>>, vector<16xf32>,
        %parallel_loop3A_465 = vector.shape_cast %parallel_loop3A_464 : vector<16xf32> to vector<16xf32>
        %parallel_loop3A_466 = arith.index_cast %parallel_loop3A_450 : i32 to index
        %parallel_loop3A_467 = arith.constant 16 : index
        %parallel_loop3A_468 = tpu.vector_load %arg8[%parallel_loop3A_466, %parallel_loop3A_467] {strides = array<i32>} : memref<400x64xf32, #tpu.memory_space<vmem>>, vector<1x16xf32>,
        %parallel_loop3A_469 = vector.shape_cast %parallel_loop3A_468 : vector<1x16xf32> to vector<16xf32>
        %parallel_loop3A_470 = vector.shape_cast %parallel_loop3A_465 : vector<16xf32> to vector<1x16xf32>
        tpu.vector_store %arg8[%parallel_loop3A_466, %parallel_loop3A_467], %parallel_loop3A_470 {strides = array<i32>} : memref<400x64xf32, #tpu.memory_space<vmem>>, vector<1x16xf32>,
        %parallel_loop3A_471 = arith.constant 32 : i32
        %parallel_loop3A_472 = arith.addi %parallel_loop3A_206, %parallel_loop3A_471 : i32
        %parallel_loop3A_473 = arith.index_cast %parallel_loop3A_472 : i32 to index
        %parallel_loop3A_474 = tpu.vector_load %arg5[%parallel_loop3A_473] {strides = array<i32>} : memref<8192xf32, #tpu.memory_space<vmem>>, vector<16xf32>,
        %parallel_loop3A_475 = vector.shape_cast %parallel_loop3A_474 : vector<16xf32> to vector<16xf32>
        %parallel_loop3A_476 = arith.index_cast %parallel_loop3A_450 : i32 to index
        %parallel_loop3A_477 = arith.constant 32 : index
        %parallel_loop3A_478 = tpu.vector_load %arg8[%parallel_loop3A_476, %parallel_loop3A_477] {strides = array<i32>} : memref<400x64xf32, #tpu.memory_space<vmem>>, vector<1x16xf32>,
        %parallel_loop3A_479 = vector.shape_cast %parallel_loop3A_478 : vector<1x16xf32> to vector<16xf32>
        %parallel_loop3A_480 = vector.shape_cast %parallel_loop3A_475 : vector<16xf32> to vector<1x16xf32>
        tpu.vector_store %arg8[%parallel_loop3A_476, %parallel_loop3A_477], %parallel_loop3A_480 {strides = array<i32>} : memref<400x64xf32, #tpu.memory_space<vmem>>, vector<1x16xf32>,
        %parallel_loop3A_481 = arith.constant 48 : i32
        %parallel_loop3A_482 = arith.addi %parallel_loop3A_206, %parallel_loop3A_481 : i32
        %parallel_loop3A_483 = arith.index_cast %parallel_loop3A_482 : i32 to index
        %parallel_loop3A_484 = tpu.vector_load %arg5[%parallel_loop3A_483] {strides = array<i32>} : memref<8192xf32, #tpu.memory_space<vmem>>, vector<16xf32>,
        %parallel_loop3A_485 = vector.shape_cast %parallel_loop3A_484 : vector<16xf32> to vector<16xf32>
        %parallel_loop3A_486 = arith.index_cast %parallel_loop3A_450 : i32 to index
        %parallel_loop3A_487 = arith.constant 48 : index
        %parallel_loop3A_488 = tpu.vector_load %arg8[%parallel_loop3A_486, %parallel_loop3A_487] {strides = array<i32>} : memref<400x64xf32, #tpu.memory_space<vmem>>, vector<1x16xf32>,
        %parallel_loop3A_489 = vector.shape_cast %parallel_loop3A_488 : vector<1x16xf32> to vector<16xf32>
        %parallel_loop3A_490 = vector.shape_cast %parallel_loop3A_485 : vector<16xf32> to vector<1x16xf32>
        tpu.vector_store %arg8[%parallel_loop3A_486, %parallel_loop3A_487], %parallel_loop3A_490 {strides = array<i32>} : memref<400x64xf32, #tpu.memory_space<vmem>>, vector<1x16xf32>,
        %parallel_loop3A_491 = arith.constant 16 : i32
        %parallel_loop3A_492 = arith.muli %parallel_loop3A_186, %parallel_loop3A_491 : i32
        %parallel_loop3A_493 = arith.constant 6 : i32
        %parallel_loop3A_494 = arith.addi %parallel_loop3A_492, %parallel_loop3A_493 : i32
        %parallel_loop3A_495 = arith.constant 0 : i32
        %parallel_loop3A_496 = arith.addi %parallel_loop3A_208, %parallel_loop3A_495 : i32
        %parallel_loop3A_497 = arith.index_cast %parallel_loop3A_496 : i32 to index
        %parallel_loop3A_498 = tpu.vector_load %arg5[%parallel_loop3A_497] {strides = array<i32>} : memref<8192xf32, #tpu.memory_space<vmem>>, vector<16xf32>,
        %parallel_loop3A_499 = vector.shape_cast %parallel_loop3A_498 : vector<16xf32> to vector<16xf32>
        %parallel_loop3A_500 = arith.index_cast %parallel_loop3A_494 : i32 to index
        %parallel_loop3A_501 = arith.constant 0 : index
        %parallel_loop3A_502 = tpu.vector_load %arg8[%parallel_loop3A_500, %parallel_loop3A_501] {strides = array<i32>} : memref<400x64xf32, #tpu.memory_space<vmem>>, vector<1x16xf32>,
        %parallel_loop3A_503 = vector.shape_cast %parallel_loop3A_502 : vector<1x16xf32> to vector<16xf32>
        %parallel_loop3A_504 = vector.shape_cast %parallel_loop3A_499 : vector<16xf32> to vector<1x16xf32>
        tpu.vector_store %arg8[%parallel_loop3A_500, %parallel_loop3A_501], %parallel_loop3A_504 {strides = array<i32>} : memref<400x64xf32, #tpu.memory_space<vmem>>, vector<1x16xf32>,
        %parallel_loop3A_505 = arith.constant 16 : i32
        %parallel_loop3A_506 = arith.addi %parallel_loop3A_208, %parallel_loop3A_505 : i32
        %parallel_loop3A_507 = arith.index_cast %parallel_loop3A_506 : i32 to index
        %parallel_loop3A_508 = tpu.vector_load %arg5[%parallel_loop3A_507] {strides = array<i32>} : memref<8192xf32, #tpu.memory_space<vmem>>, vector<16xf32>,
        %parallel_loop3A_509 = vector.shape_cast %parallel_loop3A_508 : vector<16xf32> to vector<16xf32>
        %parallel_loop3A_510 = arith.index_cast %parallel_loop3A_494 : i32 to index
        %parallel_loop3A_511 = arith.constant 16 : index
        %parallel_loop3A_512 = tpu.vector_load %arg8[%parallel_loop3A_510, %parallel_loop3A_511] {strides = array<i32>} : memref<400x64xf32, #tpu.memory_space<vmem>>, vector<1x16xf32>,
        %parallel_loop3A_513 = vector.shape_cast %parallel_loop3A_512 : vector<1x16xf32> to vector<16xf32>
        %parallel_loop3A_514 = vector.shape_cast %parallel_loop3A_509 : vector<16xf32> to vector<1x16xf32>
        tpu.vector_store %arg8[%parallel_loop3A_510, %parallel_loop3A_511], %parallel_loop3A_514 {strides = array<i32>} : memref<400x64xf32, #tpu.memory_space<vmem>>, vector<1x16xf32>,
        %parallel_loop3A_515 = arith.constant 32 : i32
        %parallel_loop3A_516 = arith.addi %parallel_loop3A_208, %parallel_loop3A_515 : i32
        %parallel_loop3A_517 = arith.index_cast %parallel_loop3A_516 : i32 to index
        %parallel_loop3A_518 = tpu.vector_load %arg5[%parallel_loop3A_517] {strides = array<i32>} : memref<8192xf32, #tpu.memory_space<vmem>>, vector<16xf32>,
        %parallel_loop3A_519 = vector.shape_cast %parallel_loop3A_518 : vector<16xf32> to vector<16xf32>
        %parallel_loop3A_520 = arith.index_cast %parallel_loop3A_494 : i32 to index
        %parallel_loop3A_521 = arith.constant 32 : index
        %parallel_loop3A_522 = tpu.vector_load %arg8[%parallel_loop3A_520, %parallel_loop3A_521] {strides = array<i32>} : memref<400x64xf32, #tpu.memory_space<vmem>>, vector<1x16xf32>,
        %parallel_loop3A_523 = vector.shape_cast %parallel_loop3A_522 : vector<1x16xf32> to vector<16xf32>
        %parallel_loop3A_524 = vector.shape_cast %parallel_loop3A_519 : vector<16xf32> to vector<1x16xf32>
        tpu.vector_store %arg8[%parallel_loop3A_520, %parallel_loop3A_521], %parallel_loop3A_524 {strides = array<i32>} : memref<400x64xf32, #tpu.memory_space<vmem>>, vector<1x16xf32>,
        %parallel_loop3A_525 = arith.constant 48 : i32
        %parallel_loop3A_526 = arith.addi %parallel_loop3A_208, %parallel_loop3A_525 : i32
        %parallel_loop3A_527 = arith.index_cast %parallel_loop3A_526 : i32 to index
        %parallel_loop3A_528 = tpu.vector_load %arg5[%parallel_loop3A_527] {strides = array<i32>} : memref<8192xf32, #tpu.memory_space<vmem>>, vector<16xf32>,
        %parallel_loop3A_529 = vector.shape_cast %parallel_loop3A_528 : vector<16xf32> to vector<16xf32>
        %parallel_loop3A_530 = arith.index_cast %parallel_loop3A_494 : i32 to index
        %parallel_loop3A_531 = arith.constant 48 : index
        %parallel_loop3A_532 = tpu.vector_load %arg8[%parallel_loop3A_530, %parallel_loop3A_531] {strides = array<i32>} : memref<400x64xf32, #tpu.memory_space<vmem>>, vector<1x16xf32>,
        %parallel_loop3A_533 = vector.shape_cast %parallel_loop3A_532 : vector<1x16xf32> to vector<16xf32>
        %parallel_loop3A_534 = vector.shape_cast %parallel_loop3A_529 : vector<16xf32> to vector<1x16xf32>
        tpu.vector_store %arg8[%parallel_loop3A_530, %parallel_loop3A_531], %parallel_loop3A_534 {strides = array<i32>} : memref<400x64xf32, #tpu.memory_space<vmem>>, vector<1x16xf32>,
        %parallel_loop3A_535 = arith.constant 16 : i32
        %parallel_loop3A_536 = arith.muli %parallel_loop3A_186, %parallel_loop3A_535 : i32
        %parallel_loop3A_537 = arith.constant 7 : i32
        %parallel_loop3A_538 = arith.addi %parallel_loop3A_536, %parallel_loop3A_537 : i32
        %parallel_loop3A_539 = arith.constant 0 : i32
        %parallel_loop3A_540 = arith.addi %parallel_loop3A_210, %parallel_loop3A_539 : i32
        %parallel_loop3A_541 = arith.index_cast %parallel_loop3A_540 : i32 to index
        %parallel_loop3A_542 = tpu.vector_load %arg5[%parallel_loop3A_541] {strides = array<i32>} : memref<8192xf32, #tpu.memory_space<vmem>>, vector<16xf32>,
        %parallel_loop3A_543 = vector.shape_cast %parallel_loop3A_542 : vector<16xf32> to vector<16xf32>
        %parallel_loop3A_544 = arith.index_cast %parallel_loop3A_538 : i32 to index
        %parallel_loop3A_545 = arith.constant 0 : index
        %parallel_loop3A_546 = tpu.vector_load %arg8[%parallel_loop3A_544, %parallel_loop3A_545] {strides = array<i32>} : memref<400x64xf32, #tpu.memory_space<vmem>>, vector<1x16xf32>,
        %parallel_loop3A_547 = vector.shape_cast %parallel_loop3A_546 : vector<1x16xf32> to vector<16xf32>
        %parallel_loop3A_548 = vector.shape_cast %parallel_loop3A_543 : vector<16xf32> to vector<1x16xf32>
        tpu.vector_store %arg8[%parallel_loop3A_544, %parallel_loop3A_545], %parallel_loop3A_548 {strides = array<i32>} : memref<400x64xf32, #tpu.memory_space<vmem>>, vector<1x16xf32>,
        %parallel_loop3A_549 = arith.constant 16 : i32
        %parallel_loop3A_550 = arith.addi %parallel_loop3A_210, %parallel_loop3A_549 : i32
        %parallel_loop3A_551 = arith.index_cast %parallel_loop3A_550 : i32 to index
        %parallel_loop3A_552 = tpu.vector_load %arg5[%parallel_loop3A_551] {strides = array<i32>} : memref<8192xf32, #tpu.memory_space<vmem>>, vector<16xf32>,
        %parallel_loop3A_553 = vector.shape_cast %parallel_loop3A_552 : vector<16xf32> to vector<16xf32>
        %parallel_loop3A_554 = arith.index_cast %parallel_loop3A_538 : i32 to index
        %parallel_loop3A_555 = arith.constant 16 : index
        %parallel_loop3A_556 = tpu.vector_load %arg8[%parallel_loop3A_554, %parallel_loop3A_555] {strides = array<i32>} : memref<400x64xf32, #tpu.memory_space<vmem>>, vector<1x16xf32>,
        %parallel_loop3A_557 = vector.shape_cast %parallel_loop3A_556 : vector<1x16xf32> to vector<16xf32>
        %parallel_loop3A_558 = vector.shape_cast %parallel_loop3A_553 : vector<16xf32> to vector<1x16xf32>
        tpu.vector_store %arg8[%parallel_loop3A_554, %parallel_loop3A_555], %parallel_loop3A_558 {strides = array<i32>} : memref<400x64xf32, #tpu.memory_space<vmem>>, vector<1x16xf32>,
        %parallel_loop3A_559 = arith.constant 32 : i32
        %parallel_loop3A_560 = arith.addi %parallel_loop3A_210, %parallel_loop3A_559 : i32
        %parallel_loop3A_561 = arith.index_cast %parallel_loop3A_560 : i32 to index
        %parallel_loop3A_562 = tpu.vector_load %arg5[%parallel_loop3A_561] {strides = array<i32>} : memref<8192xf32, #tpu.memory_space<vmem>>, vector<16xf32>,
        %parallel_loop3A_563 = vector.shape_cast %parallel_loop3A_562 : vector<16xf32> to vector<16xf32>
        %parallel_loop3A_564 = arith.index_cast %parallel_loop3A_538 : i32 to index
        %parallel_loop3A_565 = arith.constant 32 : index
        %parallel_loop3A_566 = tpu.vector_load %arg8[%parallel_loop3A_564, %parallel_loop3A_565] {strides = array<i32>} : memref<400x64xf32, #tpu.memory_space<vmem>>, vector<1x16xf32>,
        %parallel_loop3A_567 = vector.shape_cast %parallel_loop3A_566 : vector<1x16xf32> to vector<16xf32>
        %parallel_loop3A_568 = vector.shape_cast %parallel_loop3A_563 : vector<16xf32> to vector<1x16xf32>
        tpu.vector_store %arg8[%parallel_loop3A_564, %parallel_loop3A_565], %parallel_loop3A_568 {strides = array<i32>} : memref<400x64xf32, #tpu.memory_space<vmem>>, vector<1x16xf32>,
        %parallel_loop3A_569 = arith.constant 48 : i32
        %parallel_loop3A_570 = arith.addi %parallel_loop3A_210, %parallel_loop3A_569 : i32
        %parallel_loop3A_571 = arith.index_cast %parallel_loop3A_570 : i32 to index
        %parallel_loop3A_572 = tpu.vector_load %arg5[%parallel_loop3A_571] {strides = array<i32>} : memref<8192xf32, #tpu.memory_space<vmem>>, vector<16xf32>,
        %parallel_loop3A_573 = vector.shape_cast %parallel_loop3A_572 : vector<16xf32> to vector<16xf32>
        %parallel_loop3A_574 = arith.index_cast %parallel_loop3A_538 : i32 to index
        %parallel_loop3A_575 = arith.constant 48 : index
        %parallel_loop3A_576 = tpu.vector_load %arg8[%parallel_loop3A_574, %parallel_loop3A_575] {strides = array<i32>} : memref<400x64xf32, #tpu.memory_space<vmem>>, vector<1x16xf32>,
        %parallel_loop3A_577 = vector.shape_cast %parallel_loop3A_576 : vector<1x16xf32> to vector<16xf32>
        %parallel_loop3A_578 = vector.shape_cast %parallel_loop3A_573 : vector<16xf32> to vector<1x16xf32>
        tpu.vector_store %arg8[%parallel_loop3A_574, %parallel_loop3A_575], %parallel_loop3A_578 {strides = array<i32>} : memref<400x64xf32, #tpu.memory_space<vmem>>, vector<1x16xf32>,
        %parallel_loop3A_579 = arith.constant 16 : i32
        %parallel_loop3A_580 = arith.muli %parallel_loop3A_186, %parallel_loop3A_579 : i32
        %parallel_loop3A_581 = arith.constant 8 : i32
        %parallel_loop3A_582 = arith.addi %parallel_loop3A_580, %parallel_loop3A_581 : i32
        %parallel_loop3A_583 = arith.constant 0 : i32
        %parallel_loop3A_584 = arith.addi %parallel_loop3A_212, %parallel_loop3A_583 : i32
        %parallel_loop3A_585 = arith.index_cast %parallel_loop3A_584 : i32 to index
        %parallel_loop3A_586 = tpu.vector_load %arg5[%parallel_loop3A_585] {strides = array<i32>} : memref<8192xf32, #tpu.memory_space<vmem>>, vector<16xf32>,
        %parallel_loop3A_587 = vector.shape_cast %parallel_loop3A_586 : vector<16xf32> to vector<16xf32>
        %parallel_loop3A_588 = arith.index_cast %parallel_loop3A_582 : i32 to index
        %parallel_loop3A_589 = arith.constant 0 : index
        %parallel_loop3A_590 = tpu.vector_load %arg8[%parallel_loop3A_588, %parallel_loop3A_589] {strides = array<i32>} : memref<400x64xf32, #tpu.memory_space<vmem>>, vector<1x16xf32>,
        %parallel_loop3A_591 = vector.shape_cast %parallel_loop3A_590 : vector<1x16xf32> to vector<16xf32>
        %parallel_loop3A_592 = vector.shape_cast %parallel_loop3A_587 : vector<16xf32> to vector<1x16xf32>
        tpu.vector_store %arg8[%parallel_loop3A_588, %parallel_loop3A_589], %parallel_loop3A_592 {strides = array<i32>} : memref<400x64xf32, #tpu.memory_space<vmem>>, vector<1x16xf32>,
        %parallel_loop3A_593 = arith.constant 16 : i32
        %parallel_loop3A_594 = arith.addi %parallel_loop3A_212, %parallel_loop3A_593 : i32
        %parallel_loop3A_595 = arith.index_cast %parallel_loop3A_594 : i32 to index
        %parallel_loop3A_596 = tpu.vector_load %arg5[%parallel_loop3A_595] {strides = array<i32>} : memref<8192xf32, #tpu.memory_space<vmem>>, vector<16xf32>,
        %parallel_loop3A_597 = vector.shape_cast %parallel_loop3A_596 : vector<16xf32> to vector<16xf32>
        %parallel_loop3A_598 = arith.index_cast %parallel_loop3A_582 : i32 to index
        %parallel_loop3A_599 = arith.constant 16 : index
        %parallel_loop3A_600 = tpu.vector_load %arg8[%parallel_loop3A_598, %parallel_loop3A_599] {strides = array<i32>} : memref<400x64xf32, #tpu.memory_space<vmem>>, vector<1x16xf32>,
        %parallel_loop3A_601 = vector.shape_cast %parallel_loop3A_600 : vector<1x16xf32> to vector<16xf32>
        %parallel_loop3A_602 = vector.shape_cast %parallel_loop3A_597 : vector<16xf32> to vector<1x16xf32>
        tpu.vector_store %arg8[%parallel_loop3A_598, %parallel_loop3A_599], %parallel_loop3A_602 {strides = array<i32>} : memref<400x64xf32, #tpu.memory_space<vmem>>, vector<1x16xf32>,
        %parallel_loop3A_603 = arith.constant 32 : i32
        %parallel_loop3A_604 = arith.addi %parallel_loop3A_212, %parallel_loop3A_603 : i32
        %parallel_loop3A_605 = arith.index_cast %parallel_loop3A_604 : i32 to index
        %parallel_loop3A_606 = tpu.vector_load %arg5[%parallel_loop3A_605] {strides = array<i32>} : memref<8192xf32, #tpu.memory_space<vmem>>, vector<16xf32>,
        %parallel_loop3A_607 = vector.shape_cast %parallel_loop3A_606 : vector<16xf32> to vector<16xf32>
        %parallel_loop3A_608 = arith.index_cast %parallel_loop3A_582 : i32 to index
        %parallel_loop3A_609 = arith.constant 32 : index
        %parallel_loop3A_610 = tpu.vector_load %arg8[%parallel_loop3A_608, %parallel_loop3A_609] {strides = array<i32>} : memref<400x64xf32, #tpu.memory_space<vmem>>, vector<1x16xf32>,
        %parallel_loop3A_611 = vector.shape_cast %parallel_loop3A_610 : vector<1x16xf32> to vector<16xf32>
        %parallel_loop3A_612 = vector.shape_cast %parallel_loop3A_607 : vector<16xf32> to vector<1x16xf32>
        tpu.vector_store %arg8[%parallel_loop3A_608, %parallel_loop3A_609], %parallel_loop3A_612 {strides = array<i32>} : memref<400x64xf32, #tpu.memory_space<vmem>>, vector<1x16xf32>,
        %parallel_loop3A_613 = arith.constant 48 : i32
        %parallel_loop3A_614 = arith.addi %parallel_loop3A_212, %parallel_loop3A_613 : i32
        %parallel_loop3A_615 = arith.index_cast %parallel_loop3A_614 : i32 to index
        %parallel_loop3A_616 = tpu.vector_load %arg5[%parallel_loop3A_615] {strides = array<i32>} : memref<8192xf32, #tpu.memory_space<vmem>>, vector<16xf32>,
        %parallel_loop3A_617 = vector.shape_cast %parallel_loop3A_616 : vector<16xf32> to vector<16xf32>
        %parallel_loop3A_618 = arith.index_cast %parallel_loop3A_582 : i32 to index
        %parallel_loop3A_619 = arith.constant 48 : index
        %parallel_loop3A_620 = tpu.vector_load %arg8[%parallel_loop3A_618, %parallel_loop3A_619] {strides = array<i32>} : memref<400x64xf32, #tpu.memory_space<vmem>>, vector<1x16xf32>,
        %parallel_loop3A_621 = vector.shape_cast %parallel_loop3A_620 : vector<1x16xf32> to vector<16xf32>
        %parallel_loop3A_622 = vector.shape_cast %parallel_loop3A_617 : vector<16xf32> to vector<1x16xf32>
        tpu.vector_store %arg8[%parallel_loop3A_618, %parallel_loop3A_619], %parallel_loop3A_622 {strides = array<i32>} : memref<400x64xf32, #tpu.memory_space<vmem>>, vector<1x16xf32>,
        %parallel_loop3A_623 = arith.constant 16 : i32
        %parallel_loop3A_624 = arith.muli %parallel_loop3A_186, %parallel_loop3A_623 : i32
        %parallel_loop3A_625 = arith.constant 9 : i32
        %parallel_loop3A_626 = arith.addi %parallel_loop3A_624, %parallel_loop3A_625 : i32
        %parallel_loop3A_627 = arith.constant 0 : i32
        %parallel_loop3A_628 = arith.addi %parallel_loop3A_214, %parallel_loop3A_627 : i32
        %parallel_loop3A_629 = arith.index_cast %parallel_loop3A_628 : i32 to index
        %parallel_loop3A_630 = tpu.vector_load %arg5[%parallel_loop3A_629] {strides = array<i32>} : memref<8192xf32, #tpu.memory_space<vmem>>, vector<16xf32>,
        %parallel_loop3A_631 = vector.shape_cast %parallel_loop3A_630 : vector<16xf32> to vector<16xf32>
        %parallel_loop3A_632 = arith.index_cast %parallel_loop3A_626 : i32 to index
        %parallel_loop3A_633 = arith.constant 0 : index
        %parallel_loop3A_634 = tpu.vector_load %arg8[%parallel_loop3A_632, %parallel_loop3A_633] {strides = array<i32>} : memref<400x64xf32, #tpu.memory_space<vmem>>, vector<1x16xf32>,
        %parallel_loop3A_635 = vector.shape_cast %parallel_loop3A_634 : vector<1x16xf32> to vector<16xf32>
        %parallel_loop3A_636 = vector.shape_cast %parallel_loop3A_631 : vector<16xf32> to vector<1x16xf32>
        tpu.vector_store %arg8[%parallel_loop3A_632, %parallel_loop3A_633], %parallel_loop3A_636 {strides = array<i32>} : memref<400x64xf32, #tpu.memory_space<vmem>>, vector<1x16xf32>,
        %parallel_loop3A_637 = arith.constant 16 : i32
        %parallel_loop3A_638 = arith.addi %parallel_loop3A_214, %parallel_loop3A_637 : i32
        %parallel_loop3A_639 = arith.index_cast %parallel_loop3A_638 : i32 to index
        %parallel_loop3A_640 = tpu.vector_load %arg5[%parallel_loop3A_639] {strides = array<i32>} : memref<8192xf32, #tpu.memory_space<vmem>>, vector<16xf32>,
        %parallel_loop3A_641 = vector.shape_cast %parallel_loop3A_640 : vector<16xf32> to vector<16xf32>
        %parallel_loop3A_642 = arith.index_cast %parallel_loop3A_626 : i32 to index
        %parallel_loop3A_643 = arith.constant 16 : index
        %parallel_loop3A_644 = tpu.vector_load %arg8[%parallel_loop3A_642, %parallel_loop3A_643] {strides = array<i32>} : memref<400x64xf32, #tpu.memory_space<vmem>>, vector<1x16xf32>,
        %parallel_loop3A_645 = vector.shape_cast %parallel_loop3A_644 : vector<1x16xf32> to vector<16xf32>
        %parallel_loop3A_646 = vector.shape_cast %parallel_loop3A_641 : vector<16xf32> to vector<1x16xf32>
        tpu.vector_store %arg8[%parallel_loop3A_642, %parallel_loop3A_643], %parallel_loop3A_646 {strides = array<i32>} : memref<400x64xf32, #tpu.memory_space<vmem>>, vector<1x16xf32>,
        %parallel_loop3A_647 = arith.constant 32 : i32
        %parallel_loop3A_648 = arith.addi %parallel_loop3A_214, %parallel_loop3A_647 : i32
        %parallel_loop3A_649 = arith.index_cast %parallel_loop3A_648 : i32 to index
        %parallel_loop3A_650 = tpu.vector_load %arg5[%parallel_loop3A_649] {strides = array<i32>} : memref<8192xf32, #tpu.memory_space<vmem>>, vector<16xf32>,
        %parallel_loop3A_651 = vector.shape_cast %parallel_loop3A_650 : vector<16xf32> to vector<16xf32>
        %parallel_loop3A_652 = arith.index_cast %parallel_loop3A_626 : i32 to index
        %parallel_loop3A_653 = arith.constant 32 : index
        %parallel_loop3A_654 = tpu.vector_load %arg8[%parallel_loop3A_652, %parallel_loop3A_653] {strides = array<i32>} : memref<400x64xf32, #tpu.memory_space<vmem>>, vector<1x16xf32>,
        %parallel_loop3A_655 = vector.shape_cast %parallel_loop3A_654 : vector<1x16xf32> to vector<16xf32>
        %parallel_loop3A_656 = vector.shape_cast %parallel_loop3A_651 : vector<16xf32> to vector<1x16xf32>
        tpu.vector_store %arg8[%parallel_loop3A_652, %parallel_loop3A_653], %parallel_loop3A_656 {strides = array<i32>} : memref<400x64xf32, #tpu.memory_space<vmem>>, vector<1x16xf32>,
        %parallel_loop3A_657 = arith.constant 48 : i32
        %parallel_loop3A_658 = arith.addi %parallel_loop3A_214, %parallel_loop3A_657 : i32
        %parallel_loop3A_659 = arith.index_cast %parallel_loop3A_658 : i32 to index
        %parallel_loop3A_660 = tpu.vector_load %arg5[%parallel_loop3A_659] {strides = array<i32>} : memref<8192xf32, #tpu.memory_space<vmem>>, vector<16xf32>,
        %parallel_loop3A_661 = vector.shape_cast %parallel_loop3A_660 : vector<16xf32> to vector<16xf32>
        %parallel_loop3A_662 = arith.index_cast %parallel_loop3A_626 : i32 to index
        %parallel_loop3A_663 = arith.constant 48 : index
        %parallel_loop3A_664 = tpu.vector_load %arg8[%parallel_loop3A_662, %parallel_loop3A_663] {strides = array<i32>} : memref<400x64xf32, #tpu.memory_space<vmem>>, vector<1x16xf32>,
        %parallel_loop3A_665 = vector.shape_cast %parallel_loop3A_664 : vector<1x16xf32> to vector<16xf32>
        %parallel_loop3A_666 = vector.shape_cast %parallel_loop3A_661 : vector<16xf32> to vector<1x16xf32>
        tpu.vector_store %arg8[%parallel_loop3A_662, %parallel_loop3A_663], %parallel_loop3A_666 {strides = array<i32>} : memref<400x64xf32, #tpu.memory_space<vmem>>, vector<1x16xf32>,
        %parallel_loop3A_667 = arith.constant 16 : i32
        %parallel_loop3A_668 = arith.muli %parallel_loop3A_186, %parallel_loop3A_667 : i32
        %parallel_loop3A_669 = arith.constant 10 : i32
        %parallel_loop3A_670 = arith.addi %parallel_loop3A_668, %parallel_loop3A_669 : i32
        %parallel_loop3A_671 = arith.constant 0 : i32
        %parallel_loop3A_672 = arith.addi %parallel_loop3A_216, %parallel_loop3A_671 : i32
        %parallel_loop3A_673 = arith.index_cast %parallel_loop3A_672 : i32 to index
        %parallel_loop3A_674 = tpu.vector_load %arg5[%parallel_loop3A_673] {strides = array<i32>} : memref<8192xf32, #tpu.memory_space<vmem>>, vector<16xf32>,
        %parallel_loop3A_675 = vector.shape_cast %parallel_loop3A_674 : vector<16xf32> to vector<16xf32>
        %parallel_loop3A_676 = arith.index_cast %parallel_loop3A_670 : i32 to index
        %parallel_loop3A_677 = arith.constant 0 : index
        %parallel_loop3A_678 = tpu.vector_load %arg8[%parallel_loop3A_676, %parallel_loop3A_677] {strides = array<i32>} : memref<400x64xf32, #tpu.memory_space<vmem>>, vector<1x16xf32>,
        %parallel_loop3A_679 = vector.shape_cast %parallel_loop3A_678 : vector<1x16xf32> to vector<16xf32>
        %parallel_loop3A_680 = vector.shape_cast %parallel_loop3A_675 : vector<16xf32> to vector<1x16xf32>
        tpu.vector_store %arg8[%parallel_loop3A_676, %parallel_loop3A_677], %parallel_loop3A_680 {strides = array<i32>} : memref<400x64xf32, #tpu.memory_space<vmem>>, vector<1x16xf32>,
        %parallel_loop3A_681 = arith.constant 16 : i32
        %parallel_loop3A_682 = arith.addi %parallel_loop3A_216, %parallel_loop3A_681 : i32
        %parallel_loop3A_683 = arith.index_cast %parallel_loop3A_682 : i32 to index
        %parallel_loop3A_684 = tpu.vector_load %arg5[%parallel_loop3A_683] {strides = array<i32>} : memref<8192xf32, #tpu.memory_space<vmem>>, vector<16xf32>,
        %parallel_loop3A_685 = vector.shape_cast %parallel_loop3A_684 : vector<16xf32> to vector<16xf32>
        %parallel_loop3A_686 = arith.index_cast %parallel_loop3A_670 : i32 to index
        %parallel_loop3A_687 = arith.constant 16 : index
        %parallel_loop3A_688 = tpu.vector_load %arg8[%parallel_loop3A_686, %parallel_loop3A_687] {strides = array<i32>} : memref<400x64xf32, #tpu.memory_space<vmem>>, vector<1x16xf32>,
        %parallel_loop3A_689 = vector.shape_cast %parallel_loop3A_688 : vector<1x16xf32> to vector<16xf32>
        %parallel_loop3A_690 = vector.shape_cast %parallel_loop3A_685 : vector<16xf32> to vector<1x16xf32>
        tpu.vector_store %arg8[%parallel_loop3A_686, %parallel_loop3A_687], %parallel_loop3A_690 {strides = array<i32>} : memref<400x64xf32, #tpu.memory_space<vmem>>, vector<1x16xf32>,
        %parallel_loop3A_691 = arith.constant 32 : i32
        %parallel_loop3A_692 = arith.addi %parallel_loop3A_216, %parallel_loop3A_691 : i32
        %parallel_loop3A_693 = arith.index_cast %parallel_loop3A_692 : i32 to index
        %parallel_loop3A_694 = tpu.vector_load %arg5[%parallel_loop3A_693] {strides = array<i32>} : memref<8192xf32, #tpu.memory_space<vmem>>, vector<16xf32>,
        %parallel_loop3A_695 = vector.shape_cast %parallel_loop3A_694 : vector<16xf32> to vector<16xf32>
        %parallel_loop3A_696 = arith.index_cast %parallel_loop3A_670 : i32 to index
        %parallel_loop3A_697 = arith.constant 32 : index
        %parallel_loop3A_698 = tpu.vector_load %arg8[%parallel_loop3A_696, %parallel_loop3A_697] {strides = array<i32>} : memref<400x64xf32, #tpu.memory_space<vmem>>, vector<1x16xf32>,
        %parallel_loop3A_699 = vector.shape_cast %parallel_loop3A_698 : vector<1x16xf32> to vector<16xf32>
        %parallel_loop3A_700 = vector.shape_cast %parallel_loop3A_695 : vector<16xf32> to vector<1x16xf32>
        tpu.vector_store %arg8[%parallel_loop3A_696, %parallel_loop3A_697], %parallel_loop3A_700 {strides = array<i32>} : memref<400x64xf32, #tpu.memory_space<vmem>>, vector<1x16xf32>,
        %parallel_loop3A_701 = arith.constant 48 : i32
        %parallel_loop3A_702 = arith.addi %parallel_loop3A_216, %parallel_loop3A_701 : i32
        %parallel_loop3A_703 = arith.index_cast %parallel_loop3A_702 : i32 to index
        %parallel_loop3A_704 = tpu.vector_load %arg5[%parallel_loop3A_703] {strides = array<i32>} : memref<8192xf32, #tpu.memory_space<vmem>>, vector<16xf32>,
        %parallel_loop3A_705 = vector.shape_cast %parallel_loop3A_704 : vector<16xf32> to vector<16xf32>
        %parallel_loop3A_706 = arith.index_cast %parallel_loop3A_670 : i32 to index
        %parallel_loop3A_707 = arith.constant 48 : index
        %parallel_loop3A_708 = tpu.vector_load %arg8[%parallel_loop3A_706, %parallel_loop3A_707] {strides = array<i32>} : memref<400x64xf32, #tpu.memory_space<vmem>>, vector<1x16xf32>,
        %parallel_loop3A_709 = vector.shape_cast %parallel_loop3A_708 : vector<1x16xf32> to vector<16xf32>
        %parallel_loop3A_710 = vector.shape_cast %parallel_loop3A_705 : vector<16xf32> to vector<1x16xf32>
        tpu.vector_store %arg8[%parallel_loop3A_706, %parallel_loop3A_707], %parallel_loop3A_710 {strides = array<i32>} : memref<400x64xf32, #tpu.memory_space<vmem>>, vector<1x16xf32>,
        %parallel_loop3A_711 = arith.constant 16 : i32
        %parallel_loop3A_712 = arith.muli %parallel_loop3A_186, %parallel_loop3A_711 : i32
        %parallel_loop3A_713 = arith.constant 11 : i32
        %parallel_loop3A_714 = arith.addi %parallel_loop3A_712, %parallel_loop3A_713 : i32
        %parallel_loop3A_715 = arith.constant 0 : i32
        %parallel_loop3A_716 = arith.addi %parallel_loop3A_218, %parallel_loop3A_715 : i32
        %parallel_loop3A_717 = arith.index_cast %parallel_loop3A_716 : i32 to index
        %parallel_loop3A_718 = tpu.vector_load %arg5[%parallel_loop3A_717] {strides = array<i32>} : memref<8192xf32, #tpu.memory_space<vmem>>, vector<16xf32>,
        %parallel_loop3A_719 = vector.shape_cast %parallel_loop3A_718 : vector<16xf32> to vector<16xf32>
        %parallel_loop3A_720 = arith.index_cast %parallel_loop3A_714 : i32 to index
        %parallel_loop3A_721 = arith.constant 0 : index
        %parallel_loop3A_722 = tpu.vector_load %arg8[%parallel_loop3A_720, %parallel_loop3A_721] {strides = array<i32>} : memref<400x64xf32, #tpu.memory_space<vmem>>, vector<1x16xf32>,
        %parallel_loop3A_723 = vector.shape_cast %parallel_loop3A_722 : vector<1x16xf32> to vector<16xf32>
        %parallel_loop3A_724 = vector.shape_cast %parallel_loop3A_719 : vector<16xf32> to vector<1x16xf32>
        tpu.vector_store %arg8[%parallel_loop3A_720, %parallel_loop3A_721], %parallel_loop3A_724 {strides = array<i32>} : memref<400x64xf32, #tpu.memory_space<vmem>>, vector<1x16xf32>,
        %parallel_loop3A_725 = arith.constant 16 : i32
        %parallel_loop3A_726 = arith.addi %parallel_loop3A_218, %parallel_loop3A_725 : i32
        %parallel_loop3A_727 = arith.index_cast %parallel_loop3A_726 : i32 to index
        %parallel_loop3A_728 = tpu.vector_load %arg5[%parallel_loop3A_727] {strides = array<i32>} : memref<8192xf32, #tpu.memory_space<vmem>>, vector<16xf32>,
        %parallel_loop3A_729 = vector.shape_cast %parallel_loop3A_728 : vector<16xf32> to vector<16xf32>
        %parallel_loop3A_730 = arith.index_cast %parallel_loop3A_714 : i32 to index
        %parallel_loop3A_731 = arith.constant 16 : index
        %parallel_loop3A_732 = tpu.vector_load %arg8[%parallel_loop3A_730, %parallel_loop3A_731] {strides = array<i32>} : memref<400x64xf32, #tpu.memory_space<vmem>>, vector<1x16xf32>,
        %parallel_loop3A_733 = vector.shape_cast %parallel_loop3A_732 : vector<1x16xf32> to vector<16xf32>
        %parallel_loop3A_734 = vector.shape_cast %parallel_loop3A_729 : vector<16xf32> to vector<1x16xf32>
        tpu.vector_store %arg8[%parallel_loop3A_730, %parallel_loop3A_731], %parallel_loop3A_734 {strides = array<i32>} : memref<400x64xf32, #tpu.memory_space<vmem>>, vector<1x16xf32>,
        %parallel_loop3A_735 = arith.constant 32 : i32
        %parallel_loop3A_736 = arith.addi %parallel_loop3A_218, %parallel_loop3A_735 : i32
        %parallel_loop3A_737 = arith.index_cast %parallel_loop3A_736 : i32 to index
        %parallel_loop3A_738 = tpu.vector_load %arg5[%parallel_loop3A_737] {strides = array<i32>} : memref<8192xf32, #tpu.memory_space<vmem>>, vector<16xf32>,
        %parallel_loop3A_739 = vector.shape_cast %parallel_loop3A_738 : vector<16xf32> to vector<16xf32>
        %parallel_loop3A_740 = arith.index_cast %parallel_loop3A_714 : i32 to index
        %parallel_loop3A_741 = arith.constant 32 : index
        %parallel_loop3A_742 = tpu.vector_load %arg8[%parallel_loop3A_740, %parallel_loop3A_741] {strides = array<i32>} : memref<400x64xf32, #tpu.memory_space<vmem>>, vector<1x16xf32>,
        %parallel_loop3A_743 = vector.shape_cast %parallel_loop3A_742 : vector<1x16xf32> to vector<16xf32>
        %parallel_loop3A_744 = vector.shape_cast %parallel_loop3A_739 : vector<16xf32> to vector<1x16xf32>
        tpu.vector_store %arg8[%parallel_loop3A_740, %parallel_loop3A_741], %parallel_loop3A_744 {strides = array<i32>} : memref<400x64xf32, #tpu.memory_space<vmem>>, vector<1x16xf32>,
        %parallel_loop3A_745 = arith.constant 48 : i32
        %parallel_loop3A_746 = arith.addi %parallel_loop3A_218, %parallel_loop3A_745 : i32
        %parallel_loop3A_747 = arith.index_cast %parallel_loop3A_746 : i32 to index
        %parallel_loop3A_748 = tpu.vector_load %arg5[%parallel_loop3A_747] {strides = array<i32>} : memref<8192xf32, #tpu.memory_space<vmem>>, vector<16xf32>,
        %parallel_loop3A_749 = vector.shape_cast %parallel_loop3A_748 : vector<16xf32> to vector<16xf32>
        %parallel_loop3A_750 = arith.index_cast %parallel_loop3A_714 : i32 to index
        %parallel_loop3A_751 = arith.constant 48 : index
        %parallel_loop3A_752 = tpu.vector_load %arg8[%parallel_loop3A_750, %parallel_loop3A_751] {strides = array<i32>} : memref<400x64xf32, #tpu.memory_space<vmem>>, vector<1x16xf32>,
        %parallel_loop3A_753 = vector.shape_cast %parallel_loop3A_752 : vector<1x16xf32> to vector<16xf32>
        %parallel_loop3A_754 = vector.shape_cast %parallel_loop3A_749 : vector<16xf32> to vector<1x16xf32>
        tpu.vector_store %arg8[%parallel_loop3A_750, %parallel_loop3A_751], %parallel_loop3A_754 {strides = array<i32>} : memref<400x64xf32, #tpu.memory_space<vmem>>, vector<1x16xf32>,
        %parallel_loop3A_755 = arith.constant 16 : i32
        %parallel_loop3A_756 = arith.muli %parallel_loop3A_186, %parallel_loop3A_755 : i32
        %parallel_loop3A_757 = arith.constant 12 : i32
        %parallel_loop3A_758 = arith.addi %parallel_loop3A_756, %parallel_loop3A_757 : i32
        %parallel_loop3A_759 = arith.constant 0 : i32
        %parallel_loop3A_760 = arith.addi %parallel_loop3A_220, %parallel_loop3A_759 : i32
        %parallel_loop3A_761 = arith.index_cast %parallel_loop3A_760 : i32 to index
        %parallel_loop3A_762 = tpu.vector_load %arg5[%parallel_loop3A_761] {strides = array<i32>} : memref<8192xf32, #tpu.memory_space<vmem>>, vector<16xf32>,
        %parallel_loop3A_763 = vector.shape_cast %parallel_loop3A_762 : vector<16xf32> to vector<16xf32>
        %parallel_loop3A_764 = arith.index_cast %parallel_loop3A_758 : i32 to index
        %parallel_loop3A_765 = arith.constant 0 : index
        %parallel_loop3A_766 = tpu.vector_load %arg8[%parallel_loop3A_764, %parallel_loop3A_765] {strides = array<i32>} : memref<400x64xf32, #tpu.memory_space<vmem>>, vector<1x16xf32>,
        %parallel_loop3A_767 = vector.shape_cast %parallel_loop3A_766 : vector<1x16xf32> to vector<16xf32>
        %parallel_loop3A_768 = vector.shape_cast %parallel_loop3A_763 : vector<16xf32> to vector<1x16xf32>
        tpu.vector_store %arg8[%parallel_loop3A_764, %parallel_loop3A_765], %parallel_loop3A_768 {strides = array<i32>} : memref<400x64xf32, #tpu.memory_space<vmem>>, vector<1x16xf32>,
        %parallel_loop3A_769 = arith.constant 16 : i32
        %parallel_loop3A_770 = arith.addi %parallel_loop3A_220, %parallel_loop3A_769 : i32
        %parallel_loop3A_771 = arith.index_cast %parallel_loop3A_770 : i32 to index
        %parallel_loop3A_772 = tpu.vector_load %arg5[%parallel_loop3A_771] {strides = array<i32>} : memref<8192xf32, #tpu.memory_space<vmem>>, vector<16xf32>,
        %parallel_loop3A_773 = vector.shape_cast %parallel_loop3A_772 : vector<16xf32> to vector<16xf32>
        %parallel_loop3A_774 = arith.index_cast %parallel_loop3A_758 : i32 to index
        %parallel_loop3A_775 = arith.constant 16 : index
        %parallel_loop3A_776 = tpu.vector_load %arg8[%parallel_loop3A_774, %parallel_loop3A_775] {strides = array<i32>} : memref<400x64xf32, #tpu.memory_space<vmem>>, vector<1x16xf32>,
        %parallel_loop3A_777 = vector.shape_cast %parallel_loop3A_776 : vector<1x16xf32> to vector<16xf32>
        %parallel_loop3A_778 = vector.shape_cast %parallel_loop3A_773 : vector<16xf32> to vector<1x16xf32>
        tpu.vector_store %arg8[%parallel_loop3A_774, %parallel_loop3A_775], %parallel_loop3A_778 {strides = array<i32>} : memref<400x64xf32, #tpu.memory_space<vmem>>, vector<1x16xf32>,
        %parallel_loop3A_779 = arith.constant 32 : i32
        %parallel_loop3A_780 = arith.addi %parallel_loop3A_220, %parallel_loop3A_779 : i32
        %parallel_loop3A_781 = arith.index_cast %parallel_loop3A_780 : i32 to index
        %parallel_loop3A_782 = tpu.vector_load %arg5[%parallel_loop3A_781] {strides = array<i32>} : memref<8192xf32, #tpu.memory_space<vmem>>, vector<16xf32>,
        %parallel_loop3A_783 = vector.shape_cast %parallel_loop3A_782 : vector<16xf32> to vector<16xf32>
        %parallel_loop3A_784 = arith.index_cast %parallel_loop3A_758 : i32 to index
        %parallel_loop3A_785 = arith.constant 32 : index
        %parallel_loop3A_786 = tpu.vector_load %arg8[%parallel_loop3A_784, %parallel_loop3A_785] {strides = array<i32>} : memref<400x64xf32, #tpu.memory_space<vmem>>, vector<1x16xf32>,
        %parallel_loop3A_787 = vector.shape_cast %parallel_loop3A_786 : vector<1x16xf32> to vector<16xf32>
        %parallel_loop3A_788 = vector.shape_cast %parallel_loop3A_783 : vector<16xf32> to vector<1x16xf32>
        tpu.vector_store %arg8[%parallel_loop3A_784, %parallel_loop3A_785], %parallel_loop3A_788 {strides = array<i32>} : memref<400x64xf32, #tpu.memory_space<vmem>>, vector<1x16xf32>,
        %parallel_loop3A_789 = arith.constant 48 : i32
        %parallel_loop3A_790 = arith.addi %parallel_loop3A_220, %parallel_loop3A_789 : i32
        %parallel_loop3A_791 = arith.index_cast %parallel_loop3A_790 : i32 to index
        %parallel_loop3A_792 = tpu.vector_load %arg5[%parallel_loop3A_791] {strides = array<i32>} : memref<8192xf32, #tpu.memory_space<vmem>>, vector<16xf32>,
        %parallel_loop3A_793 = vector.shape_cast %parallel_loop3A_792 : vector<16xf32> to vector<16xf32>
        %parallel_loop3A_794 = arith.index_cast %parallel_loop3A_758 : i32 to index
        %parallel_loop3A_795 = arith.constant 48 : index
        %parallel_loop3A_796 = tpu.vector_load %arg8[%parallel_loop3A_794, %parallel_loop3A_795] {strides = array<i32>} : memref<400x64xf32, #tpu.memory_space<vmem>>, vector<1x16xf32>,
        %parallel_loop3A_797 = vector.shape_cast %parallel_loop3A_796 : vector<1x16xf32> to vector<16xf32>
        %parallel_loop3A_798 = vector.shape_cast %parallel_loop3A_793 : vector<16xf32> to vector<1x16xf32>
        tpu.vector_store %arg8[%parallel_loop3A_794, %parallel_loop3A_795], %parallel_loop3A_798 {strides = array<i32>} : memref<400x64xf32, #tpu.memory_space<vmem>>, vector<1x16xf32>,
        %parallel_loop3A_799 = arith.constant 16 : i32
        %parallel_loop3A_800 = arith.muli %parallel_loop3A_186, %parallel_loop3A_799 : i32
        %parallel_loop3A_801 = arith.constant 13 : i32
        %parallel_loop3A_802 = arith.addi %parallel_loop3A_800, %parallel_loop3A_801 : i32
        %parallel_loop3A_803 = arith.constant 0 : i32
        %parallel_loop3A_804 = arith.addi %parallel_loop3A_222, %parallel_loop3A_803 : i32
        %parallel_loop3A_805 = arith.index_cast %parallel_loop3A_804 : i32 to index
        %parallel_loop3A_806 = tpu.vector_load %arg5[%parallel_loop3A_805] {strides = array<i32>} : memref<8192xf32, #tpu.memory_space<vmem>>, vector<16xf32>,
        %parallel_loop3A_807 = vector.shape_cast %parallel_loop3A_806 : vector<16xf32> to vector<16xf32>
        %parallel_loop3A_808 = arith.index_cast %parallel_loop3A_802 : i32 to index
        %parallel_loop3A_809 = arith.constant 0 : index
        %parallel_loop3A_810 = tpu.vector_load %arg8[%parallel_loop3A_808, %parallel_loop3A_809] {strides = array<i32>} : memref<400x64xf32, #tpu.memory_space<vmem>>, vector<1x16xf32>,
        %parallel_loop3A_811 = vector.shape_cast %parallel_loop3A_810 : vector<1x16xf32> to vector<16xf32>
        %parallel_loop3A_812 = vector.shape_cast %parallel_loop3A_807 : vector<16xf32> to vector<1x16xf32>
        tpu.vector_store %arg8[%parallel_loop3A_808, %parallel_loop3A_809], %parallel_loop3A_812 {strides = array<i32>} : memref<400x64xf32, #tpu.memory_space<vmem>>, vector<1x16xf32>,
        %parallel_loop3A_813 = arith.constant 16 : i32
        %parallel_loop3A_814 = arith.addi %parallel_loop3A_222, %parallel_loop3A_813 : i32
        %parallel_loop3A_815 = arith.index_cast %parallel_loop3A_814 : i32 to index
        %parallel_loop3A_816 = tpu.vector_load %arg5[%parallel_loop3A_815] {strides = array<i32>} : memref<8192xf32, #tpu.memory_space<vmem>>, vector<16xf32>,
        %parallel_loop3A_817 = vector.shape_cast %parallel_loop3A_816 : vector<16xf32> to vector<16xf32>
        %parallel_loop3A_818 = arith.index_cast %parallel_loop3A_802 : i32 to index
        %parallel_loop3A_819 = arith.constant 16 : index
        %parallel_loop3A_820 = tpu.vector_load %arg8[%parallel_loop3A_818, %parallel_loop3A_819] {strides = array<i32>} : memref<400x64xf32, #tpu.memory_space<vmem>>, vector<1x16xf32>,
        %parallel_loop3A_821 = vector.shape_cast %parallel_loop3A_820 : vector<1x16xf32> to vector<16xf32>
        %parallel_loop3A_822 = vector.shape_cast %parallel_loop3A_817 : vector<16xf32> to vector<1x16xf32>
        tpu.vector_store %arg8[%parallel_loop3A_818, %parallel_loop3A_819], %parallel_loop3A_822 {strides = array<i32>} : memref<400x64xf32, #tpu.memory_space<vmem>>, vector<1x16xf32>,
        %parallel_loop3A_823 = arith.constant 32 : i32
        %parallel_loop3A_824 = arith.addi %parallel_loop3A_222, %parallel_loop3A_823 : i32
        %parallel_loop3A_825 = arith.index_cast %parallel_loop3A_824 : i32 to index
        %parallel_loop3A_826 = tpu.vector_load %arg5[%parallel_loop3A_825] {strides = array<i32>} : memref<8192xf32, #tpu.memory_space<vmem>>, vector<16xf32>,
        %parallel_loop3A_827 = vector.shape_cast %parallel_loop3A_826 : vector<16xf32> to vector<16xf32>
        %parallel_loop3A_828 = arith.index_cast %parallel_loop3A_802 : i32 to index
        %parallel_loop3A_829 = arith.constant 32 : index
        %parallel_loop3A_830 = tpu.vector_load %arg8[%parallel_loop3A_828, %parallel_loop3A_829] {strides = array<i32>} : memref<400x64xf32, #tpu.memory_space<vmem>>, vector<1x16xf32>,
        %parallel_loop3A_831 = vector.shape_cast %parallel_loop3A_830 : vector<1x16xf32> to vector<16xf32>
        %parallel_loop3A_832 = vector.shape_cast %parallel_loop3A_827 : vector<16xf32> to vector<1x16xf32>
        tpu.vector_store %arg8[%parallel_loop3A_828, %parallel_loop3A_829], %parallel_loop3A_832 {strides = array<i32>} : memref<400x64xf32, #tpu.memory_space<vmem>>, vector<1x16xf32>,
        %parallel_loop3A_833 = arith.constant 48 : i32
        %parallel_loop3A_834 = arith.addi %parallel_loop3A_222, %parallel_loop3A_833 : i32
        %parallel_loop3A_835 = arith.index_cast %parallel_loop3A_834 : i32 to index
        %parallel_loop3A_836 = tpu.vector_load %arg5[%parallel_loop3A_835] {strides = array<i32>} : memref<8192xf32, #tpu.memory_space<vmem>>, vector<16xf32>,
        %parallel_loop3A_837 = vector.shape_cast %parallel_loop3A_836 : vector<16xf32> to vector<16xf32>
        %parallel_loop3A_838 = arith.index_cast %parallel_loop3A_802 : i32 to index
        %parallel_loop3A_839 = arith.constant 48 : index
        %parallel_loop3A_840 = tpu.vector_load %arg8[%parallel_loop3A_838, %parallel_loop3A_839] {strides = array<i32>} : memref<400x64xf32, #tpu.memory_space<vmem>>, vector<1x16xf32>,
        %parallel_loop3A_841 = vector.shape_cast %parallel_loop3A_840 : vector<1x16xf32> to vector<16xf32>
        %parallel_loop3A_842 = vector.shape_cast %parallel_loop3A_837 : vector<16xf32> to vector<1x16xf32>
        tpu.vector_store %arg8[%parallel_loop3A_838, %parallel_loop3A_839], %parallel_loop3A_842 {strides = array<i32>} : memref<400x64xf32, #tpu.memory_space<vmem>>, vector<1x16xf32>,
        %parallel_loop3A_843 = arith.constant 16 : i32
        %parallel_loop3A_844 = arith.muli %parallel_loop3A_186, %parallel_loop3A_843 : i32
        %parallel_loop3A_845 = arith.constant 14 : i32
        %parallel_loop3A_846 = arith.addi %parallel_loop3A_844, %parallel_loop3A_845 : i32
        %parallel_loop3A_847 = arith.constant 0 : i32
        %parallel_loop3A_848 = arith.addi %parallel_loop3A_224, %parallel_loop3A_847 : i32
        %parallel_loop3A_849 = arith.index_cast %parallel_loop3A_848 : i32 to index
        %parallel_loop3A_850 = tpu.vector_load %arg5[%parallel_loop3A_849] {strides = array<i32>} : memref<8192xf32, #tpu.memory_space<vmem>>, vector<16xf32>,
        %parallel_loop3A_851 = vector.shape_cast %parallel_loop3A_850 : vector<16xf32> to vector<16xf32>
        %parallel_loop3A_852 = arith.index_cast %parallel_loop3A_846 : i32 to index
        %parallel_loop3A_853 = arith.constant 0 : index
        %parallel_loop3A_854 = tpu.vector_load %arg8[%parallel_loop3A_852, %parallel_loop3A_853] {strides = array<i32>} : memref<400x64xf32, #tpu.memory_space<vmem>>, vector<1x16xf32>,
        %parallel_loop3A_855 = vector.shape_cast %parallel_loop3A_854 : vector<1x16xf32> to vector<16xf32>
        %parallel_loop3A_856 = vector.shape_cast %parallel_loop3A_851 : vector<16xf32> to vector<1x16xf32>
        tpu.vector_store %arg8[%parallel_loop3A_852, %parallel_loop3A_853], %parallel_loop3A_856 {strides = array<i32>} : memref<400x64xf32, #tpu.memory_space<vmem>>, vector<1x16xf32>,
        %parallel_loop3A_857 = arith.constant 16 : i32
        %parallel_loop3A_858 = arith.addi %parallel_loop3A_224, %parallel_loop3A_857 : i32
        %parallel_loop3A_859 = arith.index_cast %parallel_loop3A_858 : i32 to index
        %parallel_loop3A_860 = tpu.vector_load %arg5[%parallel_loop3A_859] {strides = array<i32>} : memref<8192xf32, #tpu.memory_space<vmem>>, vector<16xf32>,
        %parallel_loop3A_861 = vector.shape_cast %parallel_loop3A_860 : vector<16xf32> to vector<16xf32>
        %parallel_loop3A_862 = arith.index_cast %parallel_loop3A_846 : i32 to index
        %parallel_loop3A_863 = arith.constant 16 : index
        %parallel_loop3A_864 = tpu.vector_load %arg8[%parallel_loop3A_862, %parallel_loop3A_863] {strides = array<i32>} : memref<400x64xf32, #tpu.memory_space<vmem>>, vector<1x16xf32>,
        %parallel_loop3A_865 = vector.shape_cast %parallel_loop3A_864 : vector<1x16xf32> to vector<16xf32>
        %parallel_loop3A_866 = vector.shape_cast %parallel_loop3A_861 : vector<16xf32> to vector<1x16xf32>
        tpu.vector_store %arg8[%parallel_loop3A_862, %parallel_loop3A_863], %parallel_loop3A_866 {strides = array<i32>} : memref<400x64xf32, #tpu.memory_space<vmem>>, vector<1x16xf32>,
        %parallel_loop3A_867 = arith.constant 32 : i32
        %parallel_loop3A_868 = arith.addi %parallel_loop3A_224, %parallel_loop3A_867 : i32
        %parallel_loop3A_869 = arith.index_cast %parallel_loop3A_868 : i32 to index
        %parallel_loop3A_870 = tpu.vector_load %arg5[%parallel_loop3A_869] {strides = array<i32>} : memref<8192xf32, #tpu.memory_space<vmem>>, vector<16xf32>,
        %parallel_loop3A_871 = vector.shape_cast %parallel_loop3A_870 : vector<16xf32> to vector<16xf32>
        %parallel_loop3A_872 = arith.index_cast %parallel_loop3A_846 : i32 to index
        %parallel_loop3A_873 = arith.constant 32 : index
        %parallel_loop3A_874 = tpu.vector_load %arg8[%parallel_loop3A_872, %parallel_loop3A_873] {strides = array<i32>} : memref<400x64xf32, #tpu.memory_space<vmem>>, vector<1x16xf32>,
        %parallel_loop3A_875 = vector.shape_cast %parallel_loop3A_874 : vector<1x16xf32> to vector<16xf32>
        %parallel_loop3A_876 = vector.shape_cast %parallel_loop3A_871 : vector<16xf32> to vector<1x16xf32>
        tpu.vector_store %arg8[%parallel_loop3A_872, %parallel_loop3A_873], %parallel_loop3A_876 {strides = array<i32>} : memref<400x64xf32, #tpu.memory_space<vmem>>, vector<1x16xf32>,
        %parallel_loop3A_877 = arith.constant 48 : i32
        %parallel_loop3A_878 = arith.addi %parallel_loop3A_224, %parallel_loop3A_877 : i32
        %parallel_loop3A_879 = arith.index_cast %parallel_loop3A_878 : i32 to index
        %parallel_loop3A_880 = tpu.vector_load %arg5[%parallel_loop3A_879] {strides = array<i32>} : memref<8192xf32, #tpu.memory_space<vmem>>, vector<16xf32>,
        %parallel_loop3A_881 = vector.shape_cast %parallel_loop3A_880 : vector<16xf32> to vector<16xf32>
        %parallel_loop3A_882 = arith.index_cast %parallel_loop3A_846 : i32 to index
        %parallel_loop3A_883 = arith.constant 48 : index
        %parallel_loop3A_884 = tpu.vector_load %arg8[%parallel_loop3A_882, %parallel_loop3A_883] {strides = array<i32>} : memref<400x64xf32, #tpu.memory_space<vmem>>, vector<1x16xf32>,
        %parallel_loop3A_885 = vector.shape_cast %parallel_loop3A_884 : vector<1x16xf32> to vector<16xf32>
        %parallel_loop3A_886 = vector.shape_cast %parallel_loop3A_881 : vector<16xf32> to vector<1x16xf32>
        tpu.vector_store %arg8[%parallel_loop3A_882, %parallel_loop3A_883], %parallel_loop3A_886 {strides = array<i32>} : memref<400x64xf32, #tpu.memory_space<vmem>>, vector<1x16xf32>,
        %parallel_loop3A_887 = arith.constant 16 : i32
        %parallel_loop3A_888 = arith.muli %parallel_loop3A_186, %parallel_loop3A_887 : i32
        %parallel_loop3A_889 = arith.constant 15 : i32
        %parallel_loop3A_890 = arith.addi %parallel_loop3A_888, %parallel_loop3A_889 : i32
        %parallel_loop3A_891 = arith.constant 0 : i32
        %parallel_loop3A_892 = arith.addi %parallel_loop3A_226, %parallel_loop3A_891 : i32
        %parallel_loop3A_893 = arith.index_cast %parallel_loop3A_892 : i32 to index
        %parallel_loop3A_894 = tpu.vector_load %arg5[%parallel_loop3A_893] {strides = array<i32>} : memref<8192xf32, #tpu.memory_space<vmem>>, vector<16xf32>,
        %parallel_loop3A_895 = vector.shape_cast %parallel_loop3A_894 : vector<16xf32> to vector<16xf32>
        %parallel_loop3A_896 = arith.index_cast %parallel_loop3A_890 : i32 to index
        %parallel_loop3A_897 = arith.constant 0 : index
        %parallel_loop3A_898 = tpu.vector_load %arg8[%parallel_loop3A_896, %parallel_loop3A_897] {strides = array<i32>} : memref<400x64xf32, #tpu.memory_space<vmem>>, vector<1x16xf32>,
        %parallel_loop3A_899 = vector.shape_cast %parallel_loop3A_898 : vector<1x16xf32> to vector<16xf32>
        %parallel_loop3A_900 = vector.shape_cast %parallel_loop3A_895 : vector<16xf32> to vector<1x16xf32>
        tpu.vector_store %arg8[%parallel_loop3A_896, %parallel_loop3A_897], %parallel_loop3A_900 {strides = array<i32>} : memref<400x64xf32, #tpu.memory_space<vmem>>, vector<1x16xf32>,
        %parallel_loop3A_901 = arith.constant 16 : i32
        %parallel_loop3A_902 = arith.addi %parallel_loop3A_226, %parallel_loop3A_901 : i32
        %parallel_loop3A_903 = arith.index_cast %parallel_loop3A_902 : i32 to index
        %parallel_loop3A_904 = tpu.vector_load %arg5[%parallel_loop3A_903] {strides = array<i32>} : memref<8192xf32, #tpu.memory_space<vmem>>, vector<16xf32>,
        %parallel_loop3A_905 = vector.shape_cast %parallel_loop3A_904 : vector<16xf32> to vector<16xf32>
        %parallel_loop3A_906 = arith.index_cast %parallel_loop3A_890 : i32 to index
        %parallel_loop3A_907 = arith.constant 16 : index
        %parallel_loop3A_908 = tpu.vector_load %arg8[%parallel_loop3A_906, %parallel_loop3A_907] {strides = array<i32>} : memref<400x64xf32, #tpu.memory_space<vmem>>, vector<1x16xf32>,
        %parallel_loop3A_909 = vector.shape_cast %parallel_loop3A_908 : vector<1x16xf32> to vector<16xf32>
        %parallel_loop3A_910 = vector.shape_cast %parallel_loop3A_905 : vector<16xf32> to vector<1x16xf32>
        tpu.vector_store %arg8[%parallel_loop3A_906, %parallel_loop3A_907], %parallel_loop3A_910 {strides = array<i32>} : memref<400x64xf32, #tpu.memory_space<vmem>>, vector<1x16xf32>,
        %parallel_loop3A_911 = arith.constant 32 : i32
        %parallel_loop3A_912 = arith.addi %parallel_loop3A_226, %parallel_loop3A_911 : i32
        %parallel_loop3A_913 = arith.index_cast %parallel_loop3A_912 : i32 to index
        %parallel_loop3A_914 = tpu.vector_load %arg5[%parallel_loop3A_913] {strides = array<i32>} : memref<8192xf32, #tpu.memory_space<vmem>>, vector<16xf32>,
        %parallel_loop3A_915 = vector.shape_cast %parallel_loop3A_914 : vector<16xf32> to vector<16xf32>
        %parallel_loop3A_916 = arith.index_cast %parallel_loop3A_890 : i32 to index
        %parallel_loop3A_917 = arith.constant 32 : index
        %parallel_loop3A_918 = tpu.vector_load %arg8[%parallel_loop3A_916, %parallel_loop3A_917] {strides = array<i32>} : memref<400x64xf32, #tpu.memory_space<vmem>>, vector<1x16xf32>,
        %parallel_loop3A_919 = vector.shape_cast %parallel_loop3A_918 : vector<1x16xf32> to vector<16xf32>
        %parallel_loop3A_920 = vector.shape_cast %parallel_loop3A_915 : vector<16xf32> to vector<1x16xf32>
        tpu.vector_store %arg8[%parallel_loop3A_916, %parallel_loop3A_917], %parallel_loop3A_920 {strides = array<i32>} : memref<400x64xf32, #tpu.memory_space<vmem>>, vector<1x16xf32>,
        %parallel_loop3A_921 = arith.constant 48 : i32
        %parallel_loop3A_922 = arith.addi %parallel_loop3A_226, %parallel_loop3A_921 : i32
        %parallel_loop3A_923 = arith.index_cast %parallel_loop3A_922 : i32 to index
        %parallel_loop3A_924 = tpu.vector_load %arg5[%parallel_loop3A_923] {strides = array<i32>} : memref<8192xf32, #tpu.memory_space<vmem>>, vector<16xf32>,
        %parallel_loop3A_925 = vector.shape_cast %parallel_loop3A_924 : vector<16xf32> to vector<16xf32>
        %parallel_loop3A_926 = arith.index_cast %parallel_loop3A_890 : i32 to index
        %parallel_loop3A_927 = arith.constant 48 : index
        %parallel_loop3A_928 = tpu.vector_load %arg8[%parallel_loop3A_926, %parallel_loop3A_927] {strides = array<i32>} : memref<400x64xf32, #tpu.memory_space<vmem>>, vector<1x16xf32>,
        %parallel_loop3A_929 = vector.shape_cast %parallel_loop3A_928 : vector<1x16xf32> to vector<16xf32>
        %parallel_loop3A_930 = vector.shape_cast %parallel_loop3A_925 : vector<16xf32> to vector<1x16xf32>
        tpu.vector_store %arg8[%parallel_loop3A_926, %parallel_loop3A_927], %parallel_loop3A_930 {strides = array<i32>} : memref<400x64xf32, #tpu.memory_space<vmem>>, vector<1x16xf32>,
      } {sc.loop_unroll_factor = 2 : i64, sc.parallel_access}
      %add3A_87 = arith.constant 2 : i32
      %add3A_88 = arith.addi %add3A_78, %add3A_87 : i32
      %lt3A = arith.constant 256 : i32
      %lt3A_89 = arith.cmpi slt, %add3A_88, %lt3A : i32
      %convert_element_type3A_90 = arith.extui %lt3A_89 : i1 to i32
      %cond3A_91 = arith.constant 0 : i32
      %cond3A_92 = arith.cmpi ne, %convert_element_type3A_90, %cond3A_91 : i32
      scf.if %cond3A_92 {
        %add3A_186 = arith.constant 2 : i32
        %add3A_187 = arith.addi %add3A_78, %add3A_186 : i32
        %mul3A_188 = arith.constant 400 : i32
        %mul3A_189 = arith.muli %add3A_187, %mul3A_188 : i32
        %add3A_190 = arith.addi %mul3A_2, %mul3A_189 : i32
        %dma_start3A_191 = tpu.memref_slice %arg3[%add3A_190] : memref<3276800xi32, #tpu.memory_space<hbm>> -> memref<400xi32, #tpu.memory_space<hbm>>
        %dma_start3A_192 = tpu.memref_slice %arg3[%add3A_190] : memref<3276800xi32, #tpu.memory_space<hbm>> -> memref<400xi32, #tpu.memory_space<hbm>>
        tpu.enqueue_dma source(%dma_start3A_192 : memref<400xi32, #tpu.memory_space<hbm>>) target(%arg6 : memref<400xi32, #tpu.memory_space<vmem>>) target_semaphore(%arg10 : memref<!tpu.dma_semaphore, #tpu.memory_space<semaphore_mem>>)
      } else {
      }
      %mul3A_93 = arith.constant 2 : i32
      %mul3A_94 = arith.muli %add3A_78, %mul3A_93 : i32
      %add3A_95 = arith.addi %mul3A_4, %mul3A_94 : i32
      %add3A_96 = arith.constant 0 : i32
      %add3A_97 = arith.addi %add3A_95, %add3A_96 : i32
      %dma_start3A_98 = arith.constant 0 : i32
      %dma_start3A_99 = arith.constant 0 : i32
      %dma_start3A_100 = tpu.memref_slice %arg8[%dma_start3A_98, %dma_start3A_99] : memref<400x64xf32, #tpu.memory_space<vmem>> -> memref<200x64xf32, #tpu.memory_space<vmem>>
      %dma_start3A_101 = arith.constant 0 : i32
      %dma_start3A_102 = arith.constant 0 : i32
      %dma_start3A_103 = tpu.memref_slice %arg4[%add3A_97, %dma_start3A_101, %dma_start3A_102] : memref<16384x200x64xf32, #tpu.memory_space<hbm>> -> memref<1x200x64xf32, #tpu.memory_space<hbm>>
      %dma_start3A_104 = tpu.memref_squeeze %dma_start3A_103 : memref<1x200x64xf32, #tpu.memory_space<hbm>> -> memref<200x64xf32, #tpu.memory_space<hbm>>
      %dma_start3A_105 = arith.constant 0 : i32
      %dma_start3A_106 = arith.constant 0 : i32
      %dma_start3A_107 = tpu.memref_slice %arg4[%add3A_97, %dma_start3A_105, %dma_start3A_106] : memref<16384x200x64xf32, #tpu.memory_space<hbm>> -> memref<1x200x64xf32, #tpu.memory_space<hbm>>
      %dma_start3A_108 = tpu.memref_squeeze %dma_start3A_107 : memref<1x200x64xf32, #tpu.memory_space<hbm>> -> memref<200x64xf32, #tpu.memory_space<hbm>>
      %dma_start3A_109 = arith.constant 0 : i32
      %dma_start3A_110 = arith.constant 0 : i32
      %dma_start3A_111 = tpu.memref_slice %arg8[%dma_start3A_109, %dma_start3A_110] : memref<400x64xf32, #tpu.memory_space<vmem>> -> memref<200x64xf32, #tpu.memory_space<vmem>>
      tpu.enqueue_dma source(%dma_start3A_111 : memref<200x64xf32, #tpu.memory_space<vmem>>) target(%dma_start3A_108 : memref<200x64xf32, #tpu.memory_space<hbm>>) target_semaphore(%arg13 : memref<!tpu.dma_semaphore, #tpu.memory_space<semaphore_mem>>)
      %add3A_112 = arith.constant 1 : i32
      %add3A_113 = arith.addi %add3A_95, %add3A_112 : i32
      %dma_start3A_114 = arith.constant 200 : i32
      %dma_start3A_115 = arith.constant 0 : i32
      %dma_start3A_116 = tpu.memref_slice %arg8[%dma_start3A_114, %dma_start3A_115] : memref<400x64xf32, #tpu.memory_space<vmem>> -> memref<200x64xf32, #tpu.memory_space<vmem>>
      %dma_start3A_117 = arith.constant 0 : i32
      %dma_start3A_118 = arith.constant 0 : i32
      %dma_start3A_119 = tpu.memref_slice %arg4[%add3A_113, %dma_start3A_117, %dma_start3A_118] : memref<16384x200x64xf32, #tpu.memory_space<hbm>> -> memref<1x200x64xf32, #tpu.memory_space<hbm>>
      %dma_start3A_120 = tpu.memref_squeeze %dma_start3A_119 : memref<1x200x64xf32, #tpu.memory_space<hbm>> -> memref<200x64xf32, #tpu.memory_space<hbm>>
      %dma_start3A_121 = arith.constant 0 : i32
      %dma_start3A_122 = arith.constant 0 : i32
      %dma_start3A_123 = tpu.memref_slice %arg4[%add3A_113, %dma_start3A_121, %dma_start3A_122] : memref<16384x200x64xf32, #tpu.memory_space<hbm>> -> memref<1x200x64xf32, #tpu.memory_space<hbm>>
      %dma_start3A_124 = tpu.memref_squeeze %dma_start3A_123 : memref<1x200x64xf32, #tpu.memory_space<hbm>> -> memref<200x64xf32, #tpu.memory_space<hbm>>
      %dma_start3A_125 = arith.constant 200 : i32
      %dma_start3A_126 = arith.constant 0 : i32
      %dma_start3A_127 = tpu.memref_slice %arg8[%dma_start3A_125, %dma_start3A_126] : memref<400x64xf32, #tpu.memory_space<vmem>> -> memref<200x64xf32, #tpu.memory_space<vmem>>
      tpu.enqueue_dma source(%dma_start3A_127 : memref<200x64xf32, #tpu.memory_space<vmem>>) target(%dma_start3A_124 : memref<200x64xf32, #tpu.memory_space<hbm>>) target_semaphore(%arg13 : memref<!tpu.dma_semaphore, #tpu.memory_space<semaphore_mem>>)
      %mul3A_128 = arith.constant 2 : i32
      %mul3A_129 = arith.muli %mul3A_128, %scan3A_74 : i32
      %add3A_130 = arith.constant 1 : i32
      %add3A_131 = arith.addi %mul3A_129, %add3A_130 : i32
      %dma_wait3A_132 = arith.constant 0 : i32
      %dma_wait3A_133 = tpu.memref_slice %arg3[%dma_wait3A_132] : memref<3276800xi32, #tpu.memory_space<hbm>> -> memref<400xi32, #tpu.memory_space<hbm>>
      %dma_wait3A_134 = arith.constant 0 : i32
      %dma_wait3A_135 = tpu.memref_slice %arg3[%dma_wait3A_134] : memref<3276800xi32, #tpu.memory_space<hbm>> -> memref<400xi32, #tpu.memory_space<hbm>>
      tpu.wait_dma2 semaphore(%arg11 : memref<!tpu.dma_semaphore, #tpu.memory_space<semaphore_mem>>) src(%dma_wait3A_135 : memref<400xi32, #tpu.memory_space<hbm>>) dst(%arg7 : memref<400xi32, #tpu.memory_space<vmem>>)
      %ge3A_136 = arith.constant 2 : i32
      %ge3A_137 = arith.cmpi sge, %add3A_131, %ge3A_136 : i32
      %convert_element_type3A_138 = arith.extui %ge3A_137 : i1 to i32
      %cond3A_139 = arith.constant 0 : i32
      %cond3A_140 = arith.cmpi ne, %convert_element_type3A_138, %cond3A_139 : i32
      scf.if %cond3A_140 {
        %dma_wait3A_186 = arith.constant 0 : i32
        %dma_wait3A_187 = arith.constant 0 : i32
        %dma_wait3A_188 = arith.constant 0 : i32
        %dma_wait3A_189 = tpu.memref_slice %arg9[%dma_wait3A_187, %dma_wait3A_188] : memref<400x64xf32, #tpu.memory_space<vmem>> -> memref<200x64xf32, #tpu.memory_space<vmem>>
        %dma_wait3A_190 = arith.constant 0 : i32
        %dma_wait3A_191 = arith.constant 0 : i32
        %dma_wait3A_192 = tpu.memref_slice %arg4[%dma_wait3A_186, %dma_wait3A_190, %dma_wait3A_191] : memref<16384x200x64xf32, #tpu.memory_space<hbm>> -> memref<1x200x64xf32, #tpu.memory_space<hbm>>
        %dma_wait3A_193 = tpu.memref_squeeze %dma_wait3A_192 : memref<1x200x64xf32, #tpu.memory_space<hbm>> -> memref<200x64xf32, #tpu.memory_space<hbm>>
        %dma_wait3A_194 = arith.constant 0 : i32
        %dma_wait3A_195 = arith.constant 0 : i32
        %dma_wait3A_196 = tpu.memref_slice %arg4[%dma_wait3A_186, %dma_wait3A_194, %dma_wait3A_195] : memref<16384x200x64xf32, #tpu.memory_space<hbm>> -> memref<1x200x64xf32, #tpu.memory_space<hbm>>
        %dma_wait3A_197 = tpu.memref_squeeze %dma_wait3A_196 : memref<1x200x64xf32, #tpu.memory_space<hbm>> -> memref<200x64xf32, #tpu.memory_space<hbm>>
        %dma_wait3A_198 = arith.constant 0 : i32
        %dma_wait3A_199 = arith.constant 0 : i32
        %dma_wait3A_200 = tpu.memref_slice %arg9[%dma_wait3A_198, %dma_wait3A_199] : memref<400x64xf32, #tpu.memory_space<vmem>> -> memref<200x64xf32, #tpu.memory_space<vmem>>
        tpu.wait_dma2 semaphore(%arg14 : memref<!tpu.dma_semaphore, #tpu.memory_space<semaphore_mem>>) src(%dma_wait3A_200 : memref<200x64xf32, #tpu.memory_space<vmem>>) dst(%dma_wait3A_197 : memref<200x64xf32, #tpu.memory_space<hbm>>)
        %dma_wait3A_201 = arith.constant 0 : i32
        %dma_wait3A_202 = arith.constant 200 : i32
        %dma_wait3A_203 = arith.constant 0 : i32
        %dma_wait3A_204 = tpu.memref_slice %arg9[%dma_wait3A_202, %dma_wait3A_203] : memref<400x64xf32, #tpu.memory_space<vmem>> -> memref<200x64xf32, #tpu.memory_space<vmem>>
        %dma_wait3A_205 = arith.constant 0 : i32
        %dma_wait3A_206 = arith.constant 0 : i32
        %dma_wait3A_207 = tpu.memref_slice %arg4[%dma_wait3A_201, %dma_wait3A_205, %dma_wait3A_206] : memref<16384x200x64xf32, #tpu.memory_space<hbm>> -> memref<1x200x64xf32, #tpu.memory_space<hbm>>
        %dma_wait3A_208 = tpu.memref_squeeze %dma_wait3A_207 : memref<1x200x64xf32, #tpu.memory_space<hbm>> -> memref<200x64xf32, #tpu.memory_space<hbm>>
        %dma_wait3A_209 = arith.constant 0 : i32
        %dma_wait3A_210 = arith.constant 0 : i32
        %dma_wait3A_211 = tpu.memref_slice %arg4[%dma_wait3A_201, %dma_wait3A_209, %dma_wait3A_210] : memref<16384x200x64xf32, #tpu.memory_space<hbm>> -> memref<1x200x64xf32, #tpu.memory_space<hbm>>
        %dma_wait3A_212 = tpu.memref_squeeze %dma_wait3A_211 : memref<1x200x64xf32, #tpu.memory_space<hbm>> -> memref<200x64xf32, #tpu.memory_space<hbm>>
        %dma_wait3A_213 = arith.constant 200 : i32
        %dma_wait3A_214 = arith.constant 0 : i32
        %dma_wait3A_215 = tpu.memref_slice %arg9[%dma_wait3A_213, %dma_wait3A_214] : memref<400x64xf32, #tpu.memory_space<vmem>> -> memref<200x64xf32, #tpu.memory_space<vmem>>
        tpu.wait_dma2 semaphore(%arg14 : memref<!tpu.dma_semaphore, #tpu.memory_space<semaphore_mem>>) src(%dma_wait3A_215 : memref<200x64xf32, #tpu.memory_space<vmem>>) dst(%dma_wait3A_212 : memref<200x64xf32, #tpu.memory_space<hbm>>)
      } else {
      }
      %parallel_loop3A_141 = arith.constant 0 : i32
      %parallel_loop3A_142 = arith.constant 25 : i32
      %parallel_loop3A_143 = arith.constant 1 : i32
      scf.for %parallel_loop3A_186 = %parallel_loop3A_141 to %parallel_loop3A_142 step %parallel_loop3A_143  : i32 {
        %parallel_loop3A_187 = arith.constant 16 : i32
        %parallel_loop3A_188 = arith.muli %parallel_loop3A_186, %parallel_loop3A_187 : i32
        %parallel_loop3A_189 = arith.index_cast %parallel_loop3A_188 : i32 to index
        %parallel_loop3A_190 = tpu.vector_load %arg7[%parallel_loop3A_189] {strides = array<i32>} : memref<400xi32, #tpu.memory_space<vmem>>, vector<16xi32>,
        %parallel_loop3A_191 = vector.shape_cast %parallel_loop3A_190 : vector<16xi32> to vector<16xi32>
        %parallel_loop3A_192 = arith.constant 64 : i32
        %parallel_loop3A_193 = vector.broadcast %parallel_loop3A_192 : i32 to vector<16xi32>
        %parallel_loop3A_194 = arith.muli %parallel_loop3A_191, %parallel_loop3A_193 : vector<16xi32>
        %parallel_loop3A_195 = vector.extract_strided_slice %parallel_loop3A_194 {offsets = [0], sizes = [1], strides = [1]} : vector<16xi32> to vector<1xi32>
        %parallel_loop3A_196 = vector.extract %parallel_loop3A_195[0] : i32 from vector<1xi32>
        %parallel_loop3A_197 = vector.extract_strided_slice %parallel_loop3A_194 {offsets = [1], sizes = [1], strides = [1]} : vector<16xi32> to vector<1xi32>
        %parallel_loop3A_198 = vector.extract %parallel_loop3A_197[0] : i32 from vector<1xi32>
        %parallel_loop3A_199 = vector.extract_strided_slice %parallel_loop3A_194 {offsets = [2], sizes = [1], strides = [1]} : vector<16xi32> to vector<1xi32>
        %parallel_loop3A_200 = vector.extract %parallel_loop3A_199[0] : i32 from vector<1xi32>
        %parallel_loop3A_201 = vector.extract_strided_slice %parallel_loop3A_194 {offsets = [3], sizes = [1], strides = [1]} : vector<16xi32> to vector<1xi32>
        %parallel_loop3A_202 = vector.extract %parallel_loop3A_201[0] : i32 from vector<1xi32>
        %parallel_loop3A_203 = vector.extract_strided_slice %parallel_loop3A_194 {offsets = [4], sizes = [1], strides = [1]} : vector<16xi32> to vector<1xi32>
        %parallel_loop3A_204 = vector.extract %parallel_loop3A_203[0] : i32 from vector<1xi32>
        %parallel_loop3A_205 = vector.extract_strided_slice %parallel_loop3A_194 {offsets = [5], sizes = [1], strides = [1]} : vector<16xi32> to vector<1xi32>
        %parallel_loop3A_206 = vector.extract %parallel_loop3A_205[0] : i32 from vector<1xi32>
        %parallel_loop3A_207 = vector.extract_strided_slice %parallel_loop3A_194 {offsets = [6], sizes = [1], strides = [1]} : vector<16xi32> to vector<1xi32>
        %parallel_loop3A_208 = vector.extract %parallel_loop3A_207[0] : i32 from vector<1xi32>
        %parallel_loop3A_209 = vector.extract_strided_slice %parallel_loop3A_194 {offsets = [7], sizes = [1], strides = [1]} : vector<16xi32> to vector<1xi32>
        %parallel_loop3A_210 = vector.extract %parallel_loop3A_209[0] : i32 from vector<1xi32>
        %parallel_loop3A_211 = vector.extract_strided_slice %parallel_loop3A_194 {offsets = [8], sizes = [1], strides = [1]} : vector<16xi32> to vector<1xi32>
        %parallel_loop3A_212 = vector.extract %parallel_loop3A_211[0] : i32 from vector<1xi32>
        %parallel_loop3A_213 = vector.extract_strided_slice %parallel_loop3A_194 {offsets = [9], sizes = [1], strides = [1]} : vector<16xi32> to vector<1xi32>
        %parallel_loop3A_214 = vector.extract %parallel_loop3A_213[0] : i32 from vector<1xi32>
        %parallel_loop3A_215 = vector.extract_strided_slice %parallel_loop3A_194 {offsets = [10], sizes = [1], strides = [1]} : vector<16xi32> to vector<1xi32>
        %parallel_loop3A_216 = vector.extract %parallel_loop3A_215[0] : i32 from vector<1xi32>
        %parallel_loop3A_217 = vector.extract_strided_slice %parallel_loop3A_194 {offsets = [11], sizes = [1], strides = [1]} : vector<16xi32> to vector<1xi32>
        %parallel_loop3A_218 = vector.extract %parallel_loop3A_217[0] : i32 from vector<1xi32>
        %parallel_loop3A_219 = vector.extract_strided_slice %parallel_loop3A_194 {offsets = [12], sizes = [1], strides = [1]} : vector<16xi32> to vector<1xi32>
        %parallel_loop3A_220 = vector.extract %parallel_loop3A_219[0] : i32 from vector<1xi32>
        %parallel_loop3A_221 = vector.extract_strided_slice %parallel_loop3A_194 {offsets = [13], sizes = [1], strides = [1]} : vector<16xi32> to vector<1xi32>
        %parallel_loop3A_222 = vector.extract %parallel_loop3A_221[0] : i32 from vector<1xi32>
        %parallel_loop3A_223 = vector.extract_strided_slice %parallel_loop3A_194 {offsets = [14], sizes = [1], strides = [1]} : vector<16xi32> to vector<1xi32>
        %parallel_loop3A_224 = vector.extract %parallel_loop3A_223[0] : i32 from vector<1xi32>
        %parallel_loop3A_225 = vector.extract_strided_slice %parallel_loop3A_194 {offsets = [15], sizes = [1], strides = [1]} : vector<16xi32> to vector<1xi32>
        %parallel_loop3A_226 = vector.extract %parallel_loop3A_225[0] : i32 from vector<1xi32>
        %parallel_loop3A_227 = arith.constant 16 : i32
        %parallel_loop3A_228 = arith.muli %parallel_loop3A_186, %parallel_loop3A_227 : i32
        %parallel_loop3A_229 = arith.constant 0 : i32
        %parallel_loop3A_230 = arith.addi %parallel_loop3A_228, %parallel_loop3A_229 : i32
        %parallel_loop3A_231 = arith.constant 0 : i32
        %parallel_loop3A_232 = arith.addi %parallel_loop3A_196, %parallel_loop3A_231 : i32
        %parallel_loop3A_233 = arith.index_cast %parallel_loop3A_232 : i32 to index
        %parallel_loop3A_234 = tpu.vector_load %arg5[%parallel_loop3A_233] {strides = array<i32>} : memref<8192xf32, #tpu.memory_space<vmem>>, vector<16xf32>,
        %parallel_loop3A_235 = vector.shape_cast %parallel_loop3A_234 : vector<16xf32> to vector<16xf32>
        %parallel_loop3A_236 = arith.index_cast %parallel_loop3A_230 : i32 to index
        %parallel_loop3A_237 = arith.constant 0 : index
        %parallel_loop3A_238 = tpu.vector_load %arg9[%parallel_loop3A_236, %parallel_loop3A_237] {strides = array<i32>} : memref<400x64xf32, #tpu.memory_space<vmem>>, vector<1x16xf32>,
        %parallel_loop3A_239 = vector.shape_cast %parallel_loop3A_238 : vector<1x16xf32> to vector<16xf32>
        %parallel_loop3A_240 = vector.shape_cast %parallel_loop3A_235 : vector<16xf32> to vector<1x16xf32>
        tpu.vector_store %arg9[%parallel_loop3A_236, %parallel_loop3A_237], %parallel_loop3A_240 {strides = array<i32>} : memref<400x64xf32, #tpu.memory_space<vmem>>, vector<1x16xf32>,
        %parallel_loop3A_241 = arith.constant 16 : i32
        %parallel_loop3A_242 = arith.addi %parallel_loop3A_196, %parallel_loop3A_241 : i32
        %parallel_loop3A_243 = arith.index_cast %parallel_loop3A_242 : i32 to index
        %parallel_loop3A_244 = tpu.vector_load %arg5[%parallel_loop3A_243] {strides = array<i32>} : memref<8192xf32, #tpu.memory_space<vmem>>, vector<16xf32>,
        %parallel_loop3A_245 = vector.shape_cast %parallel_loop3A_244 : vector<16xf32> to vector<16xf32>
        %parallel_loop3A_246 = arith.index_cast %parallel_loop3A_230 : i32 to index
        %parallel_loop3A_247 = arith.constant 16 : index
        %parallel_loop3A_248 = tpu.vector_load %arg9[%parallel_loop3A_246, %parallel_loop3A_247] {strides = array<i32>} : memref<400x64xf32, #tpu.memory_space<vmem>>, vector<1x16xf32>,
        %parallel_loop3A_249 = vector.shape_cast %parallel_loop3A_248 : vector<1x16xf32> to vector<16xf32>
        %parallel_loop3A_250 = vector.shape_cast %parallel_loop3A_245 : vector<16xf32> to vector<1x16xf32>
        tpu.vector_store %arg9[%parallel_loop3A_246, %parallel_loop3A_247], %parallel_loop3A_250 {strides = array<i32>} : memref<400x64xf32, #tpu.memory_space<vmem>>, vector<1x16xf32>,
        %parallel_loop3A_251 = arith.constant 32 : i32
        %parallel_loop3A_252 = arith.addi %parallel_loop3A_196, %parallel_loop3A_251 : i32
        %parallel_loop3A_253 = arith.index_cast %parallel_loop3A_252 : i32 to index
        %parallel_loop3A_254 = tpu.vector_load %arg5[%parallel_loop3A_253] {strides = array<i32>} : memref<8192xf32, #tpu.memory_space<vmem>>, vector<16xf32>,
        %parallel_loop3A_255 = vector.shape_cast %parallel_loop3A_254 : vector<16xf32> to vector<16xf32>
        %parallel_loop3A_256 = arith.index_cast %parallel_loop3A_230 : i32 to index
        %parallel_loop3A_257 = arith.constant 32 : index
        %parallel_loop3A_258 = tpu.vector_load %arg9[%parallel_loop3A_256, %parallel_loop3A_257] {strides = array<i32>} : memref<400x64xf32, #tpu.memory_space<vmem>>, vector<1x16xf32>,
        %parallel_loop3A_259 = vector.shape_cast %parallel_loop3A_258 : vector<1x16xf32> to vector<16xf32>
        %parallel_loop3A_260 = vector.shape_cast %parallel_loop3A_255 : vector<16xf32> to vector<1x16xf32>
        tpu.vector_store %arg9[%parallel_loop3A_256, %parallel_loop3A_257], %parallel_loop3A_260 {strides = array<i32>} : memref<400x64xf32, #tpu.memory_space<vmem>>, vector<1x16xf32>,
        %parallel_loop3A_261 = arith.constant 48 : i32
        %parallel_loop3A_262 = arith.addi %parallel_loop3A_196, %parallel_loop3A_261 : i32
        %parallel_loop3A_263 = arith.index_cast %parallel_loop3A_262 : i32 to index
        %parallel_loop3A_264 = tpu.vector_load %arg5[%parallel_loop3A_263] {strides = array<i32>} : memref<8192xf32, #tpu.memory_space<vmem>>, vector<16xf32>,
        %parallel_loop3A_265 = vector.shape_cast %parallel_loop3A_264 : vector<16xf32> to vector<16xf32>
        %parallel_loop3A_266 = arith.index_cast %parallel_loop3A_230 : i32 to index
        %parallel_loop3A_267 = arith.constant 48 : index
        %parallel_loop3A_268 = tpu.vector_load %arg9[%parallel_loop3A_266, %parallel_loop3A_267] {strides = array<i32>} : memref<400x64xf32, #tpu.memory_space<vmem>>, vector<1x16xf32>,
        %parallel_loop3A_269 = vector.shape_cast %parallel_loop3A_268 : vector<1x16xf32> to vector<16xf32>
        %parallel_loop3A_270 = vector.shape_cast %parallel_loop3A_265 : vector<16xf32> to vector<1x16xf32>
        tpu.vector_store %arg9[%parallel_loop3A_266, %parallel_loop3A_267], %parallel_loop3A_270 {strides = array<i32>} : memref<400x64xf32, #tpu.memory_space<vmem>>, vector<1x16xf32>,
        %parallel_loop3A_271 = arith.constant 16 : i32
        %parallel_loop3A_272 = arith.muli %parallel_loop3A_186, %parallel_loop3A_271 : i32
        %parallel_loop3A_273 = arith.constant 1 : i32
        %parallel_loop3A_274 = arith.addi %parallel_loop3A_272, %parallel_loop3A_273 : i32
        %parallel_loop3A_275 = arith.constant 0 : i32
        %parallel_loop3A_276 = arith.addi %parallel_loop3A_198, %parallel_loop3A_275 : i32
        %parallel_loop3A_277 = arith.index_cast %parallel_loop3A_276 : i32 to index
        %parallel_loop3A_278 = tpu.vector_load %arg5[%parallel_loop3A_277] {strides = array<i32>} : memref<8192xf32, #tpu.memory_space<vmem>>, vector<16xf32>,
        %parallel_loop3A_279 = vector.shape_cast %parallel_loop3A_278 : vector<16xf32> to vector<16xf32>
        %parallel_loop3A_280 = arith.index_cast %parallel_loop3A_274 : i32 to index
        %parallel_loop3A_281 = arith.constant 0 : index
        %parallel_loop3A_282 = tpu.vector_load %arg9[%parallel_loop3A_280, %parallel_loop3A_281] {strides = array<i32>} : memref<400x64xf32, #tpu.memory_space<vmem>>, vector<1x16xf32>,
        %parallel_loop3A_283 = vector.shape_cast %parallel_loop3A_282 : vector<1x16xf32> to vector<16xf32>
        %parallel_loop3A_284 = vector.shape_cast %parallel_loop3A_279 : vector<16xf32> to vector<1x16xf32>
        tpu.vector_store %arg9[%parallel_loop3A_280, %parallel_loop3A_281], %parallel_loop3A_284 {strides = array<i32>} : memref<400x64xf32, #tpu.memory_space<vmem>>, vector<1x16xf32>,
        %parallel_loop3A_285 = arith.constant 16 : i32
        %parallel_loop3A_286 = arith.addi %parallel_loop3A_198, %parallel_loop3A_285 : i32
        %parallel_loop3A_287 = arith.index_cast %parallel_loop3A_286 : i32 to index
        %parallel_loop3A_288 = tpu.vector_load %arg5[%parallel_loop3A_287] {strides = array<i32>} : memref<8192xf32, #tpu.memory_space<vmem>>, vector<16xf32>,
        %parallel_loop3A_289 = vector.shape_cast %parallel_loop3A_288 : vector<16xf32> to vector<16xf32>
        %parallel_loop3A_290 = arith.index_cast %parallel_loop3A_274 : i32 to index
        %parallel_loop3A_291 = arith.constant 16 : index
        %parallel_loop3A_292 = tpu.vector_load %arg9[%parallel_loop3A_290, %parallel_loop3A_291] {strides = array<i32>} : memref<400x64xf32, #tpu.memory_space<vmem>>, vector<1x16xf32>,
        %parallel_loop3A_293 = vector.shape_cast %parallel_loop3A_292 : vector<1x16xf32> to vector<16xf32>
        %parallel_loop3A_294 = vector.shape_cast %parallel_loop3A_289 : vector<16xf32> to vector<1x16xf32>
        tpu.vector_store %arg9[%parallel_loop3A_290, %parallel_loop3A_291], %parallel_loop3A_294 {strides = array<i32>} : memref<400x64xf32, #tpu.memory_space<vmem>>, vector<1x16xf32>,
        %parallel_loop3A_295 = arith.constant 32 : i32
        %parallel_loop3A_296 = arith.addi %parallel_loop3A_198, %parallel_loop3A_295 : i32
        %parallel_loop3A_297 = arith.index_cast %parallel_loop3A_296 : i32 to index
        %parallel_loop3A_298 = tpu.vector_load %arg5[%parallel_loop3A_297] {strides = array<i32>} : memref<8192xf32, #tpu.memory_space<vmem>>, vector<16xf32>,
        %parallel_loop3A_299 = vector.shape_cast %parallel_loop3A_298 : vector<16xf32> to vector<16xf32>
        %parallel_loop3A_300 = arith.index_cast %parallel_loop3A_274 : i32 to index
        %parallel_loop3A_301 = arith.constant 32 : index
        %parallel_loop3A_302 = tpu.vector_load %arg9[%parallel_loop3A_300, %parallel_loop3A_301] {strides = array<i32>} : memref<400x64xf32, #tpu.memory_space<vmem>>, vector<1x16xf32>,
        %parallel_loop3A_303 = vector.shape_cast %parallel_loop3A_302 : vector<1x16xf32> to vector<16xf32>
        %parallel_loop3A_304 = vector.shape_cast %parallel_loop3A_299 : vector<16xf32> to vector<1x16xf32>
        tpu.vector_store %arg9[%parallel_loop3A_300, %parallel_loop3A_301], %parallel_loop3A_304 {strides = array<i32>} : memref<400x64xf32, #tpu.memory_space<vmem>>, vector<1x16xf32>,
        %parallel_loop3A_305 = arith.constant 48 : i32
        %parallel_loop3A_306 = arith.addi %parallel_loop3A_198, %parallel_loop3A_305 : i32
        %parallel_loop3A_307 = arith.index_cast %parallel_loop3A_306 : i32 to index
        %parallel_loop3A_308 = tpu.vector_load %arg5[%parallel_loop3A_307] {strides = array<i32>} : memref<8192xf32, #tpu.memory_space<vmem>>, vector<16xf32>,
        %parallel_loop3A_309 = vector.shape_cast %parallel_loop3A_308 : vector<16xf32> to vector<16xf32>
        %parallel_loop3A_310 = arith.index_cast %parallel_loop3A_274 : i32 to index
        %parallel_loop3A_311 = arith.constant 48 : index
        %parallel_loop3A_312 = tpu.vector_load %arg9[%parallel_loop3A_310, %parallel_loop3A_311] {strides = array<i32>} : memref<400x64xf32, #tpu.memory_space<vmem>>, vector<1x16xf32>,
        %parallel_loop3A_313 = vector.shape_cast %parallel_loop3A_312 : vector<1x16xf32> to vector<16xf32>
        %parallel_loop3A_314 = vector.shape_cast %parallel_loop3A_309 : vector<16xf32> to vector<1x16xf32>
        tpu.vector_store %arg9[%parallel_loop3A_310, %parallel_loop3A_311], %parallel_loop3A_314 {strides = array<i32>} : memref<400x64xf32, #tpu.memory_space<vmem>>, vector<1x16xf32>,
        %parallel_loop3A_315 = arith.constant 16 : i32
        %parallel_loop3A_316 = arith.muli %parallel_loop3A_186, %parallel_loop3A_315 : i32
        %parallel_loop3A_317 = arith.constant 2 : i32
        %parallel_loop3A_318 = arith.addi %parallel_loop3A_316, %parallel_loop3A_317 : i32
        %parallel_loop3A_319 = arith.constant 0 : i32
        %parallel_loop3A_320 = arith.addi %parallel_loop3A_200, %parallel_loop3A_319 : i32
        %parallel_loop3A_321 = arith.index_cast %parallel_loop3A_320 : i32 to index
        %parallel_loop3A_322 = tpu.vector_load %arg5[%parallel_loop3A_321] {strides = array<i32>} : memref<8192xf32, #tpu.memory_space<vmem>>, vector<16xf32>,
        %parallel_loop3A_323 = vector.shape_cast %parallel_loop3A_322 : vector<16xf32> to vector<16xf32>
        %parallel_loop3A_324 = arith.index_cast %parallel_loop3A_318 : i32 to index
        %parallel_loop3A_325 = arith.constant 0 : index
        %parallel_loop3A_326 = tpu.vector_load %arg9[%parallel_loop3A_324, %parallel_loop3A_325] {strides = array<i32>} : memref<400x64xf32, #tpu.memory_space<vmem>>, vector<1x16xf32>,
        %parallel_loop3A_327 = vector.shape_cast %parallel_loop3A_326 : vector<1x16xf32> to vector<16xf32>
        %parallel_loop3A_328 = vector.shape_cast %parallel_loop3A_323 : vector<16xf32> to vector<1x16xf32>
        tpu.vector_store %arg9[%parallel_loop3A_324, %parallel_loop3A_325], %parallel_loop3A_328 {strides = array<i32>} : memref<400x64xf32, #tpu.memory_space<vmem>>, vector<1x16xf32>,
        %parallel_loop3A_329 = arith.constant 16 : i32
        %parallel_loop3A_330 = arith.addi %parallel_loop3A_200, %parallel_loop3A_329 : i32
        %parallel_loop3A_331 = arith.index_cast %parallel_loop3A_330 : i32 to index
        %parallel_loop3A_332 = tpu.vector_load %arg5[%parallel_loop3A_331] {strides = array<i32>} : memref<8192xf32, #tpu.memory_space<vmem>>, vector<16xf32>,
        %parallel_loop3A_333 = vector.shape_cast %parallel_loop3A_332 : vector<16xf32> to vector<16xf32>
        %parallel_loop3A_334 = arith.index_cast %parallel_loop3A_318 : i32 to index
        %parallel_loop3A_335 = arith.constant 16 : index
        %parallel_loop3A_336 = tpu.vector_load %arg9[%parallel_loop3A_334, %parallel_loop3A_335] {strides = array<i32>} : memref<400x64xf32, #tpu.memory_space<vmem>>, vector<1x16xf32>,
        %parallel_loop3A_337 = vector.shape_cast %parallel_loop3A_336 : vector<1x16xf32> to vector<16xf32>
        %parallel_loop3A_338 = vector.shape_cast %parallel_loop3A_333 : vector<16xf32> to vector<1x16xf32>
        tpu.vector_store %arg9[%parallel_loop3A_334, %parallel_loop3A_335], %parallel_loop3A_338 {strides = array<i32>} : memref<400x64xf32, #tpu.memory_space<vmem>>, vector<1x16xf32>,
        %parallel_loop3A_339 = arith.constant 32 : i32
        %parallel_loop3A_340 = arith.addi %parallel_loop3A_200, %parallel_loop3A_339 : i32
        %parallel_loop3A_341 = arith.index_cast %parallel_loop3A_340 : i32 to index
        %parallel_loop3A_342 = tpu.vector_load %arg5[%parallel_loop3A_341] {strides = array<i32>} : memref<8192xf32, #tpu.memory_space<vmem>>, vector<16xf32>,
        %parallel_loop3A_343 = vector.shape_cast %parallel_loop3A_342 : vector<16xf32> to vector<16xf32>
        %parallel_loop3A_344 = arith.index_cast %parallel_loop3A_318 : i32 to index
        %parallel_loop3A_345 = arith.constant 32 : index
        %parallel_loop3A_346 = tpu.vector_load %arg9[%parallel_loop3A_344, %parallel_loop3A_345] {strides = array<i32>} : memref<400x64xf32, #tpu.memory_space<vmem>>, vector<1x16xf32>,
        %parallel_loop3A_347 = vector.shape_cast %parallel_loop3A_346 : vector<1x16xf32> to vector<16xf32>
        %parallel_loop3A_348 = vector.shape_cast %parallel_loop3A_343 : vector<16xf32> to vector<1x16xf32>
        tpu.vector_store %arg9[%parallel_loop3A_344, %parallel_loop3A_345], %parallel_loop3A_348 {strides = array<i32>} : memref<400x64xf32, #tpu.memory_space<vmem>>, vector<1x16xf32>,
        %parallel_loop3A_349 = arith.constant 48 : i32
        %parallel_loop3A_350 = arith.addi %parallel_loop3A_200, %parallel_loop3A_349 : i32
        %parallel_loop3A_351 = arith.index_cast %parallel_loop3A_350 : i32 to index
        %parallel_loop3A_352 = tpu.vector_load %arg5[%parallel_loop3A_351] {strides = array<i32>} : memref<8192xf32, #tpu.memory_space<vmem>>, vector<16xf32>,
        %parallel_loop3A_353 = vector.shape_cast %parallel_loop3A_352 : vector<16xf32> to vector<16xf32>
        %parallel_loop3A_354 = arith.index_cast %parallel_loop3A_318 : i32 to index
        %parallel_loop3A_355 = arith.constant 48 : index
        %parallel_loop3A_356 = tpu.vector_load %arg9[%parallel_loop3A_354, %parallel_loop3A_355] {strides = array<i32>} : memref<400x64xf32, #tpu.memory_space<vmem>>, vector<1x16xf32>,
        %parallel_loop3A_357 = vector.shape_cast %parallel_loop3A_356 : vector<1x16xf32> to vector<16xf32>
        %parallel_loop3A_358 = vector.shape_cast %parallel_loop3A_353 : vector<16xf32> to vector<1x16xf32>
        tpu.vector_store %arg9[%parallel_loop3A_354, %parallel_loop3A_355], %parallel_loop3A_358 {strides = array<i32>} : memref<400x64xf32, #tpu.memory_space<vmem>>, vector<1x16xf32>,
        %parallel_loop3A_359 = arith.constant 16 : i32
        %parallel_loop3A_360 = arith.muli %parallel_loop3A_186, %parallel_loop3A_359 : i32
        %parallel_loop3A_361 = arith.constant 3 : i32
        %parallel_loop3A_362 = arith.addi %parallel_loop3A_360, %parallel_loop3A_361 : i32
        %parallel_loop3A_363 = arith.constant 0 : i32
        %parallel_loop3A_364 = arith.addi %parallel_loop3A_202, %parallel_loop3A_363 : i32
        %parallel_loop3A_365 = arith.index_cast %parallel_loop3A_364 : i32 to index
        %parallel_loop3A_366 = tpu.vector_load %arg5[%parallel_loop3A_365] {strides = array<i32>} : memref<8192xf32, #tpu.memory_space<vmem>>, vector<16xf32>,
        %parallel_loop3A_367 = vector.shape_cast %parallel_loop3A_366 : vector<16xf32> to vector<16xf32>
        %parallel_loop3A_368 = arith.index_cast %parallel_loop3A_362 : i32 to index
        %parallel_loop3A_369 = arith.constant 0 : index
        %parallel_loop3A_370 = tpu.vector_load %arg9[%parallel_loop3A_368, %parallel_loop3A_369] {strides = array<i32>} : memref<400x64xf32, #tpu.memory_space<vmem>>, vector<1x16xf32>,
        %parallel_loop3A_371 = vector.shape_cast %parallel_loop3A_370 : vector<1x16xf32> to vector<16xf32>
        %parallel_loop3A_372 = vector.shape_cast %parallel_loop3A_367 : vector<16xf32> to vector<1x16xf32>
        tpu.vector_store %arg9[%parallel_loop3A_368, %parallel_loop3A_369], %parallel_loop3A_372 {strides = array<i32>} : memref<400x64xf32, #tpu.memory_space<vmem>>, vector<1x16xf32>,
        %parallel_loop3A_373 = arith.constant 16 : i32
        %parallel_loop3A_374 = arith.addi %parallel_loop3A_202, %parallel_loop3A_373 : i32
        %parallel_loop3A_375 = arith.index_cast %parallel_loop3A_374 : i32 to index
        %parallel_loop3A_376 = tpu.vector_load %arg5[%parallel_loop3A_375] {strides = array<i32>} : memref<8192xf32, #tpu.memory_space<vmem>>, vector<16xf32>,
        %parallel_loop3A_377 = vector.shape_cast %parallel_loop3A_376 : vector<16xf32> to vector<16xf32>
        %parallel_loop3A_378 = arith.index_cast %parallel_loop3A_362 : i32 to index
        %parallel_loop3A_379 = arith.constant 16 : index
        %parallel_loop3A_380 = tpu.vector_load %arg9[%parallel_loop3A_378, %parallel_loop3A_379] {strides = array<i32>} : memref<400x64xf32, #tpu.memory_space<vmem>>, vector<1x16xf32>,
        %parallel_loop3A_381 = vector.shape_cast %parallel_loop3A_380 : vector<1x16xf32> to vector<16xf32>
        %parallel_loop3A_382 = vector.shape_cast %parallel_loop3A_377 : vector<16xf32> to vector<1x16xf32>
        tpu.vector_store %arg9[%parallel_loop3A_378, %parallel_loop3A_379], %parallel_loop3A_382 {strides = array<i32>} : memref<400x64xf32, #tpu.memory_space<vmem>>, vector<1x16xf32>,
        %parallel_loop3A_383 = arith.constant 32 : i32
        %parallel_loop3A_384 = arith.addi %parallel_loop3A_202, %parallel_loop3A_383 : i32
        %parallel_loop3A_385 = arith.index_cast %parallel_loop3A_384 : i32 to index
        %parallel_loop3A_386 = tpu.vector_load %arg5[%parallel_loop3A_385] {strides = array<i32>} : memref<8192xf32, #tpu.memory_space<vmem>>, vector<16xf32>,
        %parallel_loop3A_387 = vector.shape_cast %parallel_loop3A_386 : vector<16xf32> to vector<16xf32>
        %parallel_loop3A_388 = arith.index_cast %parallel_loop3A_362 : i32 to index
        %parallel_loop3A_389 = arith.constant 32 : index
        %parallel_loop3A_390 = tpu.vector_load %arg9[%parallel_loop3A_388, %parallel_loop3A_389] {strides = array<i32>} : memref<400x64xf32, #tpu.memory_space<vmem>>, vector<1x16xf32>,
        %parallel_loop3A_391 = vector.shape_cast %parallel_loop3A_390 : vector<1x16xf32> to vector<16xf32>
        %parallel_loop3A_392 = vector.shape_cast %parallel_loop3A_387 : vector<16xf32> to vector<1x16xf32>
        tpu.vector_store %arg9[%parallel_loop3A_388, %parallel_loop3A_389], %parallel_loop3A_392 {strides = array<i32>} : memref<400x64xf32, #tpu.memory_space<vmem>>, vector<1x16xf32>,
        %parallel_loop3A_393 = arith.constant 48 : i32
        %parallel_loop3A_394 = arith.addi %parallel_loop3A_202, %parallel_loop3A_393 : i32
        %parallel_loop3A_395 = arith.index_cast %parallel_loop3A_394 : i32 to index
        %parallel_loop3A_396 = tpu.vector_load %arg5[%parallel_loop3A_395] {strides = array<i32>} : memref<8192xf32, #tpu.memory_space<vmem>>, vector<16xf32>,
        %parallel_loop3A_397 = vector.shape_cast %parallel_loop3A_396 : vector<16xf32> to vector<16xf32>
        %parallel_loop3A_398 = arith.index_cast %parallel_loop3A_362 : i32 to index
        %parallel_loop3A_399 = arith.constant 48 : index
        %parallel_loop3A_400 = tpu.vector_load %arg9[%parallel_loop3A_398, %parallel_loop3A_399] {strides = array<i32>} : memref<400x64xf32, #tpu.memory_space<vmem>>, vector<1x16xf32>,
        %parallel_loop3A_401 = vector.shape_cast %parallel_loop3A_400 : vector<1x16xf32> to vector<16xf32>
        %parallel_loop3A_402 = vector.shape_cast %parallel_loop3A_397 : vector<16xf32> to vector<1x16xf32>
        tpu.vector_store %arg9[%parallel_loop3A_398, %parallel_loop3A_399], %parallel_loop3A_402 {strides = array<i32>} : memref<400x64xf32, #tpu.memory_space<vmem>>, vector<1x16xf32>,
        %parallel_loop3A_403 = arith.constant 16 : i32
        %parallel_loop3A_404 = arith.muli %parallel_loop3A_186, %parallel_loop3A_403 : i32
        %parallel_loop3A_405 = arith.constant 4 : i32
        %parallel_loop3A_406 = arith.addi %parallel_loop3A_404, %parallel_loop3A_405 : i32
        %parallel_loop3A_407 = arith.constant 0 : i32
        %parallel_loop3A_408 = arith.addi %parallel_loop3A_204, %parallel_loop3A_407 : i32
        %parallel_loop3A_409 = arith.index_cast %parallel_loop3A_408 : i32 to index
        %parallel_loop3A_410 = tpu.vector_load %arg5[%parallel_loop3A_409] {strides = array<i32>} : memref<8192xf32, #tpu.memory_space<vmem>>, vector<16xf32>,
        %parallel_loop3A_411 = vector.shape_cast %parallel_loop3A_410 : vector<16xf32> to vector<16xf32>
        %parallel_loop3A_412 = arith.index_cast %parallel_loop3A_406 : i32 to index
        %parallel_loop3A_413 = arith.constant 0 : index
        %parallel_loop3A_414 = tpu.vector_load %arg9[%parallel_loop3A_412, %parallel_loop3A_413] {strides = array<i32>} : memref<400x64xf32, #tpu.memory_space<vmem>>, vector<1x16xf32>,
        %parallel_loop3A_415 = vector.shape_cast %parallel_loop3A_414 : vector<1x16xf32> to vector<16xf32>
        %parallel_loop3A_416 = vector.shape_cast %parallel_loop3A_411 : vector<16xf32> to vector<1x16xf32>
        tpu.vector_store %arg9[%parallel_loop3A_412, %parallel_loop3A_413], %parallel_loop3A_416 {strides = array<i32>} : memref<400x64xf32, #tpu.memory_space<vmem>>, vector<1x16xf32>,
        %parallel_loop3A_417 = arith.constant 16 : i32
        %parallel_loop3A_418 = arith.addi %parallel_loop3A_204, %parallel_loop3A_417 : i32
        %parallel_loop3A_419 = arith.index_cast %parallel_loop3A_418 : i32 to index
        %parallel_loop3A_420 = tpu.vector_load %arg5[%parallel_loop3A_419] {strides = array<i32>} : memref<8192xf32, #tpu.memory_space<vmem>>, vector<16xf32>,
        %parallel_loop3A_421 = vector.shape_cast %parallel_loop3A_420 : vector<16xf32> to vector<16xf32>
        %parallel_loop3A_422 = arith.index_cast %parallel_loop3A_406 : i32 to index
        %parallel_loop3A_423 = arith.constant 16 : index
        %parallel_loop3A_424 = tpu.vector_load %arg9[%parallel_loop3A_422, %parallel_loop3A_423] {strides = array<i32>} : memref<400x64xf32, #tpu.memory_space<vmem>>, vector<1x16xf32>,
        %parallel_loop3A_425 = vector.shape_cast %parallel_loop3A_424 : vector<1x16xf32> to vector<16xf32>
        %parallel_loop3A_426 = vector.shape_cast %parallel_loop3A_421 : vector<16xf32> to vector<1x16xf32>
        tpu.vector_store %arg9[%parallel_loop3A_422, %parallel_loop3A_423], %parallel_loop3A_426 {strides = array<i32>} : memref<400x64xf32, #tpu.memory_space<vmem>>, vector<1x16xf32>,
        %parallel_loop3A_427 = arith.constant 32 : i32
        %parallel_loop3A_428 = arith.addi %parallel_loop3A_204, %parallel_loop3A_427 : i32
        %parallel_loop3A_429 = arith.index_cast %parallel_loop3A_428 : i32 to index
        %parallel_loop3A_430 = tpu.vector_load %arg5[%parallel_loop3A_429] {strides = array<i32>} : memref<8192xf32, #tpu.memory_space<vmem>>, vector<16xf32>,
        %parallel_loop3A_431 = vector.shape_cast %parallel_loop3A_430 : vector<16xf32> to vector<16xf32>
        %parallel_loop3A_432 = arith.index_cast %parallel_loop3A_406 : i32 to index
        %parallel_loop3A_433 = arith.constant 32 : index
        %parallel_loop3A_434 = tpu.vector_load %arg9[%parallel_loop3A_432, %parallel_loop3A_433] {strides = array<i32>} : memref<400x64xf32, #tpu.memory_space<vmem>>, vector<1x16xf32>,
        %parallel_loop3A_435 = vector.shape_cast %parallel_loop3A_434 : vector<1x16xf32> to vector<16xf32>
        %parallel_loop3A_436 = vector.shape_cast %parallel_loop3A_431 : vector<16xf32> to vector<1x16xf32>
        tpu.vector_store %arg9[%parallel_loop3A_432, %parallel_loop3A_433], %parallel_loop3A_436 {strides = array<i32>} : memref<400x64xf32, #tpu.memory_space<vmem>>, vector<1x16xf32>,
        %parallel_loop3A_437 = arith.constant 48 : i32
        %parallel_loop3A_438 = arith.addi %parallel_loop3A_204, %parallel_loop3A_437 : i32
        %parallel_loop3A_439 = arith.index_cast %parallel_loop3A_438 : i32 to index
        %parallel_loop3A_440 = tpu.vector_load %arg5[%parallel_loop3A_439] {strides = array<i32>} : memref<8192xf32, #tpu.memory_space<vmem>>, vector<16xf32>,
        %parallel_loop3A_441 = vector.shape_cast %parallel_loop3A_440 : vector<16xf32> to vector<16xf32>
        %parallel_loop3A_442 = arith.index_cast %parallel_loop3A_406 : i32 to index
        %parallel_loop3A_443 = arith.constant 48 : index
        %parallel_loop3A_444 = tpu.vector_load %arg9[%parallel_loop3A_442, %parallel_loop3A_443] {strides = array<i32>} : memref<400x64xf32, #tpu.memory_space<vmem>>, vector<1x16xf32>,
        %parallel_loop3A_445 = vector.shape_cast %parallel_loop3A_444 : vector<1x16xf32> to vector<16xf32>
        %parallel_loop3A_446 = vector.shape_cast %parallel_loop3A_441 : vector<16xf32> to vector<1x16xf32>
        tpu.vector_store %arg9[%parallel_loop3A_442, %parallel_loop3A_443], %parallel_loop3A_446 {strides = array<i32>} : memref<400x64xf32, #tpu.memory_space<vmem>>, vector<1x16xf32>,
        %parallel_loop3A_447 = arith.constant 16 : i32
        %parallel_loop3A_448 = arith.muli %parallel_loop3A_186, %parallel_loop3A_447 : i32
        %parallel_loop3A_449 = arith.constant 5 : i32
        %parallel_loop3A_450 = arith.addi %parallel_loop3A_448, %parallel_loop3A_449 : i32
        %parallel_loop3A_451 = arith.constant 0 : i32
        %parallel_loop3A_452 = arith.addi %parallel_loop3A_206, %parallel_loop3A_451 : i32
        %parallel_loop3A_453 = arith.index_cast %parallel_loop3A_452 : i32 to index
        %parallel_loop3A_454 = tpu.vector_load %arg5[%parallel_loop3A_453] {strides = array<i32>} : memref<8192xf32, #tpu.memory_space<vmem>>, vector<16xf32>,
        %parallel_loop3A_455 = vector.shape_cast %parallel_loop3A_454 : vector<16xf32> to vector<16xf32>
        %parallel_loop3A_456 = arith.index_cast %parallel_loop3A_450 : i32 to index
        %parallel_loop3A_457 = arith.constant 0 : index
        %parallel_loop3A_458 = tpu.vector_load %arg9[%parallel_loop3A_456, %parallel_loop3A_457] {strides = array<i32>} : memref<400x64xf32, #tpu.memory_space<vmem>>, vector<1x16xf32>,
        %parallel_loop3A_459 = vector.shape_cast %parallel_loop3A_458 : vector<1x16xf32> to vector<16xf32>
        %parallel_loop3A_460 = vector.shape_cast %parallel_loop3A_455 : vector<16xf32> to vector<1x16xf32>
        tpu.vector_store %arg9[%parallel_loop3A_456, %parallel_loop3A_457], %parallel_loop3A_460 {strides = array<i32>} : memref<400x64xf32, #tpu.memory_space<vmem>>, vector<1x16xf32>,
        %parallel_loop3A_461 = arith.constant 16 : i32
        %parallel_loop3A_462 = arith.addi %parallel_loop3A_206, %parallel_loop3A_461 : i32
        %parallel_loop3A_463 = arith.index_cast %parallel_loop3A_462 : i32 to index
        %parallel_loop3A_464 = tpu.vector_load %arg5[%parallel_loop3A_463] {strides = array<i32>} : memref<8192xf32, #tpu.memory_space<vmem>>, vector<16xf32>,
        %parallel_loop3A_465 = vector.shape_cast %parallel_loop3A_464 : vector<16xf32> to vector<16xf32>
        %parallel_loop3A_466 = arith.index_cast %parallel_loop3A_450 : i32 to index
        %parallel_loop3A_467 = arith.constant 16 : index
        %parallel_loop3A_468 = tpu.vector_load %arg9[%parallel_loop3A_466, %parallel_loop3A_467] {strides = array<i32>} : memref<400x64xf32, #tpu.memory_space<vmem>>, vector<1x16xf32>,
        %parallel_loop3A_469 = vector.shape_cast %parallel_loop3A_468 : vector<1x16xf32> to vector<16xf32>
        %parallel_loop3A_470 = vector.shape_cast %parallel_loop3A_465 : vector<16xf32> to vector<1x16xf32>
        tpu.vector_store %arg9[%parallel_loop3A_466, %parallel_loop3A_467], %parallel_loop3A_470 {strides = array<i32>} : memref<400x64xf32, #tpu.memory_space<vmem>>, vector<1x16xf32>,
        %parallel_loop3A_471 = arith.constant 32 : i32
        %parallel_loop3A_472 = arith.addi %parallel_loop3A_206, %parallel_loop3A_471 : i32
        %parallel_loop3A_473 = arith.index_cast %parallel_loop3A_472 : i32 to index
        %parallel_loop3A_474 = tpu.vector_load %arg5[%parallel_loop3A_473] {strides = array<i32>} : memref<8192xf32, #tpu.memory_space<vmem>>, vector<16xf32>,
        %parallel_loop3A_475 = vector.shape_cast %parallel_loop3A_474 : vector<16xf32> to vector<16xf32>
        %parallel_loop3A_476 = arith.index_cast %parallel_loop3A_450 : i32 to index
        %parallel_loop3A_477 = arith.constant 32 : index
        %parallel_loop3A_478 = tpu.vector_load %arg9[%parallel_loop3A_476, %parallel_loop3A_477] {strides = array<i32>} : memref<400x64xf32, #tpu.memory_space<vmem>>, vector<1x16xf32>,
        %parallel_loop3A_479 = vector.shape_cast %parallel_loop3A_478 : vector<1x16xf32> to vector<16xf32>
        %parallel_loop3A_480 = vector.shape_cast %parallel_loop3A_475 : vector<16xf32> to vector<1x16xf32>
        tpu.vector_store %arg9[%parallel_loop3A_476, %parallel_loop3A_477], %parallel_loop3A_480 {strides = array<i32>} : memref<400x64xf32, #tpu.memory_space<vmem>>, vector<1x16xf32>,
        %parallel_loop3A_481 = arith.constant 48 : i32
        %parallel_loop3A_482 = arith.addi %parallel_loop3A_206, %parallel_loop3A_481 : i32
        %parallel_loop3A_483 = arith.index_cast %parallel_loop3A_482 : i32 to index
        %parallel_loop3A_484 = tpu.vector_load %arg5[%parallel_loop3A_483] {strides = array<i32>} : memref<8192xf32, #tpu.memory_space<vmem>>, vector<16xf32>,
        %parallel_loop3A_485 = vector.shape_cast %parallel_loop3A_484 : vector<16xf32> to vector<16xf32>
        %parallel_loop3A_486 = arith.index_cast %parallel_loop3A_450 : i32 to index
        %parallel_loop3A_487 = arith.constant 48 : index
        %parallel_loop3A_488 = tpu.vector_load %arg9[%parallel_loop3A_486, %parallel_loop3A_487] {strides = array<i32>} : memref<400x64xf32, #tpu.memory_space<vmem>>, vector<1x16xf32>,
        %parallel_loop3A_489 = vector.shape_cast %parallel_loop3A_488 : vector<1x16xf32> to vector<16xf32>
        %parallel_loop3A_490 = vector.shape_cast %parallel_loop3A_485 : vector<16xf32> to vector<1x16xf32>
        tpu.vector_store %arg9[%parallel_loop3A_486, %parallel_loop3A_487], %parallel_loop3A_490 {strides = array<i32>} : memref<400x64xf32, #tpu.memory_space<vmem>>, vector<1x16xf32>,
        %parallel_loop3A_491 = arith.constant 16 : i32
        %parallel_loop3A_492 = arith.muli %parallel_loop3A_186, %parallel_loop3A_491 : i32
        %parallel_loop3A_493 = arith.constant 6 : i32
        %parallel_loop3A_494 = arith.addi %parallel_loop3A_492, %parallel_loop3A_493 : i32
        %parallel_loop3A_495 = arith.constant 0 : i32
        %parallel_loop3A_496 = arith.addi %parallel_loop3A_208, %parallel_loop3A_495 : i32
        %parallel_loop3A_497 = arith.index_cast %parallel_loop3A_496 : i32 to index
        %parallel_loop3A_498 = tpu.vector_load %arg5[%parallel_loop3A_497] {strides = array<i32>} : memref<8192xf32, #tpu.memory_space<vmem>>, vector<16xf32>,
        %parallel_loop3A_499 = vector.shape_cast %parallel_loop3A_498 : vector<16xf32> to vector<16xf32>
        %parallel_loop3A_500 = arith.index_cast %parallel_loop3A_494 : i32 to index
        %parallel_loop3A_501 = arith.constant 0 : index
        %parallel_loop3A_502 = tpu.vector_load %arg9[%parallel_loop3A_500, %parallel_loop3A_501] {strides = array<i32>} : memref<400x64xf32, #tpu.memory_space<vmem>>, vector<1x16xf32>,
        %parallel_loop3A_503 = vector.shape_cast %parallel_loop3A_502 : vector<1x16xf32> to vector<16xf32>
        %parallel_loop3A_504 = vector.shape_cast %parallel_loop3A_499 : vector<16xf32> to vector<1x16xf32>
        tpu.vector_store %arg9[%parallel_loop3A_500, %parallel_loop3A_501], %parallel_loop3A_504 {strides = array<i32>} : memref<400x64xf32, #tpu.memory_space<vmem>>, vector<1x16xf32>,
        %parallel_loop3A_505 = arith.constant 16 : i32
        %parallel_loop3A_506 = arith.addi %parallel_loop3A_208, %parallel_loop3A_505 : i32
        %parallel_loop3A_507 = arith.index_cast %parallel_loop3A_506 : i32 to index
        %parallel_loop3A_508 = tpu.vector_load %arg5[%parallel_loop3A_507] {strides = array<i32>} : memref<8192xf32, #tpu.memory_space<vmem>>, vector<16xf32>,
        %parallel_loop3A_509 = vector.shape_cast %parallel_loop3A_508 : vector<16xf32> to vector<16xf32>
        %parallel_loop3A_510 = arith.index_cast %parallel_loop3A_494 : i32 to index
        %parallel_loop3A_511 = arith.constant 16 : index
        %parallel_loop3A_512 = tpu.vector_load %arg9[%parallel_loop3A_510, %parallel_loop3A_511] {strides = array<i32>} : memref<400x64xf32, #tpu.memory_space<vmem>>, vector<1x16xf32>,
        %parallel_loop3A_513 = vector.shape_cast %parallel_loop3A_512 : vector<1x16xf32> to vector<16xf32>
        %parallel_loop3A_514 = vector.shape_cast %parallel_loop3A_509 : vector<16xf32> to vector<1x16xf32>
        tpu.vector_store %arg9[%parallel_loop3A_510, %parallel_loop3A_511], %parallel_loop3A_514 {strides = array<i32>} : memref<400x64xf32, #tpu.memory_space<vmem>>, vector<1x16xf32>,
        %parallel_loop3A_515 = arith.constant 32 : i32
        %parallel_loop3A_516 = arith.addi %parallel_loop3A_208, %parallel_loop3A_515 : i32
        %parallel_loop3A_517 = arith.index_cast %parallel_loop3A_516 : i32 to index
        %parallel_loop3A_518 = tpu.vector_load %arg5[%parallel_loop3A_517] {strides = array<i32>} : memref<8192xf32, #tpu.memory_space<vmem>>, vector<16xf32>,
        %parallel_loop3A_519 = vector.shape_cast %parallel_loop3A_518 : vector<16xf32> to vector<16xf32>
        %parallel_loop3A_520 = arith.index_cast %parallel_loop3A_494 : i32 to index
        %parallel_loop3A_521 = arith.constant 32 : index
        %parallel_loop3A_522 = tpu.vector_load %arg9[%parallel_loop3A_520, %parallel_loop3A_521] {strides = array<i32>} : memref<400x64xf32, #tpu.memory_space<vmem>>, vector<1x16xf32>,
        %parallel_loop3A_523 = vector.shape_cast %parallel_loop3A_522 : vector<1x16xf32> to vector<16xf32>
        %parallel_loop3A_524 = vector.shape_cast %parallel_loop3A_519 : vector<16xf32> to vector<1x16xf32>
        tpu.vector_store %arg9[%parallel_loop3A_520, %parallel_loop3A_521], %parallel_loop3A_524 {strides = array<i32>} : memref<400x64xf32, #tpu.memory_space<vmem>>, vector<1x16xf32>,
        %parallel_loop3A_525 = arith.constant 48 : i32
        %parallel_loop3A_526 = arith.addi %parallel_loop3A_208, %parallel_loop3A_525 : i32
        %parallel_loop3A_527 = arith.index_cast %parallel_loop3A_526 : i32 to index
        %parallel_loop3A_528 = tpu.vector_load %arg5[%parallel_loop3A_527] {strides = array<i32>} : memref<8192xf32, #tpu.memory_space<vmem>>, vector<16xf32>,
        %parallel_loop3A_529 = vector.shape_cast %parallel_loop3A_528 : vector<16xf32> to vector<16xf32>
        %parallel_loop3A_530 = arith.index_cast %parallel_loop3A_494 : i32 to index
        %parallel_loop3A_531 = arith.constant 48 : index
        %parallel_loop3A_532 = tpu.vector_load %arg9[%parallel_loop3A_530, %parallel_loop3A_531] {strides = array<i32>} : memref<400x64xf32, #tpu.memory_space<vmem>>, vector<1x16xf32>,
        %parallel_loop3A_533 = vector.shape_cast %parallel_loop3A_532 : vector<1x16xf32> to vector<16xf32>
        %parallel_loop3A_534 = vector.shape_cast %parallel_loop3A_529 : vector<16xf32> to vector<1x16xf32>
        tpu.vector_store %arg9[%parallel_loop3A_530, %parallel_loop3A_531], %parallel_loop3A_534 {strides = array<i32>} : memref<400x64xf32, #tpu.memory_space<vmem>>, vector<1x16xf32>,
        %parallel_loop3A_535 = arith.constant 16 : i32
        %parallel_loop3A_536 = arith.muli %parallel_loop3A_186, %parallel_loop3A_535 : i32
        %parallel_loop3A_537 = arith.constant 7 : i32
        %parallel_loop3A_538 = arith.addi %parallel_loop3A_536, %parallel_loop3A_537 : i32
        %parallel_loop3A_539 = arith.constant 0 : i32
        %parallel_loop3A_540 = arith.addi %parallel_loop3A_210, %parallel_loop3A_539 : i32
        %parallel_loop3A_541 = arith.index_cast %parallel_loop3A_540 : i32 to index
        %parallel_loop3A_542 = tpu.vector_load %arg5[%parallel_loop3A_541] {strides = array<i32>} : memref<8192xf32, #tpu.memory_space<vmem>>, vector<16xf32>,
        %parallel_loop3A_543 = vector.shape_cast %parallel_loop3A_542 : vector<16xf32> to vector<16xf32>
        %parallel_loop3A_544 = arith.index_cast %parallel_loop3A_538 : i32 to index
        %parallel_loop3A_545 = arith.constant 0 : index
        %parallel_loop3A_546 = tpu.vector_load %arg9[%parallel_loop3A_544, %parallel_loop3A_545] {strides = array<i32>} : memref<400x64xf32, #tpu.memory_space<vmem>>, vector<1x16xf32>,
        %parallel_loop3A_547 = vector.shape_cast %parallel_loop3A_546 : vector<1x16xf32> to vector<16xf32>
        %parallel_loop3A_548 = vector.shape_cast %parallel_loop3A_543 : vector<16xf32> to vector<1x16xf32>
        tpu.vector_store %arg9[%parallel_loop3A_544, %parallel_loop3A_545], %parallel_loop3A_548 {strides = array<i32>} : memref<400x64xf32, #tpu.memory_space<vmem>>, vector<1x16xf32>,
        %parallel_loop3A_549 = arith.constant 16 : i32
        %parallel_loop3A_550 = arith.addi %parallel_loop3A_210, %parallel_loop3A_549 : i32
        %parallel_loop3A_551 = arith.index_cast %parallel_loop3A_550 : i32 to index
        %parallel_loop3A_552 = tpu.vector_load %arg5[%parallel_loop3A_551] {strides = array<i32>} : memref<8192xf32, #tpu.memory_space<vmem>>, vector<16xf32>,
        %parallel_loop3A_553 = vector.shape_cast %parallel_loop3A_552 : vector<16xf32> to vector<16xf32>
        %parallel_loop3A_554 = arith.index_cast %parallel_loop3A_538 : i32 to index
        %parallel_loop3A_555 = arith.constant 16 : index
        %parallel_loop3A_556 = tpu.vector_load %arg9[%parallel_loop3A_554, %parallel_loop3A_555] {strides = array<i32>} : memref<400x64xf32, #tpu.memory_space<vmem>>, vector<1x16xf32>,
        %parallel_loop3A_557 = vector.shape_cast %parallel_loop3A_556 : vector<1x16xf32> to vector<16xf32>
        %parallel_loop3A_558 = vector.shape_cast %parallel_loop3A_553 : vector<16xf32> to vector<1x16xf32>
        tpu.vector_store %arg9[%parallel_loop3A_554, %parallel_loop3A_555], %parallel_loop3A_558 {strides = array<i32>} : memref<400x64xf32, #tpu.memory_space<vmem>>, vector<1x16xf32>,
        %parallel_loop3A_559 = arith.constant 32 : i32
        %parallel_loop3A_560 = arith.addi %parallel_loop3A_210, %parallel_loop3A_559 : i32
        %parallel_loop3A_561 = arith.index_cast %parallel_loop3A_560 : i32 to index
        %parallel_loop3A_562 = tpu.vector_load %arg5[%parallel_loop3A_561] {strides = array<i32>} : memref<8192xf32, #tpu.memory_space<vmem>>, vector<16xf32>,
        %parallel_loop3A_563 = vector.shape_cast %parallel_loop3A_562 : vector<16xf32> to vector<16xf32>
        %parallel_loop3A_564 = arith.index_cast %parallel_loop3A_538 : i32 to index
        %parallel_loop3A_565 = arith.constant 32 : index
        %parallel_loop3A_566 = tpu.vector_load %arg9[%parallel_loop3A_564, %parallel_loop3A_565] {strides = array<i32>} : memref<400x64xf32, #tpu.memory_space<vmem>>, vector<1x16xf32>,
        %parallel_loop3A_567 = vector.shape_cast %parallel_loop3A_566 : vector<1x16xf32> to vector<16xf32>
        %parallel_loop3A_568 = vector.shape_cast %parallel_loop3A_563 : vector<16xf32> to vector<1x16xf32>
        tpu.vector_store %arg9[%parallel_loop3A_564, %parallel_loop3A_565], %parallel_loop3A_568 {strides = array<i32>} : memref<400x64xf32, #tpu.memory_space<vmem>>, vector<1x16xf32>,
        %parallel_loop3A_569 = arith.constant 48 : i32
        %parallel_loop3A_570 = arith.addi %parallel_loop3A_210, %parallel_loop3A_569 : i32
        %parallel_loop3A_571 = arith.index_cast %parallel_loop3A_570 : i32 to index
        %parallel_loop3A_572 = tpu.vector_load %arg5[%parallel_loop3A_571] {strides = array<i32>} : memref<8192xf32, #tpu.memory_space<vmem>>, vector<16xf32>,
        %parallel_loop3A_573 = vector.shape_cast %parallel_loop3A_572 : vector<16xf32> to vector<16xf32>
        %parallel_loop3A_574 = arith.index_cast %parallel_loop3A_538 : i32 to index
        %parallel_loop3A_575 = arith.constant 48 : index
        %parallel_loop3A_576 = tpu.vector_load %arg9[%parallel_loop3A_574, %parallel_loop3A_575] {strides = array<i32>} : memref<400x64xf32, #tpu.memory_space<vmem>>, vector<1x16xf32>,
        %parallel_loop3A_577 = vector.shape_cast %parallel_loop3A_576 : vector<1x16xf32> to vector<16xf32>
        %parallel_loop3A_578 = vector.shape_cast %parallel_loop3A_573 : vector<16xf32> to vector<1x16xf32>
        tpu.vector_store %arg9[%parallel_loop3A_574, %parallel_loop3A_575], %parallel_loop3A_578 {strides = array<i32>} : memref<400x64xf32, #tpu.memory_space<vmem>>, vector<1x16xf32>,
        %parallel_loop3A_579 = arith.constant 16 : i32
        %parallel_loop3A_580 = arith.muli %parallel_loop3A_186, %parallel_loop3A_579 : i32
        %parallel_loop3A_581 = arith.constant 8 : i32
        %parallel_loop3A_582 = arith.addi %parallel_loop3A_580, %parallel_loop3A_581 : i32
        %parallel_loop3A_583 = arith.constant 0 : i32
        %parallel_loop3A_584 = arith.addi %parallel_loop3A_212, %parallel_loop3A_583 : i32
        %parallel_loop3A_585 = arith.index_cast %parallel_loop3A_584 : i32 to index
        %parallel_loop3A_586 = tpu.vector_load %arg5[%parallel_loop3A_585] {strides = array<i32>} : memref<8192xf32, #tpu.memory_space<vmem>>, vector<16xf32>,
        %parallel_loop3A_587 = vector.shape_cast %parallel_loop3A_586 : vector<16xf32> to vector<16xf32>
        %parallel_loop3A_588 = arith.index_cast %parallel_loop3A_582 : i32 to index
        %parallel_loop3A_589 = arith.constant 0 : index
        %parallel_loop3A_590 = tpu.vector_load %arg9[%parallel_loop3A_588, %parallel_loop3A_589] {strides = array<i32>} : memref<400x64xf32, #tpu.memory_space<vmem>>, vector<1x16xf32>,
        %parallel_loop3A_591 = vector.shape_cast %parallel_loop3A_590 : vector<1x16xf32> to vector<16xf32>
        %parallel_loop3A_592 = vector.shape_cast %parallel_loop3A_587 : vector<16xf32> to vector<1x16xf32>
        tpu.vector_store %arg9[%parallel_loop3A_588, %parallel_loop3A_589], %parallel_loop3A_592 {strides = array<i32>} : memref<400x64xf32, #tpu.memory_space<vmem>>, vector<1x16xf32>,
        %parallel_loop3A_593 = arith.constant 16 : i32
        %parallel_loop3A_594 = arith.addi %parallel_loop3A_212, %parallel_loop3A_593 : i32
        %parallel_loop3A_595 = arith.index_cast %parallel_loop3A_594 : i32 to index
        %parallel_loop3A_596 = tpu.vector_load %arg5[%parallel_loop3A_595] {strides = array<i32>} : memref<8192xf32, #tpu.memory_space<vmem>>, vector<16xf32>,
        %parallel_loop3A_597 = vector.shape_cast %parallel_loop3A_596 : vector<16xf32> to vector<16xf32>
        %parallel_loop3A_598 = arith.index_cast %parallel_loop3A_582 : i32 to index
        %parallel_loop3A_599 = arith.constant 16 : index
        %parallel_loop3A_600 = tpu.vector_load %arg9[%parallel_loop3A_598, %parallel_loop3A_599] {strides = array<i32>} : memref<400x64xf32, #tpu.memory_space<vmem>>, vector<1x16xf32>,
        %parallel_loop3A_601 = vector.shape_cast %parallel_loop3A_600 : vector<1x16xf32> to vector<16xf32>
        %parallel_loop3A_602 = vector.shape_cast %parallel_loop3A_597 : vector<16xf32> to vector<1x16xf32>
        tpu.vector_store %arg9[%parallel_loop3A_598, %parallel_loop3A_599], %parallel_loop3A_602 {strides = array<i32>} : memref<400x64xf32, #tpu.memory_space<vmem>>, vector<1x16xf32>,
        %parallel_loop3A_603 = arith.constant 32 : i32
        %parallel_loop3A_604 = arith.addi %parallel_loop3A_212, %parallel_loop3A_603 : i32
        %parallel_loop3A_605 = arith.index_cast %parallel_loop3A_604 : i32 to index
        %parallel_loop3A_606 = tpu.vector_load %arg5[%parallel_loop3A_605] {strides = array<i32>} : memref<8192xf32, #tpu.memory_space<vmem>>, vector<16xf32>,
        %parallel_loop3A_607 = vector.shape_cast %parallel_loop3A_606 : vector<16xf32> to vector<16xf32>
        %parallel_loop3A_608 = arith.index_cast %parallel_loop3A_582 : i32 to index
        %parallel_loop3A_609 = arith.constant 32 : index
        %parallel_loop3A_610 = tpu.vector_load %arg9[%parallel_loop3A_608, %parallel_loop3A_609] {strides = array<i32>} : memref<400x64xf32, #tpu.memory_space<vmem>>, vector<1x16xf32>,
        %parallel_loop3A_611 = vector.shape_cast %parallel_loop3A_610 : vector<1x16xf32> to vector<16xf32>
        %parallel_loop3A_612 = vector.shape_cast %parallel_loop3A_607 : vector<16xf32> to vector<1x16xf32>
        tpu.vector_store %arg9[%parallel_loop3A_608, %parallel_loop3A_609], %parallel_loop3A_612 {strides = array<i32>} : memref<400x64xf32, #tpu.memory_space<vmem>>, vector<1x16xf32>,
        %parallel_loop3A_613 = arith.constant 48 : i32
        %parallel_loop3A_614 = arith.addi %parallel_loop3A_212, %parallel_loop3A_613 : i32
        %parallel_loop3A_615 = arith.index_cast %parallel_loop3A_614 : i32 to index
        %parallel_loop3A_616 = tpu.vector_load %arg5[%parallel_loop3A_615] {strides = array<i32>} : memref<8192xf32, #tpu.memory_space<vmem>>, vector<16xf32>,
        %parallel_loop3A_617 = vector.shape_cast %parallel_loop3A_616 : vector<16xf32> to vector<16xf32>
        %parallel_loop3A_618 = arith.index_cast %parallel_loop3A_582 : i32 to index
        %parallel_loop3A_619 = arith.constant 48 : index
        %parallel_loop3A_620 = tpu.vector_load %arg9[%parallel_loop3A_618, %parallel_loop3A_619] {strides = array<i32>} : memref<400x64xf32, #tpu.memory_space<vmem>>, vector<1x16xf32>,
        %parallel_loop3A_621 = vector.shape_cast %parallel_loop3A_620 : vector<1x16xf32> to vector<16xf32>
        %parallel_loop3A_622 = vector.shape_cast %parallel_loop3A_617 : vector<16xf32> to vector<1x16xf32>
        tpu.vector_store %arg9[%parallel_loop3A_618, %parallel_loop3A_619], %parallel_loop3A_622 {strides = array<i32>} : memref<400x64xf32, #tpu.memory_space<vmem>>, vector<1x16xf32>,
        %parallel_loop3A_623 = arith.constant 16 : i32
        %parallel_loop3A_624 = arith.muli %parallel_loop3A_186, %parallel_loop3A_623 : i32
        %parallel_loop3A_625 = arith.constant 9 : i32
        %parallel_loop3A_626 = arith.addi %parallel_loop3A_624, %parallel_loop3A_625 : i32
        %parallel_loop3A_627 = arith.constant 0 : i32
        %parallel_loop3A_628 = arith.addi %parallel_loop3A_214, %parallel_loop3A_627 : i32
        %parallel_loop3A_629 = arith.index_cast %parallel_loop3A_628 : i32 to index
        %parallel_loop3A_630 = tpu.vector_load %arg5[%parallel_loop3A_629] {strides = array<i32>} : memref<8192xf32, #tpu.memory_space<vmem>>, vector<16xf32>,
        %parallel_loop3A_631 = vector.shape_cast %parallel_loop3A_630 : vector<16xf32> to vector<16xf32>
        %parallel_loop3A_632 = arith.index_cast %parallel_loop3A_626 : i32 to index
        %parallel_loop3A_633 = arith.constant 0 : index
        %parallel_loop3A_634 = tpu.vector_load %arg9[%parallel_loop3A_632, %parallel_loop3A_633] {strides = array<i32>} : memref<400x64xf32, #tpu.memory_space<vmem>>, vector<1x16xf32>,
        %parallel_loop3A_635 = vector.shape_cast %parallel_loop3A_634 : vector<1x16xf32> to vector<16xf32>
        %parallel_loop3A_636 = vector.shape_cast %parallel_loop3A_631 : vector<16xf32> to vector<1x16xf32>
        tpu.vector_store %arg9[%parallel_loop3A_632, %parallel_loop3A_633], %parallel_loop3A_636 {strides = array<i32>} : memref<400x64xf32, #tpu.memory_space<vmem>>, vector<1x16xf32>,
        %parallel_loop3A_637 = arith.constant 16 : i32
        %parallel_loop3A_638 = arith.addi %parallel_loop3A_214, %parallel_loop3A_637 : i32
        %parallel_loop3A_639 = arith.index_cast %parallel_loop3A_638 : i32 to index
        %parallel_loop3A_640 = tpu.vector_load %arg5[%parallel_loop3A_639] {strides = array<i32>} : memref<8192xf32, #tpu.memory_space<vmem>>, vector<16xf32>,
        %parallel_loop3A_641 = vector.shape_cast %parallel_loop3A_640 : vector<16xf32> to vector<16xf32>
        %parallel_loop3A_642 = arith.index_cast %parallel_loop3A_626 : i32 to index
        %parallel_loop3A_643 = arith.constant 16 : index
        %parallel_loop3A_644 = tpu.vector_load %arg9[%parallel_loop3A_642, %parallel_loop3A_643] {strides = array<i32>} : memref<400x64xf32, #tpu.memory_space<vmem>>, vector<1x16xf32>,
        %parallel_loop3A_645 = vector.shape_cast %parallel_loop3A_644 : vector<1x16xf32> to vector<16xf32>
        %parallel_loop3A_646 = vector.shape_cast %parallel_loop3A_641 : vector<16xf32> to vector<1x16xf32>
        tpu.vector_store %arg9[%parallel_loop3A_642, %parallel_loop3A_643], %parallel_loop3A_646 {strides = array<i32>} : memref<400x64xf32, #tpu.memory_space<vmem>>, vector<1x16xf32>,
        %parallel_loop3A_647 = arith.constant 32 : i32
        %parallel_loop3A_648 = arith.addi %parallel_loop3A_214, %parallel_loop3A_647 : i32
        %parallel_loop3A_649 = arith.index_cast %parallel_loop3A_648 : i32 to index
        %parallel_loop3A_650 = tpu.vector_load %arg5[%parallel_loop3A_649] {strides = array<i32>} : memref<8192xf32, #tpu.memory_space<vmem>>, vector<16xf32>,
        %parallel_loop3A_651 = vector.shape_cast %parallel_loop3A_650 : vector<16xf32> to vector<16xf32>
        %parallel_loop3A_652 = arith.index_cast %parallel_loop3A_626 : i32 to index
        %parallel_loop3A_653 = arith.constant 32 : index
        %parallel_loop3A_654 = tpu.vector_load %arg9[%parallel_loop3A_652, %parallel_loop3A_653] {strides = array<i32>} : memref<400x64xf32, #tpu.memory_space<vmem>>, vector<1x16xf32>,
        %parallel_loop3A_655 = vector.shape_cast %parallel_loop3A_654 : vector<1x16xf32> to vector<16xf32>
        %parallel_loop3A_656 = vector.shape_cast %parallel_loop3A_651 : vector<16xf32> to vector<1x16xf32>
        tpu.vector_store %arg9[%parallel_loop3A_652, %parallel_loop3A_653], %parallel_loop3A_656 {strides = array<i32>} : memref<400x64xf32, #tpu.memory_space<vmem>>, vector<1x16xf32>,
        %parallel_loop3A_657 = arith.constant 48 : i32
        %parallel_loop3A_658 = arith.addi %parallel_loop3A_214, %parallel_loop3A_657 : i32
        %parallel_loop3A_659 = arith.index_cast %parallel_loop3A_658 : i32 to index
        %parallel_loop3A_660 = tpu.vector_load %arg5[%parallel_loop3A_659] {strides = array<i32>} : memref<8192xf32, #tpu.memory_space<vmem>>, vector<16xf32>,
        %parallel_loop3A_661 = vector.shape_cast %parallel_loop3A_660 : vector<16xf32> to vector<16xf32>
        %parallel_loop3A_662 = arith.index_cast %parallel_loop3A_626 : i32 to index
        %parallel_loop3A_663 = arith.constant 48 : index
        %parallel_loop3A_664 = tpu.vector_load %arg9[%parallel_loop3A_662, %parallel_loop3A_663] {strides = array<i32>} : memref<400x64xf32, #tpu.memory_space<vmem>>, vector<1x16xf32>,
        %parallel_loop3A_665 = vector.shape_cast %parallel_loop3A_664 : vector<1x16xf32> to vector<16xf32>
        %parallel_loop3A_666 = vector.shape_cast %parallel_loop3A_661 : vector<16xf32> to vector<1x16xf32>
        tpu.vector_store %arg9[%parallel_loop3A_662, %parallel_loop3A_663], %parallel_loop3A_666 {strides = array<i32>} : memref<400x64xf32, #tpu.memory_space<vmem>>, vector<1x16xf32>,
        %parallel_loop3A_667 = arith.constant 16 : i32
        %parallel_loop3A_668 = arith.muli %parallel_loop3A_186, %parallel_loop3A_667 : i32
        %parallel_loop3A_669 = arith.constant 10 : i32
        %parallel_loop3A_670 = arith.addi %parallel_loop3A_668, %parallel_loop3A_669 : i32
        %parallel_loop3A_671 = arith.constant 0 : i32
        %parallel_loop3A_672 = arith.addi %parallel_loop3A_216, %parallel_loop3A_671 : i32
        %parallel_loop3A_673 = arith.index_cast %parallel_loop3A_672 : i32 to index
        %parallel_loop3A_674 = tpu.vector_load %arg5[%parallel_loop3A_673] {strides = array<i32>} : memref<8192xf32, #tpu.memory_space<vmem>>, vector<16xf32>,
        %parallel_loop3A_675 = vector.shape_cast %parallel_loop3A_674 : vector<16xf32> to vector<16xf32>
        %parallel_loop3A_676 = arith.index_cast %parallel_loop3A_670 : i32 to index
        %parallel_loop3A_677 = arith.constant 0 : index
        %parallel_loop3A_678 = tpu.vector_load %arg9[%parallel_loop3A_676, %parallel_loop3A_677] {strides = array<i32>} : memref<400x64xf32, #tpu.memory_space<vmem>>, vector<1x16xf32>,
        %parallel_loop3A_679 = vector.shape_cast %parallel_loop3A_678 : vector<1x16xf32> to vector<16xf32>
        %parallel_loop3A_680 = vector.shape_cast %parallel_loop3A_675 : vector<16xf32> to vector<1x16xf32>
        tpu.vector_store %arg9[%parallel_loop3A_676, %parallel_loop3A_677], %parallel_loop3A_680 {strides = array<i32>} : memref<400x64xf32, #tpu.memory_space<vmem>>, vector<1x16xf32>,
        %parallel_loop3A_681 = arith.constant 16 : i32
        %parallel_loop3A_682 = arith.addi %parallel_loop3A_216, %parallel_loop3A_681 : i32
        %parallel_loop3A_683 = arith.index_cast %parallel_loop3A_682 : i32 to index
        %parallel_loop3A_684 = tpu.vector_load %arg5[%parallel_loop3A_683] {strides = array<i32>} : memref<8192xf32, #tpu.memory_space<vmem>>, vector<16xf32>,
        %parallel_loop3A_685 = vector.shape_cast %parallel_loop3A_684 : vector<16xf32> to vector<16xf32>
        %parallel_loop3A_686 = arith.index_cast %parallel_loop3A_670 : i32 to index
        %parallel_loop3A_687 = arith.constant 16 : index
        %parallel_loop3A_688 = tpu.vector_load %arg9[%parallel_loop3A_686, %parallel_loop3A_687] {strides = array<i32>} : memref<400x64xf32, #tpu.memory_space<vmem>>, vector<1x16xf32>,
        %parallel_loop3A_689 = vector.shape_cast %parallel_loop3A_688 : vector<1x16xf32> to vector<16xf32>
        %parallel_loop3A_690 = vector.shape_cast %parallel_loop3A_685 : vector<16xf32> to vector<1x16xf32>
        tpu.vector_store %arg9[%parallel_loop3A_686, %parallel_loop3A_687], %parallel_loop3A_690 {strides = array<i32>} : memref<400x64xf32, #tpu.memory_space<vmem>>, vector<1x16xf32>,
        %parallel_loop3A_691 = arith.constant 32 : i32
        %parallel_loop3A_692 = arith.addi %parallel_loop3A_216, %parallel_loop3A_691 : i32
        %parallel_loop3A_693 = arith.index_cast %parallel_loop3A_692 : i32 to index
        %parallel_loop3A_694 = tpu.vector_load %arg5[%parallel_loop3A_693] {strides = array<i32>} : memref<8192xf32, #tpu.memory_space<vmem>>, vector<16xf32>,
        %parallel_loop3A_695 = vector.shape_cast %parallel_loop3A_694 : vector<16xf32> to vector<16xf32>
        %parallel_loop3A_696 = arith.index_cast %parallel_loop3A_670 : i32 to index
        %parallel_loop3A_697 = arith.constant 32 : index
        %parallel_loop3A_698 = tpu.vector_load %arg9[%parallel_loop3A_696, %parallel_loop3A_697] {strides = array<i32>} : memref<400x64xf32, #tpu.memory_space<vmem>>, vector<1x16xf32>,
        %parallel_loop3A_699 = vector.shape_cast %parallel_loop3A_698 : vector<1x16xf32> to vector<16xf32>
        %parallel_loop3A_700 = vector.shape_cast %parallel_loop3A_695 : vector<16xf32> to vector<1x16xf32>
        tpu.vector_store %arg9[%parallel_loop3A_696, %parallel_loop3A_697], %parallel_loop3A_700 {strides = array<i32>} : memref<400x64xf32, #tpu.memory_space<vmem>>, vector<1x16xf32>,
        %parallel_loop3A_701 = arith.constant 48 : i32
        %parallel_loop3A_702 = arith.addi %parallel_loop3A_216, %parallel_loop3A_701 : i32
        %parallel_loop3A_703 = arith.index_cast %parallel_loop3A_702 : i32 to index
        %parallel_loop3A_704 = tpu.vector_load %arg5[%parallel_loop3A_703] {strides = array<i32>} : memref<8192xf32, #tpu.memory_space<vmem>>, vector<16xf32>,
        %parallel_loop3A_705 = vector.shape_cast %parallel_loop3A_704 : vector<16xf32> to vector<16xf32>
        %parallel_loop3A_706 = arith.index_cast %parallel_loop3A_670 : i32 to index
        %parallel_loop3A_707 = arith.constant 48 : index
        %parallel_loop3A_708 = tpu.vector_load %arg9[%parallel_loop3A_706, %parallel_loop3A_707] {strides = array<i32>} : memref<400x64xf32, #tpu.memory_space<vmem>>, vector<1x16xf32>,
        %parallel_loop3A_709 = vector.shape_cast %parallel_loop3A_708 : vector<1x16xf32> to vector<16xf32>
        %parallel_loop3A_710 = vector.shape_cast %parallel_loop3A_705 : vector<16xf32> to vector<1x16xf32>
        tpu.vector_store %arg9[%parallel_loop3A_706, %parallel_loop3A_707], %parallel_loop3A_710 {strides = array<i32>} : memref<400x64xf32, #tpu.memory_space<vmem>>, vector<1x16xf32>,
        %parallel_loop3A_711 = arith.constant 16 : i32
        %parallel_loop3A_712 = arith.muli %parallel_loop3A_186, %parallel_loop3A_711 : i32
        %parallel_loop3A_713 = arith.constant 11 : i32
        %parallel_loop3A_714 = arith.addi %parallel_loop3A_712, %parallel_loop3A_713 : i32
        %parallel_loop3A_715 = arith.constant 0 : i32
        %parallel_loop3A_716 = arith.addi %parallel_loop3A_218, %parallel_loop3A_715 : i32
        %parallel_loop3A_717 = arith.index_cast %parallel_loop3A_716 : i32 to index
        %parallel_loop3A_718 = tpu.vector_load %arg5[%parallel_loop3A_717] {strides = array<i32>} : memref<8192xf32, #tpu.memory_space<vmem>>, vector<16xf32>,
        %parallel_loop3A_719 = vector.shape_cast %parallel_loop3A_718 : vector<16xf32> to vector<16xf32>
        %parallel_loop3A_720 = arith.index_cast %parallel_loop3A_714 : i32 to index
        %parallel_loop3A_721 = arith.constant 0 : index
        %parallel_loop3A_722 = tpu.vector_load %arg9[%parallel_loop3A_720, %parallel_loop3A_721] {strides = array<i32>} : memref<400x64xf32, #tpu.memory_space<vmem>>, vector<1x16xf32>,
        %parallel_loop3A_723 = vector.shape_cast %parallel_loop3A_722 : vector<1x16xf32> to vector<16xf32>
        %parallel_loop3A_724 = vector.shape_cast %parallel_loop3A_719 : vector<16xf32> to vector<1x16xf32>
        tpu.vector_store %arg9[%parallel_loop3A_720, %parallel_loop3A_721], %parallel_loop3A_724 {strides = array<i32>} : memref<400x64xf32, #tpu.memory_space<vmem>>, vector<1x16xf32>,
        %parallel_loop3A_725 = arith.constant 16 : i32
        %parallel_loop3A_726 = arith.addi %parallel_loop3A_218, %parallel_loop3A_725 : i32
        %parallel_loop3A_727 = arith.index_cast %parallel_loop3A_726 : i32 to index
        %parallel_loop3A_728 = tpu.vector_load %arg5[%parallel_loop3A_727] {strides = array<i32>} : memref<8192xf32, #tpu.memory_space<vmem>>, vector<16xf32>,
        %parallel_loop3A_729 = vector.shape_cast %parallel_loop3A_728 : vector<16xf32> to vector<16xf32>
        %parallel_loop3A_730 = arith.index_cast %parallel_loop3A_714 : i32 to index
        %parallel_loop3A_731 = arith.constant 16 : index
        %parallel_loop3A_732 = tpu.vector_load %arg9[%parallel_loop3A_730, %parallel_loop3A_731] {strides = array<i32>} : memref<400x64xf32, #tpu.memory_space<vmem>>, vector<1x16xf32>,
        %parallel_loop3A_733 = vector.shape_cast %parallel_loop3A_732 : vector<1x16xf32> to vector<16xf32>
        %parallel_loop3A_734 = vector.shape_cast %parallel_loop3A_729 : vector<16xf32> to vector<1x16xf32>
        tpu.vector_store %arg9[%parallel_loop3A_730, %parallel_loop3A_731], %parallel_loop3A_734 {strides = array<i32>} : memref<400x64xf32, #tpu.memory_space<vmem>>, vector<1x16xf32>,
        %parallel_loop3A_735 = arith.constant 32 : i32
        %parallel_loop3A_736 = arith.addi %parallel_loop3A_218, %parallel_loop3A_735 : i32
        %parallel_loop3A_737 = arith.index_cast %parallel_loop3A_736 : i32 to index
        %parallel_loop3A_738 = tpu.vector_load %arg5[%parallel_loop3A_737] {strides = array<i32>} : memref<8192xf32, #tpu.memory_space<vmem>>, vector<16xf32>,
        %parallel_loop3A_739 = vector.shape_cast %parallel_loop3A_738 : vector<16xf32> to vector<16xf32>
        %parallel_loop3A_740 = arith.index_cast %parallel_loop3A_714 : i32 to index
        %parallel_loop3A_741 = arith.constant 32 : index
        %parallel_loop3A_742 = tpu.vector_load %arg9[%parallel_loop3A_740, %parallel_loop3A_741] {strides = array<i32>} : memref<400x64xf32, #tpu.memory_space<vmem>>, vector<1x16xf32>,
        %parallel_loop3A_743 = vector.shape_cast %parallel_loop3A_742 : vector<1x16xf32> to vector<16xf32>
        %parallel_loop3A_744 = vector.shape_cast %parallel_loop3A_739 : vector<16xf32> to vector<1x16xf32>
        tpu.vector_store %arg9[%parallel_loop3A_740, %parallel_loop3A_741], %parallel_loop3A_744 {strides = array<i32>} : memref<400x64xf32, #tpu.memory_space<vmem>>, vector<1x16xf32>,
        %parallel_loop3A_745 = arith.constant 48 : i32
        %parallel_loop3A_746 = arith.addi %parallel_loop3A_218, %parallel_loop3A_745 : i32
        %parallel_loop3A_747 = arith.index_cast %parallel_loop3A_746 : i32 to index
        %parallel_loop3A_748 = tpu.vector_load %arg5[%parallel_loop3A_747] {strides = array<i32>} : memref<8192xf32, #tpu.memory_space<vmem>>, vector<16xf32>,
        %parallel_loop3A_749 = vector.shape_cast %parallel_loop3A_748 : vector<16xf32> to vector<16xf32>
        %parallel_loop3A_750 = arith.index_cast %parallel_loop3A_714 : i32 to index
        %parallel_loop3A_751 = arith.constant 48 : index
        %parallel_loop3A_752 = tpu.vector_load %arg9[%parallel_loop3A_750, %parallel_loop3A_751] {strides = array<i32>} : memref<400x64xf32, #tpu.memory_space<vmem>>, vector<1x16xf32>,
        %parallel_loop3A_753 = vector.shape_cast %parallel_loop3A_752 : vector<1x16xf32> to vector<16xf32>
        %parallel_loop3A_754 = vector.shape_cast %parallel_loop3A_749 : vector<16xf32> to vector<1x16xf32>
        tpu.vector_store %arg9[%parallel_loop3A_750, %parallel_loop3A_751], %parallel_loop3A_754 {strides = array<i32>} : memref<400x64xf32, #tpu.memory_space<vmem>>, vector<1x16xf32>,
        %parallel_loop3A_755 = arith.constant 16 : i32
        %parallel_loop3A_756 = arith.muli %parallel_loop3A_186, %parallel_loop3A_755 : i32
        %parallel_loop3A_757 = arith.constant 12 : i32
        %parallel_loop3A_758 = arith.addi %parallel_loop3A_756, %parallel_loop3A_757 : i32
        %parallel_loop3A_759 = arith.constant 0 : i32
        %parallel_loop3A_760 = arith.addi %parallel_loop3A_220, %parallel_loop3A_759 : i32
        %parallel_loop3A_761 = arith.index_cast %parallel_loop3A_760 : i32 to index
        %parallel_loop3A_762 = tpu.vector_load %arg5[%parallel_loop3A_761] {strides = array<i32>} : memref<8192xf32, #tpu.memory_space<vmem>>, vector<16xf32>,
        %parallel_loop3A_763 = vector.shape_cast %parallel_loop3A_762 : vector<16xf32> to vector<16xf32>
        %parallel_loop3A_764 = arith.index_cast %parallel_loop3A_758 : i32 to index
        %parallel_loop3A_765 = arith.constant 0 : index
        %parallel_loop3A_766 = tpu.vector_load %arg9[%parallel_loop3A_764, %parallel_loop3A_765] {strides = array<i32>} : memref<400x64xf32, #tpu.memory_space<vmem>>, vector<1x16xf32>,
        %parallel_loop3A_767 = vector.shape_cast %parallel_loop3A_766 : vector<1x16xf32> to vector<16xf32>
        %parallel_loop3A_768 = vector.shape_cast %parallel_loop3A_763 : vector<16xf32> to vector<1x16xf32>
        tpu.vector_store %arg9[%parallel_loop3A_764, %parallel_loop3A_765], %parallel_loop3A_768 {strides = array<i32>} : memref<400x64xf32, #tpu.memory_space<vmem>>, vector<1x16xf32>,
        %parallel_loop3A_769 = arith.constant 16 : i32
        %parallel_loop3A_770 = arith.addi %parallel_loop3A_220, %parallel_loop3A_769 : i32
        %parallel_loop3A_771 = arith.index_cast %parallel_loop3A_770 : i32 to index
        %parallel_loop3A_772 = tpu.vector_load %arg5[%parallel_loop3A_771] {strides = array<i32>} : memref<8192xf32, #tpu.memory_space<vmem>>, vector<16xf32>,
        %parallel_loop3A_773 = vector.shape_cast %parallel_loop3A_772 : vector<16xf32> to vector<16xf32>
        %parallel_loop3A_774 = arith.index_cast %parallel_loop3A_758 : i32 to index
        %parallel_loop3A_775 = arith.constant 16 : index
        %parallel_loop3A_776 = tpu.vector_load %arg9[%parallel_loop3A_774, %parallel_loop3A_775] {strides = array<i32>} : memref<400x64xf32, #tpu.memory_space<vmem>>, vector<1x16xf32>,
        %parallel_loop3A_777 = vector.shape_cast %parallel_loop3A_776 : vector<1x16xf32> to vector<16xf32>
        %parallel_loop3A_778 = vector.shape_cast %parallel_loop3A_773 : vector<16xf32> to vector<1x16xf32>
        tpu.vector_store %arg9[%parallel_loop3A_774, %parallel_loop3A_775], %parallel_loop3A_778 {strides = array<i32>} : memref<400x64xf32, #tpu.memory_space<vmem>>, vector<1x16xf32>,
        %parallel_loop3A_779 = arith.constant 32 : i32
        %parallel_loop3A_780 = arith.addi %parallel_loop3A_220, %parallel_loop3A_779 : i32
        %parallel_loop3A_781 = arith.index_cast %parallel_loop3A_780 : i32 to index
        %parallel_loop3A_782 = tpu.vector_load %arg5[%parallel_loop3A_781] {strides = array<i32>} : memref<8192xf32, #tpu.memory_space<vmem>>, vector<16xf32>,
        %parallel_loop3A_783 = vector.shape_cast %parallel_loop3A_782 : vector<16xf32> to vector<16xf32>
        %parallel_loop3A_784 = arith.index_cast %parallel_loop3A_758 : i32 to index
        %parallel_loop3A_785 = arith.constant 32 : index
        %parallel_loop3A_786 = tpu.vector_load %arg9[%parallel_loop3A_784, %parallel_loop3A_785] {strides = array<i32>} : memref<400x64xf32, #tpu.memory_space<vmem>>, vector<1x16xf32>,
        %parallel_loop3A_787 = vector.shape_cast %parallel_loop3A_786 : vector<1x16xf32> to vector<16xf32>
        %parallel_loop3A_788 = vector.shape_cast %parallel_loop3A_783 : vector<16xf32> to vector<1x16xf32>
        tpu.vector_store %arg9[%parallel_loop3A_784, %parallel_loop3A_785], %parallel_loop3A_788 {strides = array<i32>} : memref<400x64xf32, #tpu.memory_space<vmem>>, vector<1x16xf32>,
        %parallel_loop3A_789 = arith.constant 48 : i32
        %parallel_loop3A_790 = arith.addi %parallel_loop3A_220, %parallel_loop3A_789 : i32
        %parallel_loop3A_791 = arith.index_cast %parallel_loop3A_790 : i32 to index
        %parallel_loop3A_792 = tpu.vector_load %arg5[%parallel_loop3A_791] {strides = array<i32>} : memref<8192xf32, #tpu.memory_space<vmem>>, vector<16xf32>,
        %parallel_loop3A_793 = vector.shape_cast %parallel_loop3A_792 : vector<16xf32> to vector<16xf32>
        %parallel_loop3A_794 = arith.index_cast %parallel_loop3A_758 : i32 to index
        %parallel_loop3A_795 = arith.constant 48 : index
        %parallel_loop3A_796 = tpu.vector_load %arg9[%parallel_loop3A_794, %parallel_loop3A_795] {strides = array<i32>} : memref<400x64xf32, #tpu.memory_space<vmem>>, vector<1x16xf32>,
        %parallel_loop3A_797 = vector.shape_cast %parallel_loop3A_796 : vector<1x16xf32> to vector<16xf32>
        %parallel_loop3A_798 = vector.shape_cast %parallel_loop3A_793 : vector<16xf32> to vector<1x16xf32>
        tpu.vector_store %arg9[%parallel_loop3A_794, %parallel_loop3A_795], %parallel_loop3A_798 {strides = array<i32>} : memref<400x64xf32, #tpu.memory_space<vmem>>, vector<1x16xf32>,
        %parallel_loop3A_799 = arith.constant 16 : i32
        %parallel_loop3A_800 = arith.muli %parallel_loop3A_186, %parallel_loop3A_799 : i32
        %parallel_loop3A_801 = arith.constant 13 : i32
        %parallel_loop3A_802 = arith.addi %parallel_loop3A_800, %parallel_loop3A_801 : i32
        %parallel_loop3A_803 = arith.constant 0 : i32
        %parallel_loop3A_804 = arith.addi %parallel_loop3A_222, %parallel_loop3A_803 : i32
        %parallel_loop3A_805 = arith.index_cast %parallel_loop3A_804 : i32 to index
        %parallel_loop3A_806 = tpu.vector_load %arg5[%parallel_loop3A_805] {strides = array<i32>} : memref<8192xf32, #tpu.memory_space<vmem>>, vector<16xf32>,
        %parallel_loop3A_807 = vector.shape_cast %parallel_loop3A_806 : vector<16xf32> to vector<16xf32>
        %parallel_loop3A_808 = arith.index_cast %parallel_loop3A_802 : i32 to index
        %parallel_loop3A_809 = arith.constant 0 : index
        %parallel_loop3A_810 = tpu.vector_load %arg9[%parallel_loop3A_808, %parallel_loop3A_809] {strides = array<i32>} : memref<400x64xf32, #tpu.memory_space<vmem>>, vector<1x16xf32>,
        %parallel_loop3A_811 = vector.shape_cast %parallel_loop3A_810 : vector<1x16xf32> to vector<16xf32>
        %parallel_loop3A_812 = vector.shape_cast %parallel_loop3A_807 : vector<16xf32> to vector<1x16xf32>
        tpu.vector_store %arg9[%parallel_loop3A_808, %parallel_loop3A_809], %parallel_loop3A_812 {strides = array<i32>} : memref<400x64xf32, #tpu.memory_space<vmem>>, vector<1x16xf32>,
        %parallel_loop3A_813 = arith.constant 16 : i32
        %parallel_loop3A_814 = arith.addi %parallel_loop3A_222, %parallel_loop3A_813 : i32
        %parallel_loop3A_815 = arith.index_cast %parallel_loop3A_814 : i32 to index
        %parallel_loop3A_816 = tpu.vector_load %arg5[%parallel_loop3A_815] {strides = array<i32>} : memref<8192xf32, #tpu.memory_space<vmem>>, vector<16xf32>,
        %parallel_loop3A_817 = vector.shape_cast %parallel_loop3A_816 : vector<16xf32> to vector<16xf32>
        %parallel_loop3A_818 = arith.index_cast %parallel_loop3A_802 : i32 to index
        %parallel_loop3A_819 = arith.constant 16 : index
        %parallel_loop3A_820 = tpu.vector_load %arg9[%parallel_loop3A_818, %parallel_loop3A_819] {strides = array<i32>} : memref<400x64xf32, #tpu.memory_space<vmem>>, vector<1x16xf32>,
        %parallel_loop3A_821 = vector.shape_cast %parallel_loop3A_820 : vector<1x16xf32> to vector<16xf32>
        %parallel_loop3A_822 = vector.shape_cast %parallel_loop3A_817 : vector<16xf32> to vector<1x16xf32>
        tpu.vector_store %arg9[%parallel_loop3A_818, %parallel_loop3A_819], %parallel_loop3A_822 {strides = array<i32>} : memref<400x64xf32, #tpu.memory_space<vmem>>, vector<1x16xf32>,
        %parallel_loop3A_823 = arith.constant 32 : i32
        %parallel_loop3A_824 = arith.addi %parallel_loop3A_222, %parallel_loop3A_823 : i32
        %parallel_loop3A_825 = arith.index_cast %parallel_loop3A_824 : i32 to index
        %parallel_loop3A_826 = tpu.vector_load %arg5[%parallel_loop3A_825] {strides = array<i32>} : memref<8192xf32, #tpu.memory_space<vmem>>, vector<16xf32>,
        %parallel_loop3A_827 = vector.shape_cast %parallel_loop3A_826 : vector<16xf32> to vector<16xf32>
        %parallel_loop3A_828 = arith.index_cast %parallel_loop3A_802 : i32 to index
        %parallel_loop3A_829 = arith.constant 32 : index
        %parallel_loop3A_830 = tpu.vector_load %arg9[%parallel_loop3A_828, %parallel_loop3A_829] {strides = array<i32>} : memref<400x64xf32, #tpu.memory_space<vmem>>, vector<1x16xf32>,
        %parallel_loop3A_831 = vector.shape_cast %parallel_loop3A_830 : vector<1x16xf32> to vector<16xf32>
        %parallel_loop3A_832 = vector.shape_cast %parallel_loop3A_827 : vector<16xf32> to vector<1x16xf32>
        tpu.vector_store %arg9[%parallel_loop3A_828, %parallel_loop3A_829], %parallel_loop3A_832 {strides = array<i32>} : memref<400x64xf32, #tpu.memory_space<vmem>>, vector<1x16xf32>,
        %parallel_loop3A_833 = arith.constant 48 : i32
        %parallel_loop3A_834 = arith.addi %parallel_loop3A_222, %parallel_loop3A_833 : i32
        %parallel_loop3A_835 = arith.index_cast %parallel_loop3A_834 : i32 to index
        %parallel_loop3A_836 = tpu.vector_load %arg5[%parallel_loop3A_835] {strides = array<i32>} : memref<8192xf32, #tpu.memory_space<vmem>>, vector<16xf32>,
        %parallel_loop3A_837 = vector.shape_cast %parallel_loop3A_836 : vector<16xf32> to vector<16xf32>
        %parallel_loop3A_838 = arith.index_cast %parallel_loop3A_802 : i32 to index
        %parallel_loop3A_839 = arith.constant 48 : index
        %parallel_loop3A_840 = tpu.vector_load %arg9[%parallel_loop3A_838, %parallel_loop3A_839] {strides = array<i32>} : memref<400x64xf32, #tpu.memory_space<vmem>>, vector<1x16xf32>,
        %parallel_loop3A_841 = vector.shape_cast %parallel_loop3A_840 : vector<1x16xf32> to vector<16xf32>
        %parallel_loop3A_842 = vector.shape_cast %parallel_loop3A_837 : vector<16xf32> to vector<1x16xf32>
        tpu.vector_store %arg9[%parallel_loop3A_838, %parallel_loop3A_839], %parallel_loop3A_842 {strides = array<i32>} : memref<400x64xf32, #tpu.memory_space<vmem>>, vector<1x16xf32>,
        %parallel_loop3A_843 = arith.constant 16 : i32
        %parallel_loop3A_844 = arith.muli %parallel_loop3A_186, %parallel_loop3A_843 : i32
        %parallel_loop3A_845 = arith.constant 14 : i32
        %parallel_loop3A_846 = arith.addi %parallel_loop3A_844, %parallel_loop3A_845 : i32
        %parallel_loop3A_847 = arith.constant 0 : i32
        %parallel_loop3A_848 = arith.addi %parallel_loop3A_224, %parallel_loop3A_847 : i32
        %parallel_loop3A_849 = arith.index_cast %parallel_loop3A_848 : i32 to index
        %parallel_loop3A_850 = tpu.vector_load %arg5[%parallel_loop3A_849] {strides = array<i32>} : memref<8192xf32, #tpu.memory_space<vmem>>, vector<16xf32>,
        %parallel_loop3A_851 = vector.shape_cast %parallel_loop3A_850 : vector<16xf32> to vector<16xf32>
        %parallel_loop3A_852 = arith.index_cast %parallel_loop3A_846 : i32 to index
        %parallel_loop3A_853 = arith.constant 0 : index
        %parallel_loop3A_854 = tpu.vector_load %arg9[%parallel_loop3A_852, %parallel_loop3A_853] {strides = array<i32>} : memref<400x64xf32, #tpu.memory_space<vmem>>, vector<1x16xf32>,
        %parallel_loop3A_855 = vector.shape_cast %parallel_loop3A_854 : vector<1x16xf32> to vector<16xf32>
        %parallel_loop3A_856 = vector.shape_cast %parallel_loop3A_851 : vector<16xf32> to vector<1x16xf32>
        tpu.vector_store %arg9[%parallel_loop3A_852, %parallel_loop3A_853], %parallel_loop3A_856 {strides = array<i32>} : memref<400x64xf32, #tpu.memory_space<vmem>>, vector<1x16xf32>,
        %parallel_loop3A_857 = arith.constant 16 : i32
        %parallel_loop3A_858 = arith.addi %parallel_loop3A_224, %parallel_loop3A_857 : i32
        %parallel_loop3A_859 = arith.index_cast %parallel_loop3A_858 : i32 to index
        %parallel_loop3A_860 = tpu.vector_load %arg5[%parallel_loop3A_859] {strides = array<i32>} : memref<8192xf32, #tpu.memory_space<vmem>>, vector<16xf32>,
        %parallel_loop3A_861 = vector.shape_cast %parallel_loop3A_860 : vector<16xf32> to vector<16xf32>
        %parallel_loop3A_862 = arith.index_cast %parallel_loop3A_846 : i32 to index
        %parallel_loop3A_863 = arith.constant 16 : index
        %parallel_loop3A_864 = tpu.vector_load %arg9[%parallel_loop3A_862, %parallel_loop3A_863] {strides = array<i32>} : memref<400x64xf32, #tpu.memory_space<vmem>>, vector<1x16xf32>,
        %parallel_loop3A_865 = vector.shape_cast %parallel_loop3A_864 : vector<1x16xf32> to vector<16xf32>
        %parallel_loop3A_866 = vector.shape_cast %parallel_loop3A_861 : vector<16xf32> to vector<1x16xf32>
        tpu.vector_store %arg9[%parallel_loop3A_862, %parallel_loop3A_863], %parallel_loop3A_866 {strides = array<i32>} : memref<400x64xf32, #tpu.memory_space<vmem>>, vector<1x16xf32>,
        %parallel_loop3A_867 = arith.constant 32 : i32
        %parallel_loop3A_868 = arith.addi %parallel_loop3A_224, %parallel_loop3A_867 : i32
        %parallel_loop3A_869 = arith.index_cast %parallel_loop3A_868 : i32 to index
        %parallel_loop3A_870 = tpu.vector_load %arg5[%parallel_loop3A_869] {strides = array<i32>} : memref<8192xf32, #tpu.memory_space<vmem>>, vector<16xf32>,
        %parallel_loop3A_871 = vector.shape_cast %parallel_loop3A_870 : vector<16xf32> to vector<16xf32>
        %parallel_loop3A_872 = arith.index_cast %parallel_loop3A_846 : i32 to index
        %parallel_loop3A_873 = arith.constant 32 : index
        %parallel_loop3A_874 = tpu.vector_load %arg9[%parallel_loop3A_872, %parallel_loop3A_873] {strides = array<i32>} : memref<400x64xf32, #tpu.memory_space<vmem>>, vector<1x16xf32>,
        %parallel_loop3A_875 = vector.shape_cast %parallel_loop3A_874 : vector<1x16xf32> to vector<16xf32>
        %parallel_loop3A_876 = vector.shape_cast %parallel_loop3A_871 : vector<16xf32> to vector<1x16xf32>
        tpu.vector_store %arg9[%parallel_loop3A_872, %parallel_loop3A_873], %parallel_loop3A_876 {strides = array<i32>} : memref<400x64xf32, #tpu.memory_space<vmem>>, vector<1x16xf32>,
        %parallel_loop3A_877 = arith.constant 48 : i32
        %parallel_loop3A_878 = arith.addi %parallel_loop3A_224, %parallel_loop3A_877 : i32
        %parallel_loop3A_879 = arith.index_cast %parallel_loop3A_878 : i32 to index
        %parallel_loop3A_880 = tpu.vector_load %arg5[%parallel_loop3A_879] {strides = array<i32>} : memref<8192xf32, #tpu.memory_space<vmem>>, vector<16xf32>,
        %parallel_loop3A_881 = vector.shape_cast %parallel_loop3A_880 : vector<16xf32> to vector<16xf32>
        %parallel_loop3A_882 = arith.index_cast %parallel_loop3A_846 : i32 to index
        %parallel_loop3A_883 = arith.constant 48 : index
        %parallel_loop3A_884 = tpu.vector_load %arg9[%parallel_loop3A_882, %parallel_loop3A_883] {strides = array<i32>} : memref<400x64xf32, #tpu.memory_space<vmem>>, vector<1x16xf32>,
        %parallel_loop3A_885 = vector.shape_cast %parallel_loop3A_884 : vector<1x16xf32> to vector<16xf32>
        %parallel_loop3A_886 = vector.shape_cast %parallel_loop3A_881 : vector<16xf32> to vector<1x16xf32>
        tpu.vector_store %arg9[%parallel_loop3A_882, %parallel_loop3A_883], %parallel_loop3A_886 {strides = array<i32>} : memref<400x64xf32, #tpu.memory_space<vmem>>, vector<1x16xf32>,
        %parallel_loop3A_887 = arith.constant 16 : i32
        %parallel_loop3A_888 = arith.muli %parallel_loop3A_186, %parallel_loop3A_887 : i32
        %parallel_loop3A_889 = arith.constant 15 : i32
        %parallel_loop3A_890 = arith.addi %parallel_loop3A_888, %parallel_loop3A_889 : i32
        %parallel_loop3A_891 = arith.constant 0 : i32
        %parallel_loop3A_892 = arith.addi %parallel_loop3A_226, %parallel_loop3A_891 : i32
        %parallel_loop3A_893 = arith.index_cast %parallel_loop3A_892 : i32 to index
        %parallel_loop3A_894 = tpu.vector_load %arg5[%parallel_loop3A_893] {strides = array<i32>} : memref<8192xf32, #tpu.memory_space<vmem>>, vector<16xf32>,
        %parallel_loop3A_895 = vector.shape_cast %parallel_loop3A_894 : vector<16xf32> to vector<16xf32>
        %parallel_loop3A_896 = arith.index_cast %parallel_loop3A_890 : i32 to index
        %parallel_loop3A_897 = arith.constant 0 : index
        %parallel_loop3A_898 = tpu.vector_load %arg9[%parallel_loop3A_896, %parallel_loop3A_897] {strides = array<i32>} : memref<400x64xf32, #tpu.memory_space<vmem>>, vector<1x16xf32>,
        %parallel_loop3A_899 = vector.shape_cast %parallel_loop3A_898 : vector<1x16xf32> to vector<16xf32>
        %parallel_loop3A_900 = vector.shape_cast %parallel_loop3A_895 : vector<16xf32> to vector<1x16xf32>
        tpu.vector_store %arg9[%parallel_loop3A_896, %parallel_loop3A_897], %parallel_loop3A_900 {strides = array<i32>} : memref<400x64xf32, #tpu.memory_space<vmem>>, vector<1x16xf32>,
        %parallel_loop3A_901 = arith.constant 16 : i32
        %parallel_loop3A_902 = arith.addi %parallel_loop3A_226, %parallel_loop3A_901 : i32
        %parallel_loop3A_903 = arith.index_cast %parallel_loop3A_902 : i32 to index
        %parallel_loop3A_904 = tpu.vector_load %arg5[%parallel_loop3A_903] {strides = array<i32>} : memref<8192xf32, #tpu.memory_space<vmem>>, vector<16xf32>,
        %parallel_loop3A_905 = vector.shape_cast %parallel_loop3A_904 : vector<16xf32> to vector<16xf32>
        %parallel_loop3A_906 = arith.index_cast %parallel_loop3A_890 : i32 to index
        %parallel_loop3A_907 = arith.constant 16 : index
        %parallel_loop3A_908 = tpu.vector_load %arg9[%parallel_loop3A_906, %parallel_loop3A_907] {strides = array<i32>} : memref<400x64xf32, #tpu.memory_space<vmem>>, vector<1x16xf32>,
        %parallel_loop3A_909 = vector.shape_cast %parallel_loop3A_908 : vector<1x16xf32> to vector<16xf32>
        %parallel_loop3A_910 = vector.shape_cast %parallel_loop3A_905 : vector<16xf32> to vector<1x16xf32>
        tpu.vector_store %arg9[%parallel_loop3A_906, %parallel_loop3A_907], %parallel_loop3A_910 {strides = array<i32>} : memref<400x64xf32, #tpu.memory_space<vmem>>, vector<1x16xf32>,
        %parallel_loop3A_911 = arith.constant 32 : i32
        %parallel_loop3A_912 = arith.addi %parallel_loop3A_226, %parallel_loop3A_911 : i32
        %parallel_loop3A_913 = arith.index_cast %parallel_loop3A_912 : i32 to index
        %parallel_loop3A_914 = tpu.vector_load %arg5[%parallel_loop3A_913] {strides = array<i32>} : memref<8192xf32, #tpu.memory_space<vmem>>, vector<16xf32>,
        %parallel_loop3A_915 = vector.shape_cast %parallel_loop3A_914 : vector<16xf32> to vector<16xf32>
        %parallel_loop3A_916 = arith.index_cast %parallel_loop3A_890 : i32 to index
        %parallel_loop3A_917 = arith.constant 32 : index
        %parallel_loop3A_918 = tpu.vector_load %arg9[%parallel_loop3A_916, %parallel_loop3A_917] {strides = array<i32>} : memref<400x64xf32, #tpu.memory_space<vmem>>, vector<1x16xf32>,
        %parallel_loop3A_919 = vector.shape_cast %parallel_loop3A_918 : vector<1x16xf32> to vector<16xf32>
        %parallel_loop3A_920 = vector.shape_cast %parallel_loop3A_915 : vector<16xf32> to vector<1x16xf32>
        tpu.vector_store %arg9[%parallel_loop3A_916, %parallel_loop3A_917], %parallel_loop3A_920 {strides = array<i32>} : memref<400x64xf32, #tpu.memory_space<vmem>>, vector<1x16xf32>,
        %parallel_loop3A_921 = arith.constant 48 : i32
        %parallel_loop3A_922 = arith.addi %parallel_loop3A_226, %parallel_loop3A_921 : i32
        %parallel_loop3A_923 = arith.index_cast %parallel_loop3A_922 : i32 to index
        %parallel_loop3A_924 = tpu.vector_load %arg5[%parallel_loop3A_923] {strides = array<i32>} : memref<8192xf32, #tpu.memory_space<vmem>>, vector<16xf32>,
        %parallel_loop3A_925 = vector.shape_cast %parallel_loop3A_924 : vector<16xf32> to vector<16xf32>
        %parallel_loop3A_926 = arith.index_cast %parallel_loop3A_890 : i32 to index
        %parallel_loop3A_927 = arith.constant 48 : index
        %parallel_loop3A_928 = tpu.vector_load %arg9[%parallel_loop3A_926, %parallel_loop3A_927] {strides = array<i32>} : memref<400x64xf32, #tpu.memory_space<vmem>>, vector<1x16xf32>,
        %parallel_loop3A_929 = vector.shape_cast %parallel_loop3A_928 : vector<1x16xf32> to vector<16xf32>
        %parallel_loop3A_930 = vector.shape_cast %parallel_loop3A_925 : vector<16xf32> to vector<1x16xf32>
        tpu.vector_store %arg9[%parallel_loop3A_926, %parallel_loop3A_927], %parallel_loop3A_930 {strides = array<i32>} : memref<400x64xf32, #tpu.memory_space<vmem>>, vector<1x16xf32>,
      } {sc.loop_unroll_factor = 2 : i64, sc.parallel_access}
      %add3A_144 = arith.constant 2 : i32
      %add3A_145 = arith.addi %add3A_131, %add3A_144 : i32
      %lt3A_146 = arith.constant 256 : i32
      %lt3A_147 = arith.cmpi slt, %add3A_145, %lt3A_146 : i32
      %convert_element_type3A_148 = arith.extui %lt3A_147 : i1 to i32
      %cond3A_149 = arith.constant 0 : i32
      %cond3A_150 = arith.cmpi ne, %convert_element_type3A_148, %cond3A_149 : i32
      scf.if %cond3A_150 {
        %add3A_186 = arith.constant 2 : i32
        %add3A_187 = arith.addi %add3A_131, %add3A_186 : i32
        %mul3A_188 = arith.constant 400 : i32
        %mul3A_189 = arith.muli %add3A_187, %mul3A_188 : i32
        %add3A_190 = arith.addi %mul3A_2, %mul3A_189 : i32
        %dma_start3A_191 = tpu.memref_slice %arg3[%add3A_190] : memref<3276800xi32, #tpu.memory_space<hbm>> -> memref<400xi32, #tpu.memory_space<hbm>>
        %dma_start3A_192 = tpu.memref_slice %arg3[%add3A_190] : memref<3276800xi32, #tpu.memory_space<hbm>> -> memref<400xi32, #tpu.memory_space<hbm>>
        tpu.enqueue_dma source(%dma_start3A_192 : memref<400xi32, #tpu.memory_space<hbm>>) target(%arg7 : memref<400xi32, #tpu.memory_space<vmem>>) target_semaphore(%arg11 : memref<!tpu.dma_semaphore, #tpu.memory_space<semaphore_mem>>)
      } else {
      }
      %mul3A_151 = arith.constant 2 : i32
      %mul3A_152 = arith.muli %add3A_131, %mul3A_151 : i32
      %add3A_153 = arith.addi %mul3A_4, %mul3A_152 : i32
      %add3A_154 = arith.constant 0 : i32
      %add3A_155 = arith.addi %add3A_153, %add3A_154 : i32
      %dma_start3A_156 = arith.constant 0 : i32
      %dma_start3A_157 = arith.constant 0 : i32
      %dma_start3A_158 = tpu.memref_slice %arg9[%dma_start3A_156, %dma_start3A_157] : memref<400x64xf32, #tpu.memory_space<vmem>> -> memref<200x64xf32, #tpu.memory_space<vmem>>
      %dma_start3A_159 = arith.constant 0 : i32
      %dma_start3A_160 = arith.constant 0 : i32
      %dma_start3A_161 = tpu.memref_slice %arg4[%add3A_155, %dma_start3A_159, %dma_start3A_160] : memref<16384x200x64xf32, #tpu.memory_space<hbm>> -> memref<1x200x64xf32, #tpu.memory_space<hbm>>
      %dma_start3A_162 = tpu.memref_squeeze %dma_start3A_161 : memref<1x200x64xf32, #tpu.memory_space<hbm>> -> memref<200x64xf32, #tpu.memory_space<hbm>>
      %dma_start3A_163 = arith.constant 0 : i32
      %dma_start3A_164 = arith.constant 0 : i32
      %dma_start3A_165 = tpu.memref_slice %arg4[%add3A_155, %dma_start3A_163, %dma_start3A_164] : memref<16384x200x64xf32, #tpu.memory_space<hbm>> -> memref<1x200x64xf32, #tpu.memory_space<hbm>>
      %dma_start3A_166 = tpu.memref_squeeze %dma_start3A_165 : memref<1x200x64xf32, #tpu.memory_space<hbm>> -> memref<200x64xf32, #tpu.memory_space<hbm>>
      %dma_start3A_167 = arith.constant 0 : i32
      %dma_start3A_168 = arith.constant 0 : i32
      %dma_start3A_169 = tpu.memref_slice %arg9[%dma_start3A_167, %dma_start3A_168] : memref<400x64xf32, #tpu.memory_space<vmem>> -> memref<200x64xf32, #tpu.memory_space<vmem>>
      tpu.enqueue_dma source(%dma_start3A_169 : memref<200x64xf32, #tpu.memory_space<vmem>>) target(%dma_start3A_166 : memref<200x64xf32, #tpu.memory_space<hbm>>) target_semaphore(%arg14 : memref<!tpu.dma_semaphore, #tpu.memory_space<semaphore_mem>>)
      %add3A_170 = arith.constant 1 : i32
      %add3A_171 = arith.addi %add3A_153, %add3A_170 : i32
      %dma_start3A_172 = arith.constant 200 : i32
      %dma_start3A_173 = arith.constant 0 : i32
      %dma_start3A_174 = tpu.memref_slice %arg9[%dma_start3A_172, %dma_start3A_173] : memref<400x64xf32, #tpu.memory_space<vmem>> -> memref<200x64xf32, #tpu.memory_space<vmem>>
      %dma_start3A_175 = arith.constant 0 : i32
      %dma_start3A_176 = arith.constant 0 : i32
      %dma_start3A_177 = tpu.memref_slice %arg4[%add3A_171, %dma_start3A_175, %dma_start3A_176] : memref<16384x200x64xf32, #tpu.memory_space<hbm>> -> memref<1x200x64xf32, #tpu.memory_space<hbm>>
      %dma_start3A_178 = tpu.memref_squeeze %dma_start3A_177 : memref<1x200x64xf32, #tpu.memory_space<hbm>> -> memref<200x64xf32, #tpu.memory_space<hbm>>
      %dma_start3A_179 = arith.constant 0 : i32
      %dma_start3A_180 = arith.constant 0 : i32
      %dma_start3A_181 = tpu.memref_slice %arg4[%add3A_171, %dma_start3A_179, %dma_start3A_180] : memref<16384x200x64xf32, #tpu.memory_space<hbm>> -> memref<1x200x64xf32, #tpu.memory_space<hbm>>
      %dma_start3A_182 = tpu.memref_squeeze %dma_start3A_181 : memref<1x200x64xf32, #tpu.memory_space<hbm>> -> memref<200x64xf32, #tpu.memory_space<hbm>>
      %dma_start3A_183 = arith.constant 200 : i32
      %dma_start3A_184 = arith.constant 0 : i32
      %dma_start3A_185 = tpu.memref_slice %arg9[%dma_start3A_183, %dma_start3A_184] : memref<400x64xf32, #tpu.memory_space<vmem>> -> memref<200x64xf32, #tpu.memory_space<vmem>>
      tpu.enqueue_dma source(%dma_start3A_185 : memref<200x64xf32, #tpu.memory_space<vmem>>) target(%dma_start3A_182 : memref<200x64xf32, #tpu.memory_space<hbm>>) target_semaphore(%arg14 : memref<!tpu.dma_semaphore, #tpu.memory_space<semaphore_mem>>)
    }
    %scan3A_14 = arith.constant 128 : i32
    %dma_wait3A = arith.constant 0 : i32
    %dma_wait3A_15 = arith.constant 0 : i32
    %dma_wait3A_16 = arith.constant 0 : i32
    %dma_wait3A_17 = tpu.memref_slice %arg8[%dma_wait3A_15, %dma_wait3A_16] : memref<400x64xf32, #tpu.memory_space<vmem>> -> memref<200x64xf32, #tpu.memory_space<vmem>>
    %dma_wait3A_18 = arith.constant 0 : i32
    %dma_wait3A_19 = arith.constant 0 : i32
    %dma_wait3A_20 = tpu.memref_slice %arg4[%dma_wait3A, %dma_wait3A_18, %dma_wait3A_19] : memref<16384x200x64xf32, #tpu.memory_space<hbm>> -> memref<1x200x64xf32, #tpu.memory_space<hbm>>
    %dma_wait3A_21 = tpu.memref_squeeze %dma_wait3A_20 : memref<1x200x64xf32, #tpu.memory_space<hbm>> -> memref<200x64xf32, #tpu.memory_space<hbm>>
    %dma_wait3A_22 = arith.constant 0 : i32
    %dma_wait3A_23 = arith.constant 0 : i32
    %dma_wait3A_24 = tpu.memref_slice %arg4[%dma_wait3A, %dma_wait3A_22, %dma_wait3A_23] : memref<16384x200x64xf32, #tpu.memory_space<hbm>> -> memref<1x200x64xf32, #tpu.memory_space<hbm>>
    %dma_wait3A_25 = tpu.memref_squeeze %dma_wait3A_24 : memref<1x200x64xf32, #tpu.memory_space<hbm>> -> memref<200x64xf32, #tpu.memory_space<hbm>>
    %dma_wait3A_26 = arith.constant 0 : i32
    %dma_wait3A_27 = arith.constant 0 : i32
    %dma_wait3A_28 = tpu.memref_slice %arg8[%dma_wait3A_26, %dma_wait3A_27] : memref<400x64xf32, #tpu.memory_space<vmem>> -> memref<200x64xf32, #tpu.memory_space<vmem>>
    tpu.wait_dma2 semaphore(%arg13 : memref<!tpu.dma_semaphore, #tpu.memory_space<semaphore_mem>>) src(%dma_wait3A_28 : memref<200x64xf32, #tpu.memory_space<vmem>>) dst(%dma_wait3A_25 : memref<200x64xf32, #tpu.memory_space<hbm>>)
    %dma_wait3A_29 = arith.constant 0 : i32
    %dma_wait3A_30 = arith.constant 200 : i32
    %dma_wait3A_31 = arith.constant 0 : i32
    %dma_wait3A_32 = tpu.memref_slice %arg8[%dma_wait3A_30, %dma_wait3A_31] : memref<400x64xf32, #tpu.memory_space<vmem>> -> memref<200x64xf32, #tpu.memory_space<vmem>>
    %dma_wait3A_33 = arith.constant 0 : i32
    %dma_wait3A_34 = arith.constant 0 : i32
    %dma_wait3A_35 = tpu.memref_slice %arg4[%dma_wait3A_29, %dma_wait3A_33, %dma_wait3A_34] : memref<16384x200x64xf32, #tpu.memory_space<hbm>> -> memref<1x200x64xf32, #tpu.memory_space<hbm>>
    %dma_wait3A_36 = tpu.memref_squeeze %dma_wait3A_35 : memref<1x200x64xf32, #tpu.memory_space<hbm>> -> memref<200x64xf32, #tpu.memory_space<hbm>>
    %dma_wait3A_37 = arith.constant 0 : i32
    %dma_wait3A_38 = arith.constant 0 : i32
    %dma_wait3A_39 = tpu.memref_slice %arg4[%dma_wait3A_29, %dma_wait3A_37, %dma_wait3A_38] : memref<16384x200x64xf32, #tpu.memory_space<hbm>> -> memref<1x200x64xf32, #tpu.memory_space<hbm>>
    %dma_wait3A_40 = tpu.memref_squeeze %dma_wait3A_39 : memref<1x200x64xf32, #tpu.memory_space<hbm>> -> memref<200x64xf32, #tpu.memory_space<hbm>>
    %dma_wait3A_41 = arith.constant 200 : i32
    %dma_wait3A_42 = arith.constant 0 : i32
    %dma_wait3A_43 = tpu.memref_slice %arg8[%dma_wait3A_41, %dma_wait3A_42] : memref<400x64xf32, #tpu.memory_space<vmem>> -> memref<200x64xf32, #tpu.memory_space<vmem>>
    tpu.wait_dma2 semaphore(%arg13 : memref<!tpu.dma_semaphore, #tpu.memory_space<semaphore_mem>>) src(%dma_wait3A_43 : memref<200x64xf32, #tpu.memory_space<vmem>>) dst(%dma_wait3A_40 : memref<200x64xf32, #tpu.memory_space<hbm>>)
    %dma_wait3A_44 = arith.constant 0 : i32
    %dma_wait3A_45 = arith.constant 0 : i32
    %dma_wait3A_46 = arith.constant 0 : i32
    %dma_wait3A_47 = tpu.memref_slice %arg9[%dma_wait3A_45, %dma_wait3A_46] : memref<400x64xf32, #tpu.memory_space<vmem>> -> memref<200x64xf32, #tpu.memory_space<vmem>>
    %dma_wait3A_48 = arith.constant 0 : i32
    %dma_wait3A_49 = arith.constant 0 : i32
    %dma_wait3A_50 = tpu.memref_slice %arg4[%dma_wait3A_44, %dma_wait3A_48, %dma_wait3A_49] : memref<16384x200x64xf32, #tpu.memory_space<hbm>> -> memref<1x200x64xf32, #tpu.memory_space<hbm>>
    %dma_wait3A_51 = tpu.memref_squeeze %dma_wait3A_50 : memref<1x200x64xf32, #tpu.memory_space<hbm>> -> memref<200x64xf32, #tpu.memory_space<hbm>>
    %dma_wait3A_52 = arith.constant 0 : i32
    %dma_wait3A_53 = arith.constant 0 : i32
    %dma_wait3A_54 = tpu.memref_slice %arg4[%dma_wait3A_44, %dma_wait3A_52, %dma_wait3A_53] : memref<16384x200x64xf32, #tpu.memory_space<hbm>> -> memref<1x200x64xf32, #tpu.memory_space<hbm>>
    %dma_wait3A_55 = tpu.memref_squeeze %dma_wait3A_54 : memref<1x200x64xf32, #tpu.memory_space<hbm>> -> memref<200x64xf32, #tpu.memory_space<hbm>>
    %dma_wait3A_56 = arith.constant 0 : i32
    %dma_wait3A_57 = arith.constant 0 : i32
    %dma_wait3A_58 = tpu.memref_slice %arg9[%dma_wait3A_56, %dma_wait3A_57] : memref<400x64xf32, #tpu.memory_space<vmem>> -> memref<200x64xf32, #tpu.memory_space<vmem>>
    tpu.wait_dma2 semaphore(%arg14 : memref<!tpu.dma_semaphore, #tpu.memory_space<semaphore_mem>>) src(%dma_wait3A_58 : memref<200x64xf32, #tpu.memory_space<vmem>>) dst(%dma_wait3A_55 : memref<200x64xf32, #tpu.memory_space<hbm>>)
    %dma_wait3A_59 = arith.constant 0 : i32
    %dma_wait3A_60 = arith.constant 200 : i32
    %dma_wait3A_61 = arith.constant 0 : i32
    %dma_wait3A_62 = tpu.memref_slice %arg9[%dma_wait3A_60, %dma_wait3A_61] : memref<400x64xf32, #tpu.memory_space<vmem>> -> memref<200x64xf32, #tpu.memory_space<vmem>>
    %dma_wait3A_63 = arith.constant 0 : i32
    %dma_wait3A_64 = arith.constant 0 : i32
    %dma_wait3A_65 = tpu.memref_slice %arg4[%dma_wait3A_59, %dma_wait3A_63, %dma_wait3A_64] : memref<16384x200x64xf32, #tpu.memory_space<hbm>> -> memref<1x200x64xf32, #tpu.memory_space<hbm>>
    %dma_wait3A_66 = tpu.memref_squeeze %dma_wait3A_65 : memref<1x200x64xf32, #tpu.memory_space<hbm>> -> memref<200x64xf32, #tpu.memory_space<hbm>>
    %dma_wait3A_67 = arith.constant 0 : i32
    %dma_wait3A_68 = arith.constant 0 : i32
    %dma_wait3A_69 = tpu.memref_slice %arg4[%dma_wait3A_59, %dma_wait3A_67, %dma_wait3A_68] : memref<16384x200x64xf32, #tpu.memory_space<hbm>> -> memref<1x200x64xf32, #tpu.memory_space<hbm>>
    %dma_wait3A_70 = tpu.memref_squeeze %dma_wait3A_69 : memref<1x200x64xf32, #tpu.memory_space<hbm>> -> memref<200x64xf32, #tpu.memory_space<hbm>>
    %dma_wait3A_71 = arith.constant 200 : i32
    %dma_wait3A_72 = arith.constant 0 : i32
    %dma_wait3A_73 = tpu.memref_slice %arg9[%dma_wait3A_71, %dma_wait3A_72] : memref<400x64xf32, #tpu.memory_space<vmem>> -> memref<200x64xf32, #tpu.memory_space<vmem>>
    tpu.wait_dma2 semaphore(%arg14 : memref<!tpu.dma_semaphore, #tpu.memory_space<semaphore_mem>>) src(%dma_wait3A_73 : memref<200x64xf32, #tpu.memory_space<vmem>>) dst(%dma_wait3A_70 : memref<200x64xf32, #tpu.memory_space<hbm>>)
    return
  }
}

</mosaic_0001>

<sc_bundles>
// kernel: kernel.3.cloned.1.call-start
scs
__scs_entry_jumppad:
0x0: {  	(pc) =	sbr.rel $0x88, $3  }
0x1: {  	(tag) =	ssettag $0x0;
	lr =	simm.s32 $0x1  }
0x2: {  	[smem:$0x3F9F] =	sst lr;
	_ =	strace $0xD0000000  }
0x3: {  	_ = 	snop  }
0x4: {  	_ = 	snop  }
0x5: {  	_ = 	snop  }
0x6: {  	_ = 	snop  }
0x7: {  	_ = 	snop  }
__scs_overlays_trampoline_lowered:
0x8: {  	[smem:$0x3FAE] =	sst s0  }
0x9: {  	[smem:$0x3FAF] =	sst s1  }
0xa: {  	[smem:$0x3FB0] =	sst s2  }
0xb: {  	[smem:$0x3FB1] =	sst s3  }
0xc: {  	[smem:$0x3FB2] =	sst s4  }
0xd: {  	[smem:$0x3FB3] =	sst s5  }
0xe: {  	[smem:$0x3FB4] =	sst s6  }
0xf: {  	[smem:$0x3FB5] =	sst s7  }
0x10: {  	[smem:$0x3FB6] =	sst s8  }
0x11: {  	[smem:$0x3FB7] =	sst s9;
	s0 =	simm.s32 @!p0 $0x0  }
0x12: {  	s1 =	sld [smem:$0x3F9D];
	s0 =	simm.s32 @p0 $0x1  }
0x13: {  	[smem:$0x3FB8] =	sst s0;
	s0 =	simm.s32 @!p1 $0x0  }
0x14: {  	s2 =	sld [smem:$0x3F9C];
	s0 =	simm.s32 @p1 $0x1  }
0x15: {  	[smem:$0x3FB9] =	sst s0;
	s0 =	simm.s32 @!p2 $0x0  }
0x16: {  	s3 =	sld [smem:$0x3FDB];
	s0 =	simm.s32 @p2 $0x1  }
0x17: {  	s4 =	simm.s32 $0x1BF5;
	[smem:$0x3FBB] =	sst s0  }
0x18: {  	s0 =	sld [smem:$0x3F9E];
	_ =	swait.ge [sflag:s4], $0x0  }
0x19: {  	s7 =	sld [smem:$0x3F9F]  }
0x1a: {  	s8 =	sadd.s32 $0xFFFFE003, lr  }
0x1b: {  	s9 =	sadd.s32 $0xFFFFFEF7, lr;
	s5 =	simm.s32 $0xFFFFFFFF;
	p2 =	slt.u32 s8, $0xFFFFF086  }
0x1c: {  	p1 =	slt.u32 s9, $0xF7A;
	s5 =	simm.s32 @!p2 $0x0  }
0x1d: {  	s5 =	simm.s32 @p1 $0x1;
	p0 =	seq.s32 s7, s2  }
0x1e: {  	s7 =	smul.u32 @!p0 $0xF7A, s2;
	p2 =	seq.s32 @!p0 s5, $0x0  }
0x1f: {  	s9 =	smul.u32 $0xF7A, s1;
	s8 =	simm.s32 @!p0 $0x1BF5;
	p2 =	por !p2, p0  }
0x20: {  	[sflag:s8] =	ssyncset.s32 @!p0 $0xFFFFF086;
	s6 =	sadd.s32 @!p0 s3, s7;
	s7 =	simm.s32 @!p0 $0x108  }
0x21: {  	s3 =	sadd.s32 s3, s9;
	s6 =	sadd.s32 @!p0 $0x88, s6;
	s7 =	simm.s32 @p2 $0x1082  }
0x22: {  	[simem:s7], [sflag:s8] =	dma.local @!p0 [hbm:s6], $0xF7A  }
0x23: {  	s9 =	sor.u32 $0xD0000000, s2;
	s6 =	simm.s32 $0x108;
	_ =	swait.ge @!p0 [sflag:s8], $0x0  }
0x24: {  	s3 =	sadd.s32 $0x88, s3;
	s6 =	simm.s32 @!p1 $0x1082;
	[sflag:s4] =	ssyncset.s32 $0xFFFFF086  }
0x25: {  	[simem:s6], [sflag:s4] =	dma.local [hbm:s3], $0xF7A  }
0x26: {  	[smem:$0x3F9F] =	sst s1;
	(tag) =	ssettag s2;
	_ =	strace s9  }
0x27: {  	s1 =	sld [smem:$0x3FAF]  }
0x28: {  	s2 =	sld [smem:$0x3FB0]  }
0x29: {  	s4 =	sld [smem:$0x3FB2]  }
0x2a: {  	p0 =	seq.s32 s5, $0x0;
	s5 =	sld [smem:$0x3FB3]  }
0x2b: {  	s6 =	sld [smem:$0x3FB4]  }
0x2c: {  	s7 =	sld [smem:$0x3FB5]  }
0x2d: {  	s3 =	simm.s32 $0x108;
	s8 =	sld [smem:$0x3FB6]  }
0x2e: {  	s3 =	simm.s32 @!p0 $0x1082;
	s9 =	sld [smem:$0x3FB7]  }
0x2f: {  	lr =	sadd.s32 s0, s3;
	s0 =	sld [smem:$0x3FAE]  }
0x30: {  	s3 =	sld [smem:$0x3FB1]  }
0x31: {  	[smem:$0x3FBA] =	sst s10  }
0x32: {  	s10 =	sld [smem:$0x3FB8];
	_ =	sdelay $0x3  }
0x33: {  	p0 =	seq.s32 s10, $0x1;
	s10 =	sld [smem:$0x3FBA];
	_ =	sdelay $0x3  }
0x34: {  	[smem:$0x3FBA] =	sst s10  }
0x35: {  	s10 =	sld [smem:$0x3FB9];
	_ =	sdelay $0x3  }
0x36: {  	p1 =	seq.s32 s10, $0x1;
	s10 =	sld [smem:$0x3FBA];
	_ =	sdelay $0x3  }
0x37: {  	[smem:$0x3FBA] =	sst s10  }
0x38: {  	s10 =	sld [smem:$0x3FBB]  }
0x39: {  	_ = 	snop;
	(pc) =	sbr.ind lr, $3  }
0x3a: {  	_ = 	snop  }
0x3b: {  	_ = 	snop  }
0x3c: {  	p2 =	seq.s32 s10, $0x1;
	s10 =	sld [smem:$0x3FBA]  }
0x3d: {  	_ =	shalt  }
0x3e: {  	_ =	shalt  }
0x3f: {  	_ =	shalt  }
0x40: {  	_ =	shalt  }
0x41: {  	_ =	shalt  }
0x42: {  	_ =	shalt  }
0x43: {  	_ =	shalt  }
0x44: {  	_ =	shalt  }
0x45: {  	_ =	shalt  }
0x46: {  	_ =	shalt  }
0x47: {  	_ =	shalt  }
0x48: {  	_ =	shalt  }
0x49: {  	_ =	shalt  }
0x4a: {  	_ =	shalt  }
0x4b: {  	_ =	shalt  }
0x4c: {  	_ =	shalt  }
0x4d: {  	_ =	shalt  }
0x4e: {  	_ =	shalt  }
0x4f: {  	_ =	shalt  }
0x50: {  	_ =	shalt  }
0x51: {  	_ =	shalt  }
0x52: {  	_ =	shalt  }
0x53: {  	_ =	shalt  }
0x54: {  	_ =	shalt  }
0x55: {  	_ =	shalt  }
0x56: {  	_ =	shalt  }
0x57: {  	_ =	shalt  }
0x58: {  	_ =	shalt  }
0x59: {  	_ =	shalt  }
0x5a: {  	_ =	shalt  }
0x5b: {  	_ =	shalt  }
0x5c: {  	_ =	shalt  }
0x5d: {  	_ =	shalt  }
0x5e: {  	_ =	shalt  }
0x5f: {  	_ =	shalt  }
0x60: {  	_ =	shalt  }
0x61: {  	_ =	shalt  }
0x62: {  	_ =	shalt  }
0x63: {  	_ =	shalt  }
0x64: {  	_ =	shalt  }
0x65: {  	_ =	shalt  }
0x66: {  	_ =	shalt  }
0x67: {  	_ =	shalt  }
0x68: {  	_ =	shalt  }
0x69: {  	_ =	shalt  }
0x6a: {  	_ =	shalt  }
0x6b: {  	_ =	shalt  }
0x6c: {  	_ =	shalt  }
0x6d: {  	_ =	shalt  }
0x6e: {  	_ =	shalt  }
0x6f: {  	_ =	shalt  }
0x70: {  	_ =	shalt  }
0x71: {  	_ =	shalt  }
0x72: {  	_ =	shalt  }
0x73: {  	_ =	shalt  }
0x74: {  	_ =	shalt  }
0x75: {  	_ =	shalt  }
0x76: {  	_ =	shalt  }
0x77: {  	_ =	shalt  }
0x78: {  	_ =	shalt  }
0x79: {  	_ =	shalt  }
0x7a: {  	_ =	shalt  }
0x7b: {  	_ =	shalt  }
0x7c: {  	_ =	shalt  }
0x7d: {  	_ =	shalt  }
0x7e: {  	_ =	shalt  }
0x7f: {  	_ =	shalt  }
0x80: {  	_ =	shalt  }
0x81: {  	_ =	shalt  }
0x82: {  	_ =	shalt  }
0x83: {  	_ =	shalt  }
0x84: {  	_ =	shalt  }
0x85: {  	_ =	shalt  }
0x86: {  	_ =	shalt  }
0x87: {  	_ =	shalt  }
.Lfunc_end0:
.L_simem_size_0:
called_computation_lowered:
.L_overlay_start_0:
0x88: {  	s2 =	sld [smem:$0x3FD9]  }
0x89: {  	s3 =	sld [smem:$0x3FFE];
	_ =	sdelay $0x1  }
0x8a: {  	s1 =	srdreg.scid  }
0x8b: {  	s0 =	sand.u32 $0x1, s1  }
0x8c: {  	s17 =	sshll.u32 s0, $0xA;
	s2 =	sadd.s32 s3, s2  }
0x8d: {  	s2 =	sadd.s32 s2, s17  }
0x8e: {  	[smem:$0x3FC6] =	sst s2  }
0x8f: {  	_ = 	snop  }
0x90: {  	s2 =	sld [smem:$0x3FD0];
	(tm) =	ssettm $0x1  }
0x91: {  	s18 =	sld [smem:$0x3FFB];
	_ =	sdelay $0x3  }
0x92: {  	_ =	strace s18  }
0x93: {  	s3 =	sld [smem:$0x3FFC];
	_ =	sdelay $0x3  }
0x94: {  	_ =	strace s3  }
0x95: {  	s3 =	sld [smem:$0x3FFD];
	_ =	sdelay $0x3  }
0x96: {  	_ =	strace s3  }
0x97: {  	_ =	strace $0x8FFFFFFF  }
0x98: {  	s19 =	sld [smem:$0x3FDB];
	_ =	sdelay $0x1  }
0x99: {  	s4 =	simm.s32 $_scs_section_size  }
0x9a: {  	s5 =	simm.s32 $_size__tile_overlayer_lowered;
	s6 =	simm.s32 $_tile_overlayer_lowered  }
0x9b: {  	s22 =	simm.s32 $0x1BFF;
	s21 =	sshll.u32 s6, $0x1;
	s3 =	sadd.s32 s4, s19  }
0x9c: {  	s7 =	simm.s32 $0x0;
	s20 =	sshll.u32 s5, $0x1;
	s5 =	sadd.s32 s21, s3  }
0x9d: {  	[timem:s7], [sflag:s22] =	dma.local [hbm:s5], s20  }
0x9e: {  	_ =	swait.ge [sflag:s22], s20  }
0x9f: {  	s4 =	ssub.s32 $0x0, s20;
	[sflag:s22] =	ssyncset.done $0x0  }
0xa0: {  	[sflag:s22] =	ssyncadd.s32 s4;
	_ =	sdelay $0x1  }
0xa1: {  	s23 =	simm.s32 $0x1B8B  }
0xa2: {  	_ =	swait.ge [sflag:s23], $0x1  }
0xa3: {  	[sflag:s23] =	ssyncset.done $0x0  }
0xa4: {  	s25 =	simm.s32 $0x1B8E;
	s24 =	sld [smem:$0x3FFE];
	[sflag:s23] =	ssyncadd.s32 $0xFFFFFFFF  }
0xa5: {  	s26 =	simm.s32 $execute0_lowered;
	[smem:$0x3FD2] =	sst s25  }
0xa6: {  	s5 =	sshll.u32 s26, $0x1;
	_ =	strace $0x80000046;
	[dreg:$0x1] =	wrdreg $0xFFFFFFFF  }
0xa7: {  	s28 =	simm.s32 $_size_execute0_lowered;
	s3 =	sadd.s32 s3, s5;
	[dreg:$0x0] =	wrdreg $0x0  }
0xa8: {  	s5 =	sshll.u32 s28, $0x1;
	[dreg:$0x2] =	wrdreg s3  }
0xa9: {  	[dreg:$0x3] =	wrdreg s5  }
0xaa: {  	[dreg:$0x4] =	wrdreg $0xC0  }
0xab: {  	_ =	task [dreg:s7], $0x5FFFF  }
0xac: {  	[dreg:$0x1] =	wrdreg $0xFFFFFFFF  }
0xad: {  	[dreg:$0x0] =	wrdreg $0x60  }
0xae: {  	[dreg:$0x2] =	wrdreg s24  }
0xaf: {  	[dreg:$0x3] =	wrdreg s2  }
0xb0: {  	[dreg:$0x4] =	wrdreg $0x9  }
0xb1: {  	_ =	task.clear_ibuf [dreg:s7], $0x5FFFF;
	_ =	strace $0x90000046  }
0xb2: {  	s29 =	simm.s32 $0x9;
	_ =	strace $0x80000048  }
0xb3: {  	_ =	swait.ge [sflag:s29], $0x1  }
0xb4: {  	[sflag:s29] =	ssyncadd.s32 $0xFFFFFFFF  }
0xb5: {  	_ =	strace $0x90000048  }
0xb6: {  	_ =	sfence  }
0xb7: {  	s30 =	sld [smem:$0x0];
	_ =	sdelay $0x2  }
0xb8: {  	s31 =	sshll.u32 s1, $0xD;
	s1 =	sshrl.u32 s1, $0x2  }
0xb9: {  	s3 =	sand.u32 $0x4000, s31;
	s1 =	sadd.s32 s1, s30  }
0xba: {  	s0 =	sor.u32 s3, s0;
	s1 =	sshll.u32 s1, $0x11  }
0xbb: {  	s0 =	sor.u32 s1, s0  }
0xbc: {  	s0 =	sadd.s32 $0x8F2B, s0  }
0xbd: {  	[sflag:s0] =	ssyncadd.remote.s32 $0x1  }
0xbe: {  	_ =	sfence.sel $0xFFFF  }
0xbf: {  	[dreg:$0x0] =	wrdreg $0xFFFFFFFF;
	(pc) =	sbr.abs _section_cstart, $3  }
0xc0: {  	[dreg:$0x1] =	wrdreg $0xFFFFFFFF  }
0xc1: {  	_ =	task.clear_ibuf [dreg:s7], $0x2FFFF;
	_ =	strace $0x9FFFFFFF  }
0xc2: {  	(tm) =	ssettm $0x7FFFFFFF  }
0xc3: {  	_ =	shalt  }
tec
execute0_lowered:
.L_overlay_start_1:
0x0: {  	(tag) =	ssettag $0x1  }
0x1: {  	s0 =	rddreg [dreg:$0x0];
	s1 =	srdreg.scid  }
0x2: {  	s2 =	stileid.u32;
	s5 =	rddreg [dreg:$0x1];
	s3 =	simm.s32 $0x0  }
0x3: {  	s1 =	sand.u32 $0x1, s1;
	s2 =	sshll.u32 s2, $0x1;
	[smem:$0x7FF] =	sst s3  }
0x4: {  	s4 =	sadd.s32 $0x400, s0;
	s0 =	sadd.s32 $0x800, s0;
	s2 =	sor.u32 s1, s2  }
0x5: {  	_ =	strace $0x80000047;
	[dreg:$0x19] =	wrdreg s4;
	s24 =	smul.u32 $0x19000, s2  }
0x6: {  	s1 =	ssub.s32 $0x2, s1;
	[dreg:$0x1a] =	wrdreg s0;
	s28 =	sshll.u32 s2, $0x9  }
0x7: {  	s26 =	sshrl.u32 s1, $0x1;
	[dreg:$0x1c] =	wrdreg s28;
	s30 =	sor.u32 $0x320, s24  }
0x8: {  	s0 =	ssub.s32 s1, s26;
	s31 =	sor.u32 $0x4B0, s24;
	[dreg:$0x1e] =	wrdreg s30  }
0x9: {  	s25 =	sshrl.u32 s24, $0x3;
	s0 =	smax.u32 s0, $0x1;
	[dreg:$0x1f] =	wrdreg s31  }
0xa: {  	s4 =	sadd.s32 s5, s25;
	[smem:$0x7FD] =	sst s0  }
0xb: {  	[dreg:$0x1b] =	wrdreg s4;
	s29 =	sadd.s32 $0x32, s4  }
0xc: {  	s2 =	simm.s32 $0x0;
	[dreg:$0x1d] =	wrdreg s29  }
.LBB2_1:
0xd: {  	[smem:$0x7FC] =	sst s2  }
0xe: {  	s0 =	simm.s32 $0x0;
	s1 =	rddreg [dreg:$0x19]  }
0xf: {  	[tilespmem:s0], [sflag:$0x3] =	stream.linear.gather [hbm4b:s1+s0], $0x2000, $0x38;
	[tilespmem:$0x1B400] =	vst v63  }
0x10: {  	s26 =	rddreg [dreg:$0x1b];
	s28 =	simm.s32 $0x2000  }
0x11: {  	[tilespmem:s28], [sflag:$0x1] =	stream.linear.gather [hbm4b:s26+s0], $0x190, $0x38;
	[tilespmem:$0x1B400] =	vst v63  }
0x12: {  	s29 =	rddreg [dreg:$0x1d];
	s30 =	simm.s32 $0x2200;
	s31 =	simm.s32 $0x3  }
0x13: {  	[tilespmem:s30], [sflag:$0x2] =	stream.linear.gather [hbm4b:s29+s0], $0x190, $0x38;
	[tilespmem:$0x1B400] =	vst v63  }
0x14: {  	_ =	swait.ge [sflag:s31], $0x2000  }
0x15: {  	[sflag:s31] =	ssyncset.done $0x0  }
0x16: {  	s1 =	simm.s32 $0x0;
	[sflag:s31] =	ssyncadd.s32 $0xFFFFE000  }
.LBB2_2:
0x17: {  	s0 =	simm.s32 $0x1  }
0x18: {  	_ =	swait.ge [sflag:s0], $0x190  }
0x19: {  	p1 =	seq.s32 s1, $0x0;
	[sflag:s0] =	ssyncset.done $0x0  }
0x1a: {  	[smem:$0x7F7] =	sst s1;
	[sflag:s0] =	ssyncadd.s32 $0xFFFFFE70;
	s0 =	simm.s32 @!p1 $0x4  }
0x1b: {  	_ =	swait.ge @!p1 [sflag:s0], $0x6400  }
0x1c: {  	[sflag:s0] =	ssyncset.done @!p1 $0x0  }
0x1d: {  	[sflag:s0] =	ssyncadd.s32 @!p1 $0xFFFF9C00  }
0x1e: {  	_ =	swait.ge @!p1 [sflag:s0], $0x6400  }
0x1f: {  	[sflag:s0] =	ssyncset.done @!p1 $0x0  }
0x20: {  	s19 =	simm.s32 $0x2010;
	[sflag:s0] =	ssyncadd.s32 @!p1 $0xFFFF9C00  }
0x21: {  	v0 =	vld [tilespmem:s19+$0x0];
	_ =	sdelay $0x4  }
0x22: {  	v1 =	vshll.u32 v0, $0x6  }
0x23: {  	v0 =	vld [tilespmem:s19+$0xFFFFFFF0];
	(v2sf) =	vpush v1, $0x0;
	_ =	sdelay $0x4  }
0x24: {  	v0 =	vshll.u32 v0, $0x6  }
0x25: {  	(v2sf) =	vpush v0, $0x0;
	_ =	sdelay $0x1  }
0x26: {  	(v2sf) =	vpush v0, $0x1  }
0x27: {  	(v2sf) =	vpush v0, $0x2  }
0x28: {  	(v2sf) =	vpush v0, $0x3  }
0x29: {  	(v2sf) =	vpush v0, $0x4  }
0x2a: {  	(v2sf) =	vpush v0, $0x5  }
0x2b: {  	(v2sf) =	vpush v0, $0x6  }
0x2c: {  	(v2sf) =	vpush v0, $0x7  }
0x2d: {  	s2 =	spop (v2sf);
	(v2sf) =	vpush v0, $0x8  }
0x2e: {  	v2 =	vld [tilespmem:s2+$0x0];
	(v2sf) =	vpush v0, $0x9  }
0x2f: {  	(v2sf) =	vpush v0, $0xA  }
0x30: {  	(v2sf) =	vpush v0, $0xB  }
0x31: {  	(v2sf) =	vpush v0, $0xC  }
0x32: {  	s1 =	simm.s32 $0x2C00;
	(v2sf) =	vpush v0, $0xD  }
0x33: {  	s10 =	spop (v2sf);
	[tilespmem:s1+$0x0] =	vst v2;
	(v2sf) =	vpush v0, $0xE  }
0x34: {  	v2 =	vld [tilespmem:s2+$0x10];
	(v2sf) =	vpush v0, $0xF  }
0x35: {  	v3 =	vld [tilespmem:s10+$0x0];
	s12 =	spop (v2sf)  }
0x36: {  	s13 =	spop (v2sf);
	(v2sf) =	vpush v1, $0x1  }
0x37: {  	s5 =	spop (v2sf)  }
0x38: {  	s4 =	spop (v2sf)  }
0x39: {  	s9 =	spop (v2sf);
	[tilespmem:s1+$0x10] =	vst v2  }
0x3a: {  	[tilespmem:s1+$0xFFFFF800] =	vst v3;
	s8 =	spop (v2sf);
	v0 =	vld [tilespmem:s2+$0x20]  }
0x3b: {  	v2 =	vld [tilespmem:s10+$0x10];
	s6 =	spop (v2sf)  }
0x3c: {  	s3 =	spop (v2sf)  }
0x3d: {  	s24 =	spop (v2sf)  }
0x3e: {  	s0 =	spop (v2sf)  }
0x3f: {  	[tilespmem:s1+$0x20] =	vst v0;
	s16 =	spop (v2sf)  }
0x40: {  	[tilespmem:s1+$0xFFFFF810] =	vst v2;
	v0 =	vld [tilespmem:s2+$0x30];
	s11 =	spop (v2sf)  }
0x41: {  	v2 =	vld [tilespmem:s10+$0x20];
	s7 =	spop (v2sf)  }
0x42: {  	s20 =	spop (v2sf)  }
0x43: {  	[smem:$0x7F9] =	sst s20;
	s21 =	spop (v2sf)  }
0x44: {  	[smem:$0x7F8] =	sst s21  }
0x45: {  	s14 =	spop (v2sf);
	[tilespmem:s1+$0x30] =	vst v0  }
0x46: {  	[tilespmem:s1+$0xFFFFF820] =	vst v2;
	v0 =	vld [tilespmem:s14+$0x0]  }
0x47: {  	v2 =	vld [tilespmem:s10+$0x30];
	_ =	sdelay $0x3  }
0x48: {  	[tilespmem:s1+$0x80] =	vst v0  }
0x49: {  	[tilespmem:s1+$0xFFFFF830] =	vst v2;
	v0 =	vld [tilespmem:s14+$0x10]  }
0x4a: {  	v2 =	vld [tilespmem:s12+$0x0]  }
0x4b: {  	(v2sf) =	vpush v1, $0x2;
	_ =	sdelay $0x2  }
0x4c: {  	[tilespmem:s1+$0x90] =	vst v0  }
0x4d: {  	[tilespmem:s1+$0xFFFFF880] =	vst v2;
	v0 =	vld [tilespmem:s14+$0x20]  }
0x4e: {  	v2 =	vld [tilespmem:s12+$0x10];
	_ =	sdelay $0x3  }
0x4f: {  	[tilespmem:s1+$0xA0] =	vst v0  }
0x50: {  	[tilespmem:s1+$0xFFFFF890] =	vst v2;
	v0 =	vld [tilespmem:s14+$0x30]  }
0x51: {  	v2 =	vld [tilespmem:s12+$0x20];
	_ =	sdelay $0x3  }
0x52: {  	s22 =	spop (v2sf);
	[tilespmem:s1+$0xB0] =	vst v0  }
0x53: {  	[tilespmem:s1+$0xFFFFF8A0] =	vst v2;
	v0 =	vld [tilespmem:s22+$0x0]  }
0x54: {  	v2 =	vld [tilespmem:s12+$0x30];
	_ =	sdelay $0x3  }
0x55: {  	[tilespmem:s1+$0x100] =	vst v0  }
0x56: {  	[tilespmem:s1+$0xFFFFF8B0] =	vst v2;
	v0 =	vld [tilespmem:s22+$0x10]  }
0x57: {  	v2 =	vld [tilespmem:s13+$0x0]  }
0x58: {  	(v2sf) =	vpush v1, $0x3;
	_ =	sdelay $0x2  }
0x59: {  	[tilespmem:s1+$0x110] =	vst v0  }
0x5a: {  	[tilespmem:s1+$0xFFFFF900] =	vst v2;
	v0 =	vld [tilespmem:s22+$0x20]  }
0x5b: {  	v2 =	vld [tilespmem:s13+$0x10];
	_ =	sdelay $0x3  }
0x5c: {  	[tilespmem:s1+$0x120] =	vst v0  }
0x5d: {  	[tilespmem:s1+$0xFFFFF910] =	vst v2;
	v0 =	vld [tilespmem:s22+$0x30]  }
0x5e: {  	v2 =	vld [tilespmem:s13+$0x20];
	_ =	sdelay $0x3  }
0x5f: {  	s23 =	spop (v2sf);
	[tilespmem:s1+$0x130] =	vst v0  }
0x60: {  	[tilespmem:s1+$0xFFFFF920] =	vst v2;
	v0 =	vld [tilespmem:s23+$0x0]  }
0x61: {  	v2 =	vld [tilespmem:s13+$0x30];
	_ =	sdelay $0x3  }
0x62: {  	[tilespmem:s1+$0x180] =	vst v0  }
0x63: {  	[tilespmem:s1+$0xFFFFF930] =	vst v2;
	v0 =	vld [tilespmem:s23+$0x10]  }
0x64: {  	v2 =	vld [tilespmem:s5+$0x0]  }
0x65: {  	(v2sf) =	vpush v1, $0x4;
	_ =	sdelay $0x2  }
0x66: {  	[tilespmem:s1+$0x190] =	vst v0  }
0x67: {  	[tilespmem:s1+$0xFFFFF980] =	vst v2;
	v0 =	vld [tilespmem:s23+$0x20]  }
0x68: {  	v2 =	vld [tilespmem:s5+$0x10];
	_ =	sdelay $0x3  }
0x69: {  	[tilespmem:s1+$0x1A0] =	vst v0  }
0x6a: {  	[tilespmem:s1+$0xFFFFF990] =	vst v2;
	v0 =	vld [tilespmem:s23+$0x30]  }
0x6b: {  	v2 =	vld [tilespmem:s5+$0x20];
	_ =	sdelay $0x3  }
0x6c: {  	s25 =	spop (v2sf);
	[tilespmem:s1+$0x1B0] =	vst v0  }
0x6d: {  	[tilespmem:s1+$0xFFFFF9A0] =	vst v2;
	v0 =	vld [tilespmem:s25+$0x0]  }
0x6e: {  	v2 =	vld [tilespmem:s5+$0x30];
	_ =	sdelay $0x3  }
0x6f: {  	[tilespmem:s1+$0x200] =	vst v0  }
0x70: {  	[tilespmem:s1+$0xFFFFF9B0] =	vst v2;
	v0 =	vld [tilespmem:s25+$0x10]  }
0x71: {  	v2 =	vld [tilespmem:s4+$0x0]  }
0x72: {  	(v2sf) =	vpush v1, $0x5;
	_ =	sdelay $0x1  }
0x73: {  	s26 =	simm.s32 $0x2030  }
0x74: {  	v3 =	vld [tilespmem:s26+$0x0];
	[tilespmem:s1+$0x210] =	vst v0  }
0x75: {  	[tilespmem:s1+$0xFFFFFA00] =	vst v2;
	v0 =	vld [tilespmem:s25+$0x20]  }
0x76: {  	v4 =	vld [tilespmem:s4+$0x10]  }
0x77: {  	v5 =	vld [tilespmem:s26+$0xFFFFFFF0];
	_ =	sdelay $0x2  }
0x78: {  	[tilespmem:s1+$0x220] =	vst v0  }
0x79: {  	v2 =	vshll.u32 v3, $0x6;
	[tilespmem:s1+$0xFFFFFA10] =	vst v4;
	v0 =	vld [tilespmem:s25+$0x30]  }
0x7a: {  	(v2sf) =	vpush v2, $0x0;
	v4 =	vshll.u32 v5, $0x6;
	v3 =	vld [tilespmem:s4+$0x20]  }
0x7b: {  	(v2sf) =	vpush v4, $0x0  }
0x7c: {  	(v2sf) =	vpush v4, $0x1  }
0x7d: {  	(v2sf) =	vpush v4, $0x2  }
0x7e: {  	s31 =	spop (v2sf);
	(v2sf) =	vpush v4, $0x3;
	[tilespmem:s1+$0x230] =	vst v0  }
0x7f: {  	(v2sf) =	vpush v4, $0x4;
	[tilespmem:s1+$0xFFFFFA20] =	vst v3;
	v0 =	vld [tilespmem:s31+$0x0]  }
0x80: {  	(v2sf) =	vpush v4, $0x5;
	v3 =	vld [tilespmem:s4+$0x30]  }
0x81: {  	(v2sf) =	vpush v4, $0x6  }
0x82: {  	(v2sf) =	vpush v4, $0x7  }
0x83: {  	(v2sf) =	vpush v4, $0x8  }
0x84: {  	(v2sf) =	vpush v4, $0x9;
	[tilespmem:s1+$0x280] =	vst v0  }
0x85: {  	(v2sf) =	vpush v4, $0xA;
	[tilespmem:s1+$0xFFFFFA30] =	vst v3;
	v0 =	vld [tilespmem:s31+$0x10]  }
0x86: {  	(v2sf) =	vpush v4, $0xB;
	v3 =	vld [tilespmem:s9+$0x0]  }
0x87: {  	(v2sf) =	vpush v1, $0x6;
	_ =	sdelay $0x1  }
0x88: {  	s2 =	spop (v2sf)  }
0x89: {  	v5 =	vld [tilespmem:s2+$0x0];
	s22 =	spop (v2sf);
	[tilespmem:s1+$0x290] =	vst v0  }
0x8a: {  	s21 =	spop (v2sf);
	[tilespmem:s1+$0xFFFFFA80] =	vst v3;
	v0 =	vld [tilespmem:s31+$0x20]  }
0x8b: {  	s20 =	spop (v2sf);
	v3 =	vld [tilespmem:s9+$0x10]  }
0x8c: {  	(v2sf) =	vpush v4, $0xC;
	s13 =	spop (v2sf)  }
0x8d: {  	s28 =	simm.s32 $0x3C00;
	v6 =	vld [tilespmem:s22+$0x0];
	(v2sf) =	vpush v4, $0xD;
	s12 =	spop (v2sf)  }
0x8e: {  	[tilespmem:s28+$0x0] =	vst v5;
	s4 =	spop (v2sf)  }
0x8f: {  	v5 =	vld [tilespmem:s2+$0x10];
	(v2sf) =	vpush v4, $0xE;
	s19 =	spop (v2sf);
	[tilespmem:s1+$0x2A0] =	vst v0  }
0x90: {  	s18 =	spop (v2sf);
	[tilespmem:s1+$0xFFFFFA90] =	vst v3;
	v0 =	vld [tilespmem:s31+$0x30]  }
0x91: {  	(v2sf) =	vpush v4, $0xF;
	s17 =	spop (v2sf);
	v3 =	vld [tilespmem:s9+$0x20]  }
0x92: {  	[tilespmem:s28+$0xFFFFF800] =	vst v6;
	s15 =	spop (v2sf)  }
0x93: {  	(v2sf) =	vpush v2, $0x1;
	v4 =	vld [tilespmem:s22+$0x10];
	s14 =	spop (v2sf)  }
0x94: {  	[tilespmem:s28+$0x10] =	vst v5;
	s5 =	spop (v2sf)  }
0x95: {  	v5 =	vld [tilespmem:s2+$0x20];
	s23 =	spop (v2sf);
	[tilespmem:s1+$0x2B0] =	vst v0  }
0x96: {  	[tilespmem:s1+$0xFFFFFAA0] =	vst v3;
	v0 =	vld [tilespmem:s23+$0x0]  }
0x97: {  	v3 =	vld [tilespmem:s9+$0x30]  }
0x98: {  	[tilespmem:s28+$0xFFFFF810] =	vst v4  }
0x99: {  	v4 =	vld [tilespmem:s22+$0x20]  }
0x9a: {  	[tilespmem:s28+$0x20] =	vst v5  }
0x9b: {  	s10 =	spop (v2sf);
	[tilespmem:s1+$0x300] =	vst v0  }
0x9c: {  	v5 =	vld [tilespmem:s2+$0x30];
	s25 =	spop (v2sf);
	[tilespmem:s1+$0xFFFFFAB0] =	vst v3  }
0x9d: {  	v0 =	vld [tilespmem:s23+$0x10];
	[smem:$0x7FA] =	sst s25  }
0x9e: {  	s26 =	spop (v2sf);
	[tilespmem:s28+$0xFFFFF820] =	vst v4  }
0x9f: {  	v3 =	vld [tilespmem:s8+$0x0];
	[smem:$0x7FB] =	sst s26  }
0xa0: {  	(v2sf) =	vpush v1, $0x7;
	s31 =	spop (v2sf);
	v4 =	vld [tilespmem:s22+$0x30]  }
0xa1: {  	[dreg:$0x4] =	wrdreg s31  }
0xa2: {  	s2 =	spop (v2sf);
	[tilespmem:s28+$0x30] =	vst v5  }
0xa3: {  	v5 =	vld [tilespmem:s2+$0x0];
	[tilespmem:s1+$0x310] =	vst v0  }
0xa4: {  	v0 =	vld [tilespmem:s23+$0x20]  }
0xa5: {  	[tilespmem:s28+$0xFFFFF830] =	vst v4  }
0xa6: {  	v4 =	vld [tilespmem:s21+$0x0]  }
0xa7: {  	[tilespmem:s1+$0xFFFFFB00] =	vst v3  }
0xa8: {  	v3 =	vld [tilespmem:s8+$0x10];
	[tilespmem:s28+$0x80] =	vst v5  }
0xa9: {  	v5 =	vld [tilespmem:s2+$0x10];
	[tilespmem:s1+$0x320] =	vst v0  }
0xaa: {  	v0 =	vld [tilespmem:s23+$0x30]  }
0xab: {  	(v2sf) =	vpush v2, $0x2;
	[tilespmem:s28+$0xFFFFF880] =	vst v4  }
0xac: {  	v4 =	vld [tilespmem:s21+$0x10]  }
0xad: {  	[tilespmem:s1+$0xFFFFFB10] =	vst v3  }
0xae: {  	v3 =	vld [tilespmem:s8+$0x20];
	[tilespmem:s28+$0x90] =	vst v5  }
0xaf: {  	s9 =	spop (v2sf);
	v5 =	vld [tilespmem:s2+$0x20];
	[tilespmem:s1+$0x330] =	vst v0  }
0xb0: {  	v0 =	vld [tilespmem:s9+$0x0]  }
0xb1: {  	[tilespmem:s28+$0xFFFFF890] =	vst v4  }
0xb2: {  	v4 =	vld [tilespmem:s21+$0x20]  }
0xb3: {  	[tilespmem:s1+$0xFFFFFB20] =	vst v3  }
0xb4: {  	v3 =	vld [tilespmem:s8+$0x30];
	[tilespmem:s28+$0xA0] =	vst v5  }
0xb5: {  	v5 =	vld [tilespmem:s2+$0x30];
	[tilespmem:s1+$0x380] =	vst v0  }
0xb6: {  	v0 =	vld [tilespmem:s9+$0x10]  }
0xb7: {  	[tilespmem:s28+$0xFFFFF8A0] =	vst v4  }
0xb8: {  	(v2sf) =	vpush v1, $0x8;
	v4 =	vld [tilespmem:s21+$0x30]  }
0xb9: {  	[tilespmem:s1+$0xFFFFFB30] =	vst v3  }
0xba: {  	s22 =	spop (v2sf);
	v3 =	vld [tilespmem:s6+$0x0];
	[tilespmem:s28+$0xB0] =	vst v5  }
0xbb: {  	v5 =	vld [tilespmem:s22+$0x0];
	[tilespmem:s1+$0x390] =	vst v0  }
0xbc: {  	v0 =	vld [tilespmem:s9+$0x20]  }
0xbd: {  	[tilespmem:s28+$0xFFFFF8B0] =	vst v4  }
0xbe: {  	v4 =	vld [tilespmem:s20+$0x0]  }
0xbf: {  	[tilespmem:s1+$0xFFFFFB80] =	vst v3  }
0xc0: {  	v3 =	vld [tilespmem:s6+$0x10];
	[tilespmem:s28+$0x100] =	vst v5  }
0xc1: {  	v5 =	vld [tilespmem:s22+$0x10];
	[tilespmem:s1+$0x3A0] =	vst v0  }
0xc2: {  	v0 =	vld [tilespmem:s9+$0x30]  }
0xc3: {  	(v2sf) =	vpush v2, $0x3;
	[tilespmem:s28+$0xFFFFF900] =	vst v4  }
0xc4: {  	v4 =	vld [tilespmem:s20+$0x10]  }
0xc5: {  	[tilespmem:s1+$0xFFFFFB90] =	vst v3  }
0xc6: {  	v3 =	vld [tilespmem:s6+$0x20];
	[tilespmem:s28+$0x110] =	vst v5  }
0xc7: {  	s25 =	spop (v2sf);
	v5 =	vld [tilespmem:s22+$0x20];
	[tilespmem:s1+$0x3B0] =	vst v0  }
0xc8: {  	v0 =	vld [tilespmem:s25+$0x0]  }
0xc9: {  	[tilespmem:s28+$0xFFFFF910] =	vst v4  }
0xca: {  	v4 =	vld [tilespmem:s20+$0x20]  }
0xcb: {  	[tilespmem:s1+$0xFFFFFBA0] =	vst v3  }
0xcc: {  	v3 =	vld [tilespmem:s6+$0x30];
	[tilespmem:s28+$0x120] =	vst v5  }
0xcd: {  	v5 =	vld [tilespmem:s22+$0x30];
	[tilespmem:s1+$0x400] =	vst v0  }
0xce: {  	v0 =	vld [tilespmem:s25+$0x10]  }
0xcf: {  	[tilespmem:s28+$0xFFFFF920] =	vst v4  }
0xd0: {  	(v2sf) =	vpush v1, $0x9;
	v4 =	vld [tilespmem:s20+$0x30]  }
0xd1: {  	[tilespmem:s1+$0xFFFFFBB0] =	vst v3  }
0xd2: {  	s26 =	spop (v2sf);
	v3 =	vld [tilespmem:s3+$0x0];
	[tilespmem:s28+$0x130] =	vst v5  }
0xd3: {  	v5 =	vld [tilespmem:s26+$0x0];
	[tilespmem:s1+$0x410] =	vst v0  }
0xd4: {  	v0 =	vld [tilespmem:s25+$0x20]  }
0xd5: {  	[tilespmem:s28+$0xFFFFF930] =	vst v4  }
0xd6: {  	v4 =	vld [tilespmem:s13+$0x0]  }
0xd7: {  	[tilespmem:s1+$0xFFFFFC00] =	vst v3  }
0xd8: {  	v3 =	vld [tilespmem:s3+$0x10];
	[tilespmem:s28+$0x180] =	vst v5  }
0xd9: {  	v5 =	vld [tilespmem:s26+$0x10];
	[tilespmem:s1+$0x420] =	vst v0  }
0xda: {  	v0 =	vld [tilespmem:s25+$0x30]  }
0xdb: {  	(v2sf) =	vpush v2, $0x4;
	[tilespmem:s28+$0xFFFFF980] =	vst v4  }
0xdc: {  	v4 =	vld [tilespmem:s13+$0x10]  }
0xdd: {  	[tilespmem:s1+$0xFFFFFC10] =	vst v3  }
0xde: {  	v3 =	vld [tilespmem:s3+$0x20];
	[tilespmem:s28+$0x190] =	vst v5  }
0xdf: {  	s31 =	spop (v2sf);
	v5 =	vld [tilespmem:s26+$0x20];
	[tilespmem:s1+$0x430] =	vst v0  }
0xe0: {  	v0 =	vld [tilespmem:s31+$0x0]  }
0xe1: {  	[tilespmem:s28+$0xFFFFF990] =	vst v4  }
0xe2: {  	v4 =	vld [tilespmem:s13+$0x20]  }
0xe3: {  	[tilespmem:s1+$0xFFFFFC20] =	vst v3  }
0xe4: {  	v3 =	vld [tilespmem:s3+$0x30];
	[tilespmem:s28+$0x1A0] =	vst v5  }
0xe5: {  	v5 =	vld [tilespmem:s26+$0x30];
	[tilespmem:s1+$0x480] =	vst v0  }
0xe6: {  	v0 =	vld [tilespmem:s31+$0x10]  }
0xe7: {  	[tilespmem:s28+$0xFFFFF9A0] =	vst v4  }
0xe8: {  	(v2sf) =	vpush v1, $0xA;
	v4 =	vld [tilespmem:s13+$0x30]  }
0xe9: {  	[tilespmem:s1+$0xFFFFFC30] =	vst v3  }
0xea: {  	s2 =	spop (v2sf);
	v3 =	vld [tilespmem:s24+$0x0];
	[tilespmem:s28+$0x1B0] =	vst v5  }
0xeb: {  	v5 =	vld [tilespmem:s2+$0x0];
	[tilespmem:s1+$0x490] =	vst v0  }
0xec: {  	v0 =	vld [tilespmem:s31+$0x20]  }
0xed: {  	[tilespmem:s28+$0xFFFFF9B0] =	vst v4  }
0xee: {  	v4 =	vld [tilespmem:s12+$0x0]  }
0xef: {  	[tilespmem:s1+$0xFFFFFC80] =	vst v3  }
0xf0: {  	v3 =	vld [tilespmem:s24+$0x10];
	[tilespmem:s28+$0x200] =	vst v5  }
0xf1: {  	v5 =	vld [tilespmem:s2+$0x10];
	[tilespmem:s1+$0x4A0] =	vst v0  }
0xf2: {  	s8 =	simm.s32 $0x2050;
	v0 =	vld [tilespmem:s31+$0x30]  }
0xf3: {  	(v2sf) =	vpush v2, $0x5;
	v6 =	vld [tilespmem:s8+$0x0];
	[tilespmem:s28+$0xFFFFFA00] =	vst v4  }
0xf4: {  	v4 =	vld [tilespmem:s12+$0x10]  }
0xf5: {  	v7 =	vld [tilespmem:s8+$0xFFFFFFF0];
	[tilespmem:s1+$0xFFFFFC90] =	vst v3  }
0xf6: {  	v3 =	vld [tilespmem:s24+$0x20];
	[tilespmem:s28+$0x210] =	vst v5  }
0xf7: {  	s9 =	spop (v2sf);
	v5 =	vld [tilespmem:s2+$0x20];
	[tilespmem:s1+$0x4B0] =	vst v0  }
0xf8: {  	v8 =	vld [tilespmem:s9+$0x0]  }
0xf9: {  	[tilespmem:s28+$0xFFFFFA10] =	vst v4  }
0xfa: {  	v0 =	vshll.u32 v6, $0x6;
	v4 =	vld [tilespmem:s12+$0x20]  }
0xfb: {  	(v2sf) =	vpush v0, $0x0;
	[tilespmem:s1+$0xFFFFFCA0] =	vst v3  }
0xfc: {  	v3 =	vshll.u32 v7, $0x6;
	v6 =	vld [tilespmem:s24+$0x30];
	[tilespmem:s28+$0x220] =	vst v5  }
0xfd: {  	(v2sf) =	vpush v3, $0x0;
	v5 =	vld [tilespmem:s2+$0x30];
	[tilespmem:s1+$0x500] =	vst v8  }
0xfe: {  	(v2sf) =	vpush v3, $0x1;
	v7 =	vld [tilespmem:s9+$0x10]  }
0xff: {  	(v2sf) =	vpush v3, $0x2;
	[tilespmem:s28+$0xFFFFFA20] =	vst v4  }
0x100: {  	(v2sf) =	vpush v1, $0xB;
	v4 =	vld [tilespmem:s12+$0x30]  }
0x101: {  	(v2sf) =	vpush v3, $0x3;
	[tilespmem:s1+$0xFFFFFCB0] =	vst v6  }
0x102: {  	s13 =	spop (v2sf);
	(v2sf) =	vpush v3, $0x4;
	v6 =	vld [tilespmem:s0+$0x0];
	[tilespmem:s28+$0x230] =	vst v5  }
0x103: {  	(v2sf) =	vpush v3, $0x5;
	v5 =	vld [tilespmem:s13+$0x0];
	[tilespmem:s1+$0x510] =	vst v7  }
0x104: {  	(v2sf) =	vpush v3, $0x6;
	v7 =	vld [tilespmem:s9+$0x20]  }
0x105: {  	(v2sf) =	vpush v3, $0x7;
	[tilespmem:s28+$0xFFFFFA30] =	vst v4  }
0x106: {  	(v2sf) =	vpush v3, $0x8;
	v4 =	vld [tilespmem:s4+$0x0]  }
0x107: {  	(v2sf) =	vpush v3, $0x9;
	[tilespmem:s1+$0xFFFFFD00] =	vst v6  }
0x108: {  	(v2sf) =	vpush v3, $0xA;
	v6 =	vld [tilespmem:s0+$0x10];
	[tilespmem:s28+$0x280] =	vst v5  }
0x109: {  	(v2sf) =	vpush v3, $0xB;
	v5 =	vld [tilespmem:s13+$0x10];
	[tilespmem:s1+$0x520] =	vst v7  }
0x10a: {  	s24 =	spop (v2sf);
	v7 =	vld [tilespmem:s9+$0x30]  }
0x10b: {  	[tilespmem:s28+$0xFFFFFA80] =	vst v4;
	v4 =	vld [tilespmem:s24+$0x0]  }
0x10c: {  	(v2sf) =	vpush v2, $0x6;
	s25 =	spop (v2sf);
	v8 =	vld [tilespmem:s4+$0x10]  }
0x10d: {  	v9 =	vld [tilespmem:s25+$0x0];
	s2 =	spop (v2sf);
	[tilespmem:s1+$0xFFFFFD10] =	vst v6  }
0x10e: {  	s23 =	spop (v2sf);
	v6 =	vld [tilespmem:s0+$0x20];
	[tilespmem:s28+$0x290] =	vst v5  }
0x10f: {  	s30 =	simm.s32 $0x4C00;
	(v2sf) =	vpush v3, $0xC;
	s26 =	spop (v2sf);
	v5 =	vld [tilespmem:s13+$0x20];
	[tilespmem:s1+$0x530] =	vst v7  }
0x110: {  	(v2sf) =	vpush v3, $0xD;
	s22 =	spop (v2sf);
	v7 =	vld [tilespmem:s26+$0x0];
	[tilespmem:s30+$0x0] =	vst v4  }
0x111: {  	(v2sf) =	vpush v3, $0xE;
	s20 =	spop (v2sf);
	[tilespmem:s28+$0xFFFFFA90] =	vst v8;
	v4 =	vld [tilespmem:s24+$0x10]  }
0x112: {  	(v2sf) =	vpush v3, $0xF;
	[tilespmem:s30+$0xFFFFF800] =	vst v9;
	s21 =	spop (v2sf);
	v3 =	vld [tilespmem:s4+$0x20]  }
0x113: {  	s3 =	spop (v2sf);
	[tilespmem:s1+$0xFFFFFD20] =	vst v6;
	v8 =	vld [tilespmem:s25+$0x10]  }
0x114: {  	s9 =	spop (v2sf);
	v6 =	vld [tilespmem:s0+$0x30];
	[tilespmem:s28+$0x2A0] =	vst v5  }
0x115: {  	s31 =	spop (v2sf);
	v5 =	vld [tilespmem:s13+$0x30];
	[tilespmem:s1+$0x580] =	vst v7  }
0x116: {  	s6 =	spop (v2sf);
	v7 =	vld [tilespmem:s26+$0x10];
	[tilespmem:s30+$0x10] =	vst v4  }
0x117: {  	(v2sf) =	vpush v0, $0x1;
	s8 =	spop (v2sf);
	[tilespmem:s28+$0xFFFFFAA0] =	vst v3;
	v3 =	vld [tilespmem:s24+$0x20]  }
0x118: {  	[tilespmem:s30+$0xFFFFF810] =	vst v8;
	v4 =	vld [tilespmem:s4+$0x30];
	s4 =	spop (v2sf)  }
0x119: {  	[dreg:$0xc] =	wrdreg s4  }
0x11a: {  	v8 =	vld [tilespmem:s25+$0x20];
	[tilespmem:s28+$0x2B0] =	vst v5  }
0x11b: {  	s29 =	spop (v2sf);
	[tilespmem:s1+$0xFFFFFD30] =	vst v6  }
0x11c: {  	[tilespmem:s1+$0x590] =	vst v7;
	v5 =	vld [tilespmem:s29+$0x0]  }
0x11d: {  	v6 =	vld [tilespmem:s16+$0x0];
	[tilespmem:s30+$0x20] =	vst v3  }
0x11e: {  	v7 =	vld [tilespmem:s26+$0x20];
	[tilespmem:s28+$0xFFFFFAB0] =	vst v4  }
0x11f: {  	s13 =	spop (v2sf);
	v3 =	vld [tilespmem:s24+$0x30];
	[tilespmem:s30+$0xFFFFF820] =	vst v8  }
0x120: {  	(v2sf) =	vpush v1, $0xC;
	v4 =	vld [tilespmem:s19+$0x0];
	[dreg:$0xa] =	wrdreg s13  }
0x121: {  	s24 =	spop (v2sf);
	[tilespmem:s28+$0x300] =	vst v5  }
0x122: {  	v8 =	vld [tilespmem:s25+$0x30];
	[dreg:$0x7] =	wrdreg s24  }
0x123: {  	s12 =	spop (v2sf);
	v5 =	vld [tilespmem:s29+$0x10];
	[tilespmem:s1+$0xFFFFFD80] =	vst v6  }
0x124: {  	s25 =	spop (v2sf);
	[tilespmem:s1+$0x5A0] =	vst v7  }
0x125: {  	(v2sf) =	vpush v2, $0x7;
	v6 =	vld [tilespmem:s16+$0x10];
	[dreg:$0x5] =	wrdreg s25  }
0x126: {  	s0 =	spop (v2sf);
	[tilespmem:s30+$0x30] =	vst v3  }
0x127: {  	v3 =	vld [tilespmem:s0+$0x0];
	[tilespmem:s30+$0xFFFFF830] =	vst v8  }
0x128: {  	v8 =	vld [tilespmem:s2+$0x0];
	[tilespmem:s28+$0x310] =	vst v5  }
0x129: {  	v5 =	vld [tilespmem:s29+$0x20]  }
0x12a: {  	v7 =	vld [tilespmem:s26+$0x30];
	[tilespmem:s28+$0xFFFFFB00] =	vst v4  }
0x12b: {  	v4 =	vld [tilespmem:s19+$0x10];
	[tilespmem:s1+$0xFFFFFD90] =	vst v6  }
0x12c: {  	v6 =	vld [tilespmem:s16+$0x20];
	[tilespmem:s30+$0x80] =	vst v3  }
0x12d: {  	v3 =	vld [tilespmem:s0+$0x10];
	[tilespmem:s30+$0xFFFFF880] =	vst v8  }
0x12e: {  	(v2sf) =	vpush v0, $0x2;
	v8 =	vld [tilespmem:s2+$0x10];
	[tilespmem:s28+$0x320] =	vst v5  }
0x12f: {  	v5 =	vld [tilespmem:s29+$0x30];
	s29 =	sld [smem:$0x7F8];
	[tilespmem:s1+$0x5B0] =	vst v7;
	s4 =	spop (v2sf)  }
0x130: {  	[tilespmem:s28+$0xFFFFFB10] =	vst v4;
	v7 =	vld [tilespmem:s4+$0x0]  }
0x131: {  	[tilespmem:s1+$0xFFFFFDA0] =	vst v6;
	v4 =	vld [tilespmem:s19+$0x20]  }
0x132: {  	v6 =	vld [tilespmem:s16+$0x30];
	[tilespmem:s30+$0x90] =	vst v3  }
0x133: {  	v3 =	vld [tilespmem:s0+$0x20];
	[tilespmem:s30+$0xFFFFF890] =	vst v8  }
0x134: {  	s13 =	spop (v2sf);
	v8 =	vld [tilespmem:s2+$0x20];
	[tilespmem:s28+$0x330] =	vst v5  }
0x135: {  	[tilespmem:s1+$0x600] =	vst v7;
	v5 =	vld [tilespmem:s13+$0x0]  }
0x136: {  	[tilespmem:s28+$0xFFFFFB20] =	vst v4;
	v7 =	vld [tilespmem:s4+$0x10]  }
0x137: {  	[tilespmem:s1+$0xFFFFFDB0] =	vst v6;
	v4 =	vld [tilespmem:s19+$0x30]  }
0x138: {  	(v2sf) =	vpush v1, $0xD;
	v6 =	vld [tilespmem:s11+$0x0];
	[tilespmem:s30+$0xA0] =	vst v3  }
0x139: {  	v3 =	vld [tilespmem:s0+$0x30];
	[tilespmem:s30+$0xFFFFF8A0] =	vst v8  }
0x13a: {  	v8 =	vld [tilespmem:s2+$0x30];
	[tilespmem:s28+$0x380] =	vst v5  }
0x13b: {  	[tilespmem:s1+$0x610] =	vst v7;
	v5 =	vld [tilespmem:s13+$0x10]  }
0x13c: {  	[tilespmem:s28+$0xFFFFFB30] =	vst v4;
	v7 =	vld [tilespmem:s4+$0x20]  }
0x13d: {  	(v2sf) =	vpush v2, $0x8;
	[tilespmem:s1+$0xFFFFFE00] =	vst v6;
	v4 =	vld [tilespmem:s18+$0x0]  }
0x13e: {  	s24 =	spop (v2sf);
	v6 =	vld [tilespmem:s11+$0x10];
	[tilespmem:s30+$0xB0] =	vst v3  }
0x13f: {  	v3 =	vld [tilespmem:s24+$0x0];
	[tilespmem:s30+$0xFFFFF8B0] =	vst v8  }
0x140: {  	v8 =	vld [tilespmem:s23+$0x0];
	[tilespmem:s28+$0x390] =	vst v5  }
0x141: {  	[tilespmem:s1+$0x620] =	vst v7;
	v5 =	vld [tilespmem:s13+$0x20]  }
0x142: {  	[tilespmem:s28+$0xFFFFFB80] =	vst v4;
	v7 =	vld [tilespmem:s4+$0x30]  }
0x143: {  	[tilespmem:s1+$0xFFFFFE10] =	vst v6;
	v4 =	vld [tilespmem:s18+$0x10]  }
0x144: {  	v6 =	vld [tilespmem:s11+$0x20];
	[tilespmem:s30+$0x100] =	vst v3  }
0x145: {  	v3 =	vld [tilespmem:s24+$0x10];
	[tilespmem:s30+$0xFFFFF900] =	vst v8  }
0x146: {  	v8 =	vld [tilespmem:s23+$0x10];
	[tilespmem:s28+$0x3A0] =	vst v5  }
0x147: {  	(v2sf) =	vpush v0, $0x3;
	s25 =	spop (v2sf);
	v5 =	vld [tilespmem:s13+$0x30];
	[tilespmem:s1+$0x630] =	vst v7  }
0x148: {  	[tilespmem:s28+$0xFFFFFB90] =	vst v4;
	v7 =	vld [tilespmem:s25+$0x0]  }
0x149: {  	[tilespmem:s1+$0xFFFFFE20] =	vst v6;
	v4 =	vld [tilespmem:s18+$0x20]  }
0x14a: {  	v6 =	vld [tilespmem:s11+$0x30];
	[tilespmem:s30+$0x110] =	vst v3  }
0x14b: {  	v3 =	vld [tilespmem:s24+$0x20];
	[tilespmem:s30+$0xFFFFF910] =	vst v8  }
0x14c: {  	s26 =	spop (v2sf);
	v8 =	vld [tilespmem:s23+$0x20];
	[tilespmem:s28+$0x3B0] =	vst v5  }
0x14d: {  	[tilespmem:s1+$0x680] =	vst v7;
	v5 =	vld [tilespmem:s26+$0x0]  }
0x14e: {  	[tilespmem:s28+$0xFFFFFBA0] =	vst v4;
	v7 =	vld [tilespmem:s25+$0x10]  }
0x14f: {  	[tilespmem:s1+$0xFFFFFE30] =	vst v6;
	v4 =	vld [tilespmem:s18+$0x30]  }
0x150: {  	(v2sf) =	vpush v1, $0xE;
	v6 =	vld [tilespmem:s7+$0x0];
	[tilespmem:s30+$0x120] =	vst v3  }
0x151: {  	v3 =	vld [tilespmem:s24+$0x30];
	[tilespmem:s30+$0xFFFFF920] =	vst v8  }
0x152: {  	v8 =	vld [tilespmem:s23+$0x30];
	s23 =	simm.s32 $0x2C00;
	[tilespmem:s28+$0x400] =	vst v5  }
0x153: {  	[tilespmem:s23+$0x690] =	vst v7;
	v5 =	vld [tilespmem:s26+$0x10]  }
0x154: {  	[tilespmem:s28+$0xFFFFFBB0] =	vst v4;
	v7 =	vld [tilespmem:s25+$0x20]  }
0x155: {  	[tilespmem:s23+$0xFFFFFE80] =	vst v6;
	v4 =	vld [tilespmem:s17+$0x0]  }
0x156: {  	s0 =	spop (v2sf);
	v6 =	vld [tilespmem:s7+$0x10];
	[tilespmem:s30+$0x130] =	vst v3  }
0x157: {  	(v2sf) =	vpush v2, $0x9;
	v3 =	vld [tilespmem:s0+$0x0];
	[tilespmem:s30+$0xFFFFF930] =	vst v8  }
0x158: {  	v8 =	vld [tilespmem:s22+$0x0];
	[tilespmem:s28+$0x410] =	vst v5  }
0x159: {  	[tilespmem:s23+$0x6A0] =	vst v7;
	v5 =	vld [tilespmem:s26+$0x20]  }
0x15a: {  	[tilespmem:s28+$0xFFFFFC00] =	vst v4;
	v7 =	vld [tilespmem:s25+$0x30]  }
0x15b: {  	[tilespmem:s23+$0xFFFFFE90] =	vst v6;
	v4 =	vld [tilespmem:s17+$0x10]  }
0x15c: {  	v6 =	vld [tilespmem:s7+$0x20];
	[tilespmem:s30+$0x180] =	vst v3  }
0x15d: {  	v3 =	vld [tilespmem:s0+$0x10];
	[tilespmem:s30+$0xFFFFF980] =	vst v8  }
0x15e: {  	v8 =	vld [tilespmem:s22+$0x10];
	[tilespmem:s28+$0x420] =	vst v5  }
0x15f: {  	s2 =	spop (v2sf);
	v5 =	vld [tilespmem:s26+$0x30];
	[tilespmem:s23+$0x6B0] =	vst v7  }
0x160: {  	(v2sf) =	vpush v0, $0x4;
	[tilespmem:s28+$0xFFFFFC10] =	vst v4;
	v7 =	vld [tilespmem:s2+$0x0]  }
0x161: {  	[tilespmem:s23+$0xFFFFFEA0] =	vst v6;
	v4 =	vld [tilespmem:s17+$0x20]  }
0x162: {  	v6 =	vld [tilespmem:s7+$0x30];
	[tilespmem:s30+$0x190] =	vst v3  }
0x163: {  	v3 =	vld [tilespmem:s0+$0x20];
	[tilespmem:s30+$0xFFFFF990] =	vst v8  }
0x164: {  	[tilespmem:s28+$0x430] =	vst v5  }
0x165: {  	v8 =	vld [tilespmem:s22+$0x20];
	[tilespmem:s23+$0x700] =	vst v7  }
0x166: {  	s4 =	spop (v2sf);
	[tilespmem:s28+$0xFFFFFC20] =	vst v4  }
0x167: {  	v5 =	vld [tilespmem:s4+$0x0];
	[tilespmem:s23+$0xFFFFFEB0] =	vst v6  }
0x168: {  	v7 =	vld [tilespmem:s2+$0x10];
	[tilespmem:s30+$0x1A0] =	vst v3  }
0x169: {  	v4 =	vld [tilespmem:s17+$0x30];
	s13 =	sld [smem:$0x7F9]  }
0x16a: {  	v3 =	vld [tilespmem:s0+$0x30];
	[tilespmem:s30+$0xFFFFF9A0] =	vst v8  }
0x16b: {  	v8 =	vld [tilespmem:s22+$0x30]  }
0x16c: {  	[tilespmem:s28+$0x480] =	vst v5;
	v6 =	vld [tilespmem:s13+$0x0]  }
0x16d: {  	[tilespmem:s23+$0x710] =	vst v7;
	v5 =	vld [tilespmem:s4+$0x10]  }
0x16e: {  	(v2sf) =	vpush v1, $0xF;
	[tilespmem:s28+$0xFFFFFC30] =	vst v4;
	v1 =	vld [tilespmem:s2+$0x20]  }
0x16f: {  	s16 =	spop (v2sf);
	v4 =	vld [tilespmem:s15+$0x0];
	[tilespmem:s30+$0x1B0] =	vst v3  }
0x170: {  	s17 =	simm.s32 $0x2070;
	v3 =	vld [tilespmem:s16+$0x0];
	[tilespmem:s30+$0xFFFFF9B0] =	vst v8  }
0x171: {  	(v2sf) =	vpush v2, $0xA;
	v8 =	vld [tilespmem:s17+$0x0];
	[tilespmem:s23+$0xFFFFFF00] =	vst v6  }
0x172: {  	v7 =	vld [tilespmem:s20+$0x0];
	[tilespmem:s28+$0x490] =	vst v5  }
0x173: {  	v6 =	vld [tilespmem:s13+$0x10];
	[tilespmem:s23+$0x720] =	vst v1  }
0x174: {  	v1 =	vld [tilespmem:s4+$0x20];
	[tilespmem:s28+$0xFFFFFC80] =	vst v4  }
0x175: {  	v4 =	vld [tilespmem:s15+$0x10];
	[tilespmem:s30+$0x200] =	vst v3  }
0x176: {  	v3 =	vld [tilespmem:s16+$0x10]  }
0x177: {  	v5 =	vld [tilespmem:s2+$0x30];
	[tilespmem:s30+$0xFFFFFA00] =	vst v7  }
0x178: {  	(v2sf) =	vpush v0, $0x5;
	v7 =	vld [tilespmem:s20+$0x10];
	[tilespmem:s23+$0xFFFFFF10] =	vst v6  }
0x179: {  	[tilespmem:s28+$0x4A0] =	vst v1;
	v6 =	vld [tilespmem:s13+$0x20]  }
0x17a: {  	v1 =	vld [tilespmem:s4+$0x30];
	[tilespmem:s28+$0xFFFFFC90] =	vst v4  }
0x17b: {  	v4 =	vld [tilespmem:s17+$0xFFFFFFF0];
	[tilespmem:s30+$0x210] =	vst v3  }
0x17c: {  	v3 =	vld [tilespmem:s16+$0x20]  }
0x17d: {  	s18 =	spop (v2sf);
	[tilespmem:s23+$0x730] =	vst v5;
	v5 =	vld [tilespmem:s15+$0x20]  }
0x17e: {  	v62 =	vld [tilespmem:s18+$0x0];
	[tilespmem:s30+$0xFFFFFA10] =	vst v7  }
0x17f: {  	v10 =	vld [tilespmem:s20+$0x20];
	[tilespmem:s23+$0xFFFFFF20] =	vst v6  }
0x180: {  	s19 =	spop (v2sf);
	[tilespmem:s28+$0x4B0] =	vst v1;
	v6 =	vld [tilespmem:s13+$0x30]  }
0x181: {  	v1 =	vshll.u32 v8, $0x6;
	v7 =	vld [tilespmem:s19+$0x0];
	[tilespmem:s30+$0x220] =	vst v3  }
0x182: {  	[tilespmem:s28+$0xFFFFFCA0] =	vst v5;
	(v2sf) =	vpush v1, $0x0;
	v3 =	vshll.u32 v4, $0x6;
	v4 =	vld [tilespmem:s16+$0x30]  }
0x183: {  	[tilespmem:s23+$0x780] =	vst v62;
	v5 =	vld [tilespmem:s15+$0x30];
	(v2sf) =	vpush v3, $0x0  }
0x184: {  	v8 =	vld [tilespmem:s18+$0x10];
	[tilespmem:s30+$0xFFFFFA20] =	vst v10;
	(v2sf) =	vpush v3, $0x1  }
0x185: {  	v63 =	vld [tilespmem:s20+$0x30];
	[tilespmem:s23+$0xFFFFFF30] =	vst v6;
	(v2sf) =	vpush v3, $0x2  }
0x186: {  	[tilespmem:s28+$0x500] =	vst v7;
	v6 =	vld [tilespmem:s29+$0x0];
	(v2sf) =	vpush v2, $0xB  }
0x187: {  	s20 =	spop (v2sf);
	v7 =	vld [tilespmem:s19+$0x10];
	(v2sf) =	vpush v3, $0x3;
	[tilespmem:s30+$0x230] =	vst v4  }
0x188: {  	[tilespmem:s28+$0xFFFFFCB0] =	vst v5;
	(v2sf) =	vpush v3, $0x4;
	v4 =	vld [tilespmem:s20+$0x0]  }
0x189: {  	[tilespmem:s23+$0x790] =	vst v8;
	v5 =	vld [tilespmem:s14+$0x0];
	(v2sf) =	vpush v3, $0x5  }
0x18a: {  	v8 =	vld [tilespmem:s18+$0x20];
	[tilespmem:s30+$0xFFFFFA30] =	vst v63;
	(v2sf) =	vpush v3, $0x6  }
0x18b: {  	v9 =	vld [tilespmem:s21+$0x0];
	[tilespmem:s23+$0xFFFFFF80] =	vst v6;
	(v2sf) =	vpush v3, $0x7  }
0x18c: {  	[tilespmem:s28+$0x510] =	vst v7;
	v6 =	vld [tilespmem:s29+$0x10];
	(v2sf) =	vpush v3, $0x8  }
0x18d: {  	v7 =	vld [tilespmem:s19+$0x20];
	(v2sf) =	vpush v3, $0x9;
	[tilespmem:s30+$0x280] =	vst v4  }
0x18e: {  	[tilespmem:s28+$0xFFFFFD00] =	vst v5;
	v4 =	vld [tilespmem:s20+$0x10]  }
0x18f: {  	[tilespmem:s23+$0x7A0] =	vst v8;
	v5 =	vld [tilespmem:s14+$0x10];
	(v2sf) =	vpush v3, $0xA  }
0x190: {  	v8 =	vld [tilespmem:s18+$0x30];
	[tilespmem:s30+$0xFFFFFA80] =	vst v9  }
0x191: {  	(v2sf) =	vpush v3, $0xB;
	s22 =	spop (v2sf);
	v9 =	vld [tilespmem:s21+$0x10];
	[tilespmem:s23+$0xFFFFFF90] =	vst v6  }
0x192: {  	[tilespmem:s28+$0x520] =	vst v7;
	v6 =	vld [tilespmem:s29+$0x20];
	s4 =	spop (v2sf)  }
0x193: {  	(v2sf) =	vpush v0, $0x6;
	v7 =	vld [tilespmem:s19+$0x30];
	s1 =	spop (v2sf);
	[tilespmem:s30+$0x290] =	vst v4  }
0x194: {  	[tilespmem:s28+$0xFFFFFD10] =	vst v5;
	s25 =	spop (v2sf);
	v4 =	vld [tilespmem:s20+$0x20]  }
0x195: {  	[tilespmem:s23+$0x7B0] =	vst v8;
	v8 =	vld [tilespmem:s22+$0x0];
	s13 =	spop (v2sf)  }
0x196: {  	v5 =	vld [tilespmem:s14+$0x20];
	[tilespmem:s30+$0xFFFFFA90] =	vst v9;
	s26 =	spop (v2sf)  }
0x197: {  	[tilespmem:s23+$0xFFFFFFA0] =	vst v6;
	v6 =	vld [tilespmem:s4+$0x0];
	s18 =	spop (v2sf)  }
0x198: {  	[tilespmem:s28+$0x530] =	vst v7;
	s7 =	spop (v2sf)  }
0x199: {  	s11 =	simm.s32 $0x5C00;
	v7 =	vld [tilespmem:s13+$0x0];
	s2 =	spop (v2sf);
	[tilespmem:s30+$0x2A0] =	vst v4  }
0x19a: {  	[tilespmem:s11+$0x0] =	vst v8;
	v4 =	vld [tilespmem:s20+$0x30];
	s20 =	spop (v2sf)  }
0x19b: {  	v9 =	vld [tilespmem:s21+$0x20];
	[tilespmem:s28+$0xFFFFFD20] =	vst v5;
	s24 =	spop (v2sf)  }
0x19c: {  	(v2sf) =	vpush v3, $0xC;
	v5 =	vld [tilespmem:s14+$0x30];
	[tilespmem:s11+$0xFFFFF800] =	vst v6;
	s14 =	spop (v2sf)  }
0x19d: {  	(v2sf) =	vpush v3, $0xD;
	v6 =	vld [tilespmem:s22+$0x10];
	[dreg:$0x11] =	wrdreg s14  }
0x19e: {  	(v2sf) =	vpush v3, $0xE;
	s15 =	spop (v2sf);
	[tilespmem:s28+$0x580] =	vst v7  }
0x19f: {  	(v2sf) =	vpush v3, $0xF;
	v3 =	vld [tilespmem:s4+$0x10];
	[dreg:$0x10] =	wrdreg s15  }
0x1a0: {  	s19 =	spop (v2sf);
	[tilespmem:s30+$0xFFFFFAA0] =	vst v9  }
0x1a1: {  	(v2sf) =	vpush v1, $0x1;
	v7 =	vld [tilespmem:s13+$0x10];
	[dreg:$0xe] =	wrdreg s19  }
0x1a2: {  	s14 =	spop (v2sf);
	v8 =	vld [tilespmem:s21+$0x30];
	[tilespmem:s30+$0x2B0] =	vst v4  }
0x1a3: {  	(v2sf) =	vpush v2, $0xC;
	[tilespmem:s28+$0xFFFFFD30] =	vst v5;
	v4 =	vld [tilespmem:s14+$0x0]  }
0x1a4: {  	[tilespmem:s11+$0x10] =	vst v6;
	v5 =	vld [tilespmem:s5+$0x0]  }
0x1a5: {  	[tilespmem:s11+$0xFFFFF810] =	vst v3;
	v3 =	vld [tilespmem:s22+$0x20]  }
0x1a6: {  	v6 =	vld [tilespmem:s4+$0x20];
	[tilespmem:s28+$0x590] =	vst v7  }
0x1a7: {  	v7 =	vld [tilespmem:s13+$0x20];
	[tilespmem:s30+$0xFFFFFAB0] =	vst v8  }
0x1a8: {  	v8 =	vld [tilespmem:s3+$0x0];
	[tilespmem:s30+$0x300] =	vst v4  }
0x1a9: {  	[tilespmem:s28+$0xFFFFFD80] =	vst v5;
	v4 =	vld [tilespmem:s14+$0x10]  }
0x1aa: {  	[tilespmem:s11+$0x20] =	vst v3;
	v3 =	vld [tilespmem:s5+$0x10]  }
0x1ab: {  	(v2sf) =	vpush v0, $0x7;
	v5 =	vld [tilespmem:s22+$0x30];
	[tilespmem:s11+$0xFFFFF820] =	vst v6  }
0x1ac: {  	s19 =	spop (v2sf);
	v6 =	vld [tilespmem:s4+$0x30];
	[tilespmem:s28+$0x5A0] =	vst v7  }
0x1ad: {  	s21 =	spop (v2sf);
	v7 =	vld [tilespmem:s13+$0x30];
	[tilespmem:s30+$0xFFFFFB00] =	vst v8  }
0x1ae: {  	s15 =	spop (v2sf);
	v8 =	vld [tilespmem:s3+$0x10];
	[tilespmem:s30+$0x310] =	vst v4  }
0x1af: {  	s13 =	spop (v2sf);
	[tilespmem:s28+$0xFFFFFD90] =	vst v3;
	v4 =	vld [tilespmem:s14+$0x20]  }
0x1b0: {  	s0 =	spop (v2sf);
	[tilespmem:s11+$0x30] =	vst v5;
	v3 =	vld [tilespmem:s5+$0x20]  }
0x1b1: {  	[tilespmem:s11+$0xFFFFF830] =	vst v6;
	v5 =	vld [tilespmem:s0+$0x0]  }
0x1b2: {  	s4 =	spop (v2sf);
	v6 =	vld [tilespmem:s1+$0x0];
	[tilespmem:s28+$0x5B0] =	vst v7  }
0x1b3: {  	v7 =	vld [tilespmem:s4+$0x0];
	[tilespmem:s30+$0xFFFFFB10] =	vst v8  }
0x1b4: {  	v8 =	vld [tilespmem:s3+$0x20];
	[tilespmem:s30+$0x320] =	vst v4  }
0x1b5: {  	[tilespmem:s28+$0xFFFFFDA0] =	vst v3;
	v4 =	vld [tilespmem:s14+$0x30]  }
0x1b6: {  	[tilespmem:s11+$0x80] =	vst v5;
	v3 =	vld [tilespmem:s5+$0x30]  }
0x1b7: {  	[tilespmem:s11+$0xFFFFF880] =	vst v6;
	v5 =	vld [tilespmem:s0+$0x10]  }
0x1b8: {  	v6 =	vld [tilespmem:s1+$0x10];
	[tilespmem:s28+$0x600] =	vst v7  }
0x1b9: {  	(v2sf) =	vpush v1, $0x2;
	v7 =	vld [tilespmem:s4+$0x10];
	[tilespmem:s30+$0xFFFFFB20] =	vst v8  }
0x1ba: {  	s22 =	spop (v2sf);
	v8 =	vld [tilespmem:s3+$0x30];
	[tilespmem:s30+$0x330] =	vst v4  }
0x1bb: {  	(v2sf) =	vpush v2, $0xD;
	[tilespmem:s28+$0xFFFFFDB0] =	vst v3;
	v4 =	vld [tilespmem:s22+$0x0]  }
0x1bc: {  	[tilespmem:s11+$0x90] =	vst v5;
	v3 =	vld [tilespmem:s10+$0x0]  }
0x1bd: {  	[tilespmem:s11+$0xFFFFF890] =	vst v6;
	v5 =	vld [tilespmem:s0+$0x20]  }
0x1be: {  	v6 =	vld [tilespmem:s1+$0x20];
	[tilespmem:s28+$0x610] =	vst v7  }
0x1bf: {  	v7 =	vld [tilespmem:s4+$0x20];
	[tilespmem:s30+$0xFFFFFB30] =	vst v8  }
0x1c0: {  	v8 =	vld [tilespmem:s9+$0x0];
	[tilespmem:s30+$0x380] =	vst v4  }
0x1c1: {  	[tilespmem:s28+$0xFFFFFE00] =	vst v3;
	v4 =	vld [tilespmem:s22+$0x10]  }
0x1c2: {  	[tilespmem:s11+$0xA0] =	vst v5;
	v3 =	vld [tilespmem:s10+$0x10]  }
0x1c3: {  	v5 =	vld [tilespmem:s0+$0x30];
	[tilespmem:s11+$0xFFFFF8A0] =	vst v6  }
0x1c4: {  	v6 =	vld [tilespmem:s1+$0x30];
	[tilespmem:s28+$0x620] =	vst v7  }
0x1c5: {  	v7 =	vld [tilespmem:s4+$0x30];
	[tilespmem:s30+$0xFFFFFB80] =	vst v8  }
0x1c6: {  	(v2sf) =	vpush v0, $0x8;
	v8 =	vld [tilespmem:s9+$0x10];
	[tilespmem:s30+$0x390] =	vst v4  }
0x1c7: {  	[tilespmem:s28+$0xFFFFFE10] =	vst v3;
	v4 =	vld [tilespmem:s22+$0x20]  }
0x1c8: {  	s0 =	spop (v2sf);
	[tilespmem:s11+$0xB0] =	vst v5;
	v3 =	vld [tilespmem:s10+$0x20]  }
0x1c9: {  	[tilespmem:s11+$0xFFFFF8B0] =	vst v6;
	v5 =	vld [tilespmem:s0+$0x0]  }
0x1ca: {  	s4 =	spop (v2sf);
	v6 =	vld [tilespmem:s25+$0x0];
	[tilespmem:s28+$0x630] =	vst v7  }
0x1cb: {  	v7 =	vld [tilespmem:s4+$0x0];
	[tilespmem:s30+$0xFFFFFB90] =	vst v8  }
0x1cc: {  	v8 =	vld [tilespmem:s9+$0x20];
	[tilespmem:s30+$0x3A0] =	vst v4  }
0x1cd: {  	[tilespmem:s28+$0xFFFFFE20] =	vst v3;
	v4 =	vld [tilespmem:s22+$0x30]  }
0x1ce: {  	[tilespmem:s11+$0x100] =	vst v5;
	v3 =	vld [tilespmem:s10+$0x30]  }
0x1cf: {  	[tilespmem:s11+$0xFFFFF900] =	vst v6;
	v5 =	vld [tilespmem:s0+$0x10]  }
0x1d0: {  	[tilespmem:s28+$0x680] =	vst v7  }
0x1d1: {  	[tilespmem:s30+$0xFFFFFBA0] =	vst v8  }
0x1d2: {  	[tilespmem:s30+$0x3B0] =	vst v4  }
0x1d3: {  	(v2sf) =	vpush v1, $0x3;
	v6 =	vld [tilespmem:s25+$0x10];
	[tilespmem:s28+$0xFFFFFE30] =	vst v3  }
0x1d4: {  	v7 =	vld [tilespmem:s4+$0x10];
	[tilespmem:s11+$0x110] =	vst v5  }
0x1d5: {  	s14 =	spop (v2sf);
	v8 =	vld [tilespmem:s9+$0x30];
	s16 =	sld [smem:$0x7FA]  }
0x1d6: {  	(v2sf) =	vpush v2, $0xE;
	v4 =	vld [tilespmem:s14+$0x0]  }
0x1d7: {  	v5 =	vld [tilespmem:s0+$0x20]  }
0x1d8: {  	[tilespmem:s11+$0xFFFFF910] =	vst v6;
	v3 =	vld [tilespmem:s16+$0x0]  }
0x1d9: {  	v6 =	vld [tilespmem:s25+$0x20];
	[tilespmem:s28+$0x690] =	vst v7  }
0x1da: {  	v7 =	vld [tilespmem:s4+$0x20];
	[tilespmem:s30+$0xFFFFFBB0] =	vst v8  }
0x1db: {  	v8 =	vld [tilespmem:s31+$0x0];
	[tilespmem:s30+$0x400] =	vst v4  }
0x1dc: {  	[tilespmem:s11+$0x120] =	vst v5;
	v4 =	vld [tilespmem:s14+$0x10]  }
0x1dd: {  	v5 =	vld [tilespmem:s0+$0x30];
	[tilespmem:s28+$0xFFFFFE80] =	vst v3  }
0x1de: {  	[tilespmem:s11+$0xFFFFF920] =	vst v6;
	v3 =	vld [tilespmem:s16+$0x10]  }
0x1df: {  	(v2sf) =	vpush v0, $0x9;
	v6 =	vld [tilespmem:s25+$0x30];
	[tilespmem:s28+$0x6A0] =	vst v7  }
0x1e0: {  	v7 =	vld [tilespmem:s4+$0x30];
	[tilespmem:s30+$0xFFFFFC00] =	vst v8  }
0x1e1: {  	v8 =	vld [tilespmem:s31+$0x10];
	[tilespmem:s30+$0x410] =	vst v4  }
0x1e2: {  	s17 =	spop (v2sf);
	[tilespmem:s11+$0x130] =	vst v5;
	v4 =	vld [tilespmem:s14+$0x20]  }
0x1e3: {  	v5 =	vld [tilespmem:s17+$0x0];
	[tilespmem:s28+$0xFFFFFE90] =	vst v3  }
0x1e4: {  	[tilespmem:s11+$0xFFFFF930] =	vst v6;
	v3 =	vld [tilespmem:s16+$0x20]  }
0x1e5: {  	s22 =	spop (v2sf);
	v6 =	vld [tilespmem:s26+$0x0];
	[tilespmem:s28+$0x6B0] =	vst v7  }
0x1e6: {  	v7 =	vld [tilespmem:s22+$0x0];
	[tilespmem:s30+$0xFFFFFC10] =	vst v8  }
0x1e7: {  	v8 =	vld [tilespmem:s31+$0x20];
	[tilespmem:s30+$0x420] =	vst v4  }
0x1e8: {  	[tilespmem:s11+$0x180] =	vst v5;
	v4 =	vld [tilespmem:s14+$0x30]  }
0x1e9: {  	v5 =	vld [tilespmem:s17+$0x10];
	[tilespmem:s28+$0xFFFFFEA0] =	vst v3  }
0x1ea: {  	[tilespmem:s11+$0xFFFFF980] =	vst v6;
	v3 =	vld [tilespmem:s16+$0x30]  }
0x1eb: {  	v6 =	vld [tilespmem:s26+$0x10];
	[tilespmem:s28+$0x700] =	vst v7  }
0x1ec: {  	v7 =	vld [tilespmem:s22+$0x10];
	[tilespmem:s30+$0xFFFFFC20] =	vst v8  }
0x1ed: {  	(v2sf) =	vpush v1, $0x4;
	v8 =	vld [tilespmem:s31+$0x30];
	[tilespmem:s30+$0x430] =	vst v4  }
0x1ee: {  	s25 =	spop (v2sf);
	[tilespmem:s11+$0x190] =	vst v5  }
0x1ef: {  	(v2sf) =	vpush v2, $0xF;
	v2 =	vld [tilespmem:s25+$0x0];
	[tilespmem:s28+$0xFFFFFEB0] =	vst v3  }
0x1f0: {  	v4 =	vld [tilespmem:s17+$0x20];
	s31 =	sld [smem:$0x7FB];
	[tilespmem:s11+$0xFFFFF990] =	vst v6  }
0x1f1: {  	[tilespmem:s28+$0x710] =	vst v7;
	v5 =	vld [tilespmem:s26+$0x20]  }
0x1f2: {  	[tilespmem:s30+$0xFFFFFC30] =	vst v8;
	v6 =	vld [tilespmem:s22+$0x20]  }
0x1f3: {  	v7 =	vld [tilespmem:s6+$0x0]  }
0x1f4: {  	[tilespmem:s30+$0x480] =	vst v2;
	v3 =	vld [tilespmem:s31+$0x0]  }
0x1f5: {  	[tilespmem:s11+$0x1A0] =	vst v4;
	v2 =	vld [tilespmem:s25+$0x10]  }
0x1f6: {  	v4 =	vld [tilespmem:s17+$0x30];
	[tilespmem:s11+$0xFFFFF9A0] =	vst v5  }
0x1f7: {  	[tilespmem:s28+$0x720] =	vst v6;
	v5 =	vld [tilespmem:s26+$0x30]  }
0x1f8: {  	v6 =	vld [tilespmem:s22+$0x30];
	[tilespmem:s30+$0xFFFFFC80] =	vst v7  }
0x1f9: {  	[tilespmem:s28+$0xFFFFFF00] =	vst v3;
	v7 =	vld [tilespmem:s6+$0x10]  }
0x1fa: {  	[tilespmem:s30+$0x490] =	vst v2;
	v3 =	vld [tilespmem:s31+$0x10]  }
0x1fb: {  	[tilespmem:s11+$0x1B0] =	vst v4  }
0x1fc: {  	s1 =	spop (v2sf);
	v2 =	vld [tilespmem:s25+$0x20];
	[tilespmem:s11+$0xFFFFF9B0] =	vst v5  }
0x1fd: {  	v5 =	vld [tilespmem:s1+$0x0];
	[tilespmem:s28+$0x730] =	vst v6  }
0x1fe: {  	s10 =	spop (v2sf);
	v8 =	vld [tilespmem:s18+$0x0];
	[tilespmem:s30+$0xFFFFFC90] =	vst v7  }
0x1ff: {  	v7 =	vld [tilespmem:s10+$0x0];
	[tilespmem:s28+$0xFFFFFF10] =	vst v3  }
0x200: {  	v3 =	vld [tilespmem:s31+$0x20]  }
0x201: {  	v9 =	vld [tilespmem:s6+$0x20];
	[tilespmem:s30+$0x4A0] =	vst v2  }
0x202: {  	v4 =	vld [tilespmem:s25+$0x30];
	[tilespmem:s11+$0x200] =	vst v5  }
0x203: {  	[tilespmem:s11+$0xFFFFFA00] =	vst v8;
	v6 =	vld [tilespmem:s1+$0x10]  }
0x204: {  	[tilespmem:s28+$0x780] =	vst v7;
	v5 =	vld [tilespmem:s18+$0x10]  }
0x205: {  	(v2sf) =	vpush v0, $0xA;
	[tilespmem:s28+$0xFFFFFF20] =	vst v3;
	v3 =	vld [tilespmem:s10+$0x10]  }
0x206: {  	s5 =	simm.s32 $0x2090;
	s3 =	simm.s32 $0x6;
	(v2sf) =	vpush v1, $0x5;
	[tilespmem:s30+$0xFFFFFCA0] =	vst v9;
	v2 =	vld [tilespmem:s31+$0x30]  }
.LBB2_3:
0x207: {  	_ =	sdelay $0x9  }
0x208: {  	v7 =	vld [tilespmem:s5+$0x0];
	[tilespmem:s11+$0x210] =	vst v6  }
0x209: {  	[tilespmem:s11+$0xFFFFFA10] =	vst v5;
	v5 =	vld [tilespmem:s1+$0x20]  }
0x20a: {  	v6 =	vld [tilespmem:s5+$0xFFFFFFF0];
	[tilespmem:s28+$0xFFFFFF30] =	vst v2  }
0x20b: {  	[tilespmem:s30+$0x4B0] =	vst v4;
	v8 =	vld [tilespmem:s18+$0x20];
	s9 =	spop (v2sf)  }
0x20c: {  	v4 =	vld [tilespmem:s9+$0x0];
	[tilespmem:s28+$0x790] =	vst v3  }
0x20d: {  	v3 =	vld [tilespmem:s10+$0x20]  }
0x20e: {  	[tilespmem:s11+$0x220] =	vst v5;
	v5 =	vld [tilespmem:s6+$0x30]  }
0x20f: {  	v2 =	vshll.u32 v7, $0x6  }
0x210: {  	s16 =	rddreg [dreg:$0x4];
	v6 =	vshll.u32 v6, $0x6;
	(v2sf) =	vpush v2, $0x0;
	v7 =	vld [tilespmem:s1+$0x30]  }
0x211: {  	(v2sf) =	vpush v6, $0x0;
	[tilespmem:s30+$0x500] =	vst v4;
	v4 =	vld [tilespmem:s16+$0x0]  }
0x212: {  	(v2sf) =	vpush v6, $0x1;
	[tilespmem:s11+$0xFFFFFA20] =	vst v8;
	v8 =	vld [tilespmem:s9+$0x10]  }
0x213: {  	(v2sf) =	vpush v6, $0x2;
	v9 =	vld [tilespmem:s18+$0x30];
	[tilespmem:s30+$0xFFFFFCB0] =	vst v5  }
0x214: {  	(v2sf) =	vpush v0, $0xB;
	[tilespmem:s28+$0x7A0] =	vst v3;
	v5 =	vld [tilespmem:s8+$0x0]  }
0x215: {  	s17 =	spop (v2sf);
	(v2sf) =	vpush v6, $0x3;
	v3 =	vld [tilespmem:s10+$0x30];
	[tilespmem:s11+$0x230] =	vst v7  }
0x216: {  	(v2sf) =	vpush v6, $0x4;
	v7 =	vld [tilespmem:s17+$0x0];
	[tilespmem:s28+$0xFFFFFF80] =	vst v4  }
0x217: {  	(v2sf) =	vpush v6, $0x5;
	[tilespmem:s30+$0x510] =	vst v8;
	v4 =	vld [tilespmem:s16+$0x10]  }
0x218: {  	(v2sf) =	vpush v6, $0x6;
	[tilespmem:s11+$0xFFFFFA30] =	vst v9;
	v8 =	vld [tilespmem:s9+$0x20]  }
0x219: {  	(v2sf) =	vpush v6, $0x7;
	v9 =	vld [tilespmem:s7+$0x0];
	[tilespmem:s30+$0xFFFFFD00] =	vst v5  }
0x21a: {  	(v2sf) =	vpush v6, $0x8;
	[tilespmem:s28+$0x7B0] =	vst v3;
	v3 =	vld [tilespmem:s29+$0x30]  }
0x21b: {  	(v2sf) =	vpush v6, $0x9;
	[tilespmem:s11+$0x280] =	vst v7;
	v5 =	vld [tilespmem:s8+$0x10]  }
0x21c: {  	[dreg:$0x13] =	wrdreg s15;
	s15 =	smov.u32 s16;
	(v2sf) =	vpush v6, $0xA;
	v7 =	vld [tilespmem:s17+$0x10];
	[tilespmem:s28+$0xFFFFFF90] =	vst v4  }
0x21d: {  	s0 =	rddreg [dreg:$0x11];
	(v2sf) =	vpush v6, $0xB;
	[tilespmem:s30+$0x520] =	vst v8;
	v4 =	vld [tilespmem:s15+$0x20]  }
0x21e: {  	[dreg:$0x16] =	wrdreg s21;
	s4 =	smov.u32 s19;
	s19 =	smov.u32 s0;
	(v2sf) =	vpush v1, $0x6;
	[tilespmem:s11+$0xFFFFFA80] =	vst v9;
	v8 =	vld [tilespmem:s9+$0x30]  }
0x21f: {  	s0 =	smov.u32 s28;
	(v2sf) =	vpush v6, $0xC;
	s21 =	spop (v2sf);
	s28 =	smov.u32 s30;
	v9 =	vld [tilespmem:s7+$0x10];
	[tilespmem:s23+$0xFFFFFFB0] =	vst v3  }
0x220: {  	s26 =	rddreg [dreg:$0x5];
	s22 =	spop (v2sf);
	(v2sf) =	vpush v6, $0xD;
	v3 =	vld [tilespmem:s21+$0x0];
	[tilespmem:s28+$0xFFFFFD10] =	vst v5  }
0x221: {  	s31 =	smov.u32 s26;
	s1 =	spop (v2sf);
	(v2sf) =	vpush v6, $0xE;
	v5 =	vld [tilespmem:s22+$0x0];
	[tilespmem:s11+$0x290] =	vst v7  }
0x222: {  	[dreg:$0x4] =	wrdreg s31;
	s31 =	spop (v2sf);
	(v2sf) =	vpush v6, $0xF;
	v6 =	vld [tilespmem:s17+$0x20];
	[tilespmem:s0+$0xFFFFFFA0] =	vst v4  }
0x223: {  	s30 =	smov.u32 s11;
	s23 =	spop (v2sf);
	v4 =	vld [tilespmem:s8+$0x20];
	[tilespmem:s28+$0x530] =	vst v8  }
0x224: {  	s9 =	spop (v2sf);
	s11 =	sadd.s32 $0x1000, s11;
	[tilespmem:s30+$0xFFFFFA90] =	vst v9;
	v7 =	vld [tilespmem:s23+$0x0]  }
0x225: {  	s18 =	spop (v2sf);
	[tilespmem:s11+$0x0] =	vst v3;
	v3 =	vld [tilespmem:s7+$0x20]  }
0x226: {  	s16 =	spop (v2sf);
	[tilespmem:s11+$0xFFFFF800] =	vst v5;
	v5 =	vld [tilespmem:s21+$0x10]  }
0x227: {  	s14 =	spop (v2sf);
	v8 =	vld [tilespmem:s22+$0x10];
	[tilespmem:s30+$0x2A0] =	vst v6  }
0x228: {  	s25 =	spop (v2sf);
	(v2sf) =	vpush v2, $0x1;
	v6 =	vld [tilespmem:s17+$0x30];
	[tilespmem:s28+$0xFFFFFD20] =	vst v4  }
0x229: {  	s10 =	spop (v2sf);
	v4 =	vld [tilespmem:s8+$0x30];
	[tilespmem:s28+$0x580] =	vst v7  }
0x22a: {  	s17 =	spop (v2sf);
	[tilespmem:s30+$0xFFFFFAA0] =	vst v3;
	v3 =	vld [tilespmem:s23+$0x10]  }
0x22b: {  	s26 =	spop (v2sf);
	[tilespmem:s11+$0x10] =	vst v5;
	v5 =	vld [tilespmem:s7+$0x30]  }
0x22c: {  	s7 =	smov.u32 s16;
	[tilespmem:s11+$0xFFFFF810] =	vst v8;
	s16 =	spop (v2sf);
	(v2sf) =	vpush v0, $0xC;
	v7 =	vld [tilespmem:s21+$0x20]  }
0x22d: {  	[dreg:$0x11] =	wrdreg s17;
	v8 =	vld [tilespmem:s22+$0x20];
	[tilespmem:s30+$0x2B0] =	vst v6;
	s17 =	spop (v2sf)  }
0x22e: {  	s8 =	rddreg [dreg:$0xc];
	v6 =	vld [tilespmem:s17+$0x0];
	[tilespmem:s28+$0xFFFFFD30] =	vst v4  }
0x22f: {  	v4 =	vld [tilespmem:s8+$0x0];
	[tilespmem:s28+$0x590] =	vst v3  }
0x230: {  	[tilespmem:s30+$0xFFFFFAB0] =	vst v5;
	v3 =	vld [tilespmem:s23+$0x20]  }
0x231: {  	[tilespmem:s11+$0x20] =	vst v7;
	v5 =	vld [tilespmem:s2+$0x0]  }
0x232: {  	[tilespmem:s11+$0xFFFFF820] =	vst v8;
	v7 =	vld [tilespmem:s21+$0x30]  }
0x233: {  	s6 =	smov.u32 s13;
	s13 =	rddreg [dreg:$0x10];
	s29 =	spop (v2sf);
	v8 =	vld [tilespmem:s22+$0x30];
	[tilespmem:s30+$0x300] =	vst v6  }
0x234: {  	[dreg:$0x10] =	wrdreg s26;
	s26 =	spop (v2sf);
	v6 =	vld [tilespmem:s17+$0x10];
	[tilespmem:s28+$0xFFFFFD80] =	vst v4  }
0x235: {  	[dreg:$0x5] =	wrdreg s6;
	s6 =	smov.u32 s13;
	s13 =	spop (v2sf);
	v4 =	vld [tilespmem:s8+$0x10];
	[tilespmem:s28+$0x5A0] =	vst v3  }
0x236: {  	[dreg:$0x14] =	wrdreg s13;
	s13 =	spop (v2sf);
	(v2sf) =	vpush v1, $0x7;
	[tilespmem:s30+$0xFFFFFB00] =	vst v5;
	v3 =	vld [tilespmem:s23+$0x30]  }
0x237: {  	s21 =	spop (v2sf);
	[tilespmem:s11+$0x30] =	vst v7;
	v5 =	vld [tilespmem:s2+$0x10]  }
0x238: {  	[tilespmem:s11+$0xFFFFF830] =	vst v8;
	v7 =	vld [tilespmem:s21+$0x0]  }
0x239: {  	v8 =	vld [tilespmem:s1+$0x0];
	[tilespmem:s30+$0x310] =	vst v6  }
0x23a: {  	v6 =	vld [tilespmem:s17+$0x20];
	[tilespmem:s28+$0xFFFFFD90] =	vst v4  }
0x23b: {  	s22 =	spop (v2sf);
	v4 =	vld [tilespmem:s8+$0x20];
	[tilespmem:s28+$0x5B0] =	vst v3  }
0x23c: {  	[tilespmem:s30+$0xFFFFFB10] =	vst v5;
	v3 =	vld [tilespmem:s22+$0x0]  }
0x23d: {  	[tilespmem:s11+$0x80] =	vst v7;
	v5 =	vld [tilespmem:s2+$0x20]  }
0x23e: {  	[tilespmem:s11+$0xFFFFF880] =	vst v8;
	v7 =	vld [tilespmem:s21+$0x10]  }
0x23f: {  	v8 =	vld [tilespmem:s1+$0x10];
	[tilespmem:s30+$0x320] =	vst v6  }
0x240: {  	(v2sf) =	vpush v2, $0x2;
	v6 =	vld [tilespmem:s17+$0x30];
	[tilespmem:s28+$0xFFFFFDA0] =	vst v4  }
0x241: {  	v4 =	vld [tilespmem:s8+$0x30];
	[tilespmem:s28+$0x600] =	vst v3  }
0x242: {  	[tilespmem:s30+$0xFFFFFB20] =	vst v5;
	v3 =	vld [tilespmem:s22+$0x10]  }
0x243: {  	[tilespmem:s11+$0x90] =	vst v7;
	v5 =	vld [tilespmem:s2+$0x30]  }
0x244: {  	s23 =	smov.u32 s0;
	s0 =	rddreg [dreg:$0xe];
	(v2sf) =	vpush v0, $0xD;
	s8 =	smov.u32 s6;
	[tilespmem:s11+$0xFFFFF890] =	vst v8;
	v7 =	vld [tilespmem:s21+$0x20]  }
0x245: {  	s6 =	smov.u32 s19;
	s19 =	smov.u32 s0;
	s0 =	spop (v2sf);
	v8 =	vld [tilespmem:s1+$0x20];
	[tilespmem:s30+$0x330] =	vst v6  }
0x246: {  	s2 =	smov.u32 s14;
	s14 =	rddreg [dreg:$0xa];
	v6 =	vld [tilespmem:s0+$0x0];
	[tilespmem:s28+$0xFFFFFDB0] =	vst v4  }
0x247: {  	v4 =	vld [tilespmem:s14+$0x0];
	[tilespmem:s28+$0x610] =	vst v3  }
0x248: {  	[tilespmem:s30+$0xFFFFFB30] =	vst v5;
	v3 =	vld [tilespmem:s22+$0x20]  }
0x249: {  	[tilespmem:s11+$0xA0] =	vst v7;
	v5 =	vld [tilespmem:s20+$0x0]  }
0x24a: {  	[tilespmem:s11+$0xFFFFF8A0] =	vst v8;
	v7 =	vld [tilespmem:s21+$0x30]  }
0x24b: {  	v8 =	vld [tilespmem:s1+$0x30];
	[tilespmem:s30+$0x380] =	vst v6  }
0x24c: {  	v6 =	vld [tilespmem:s0+$0x10];
	[tilespmem:s28+$0xFFFFFE00] =	vst v4  }
0x24d: {  	v4 =	vld [tilespmem:s14+$0x10];
	[tilespmem:s28+$0x620] =	vst v3  }
0x24e: {  	(v2sf) =	vpush v1, $0x8;
	[tilespmem:s30+$0xFFFFFB80] =	vst v5;
	v3 =	vld [tilespmem:s22+$0x30]  }
0x24f: {  	s17 =	spop (v2sf);
	[tilespmem:s11+$0xB0] =	vst v7;
	v5 =	vld [tilespmem:s20+$0x10]  }
0x250: {  	[tilespmem:s11+$0xFFFFF8B0] =	vst v8;
	v7 =	vld [tilespmem:s17+$0x0]  }
0x251: {  	v8 =	vld [tilespmem:s31+$0x0];
	[tilespmem:s30+$0x390] =	vst v6  }
0x252: {  	v6 =	vld [tilespmem:s0+$0x20];
	[tilespmem:s28+$0xFFFFFE10] =	vst v4  }
0x253: {  	s21 =	spop (v2sf);
	v4 =	vld [tilespmem:s14+$0x20];
	[tilespmem:s28+$0x630] =	vst v3  }
0x254: {  	[tilespmem:s30+$0xFFFFFB90] =	vst v5;
	v3 =	vld [tilespmem:s21+$0x0]  }
0x255: {  	[tilespmem:s11+$0x100] =	vst v7;
	v5 =	vld [tilespmem:s20+$0x20]  }
0x256: {  	[tilespmem:s11+$0xFFFFF900] =	vst v8;
	v7 =	vld [tilespmem:s17+$0x10]  }
0x257: {  	v8 =	vld [tilespmem:s31+$0x10];
	[tilespmem:s30+$0x3A0] =	vst v6  }
0x258: {  	(v2sf) =	vpush v2, $0x3;
	v6 =	vld [tilespmem:s0+$0x30];
	[tilespmem:s28+$0xFFFFFE20] =	vst v4  }
0x259: {  	v4 =	vld [tilespmem:s14+$0x30];
	[tilespmem:s28+$0x680] =	vst v3  }
0x25a: {  	[tilespmem:s30+$0xFFFFFBA0] =	vst v5;
	v3 =	vld [tilespmem:s21+$0x10]  }
0x25b: {  	[tilespmem:s11+$0x110] =	vst v7;
	v5 =	vld [tilespmem:s20+$0x30]  }
0x25c: {  	(v2sf) =	vpush v0, $0xE;
	[tilespmem:s11+$0xFFFFF910] =	vst v8;
	v7 =	vld [tilespmem:s17+$0x20]  }
0x25d: {  	s0 =	spop (v2sf);
	v8 =	vld [tilespmem:s31+$0x20];
	[tilespmem:s30+$0x3B0] =	vst v6  }
0x25e: {  	s22 =	smov.u32 s4;
	s4 =	rddreg [dreg:$0x7];
	v6 =	vld [tilespmem:s0+$0x0];
	[tilespmem:s28+$0xFFFFFE30] =	vst v4  }
0x25f: {  	v4 =	vld [tilespmem:s4+$0x0];
	[tilespmem:s28+$0x690] =	vst v3  }
0x260: {  	[tilespmem:s30+$0xFFFFFBB0] =	vst v5;
	v3 =	vld [tilespmem:s21+$0x20]  }
0x261: {  	[tilespmem:s11+$0x120] =	vst v7;
	v5 =	vld [tilespmem:s24+$0x0]  }
0x262: {  	[tilespmem:s11+$0xFFFFF920] =	vst v8;
	v7 =	vld [tilespmem:s17+$0x30]  }
0x263: {  	v8 =	vld [tilespmem:s31+$0x30];
	[tilespmem:s30+$0x400] =	vst v6  }
0x264: {  	v6 =	vld [tilespmem:s0+$0x10];
	[tilespmem:s28+$0xFFFFFE80] =	vst v4  }
0x265: {  	[dreg:$0xc] =	wrdreg s19;
	s19 =	smov.u32 s16;
	v4 =	vld [tilespmem:s4+$0x10];
	[tilespmem:s28+$0x6A0] =	vst v3  }
0x266: {  	[dreg:$0xe] =	wrdreg s19;
	(v2sf) =	vpush v1, $0x9;
	[tilespmem:s30+$0xFFFFFC00] =	vst v5;
	v3 =	vld [tilespmem:s21+$0x30]  }
0x267: {  	s19 =	smov.u32 s29;
	s29 =	smov.u32 s15;
	s15 =	spop (v2sf);
	[tilespmem:s11+$0x130] =	vst v7;
	v5 =	vld [tilespmem:s24+$0x10]  }
0x268: {  	[tilespmem:s11+$0xFFFFF930] =	vst v8;
	v7 =	vld [tilespmem:s15+$0x0]  }
0x269: {  	v8 =	vld [tilespmem:s9+$0x0];
	[tilespmem:s30+$0x410] =	vst v6  }
0x26a: {  	v6 =	vld [tilespmem:s0+$0x20];
	[tilespmem:s28+$0xFFFFFE90] =	vst v4  }
0x26b: {  	s17 =	spop (v2sf);
	v4 =	vld [tilespmem:s4+$0x20];
	[tilespmem:s28+$0x6B0] =	vst v3  }
0x26c: {  	[tilespmem:s30+$0xFFFFFC10] =	vst v5;
	v3 =	vld [tilespmem:s17+$0x0]  }
0x26d: {  	[tilespmem:s11+$0x180] =	vst v7;
	v5 =	vld [tilespmem:s24+$0x20]  }
0x26e: {  	[tilespmem:s11+$0xFFFFF980] =	vst v8;
	v7 =	vld [tilespmem:s15+$0x10]  }
0x26f: {  	v8 =	vld [tilespmem:s9+$0x10];
	[tilespmem:s30+$0x420] =	vst v6  }
0x270: {  	(v2sf) =	vpush v2, $0x4;
	v6 =	vld [tilespmem:s0+$0x30];
	[tilespmem:s28+$0xFFFFFEA0] =	vst v4  }
0x271: {  	v4 =	vld [tilespmem:s4+$0x30];
	[tilespmem:s28+$0x700] =	vst v3  }
0x272: {  	[tilespmem:s30+$0xFFFFFC20] =	vst v5;
	v3 =	vld [tilespmem:s17+$0x10]  }
0x273: {  	[tilespmem:s11+$0x190] =	vst v7;
	v5 =	vld [tilespmem:s24+$0x30]  }
0x274: {  	(v2sf) =	vpush v0, $0xF;
	[tilespmem:s11+$0xFFFFF990] =	vst v8;
	v7 =	vld [tilespmem:s15+$0x20]  }
0x275: {  	s20 =	smov.u32 s25;
	v0 =	vmov v1;
	v1 =	vmov v2;
	s25 =	spop (v2sf);
	v2 =	vld [tilespmem:s9+$0x20];
	[tilespmem:s30+$0x430] =	vst v6  }
0x276: {  	v6 =	vld [tilespmem:s25+$0x0];
	[tilespmem:s28+$0xFFFFFEB0] =	vst v4  }
0x277: {  	v4 =	vld [tilespmem:s12+$0x0];
	[tilespmem:s28+$0x710] =	vst v3  }
0x278: {  	[tilespmem:s30+$0xFFFFFC30] =	vst v5;
	v3 =	vld [tilespmem:s17+$0x20]  }
0x279: {  	[tilespmem:s11+$0x1A0] =	vst v7;
	v5 =	vld [tilespmem:s6+$0x0]  }
0x27a: {  	[tilespmem:s11+$0xFFFFF9A0] =	vst v2;
	v2 =	vld [tilespmem:s15+$0x30]  }
0x27b: {  	v7 =	vld [tilespmem:s9+$0x30];
	[tilespmem:s30+$0x480] =	vst v6  }
0x27c: {  	v6 =	vld [tilespmem:s25+$0x10];
	[tilespmem:s28+$0xFFFFFF00] =	vst v4  }
0x27d: {  	v4 =	vld [tilespmem:s12+$0x10];
	[tilespmem:s28+$0x720] =	vst v3  }
0x27e: {  	[tilespmem:s30+$0xFFFFFC80] =	vst v5;
	v3 =	vld [tilespmem:s17+$0x30]  }
0x27f: {  	s1 =	spop (v2sf);
	[tilespmem:s11+$0x1B0] =	vst v2;
	v2 =	vld [tilespmem:s6+$0x10]  }
0x280: {  	[tilespmem:s11+$0xFFFFF9B0] =	vst v7;
	v5 =	vld [tilespmem:s1+$0x0]  }
0x281: {  	v7 =	vld [tilespmem:s18+$0x0];
	[tilespmem:s30+$0x490] =	vst v6  }
0x282: {  	v8 =	vld [tilespmem:s25+$0x20];
	[tilespmem:s28+$0xFFFFFF10] =	vst v4  }
0x283: {  	s24 =	smov.u32 s10;
	s10 =	spop (v2sf);
	v9 =	vld [tilespmem:s12+$0x20];
	[tilespmem:s28+$0x730] =	vst v3  }
0x284: {  	s3 =	sadd.s32 $0x2, s3;
	[tilespmem:s30+$0xFFFFFC90] =	vst v2;
	v3 =	vld [tilespmem:s10+$0x0]  }
0x285: {  	p0 =	slt.u32 s3, $0x16;
	[tilespmem:s11+$0x200] =	vst v5;
	v10 =	vld [tilespmem:s6+$0x20]  }
.Ltmp0:
0x286: {  	[dreg:$0xa] =	wrdreg s22;
	[tilespmem:s11+$0xFFFFFA00] =	vst v7;
	v6 =	vld [tilespmem:s1+$0x10];
	(pc) =	sbr.rel @p0 .LBB2_3-.Ltmp0, $4  }
0x287: {  	s31 =	rddreg [dreg:$0x14];
	v5 =	vld [tilespmem:s18+$0x10];
	[tilespmem:s30+$0x4A0] =	vst v8  }
0x288: {  	s5 =	sadd.s32 $0x20, s5;
	s21 =	rddreg [dreg:$0x16];
	v4 =	vld [tilespmem:s25+$0x30];
	[tilespmem:s28+$0xFFFFFF20] =	vst v9  }
0x289: {  	(v2sf) =	vpush v0, $0xA;
	s22 =	smov.u32 s21;
	s21 =	smov.u32 s26;
	s26 =	rddreg [dreg:$0x13];
	v2 =	vld [tilespmem:s12+$0x30];
	[tilespmem:s28+$0x780] =	vst v3  }
0x28a: {  	[dreg:$0x7] =	wrdreg s22;
	(v2sf) =	vpush v1, $0x5;
	s15 =	smov.u32 s31;
	s12 =	smov.u32 s26;
	[tilespmem:s30+$0xFFFFFCA0] =	vst v10;
	v3 =	vld [tilespmem:s10+$0x10]  }
0x28b: {  	_ =	sdelay $0x1  }
0x28c: {  	[tilespmem:s11+$0x210] =	vst v6  }
0x28d: {  	v6 =	vld [tilespmem:s1+$0x20];
	[tilespmem:s11+$0xFFFFFA10] =	vst v5  }
0x28e: {  	v5 =	vld [tilespmem:s18+$0x20];
	_ =	sdelay $0x3  }
0x28f: {  	[tilespmem:s11+$0x220] =	vst v6  }
0x290: {  	v6 =	vld [tilespmem:s1+$0x30];
	[tilespmem:s11+$0xFFFFFA20] =	vst v5  }
0x291: {  	v5 =	vld [tilespmem:s18+$0x30];
	_ =	sdelay $0x2  }
0x292: {  	s9 =	spop (v2sf)  }
0x293: {  	[tilespmem:s11+$0x230] =	vst v6;
	s25 =	spop (v2sf)  }
0x294: {  	[tilespmem:s11+$0xFFFFFA30] =	vst v5;
	v6 =	vld [tilespmem:s25+$0x0]  }
0x295: {  	v5 =	vld [tilespmem:s7+$0x0];
	_ =	sdelay $0x3  }
0x296: {  	[tilespmem:s11+$0x280] =	vst v6  }
0x297: {  	[tilespmem:s11+$0xFFFFFA80] =	vst v5;
	v6 =	vld [tilespmem:s25+$0x10]  }
0x298: {  	(v2sf) =	vpush v0, $0xB;
	v5 =	vld [tilespmem:s7+$0x10]  }
0x299: {  	(v2sf) =	vpush v1, $0x6;
	_ =	sdelay $0x2  }
0x29a: {  	[tilespmem:s11+$0x290] =	vst v6  }
0x29b: {  	[tilespmem:s11+$0xFFFFFA90] =	vst v5;
	v6 =	vld [tilespmem:s25+$0x20]  }
0x29c: {  	v5 =	vld [tilespmem:s7+$0x20];
	_ =	sdelay $0x3  }
0x29d: {  	[tilespmem:s11+$0x2A0] =	vst v6  }
0x29e: {  	[tilespmem:s11+$0xFFFFFAA0] =	vst v5;
	v6 =	vld [tilespmem:s25+$0x30]  }
0x29f: {  	v5 =	vld [tilespmem:s7+$0x30];
	_ =	sdelay $0x2  }
0x2a0: {  	s26 =	spop (v2sf)  }
0x2a1: {  	s4 =	spop (v2sf);
	[tilespmem:s11+$0x2B0] =	vst v6  }
0x2a2: {  	[tilespmem:s11+$0xFFFFFAB0] =	vst v5;
	v6 =	vld [tilespmem:s4+$0x0]  }
0x2a3: {  	v5 =	vld [tilespmem:s2+$0x0];
	_ =	sdelay $0x3  }
0x2a4: {  	[tilespmem:s11+$0x300] =	vst v6  }
0x2a5: {  	[tilespmem:s11+$0xFFFFFB00] =	vst v5;
	v6 =	vld [tilespmem:s4+$0x10]  }
0x2a6: {  	(v2sf) =	vpush v0, $0xC;
	v5 =	vld [tilespmem:s2+$0x10]  }
0x2a7: {  	(v2sf) =	vpush v1, $0x7;
	_ =	sdelay $0x2  }
0x2a8: {  	[tilespmem:s11+$0x310] =	vst v6  }
0x2a9: {  	[tilespmem:s11+$0xFFFFFB10] =	vst v5;
	v6 =	vld [tilespmem:s4+$0x20]  }
0x2aa: {  	v5 =	vld [tilespmem:s2+$0x20];
	_ =	sdelay $0x3  }
0x2ab: {  	[tilespmem:s11+$0x320] =	vst v6  }
0x2ac: {  	[tilespmem:s11+$0xFFFFFB20] =	vst v5;
	v6 =	vld [tilespmem:s4+$0x30]  }
0x2ad: {  	v5 =	vld [tilespmem:s2+$0x30];
	_ =	sdelay $0x2  }
0x2ae: {  	s1 =	spop (v2sf)  }
0x2af: {  	s5 =	spop (v2sf);
	[tilespmem:s11+$0x330] =	vst v6  }
0x2b0: {  	[tilespmem:s11+$0xFFFFFB30] =	vst v5;
	v6 =	vld [tilespmem:s5+$0x0]  }
0x2b1: {  	v5 =	vld [tilespmem:s20+$0x0];
	_ =	sdelay $0x3  }
0x2b2: {  	[tilespmem:s11+$0x380] =	vst v6  }
0x2b3: {  	[tilespmem:s11+$0xFFFFFB80] =	vst v5;
	v6 =	vld [tilespmem:s5+$0x10]  }
0x2b4: {  	(v2sf) =	vpush v0, $0xD;
	v5 =	vld [tilespmem:s20+$0x10]  }
0x2b5: {  	(v2sf) =	vpush v1, $0x8;
	_ =	sdelay $0x2  }
0x2b6: {  	[tilespmem:s11+$0x390] =	vst v6  }
0x2b7: {  	[tilespmem:s11+$0xFFFFFB90] =	vst v5;
	v6 =	vld [tilespmem:s5+$0x20]  }
0x2b8: {  	v5 =	vld [tilespmem:s20+$0x20];
	_ =	sdelay $0x3  }
0x2b9: {  	[tilespmem:s11+$0x3A0] =	vst v6  }
0x2ba: {  	[tilespmem:s11+$0xFFFFFBA0] =	vst v5;
	v6 =	vld [tilespmem:s5+$0x30]  }
0x2bb: {  	v5 =	vld [tilespmem:s20+$0x30];
	_ =	sdelay $0x2  }
0x2bc: {  	s5 =	spop (v2sf)  }
0x2bd: {  	s14 =	spop (v2sf);
	[tilespmem:s11+$0x3B0] =	vst v6  }
0x2be: {  	[tilespmem:s11+$0xFFFFFBB0] =	vst v5;
	v6 =	vld [tilespmem:s14+$0x0]  }
0x2bf: {  	v5 =	vld [tilespmem:s24+$0x0];
	_ =	sdelay $0x3  }
0x2c0: {  	[tilespmem:s11+$0x400] =	vst v6  }
0x2c1: {  	[tilespmem:s11+$0xFFFFFC00] =	vst v5;
	v6 =	vld [tilespmem:s14+$0x10]  }
0x2c2: {  	(v2sf) =	vpush v0, $0xE;
	v5 =	vld [tilespmem:s24+$0x10]  }
0x2c3: {  	(v2sf) =	vpush v1, $0x9;
	_ =	sdelay $0x2  }
0x2c4: {  	[tilespmem:s11+$0x410] =	vst v6  }
0x2c5: {  	[tilespmem:s11+$0xFFFFFC10] =	vst v5;
	v6 =	vld [tilespmem:s14+$0x20]  }
0x2c6: {  	v5 =	vld [tilespmem:s24+$0x20];
	_ =	sdelay $0x3  }
0x2c7: {  	[tilespmem:s11+$0x420] =	vst v6  }
0x2c8: {  	[tilespmem:s11+$0xFFFFFC20] =	vst v5;
	v6 =	vld [tilespmem:s14+$0x30]  }
0x2c9: {  	v5 =	vld [tilespmem:s24+$0x30];
	_ =	sdelay $0x2  }
0x2ca: {  	s3 =	spop (v2sf)  }
0x2cb: {  	s16 =	spop (v2sf);
	[tilespmem:s11+$0x430] =	vst v6  }
0x2cc: {  	[tilespmem:s11+$0xFFFFFC30] =	vst v5;
	v6 =	vld [tilespmem:s16+$0x0]  }
0x2cd: {  	s0 =	rddreg [dreg:$0x11]  }
0x2ce: {  	v5 =	vld [tilespmem:s0+$0x0];
	_ =	sdelay $0x2  }
0x2cf: {  	[tilespmem:s11+$0x480] =	vst v6  }
0x2d0: {  	v6 =	vld [tilespmem:s16+$0x10]  }
0x2d1: {  	(v2sf) =	vpush v0, $0xF;
	[tilespmem:s11+$0xFFFFFC80] =	vst v5  }
0x2d2: {  	(v2sf) =	vpush v1, $0xA;
	v0 =	vld [tilespmem:s0+$0x10];
	_ =	sdelay $0x2  }
0x2d3: {  	[tilespmem:s11+$0x490] =	vst v6  }
0x2d4: {  	v5 =	vld [tilespmem:s16+$0x20]  }
0x2d5: {  	[tilespmem:s11+$0xFFFFFC90] =	vst v0  }
0x2d6: {  	v0 =	vld [tilespmem:s0+$0x20];
	_ =	sdelay $0x2  }
0x2d7: {  	v6 =	vld [tilespmem:s6+$0x30];
	[tilespmem:s11+$0x4A0] =	vst v5  }
0x2d8: {  	v5 =	vld [tilespmem:s16+$0x30]  }
0x2d9: {  	[tilespmem:s11+$0xFFFFFCA0] =	vst v0  }
0x2da: {  	v0 =	vld [tilespmem:s0+$0x30]  }
0x2db: {  	[tilespmem:s30+$0x4B0] =	vst v4  }
0x2dc: {  	s17 =	spop (v2sf);
	v4 =	vld [tilespmem:s9+$0x0];
	[tilespmem:s30+$0xFFFFFCB0] =	vst v6  }
0x2dd: {  	s18 =	spop (v2sf);
	v6 =	vld [tilespmem:s8+$0x0];
	[tilespmem:s11+$0x4B0] =	vst v5  }
0x2de: {  	v5 =	vld [tilespmem:s18+$0x0]  }
0x2df: {  	[tilespmem:s11+$0xFFFFFCB0] =	vst v0  }
0x2e0: {  	s20 =	rddreg [dreg:$0x10]  }
0x2e1: {  	[tilespmem:s30+$0x500] =	vst v4;
	v0 =	vld [tilespmem:s20+$0x0]  }
0x2e2: {  	[tilespmem:s30+$0xFFFFFD00] =	vst v6;
	v4 =	vld [tilespmem:s9+$0x10]  }
0x2e3: {  	v6 =	vld [tilespmem:s8+$0x10];
	[tilespmem:s11+$0x500] =	vst v5  }
0x2e4: {  	v5 =	vld [tilespmem:s18+$0x10];
	_ =	sdelay $0x1  }
0x2e5: {  	(v2sf) =	vpush v1, $0xB;
	[tilespmem:s11+$0xFFFFFD00] =	vst v0  }
0x2e6: {  	[tilespmem:s30+$0x510] =	vst v4;
	v0 =	vld [tilespmem:s20+$0x10]  }
0x2e7: {  	[tilespmem:s30+$0xFFFFFD10] =	vst v6;
	v4 =	vld [tilespmem:s9+$0x20]  }
0x2e8: {  	v6 =	vld [tilespmem:s8+$0x20];
	[tilespmem:s11+$0x510] =	vst v5  }
0x2e9: {  	v5 =	vld [tilespmem:s18+$0x20];
	_ =	sdelay $0x1  }
0x2ea: {  	[tilespmem:s11+$0xFFFFFD10] =	vst v0  }
0x2eb: {  	[tilespmem:s30+$0x520] =	vst v4;
	v0 =	vld [tilespmem:s20+$0x20]  }
0x2ec: {  	[tilespmem:s30+$0xFFFFFD20] =	vst v6;
	v4 =	vld [tilespmem:s9+$0x30]  }
0x2ed: {  	v6 =	vld [tilespmem:s8+$0x30];
	[tilespmem:s11+$0x520] =	vst v5  }
0x2ee: {  	v5 =	vld [tilespmem:s18+$0x30];
	_ =	sdelay $0x1  }
0x2ef: {  	[tilespmem:s11+$0xFFFFFD20] =	vst v0  }
0x2f0: {  	[tilespmem:s30+$0x530] =	vst v4;
	v0 =	vld [tilespmem:s20+$0x30]  }
0x2f1: {  	[tilespmem:s30+$0xFFFFFD30] =	vst v6  }
0x2f2: {  	s22 =	spop (v2sf);
	v4 =	vld [tilespmem:s26+$0x0];
	[tilespmem:s11+$0x530] =	vst v5  }
0x2f3: {  	v5 =	vld [tilespmem:s22+$0x0];
	s24 =	rddreg [dreg:$0xc]  }
0x2f4: {  	v6 =	vld [tilespmem:s24+$0x0]  }
0x2f5: {  	[tilespmem:s11+$0xFFFFFD30] =	vst v0  }
0x2f6: {  	s4 =	rddreg [dreg:$0xe]  }
0x2f7: {  	[tilespmem:s30+$0x580] =	vst v4;
	v0 =	vld [tilespmem:s4+$0x0]  }
0x2f8: {  	v4 =	vld [tilespmem:s26+$0x10];
	[tilespmem:s11+$0x580] =	vst v5  }
0x2f9: {  	[tilespmem:s30+$0xFFFFFD80] =	vst v6;
	v5 =	vld [tilespmem:s22+$0x10]  }
0x2fa: {  	v6 =	vld [tilespmem:s24+$0x10];
	_ =	sdelay $0x1  }
0x2fb: {  	(v2sf) =	vpush v1, $0xC;
	[tilespmem:s11+$0xFFFFFD80] =	vst v0  }
0x2fc: {  	[tilespmem:s30+$0x590] =	vst v4;
	v0 =	vld [tilespmem:s4+$0x10]  }
0x2fd: {  	v4 =	vld [tilespmem:s26+$0x20];
	[tilespmem:s11+$0x590] =	vst v5  }
0x2fe: {  	[tilespmem:s30+$0xFFFFFD90] =	vst v6;
	v5 =	vld [tilespmem:s22+$0x20]  }
0x2ff: {  	v6 =	vld [tilespmem:s24+$0x20];
	_ =	sdelay $0x1  }
0x300: {  	[tilespmem:s11+$0xFFFFFD90] =	vst v0  }
0x301: {  	[tilespmem:s30+$0x5A0] =	vst v4;
	v0 =	vld [tilespmem:s4+$0x20]  }
0x302: {  	v4 =	vld [tilespmem:s26+$0x30];
	[tilespmem:s11+$0x5A0] =	vst v5  }
0x303: {  	[tilespmem:s30+$0xFFFFFDA0] =	vst v6;
	v5 =	vld [tilespmem:s22+$0x30]  }
0x304: {  	v6 =	vld [tilespmem:s24+$0x30];
	_ =	sdelay $0x1  }
0x305: {  	[tilespmem:s11+$0xFFFFFDA0] =	vst v0  }
0x306: {  	[tilespmem:s30+$0x5B0] =	vst v4  }
0x307: {  	v0 =	vld [tilespmem:s4+$0x30];
	[tilespmem:s11+$0x5B0] =	vst v5  }
0x308: {  	s25 =	spop (v2sf);
	v4 =	vld [tilespmem:s1+$0x0];
	[tilespmem:s30+$0xFFFFFDB0] =	vst v6  }
0x309: {  	v5 =	vld [tilespmem:s25+$0x0];
	s26 =	rddreg [dreg:$0xa]  }
0x30a: {  	v6 =	vld [tilespmem:s26+$0x0];
	_ =	sdelay $0x1  }
0x30b: {  	[tilespmem:s11+$0xFFFFFDB0] =	vst v0  }
0x30c: {  	[tilespmem:s30+$0x600] =	vst v4;
	v0 =	vld [tilespmem:s19+$0x0]  }
0x30d: {  	v4 =	vld [tilespmem:s1+$0x10];
	[tilespmem:s11+$0x600] =	vst v5  }
0x30e: {  	v5 =	vld [tilespmem:s25+$0x10];
	[tilespmem:s30+$0xFFFFFE00] =	vst v6  }
0x30f: {  	v6 =	vld [tilespmem:s26+$0x10];
	_ =	sdelay $0x1  }
0x310: {  	(v2sf) =	vpush v1, $0xD;
	[tilespmem:s11+$0xFFFFFE00] =	vst v0  }
0x311: {  	[tilespmem:s30+$0x610] =	vst v4;
	v0 =	vld [tilespmem:s19+$0x10]  }
0x312: {  	v4 =	vld [tilespmem:s1+$0x20];
	[tilespmem:s11+$0x610] =	vst v5  }
0x313: {  	v5 =	vld [tilespmem:s25+$0x20];
	[tilespmem:s30+$0xFFFFFE10] =	vst v6  }
0x314: {  	v6 =	vld [tilespmem:s26+$0x20];
	_ =	sdelay $0x1  }
0x315: {  	[tilespmem:s11+$0xFFFFFE10] =	vst v0  }
0x316: {  	[tilespmem:s30+$0x620] =	vst v4;
	v0 =	vld [tilespmem:s19+$0x20]  }
0x317: {  	v4 =	vld [tilespmem:s1+$0x30];
	[tilespmem:s11+$0x620] =	vst v5  }
0x318: {  	v5 =	vld [tilespmem:s25+$0x30];
	[tilespmem:s30+$0xFFFFFE20] =	vst v6  }
0x319: {  	v6 =	vld [tilespmem:s26+$0x30];
	_ =	sdelay $0x1  }
0x31a: {  	[tilespmem:s11+$0xFFFFFE20] =	vst v0  }
0x31b: {  	[tilespmem:s30+$0x630] =	vst v4;
	v0 =	vld [tilespmem:s19+$0x30]  }
0x31c: {  	[tilespmem:s11+$0x630] =	vst v5  }
0x31d: {  	s0 =	spop (v2sf);
	v4 =	vld [tilespmem:s5+$0x0];
	[tilespmem:s30+$0xFFFFFE30] =	vst v6  }
0x31e: {  	v5 =	vld [tilespmem:s0+$0x0];
	s4 =	rddreg [dreg:$0x7]  }
0x31f: {  	v6 =	vld [tilespmem:s4+$0x0]  }
0x320: {  	[tilespmem:s11+$0xFFFFFE30] =	vst v0  }
0x321: {  	v0 =	vld [tilespmem:s21+$0x0]  }
0x322: {  	[tilespmem:s30+$0x680] =	vst v4  }
0x323: {  	v4 =	vld [tilespmem:s5+$0x10];
	[tilespmem:s11+$0x680] =	vst v5  }
0x324: {  	v5 =	vld [tilespmem:s0+$0x10];
	[tilespmem:s30+$0xFFFFFE80] =	vst v6  }
0x325: {  	v6 =	vld [tilespmem:s4+$0x10]  }
0x326: {  	(v2sf) =	vpush v1, $0xE;
	[tilespmem:s11+$0xFFFFFE80] =	vst v0  }
0x327: {  	v0 =	vld [tilespmem:s21+$0x10]  }
0x328: {  	[tilespmem:s30+$0x690] =	vst v4  }
0x329: {  	v4 =	vld [tilespmem:s5+$0x20];
	[tilespmem:s11+$0x690] =	vst v5  }
0x32a: {  	v5 =	vld [tilespmem:s0+$0x20];
	[tilespmem:s30+$0xFFFFFE90] =	vst v6  }
0x32b: {  	v6 =	vld [tilespmem:s4+$0x20]  }
0x32c: {  	[tilespmem:s11+$0xFFFFFE90] =	vst v0  }
0x32d: {  	v0 =	vld [tilespmem:s21+$0x20]  }
0x32e: {  	[tilespmem:s30+$0x6A0] =	vst v4  }
0x32f: {  	v4 =	vld [tilespmem:s5+$0x30];
	[tilespmem:s11+$0x6A0] =	vst v5  }
0x330: {  	v5 =	vld [tilespmem:s0+$0x30];
	[tilespmem:s30+$0xFFFFFEA0] =	vst v6  }
0x331: {  	v6 =	vld [tilespmem:s4+$0x30]  }
0x332: {  	[tilespmem:s11+$0xFFFFFEA0] =	vst v0  }
0x333: {  	v0 =	vld [tilespmem:s21+$0x30]  }
0x334: {  	[tilespmem:s30+$0x6B0] =	vst v4  }
0x335: {  	s5 =	spop (v2sf);
	v4 =	vld [tilespmem:s3+$0x0];
	[tilespmem:s11+$0x6B0] =	vst v5  }
0x336: {  	v5 =	vld [tilespmem:s5+$0x0];
	[tilespmem:s30+$0xFFFFFEB0] =	vst v6  }
0x337: {  	v6 =	vld [tilespmem:s12+$0x0]  }
0x338: {  	[tilespmem:s11+$0xFFFFFEB0] =	vst v0  }
0x339: {  	v0 =	vld [tilespmem:s15+$0x0]  }
0x33a: {  	[tilespmem:s30+$0x700] =	vst v4  }
0x33b: {  	v4 =	vld [tilespmem:s3+$0x10];
	[tilespmem:s11+$0x700] =	vst v5  }
0x33c: {  	v5 =	vld [tilespmem:s5+$0x10];
	[tilespmem:s30+$0xFFFFFF00] =	vst v6  }
0x33d: {  	v6 =	vld [tilespmem:s12+$0x10]  }
0x33e: {  	[tilespmem:s11+$0xFFFFFF00] =	vst v0  }
0x33f: {  	(v2sf) =	vpush v1, $0xF;
	v0 =	vld [tilespmem:s15+$0x10]  }
0x340: {  	[tilespmem:s30+$0x710] =	vst v4  }
0x341: {  	v1 =	vld [tilespmem:s3+$0x20];
	[tilespmem:s11+$0x710] =	vst v5  }
0x342: {  	v4 =	vld [tilespmem:s5+$0x20];
	[tilespmem:s30+$0xFFFFFF10] =	vst v6  }
0x343: {  	v5 =	vld [tilespmem:s12+$0x20]  }
0x344: {  	[tilespmem:s11+$0xFFFFFF10] =	vst v0  }
0x345: {  	v0 =	vld [tilespmem:s15+$0x20]  }
0x346: {  	[tilespmem:s30+$0x720] =	vst v1  }
0x347: {  	v1 =	vld [tilespmem:s3+$0x30];
	[tilespmem:s11+$0x720] =	vst v4  }
0x348: {  	v4 =	vld [tilespmem:s5+$0x30];
	[tilespmem:s30+$0xFFFFFF20] =	vst v5  }
0x349: {  	v5 =	vld [tilespmem:s12+$0x30]  }
0x34a: {  	[tilespmem:s11+$0xFFFFFF20] =	vst v0  }
0x34b: {  	[tilespmem:s28+$0xFFFFFF30] =	vst v2;
	v0 =	vld [tilespmem:s15+$0x30]  }
0x34c: {  	[tilespmem:s30+$0x730] =	vst v1  }
0x34d: {  	v1 =	vld [tilespmem:s17+$0x0];
	s6 =	rddreg [dreg:$0x4];
	[tilespmem:s11+$0x730] =	vst v4  }
0x34e: {  	s7 =	spop (v2sf);
	v2 =	vld [tilespmem:s6+$0x0];
	[tilespmem:s30+$0xFFFFFF30] =	vst v5  }
0x34f: {  	v4 =	vld [tilespmem:s7+$0x0];
	s8 =	rddreg [dreg:$0x5]  }
0x350: {  	[tilespmem:s11+$0xFFFFFF30] =	vst v0;
	v5 =	vld [tilespmem:s8+$0x0]  }
0x351: {  	[tilespmem:s28+$0x790] =	vst v3;
	v0 =	vld [tilespmem:s13+$0x0]  }
0x352: {  	[tilespmem:s30+$0x780] =	vst v1;
	v3 =	vld [tilespmem:s10+$0x20]  }
0x353: {  	[tilespmem:s28+$0xFFFFFF80] =	vst v2;
	v1 =	vld [tilespmem:s17+$0x10]  }
0x354: {  	v2 =	vld [tilespmem:s6+$0x10];
	[tilespmem:s11+$0x780] =	vst v4  }
0x355: {  	v4 =	vld [tilespmem:s7+$0x10];
	[tilespmem:s30+$0xFFFFFF80] =	vst v5  }
0x356: {  	[tilespmem:s11+$0xFFFFFF80] =	vst v0;
	v5 =	vld [tilespmem:s8+$0x10]  }
0x357: {  	[tilespmem:s28+$0x7A0] =	vst v3;
	v0 =	vld [tilespmem:s13+$0x10]  }
0x358: {  	[tilespmem:s30+$0x790] =	vst v1;
	v3 =	vld [tilespmem:s10+$0x30]  }
0x359: {  	[tilespmem:s28+$0xFFFFFF90] =	vst v2;
	v1 =	vld [tilespmem:s17+$0x20]  }
0x35a: {  	v2 =	vld [tilespmem:s6+$0x20];
	[tilespmem:s11+$0x790] =	vst v4  }
0x35b: {  	v4 =	vld [tilespmem:s7+$0x20];
	[tilespmem:s30+$0xFFFFFF90] =	vst v5  }
0x35c: {  	[tilespmem:s11+$0xFFFFFF90] =	vst v0;
	v5 =	vld [tilespmem:s8+$0x20]  }
0x35d: {  	[tilespmem:s28+$0x7B0] =	vst v3;
	v0 =	vld [tilespmem:s13+$0x20]  }
0x35e: {  	v3 =	vld [tilespmem:s29+$0x30];
	[tilespmem:s30+$0x7A0] =	vst v1  }
0x35f: {  	[tilespmem:s28+$0xFFFFFFA0] =	vst v2;
	v1 =	vld [tilespmem:s17+$0x30]  }
0x360: {  	v2 =	vld [tilespmem:s6+$0x30];
	[tilespmem:s11+$0x7A0] =	vst v4  }
0x361: {  	v4 =	vld [tilespmem:s7+$0x30];
	[tilespmem:s30+$0xFFFFFFA0] =	vst v5  }
0x362: {  	[tilespmem:s11+$0xFFFFFFA0] =	vst v0;
	v5 =	vld [tilespmem:s8+$0x30]  }
0x363: {  	[tilespmem:s23+$0xFFFFFFB0] =	vst v3;
	v0 =	vld [tilespmem:s13+$0x30]  }
0x364: {  	[tilespmem:s30+$0x7B0] =	vst v1  }
0x365: {  	[tilespmem:s28+$0xFFFFFFB0] =	vst v2  }
0x366: {  	[tilespmem:s11+$0x7B0] =	vst v4  }
0x367: {  	[tilespmem:s30+$0xFFFFFFB0] =	vst v5  }
0x368: {  	[tilespmem:s11+$0xFFFFFFB0] =	vst v0  }
0x369: {  	v0 =	vld [tilespmem:$0x2180];
	_ =	sdelay $0x4  }
0x36a: {  	v0 =	vshll.u32 v0, $0x6  }
0x36b: {  	(v2sf) =	vpush v0, $0x0;
	_ =	sdelay $0xe  }
0x36c: {  	s9 =	spop (v2sf)  }
0x36d: {  	v1 =	vld [tilespmem:s9+$0x0];
	_ =	sdelay $0x4  }
0x36e: {  	[tilespmem:$0xE400] =	vst v1  }
0x36f: {  	v1 =	vld [tilespmem:s9+$0x10];
	_ =	sdelay $0x1  }
0x370: {  	(v2sf) =	vpush v0, $0x1;
	_ =	sdelay $0x2  }
0x371: {  	[tilespmem:$0xE410] =	vst v1  }
0x372: {  	v1 =	vld [tilespmem:s9+$0x20];
	_ =	sdelay $0x4  }
0x373: {  	[tilespmem:$0xE420] =	vst v1  }
0x374: {  	v1 =	vld [tilespmem:s9+$0x30];
	_ =	sdelay $0x4  }
0x375: {  	s10 =	spop (v2sf);
	[tilespmem:$0xE430] =	vst v1  }
0x376: {  	v1 =	vld [tilespmem:s10+$0x0];
	_ =	sdelay $0x4  }
0x377: {  	[tilespmem:$0xE480] =	vst v1  }
0x378: {  	v1 =	vld [tilespmem:s10+$0x10];
	_ =	sdelay $0x1  }
0x379: {  	(v2sf) =	vpush v0, $0x2;
	_ =	sdelay $0x2  }
0x37a: {  	[tilespmem:$0xE490] =	vst v1  }
0x37b: {  	v1 =	vld [tilespmem:s10+$0x20];
	_ =	sdelay $0x4  }
0x37c: {  	[tilespmem:$0xE4A0] =	vst v1  }
0x37d: {  	v1 =	vld [tilespmem:s10+$0x30];
	_ =	sdelay $0x4  }
0x37e: {  	s11 =	spop (v2sf);
	[tilespmem:$0xE4B0] =	vst v1  }
0x37f: {  	v1 =	vld [tilespmem:s11+$0x0];
	_ =	sdelay $0x4  }
0x380: {  	[tilespmem:$0xE500] =	vst v1  }
0x381: {  	v1 =	vld [tilespmem:s11+$0x10];
	_ =	sdelay $0x1  }
0x382: {  	(v2sf) =	vpush v0, $0x3;
	_ =	sdelay $0x2  }
0x383: {  	[tilespmem:$0xE510] =	vst v1  }
0x384: {  	v1 =	vld [tilespmem:s11+$0x20];
	_ =	sdelay $0x4  }
0x385: {  	[tilespmem:$0xE520] =	vst v1  }
0x386: {  	v1 =	vld [tilespmem:s11+$0x30];
	_ =	sdelay $0x4  }
0x387: {  	s12 =	spop (v2sf);
	[tilespmem:$0xE530] =	vst v1  }
0x388: {  	v1 =	vld [tilespmem:s12+$0x0];
	_ =	sdelay $0x4  }
0x389: {  	[tilespmem:$0xE580] =	vst v1  }
0x38a: {  	v1 =	vld [tilespmem:s12+$0x10];
	_ =	sdelay $0x1  }
0x38b: {  	(v2sf) =	vpush v0, $0x4;
	_ =	sdelay $0x2  }
0x38c: {  	[tilespmem:$0xE590] =	vst v1  }
0x38d: {  	v1 =	vld [tilespmem:s12+$0x20];
	_ =	sdelay $0x4  }
0x38e: {  	[tilespmem:$0xE5A0] =	vst v1  }
0x38f: {  	v1 =	vld [tilespmem:s12+$0x30];
	_ =	sdelay $0x4  }
0x390: {  	s13 =	spop (v2sf);
	[tilespmem:$0xE5B0] =	vst v1  }
0x391: {  	v1 =	vld [tilespmem:s13+$0x0];
	_ =	sdelay $0x4  }
0x392: {  	[tilespmem:$0xE600] =	vst v1  }
0x393: {  	v1 =	vld [tilespmem:s13+$0x10];
	_ =	sdelay $0x1  }
0x394: {  	(v2sf) =	vpush v0, $0x5;
	_ =	sdelay $0x2  }
0x395: {  	[tilespmem:$0xE610] =	vst v1  }
0x396: {  	v1 =	vld [tilespmem:s13+$0x20];
	_ =	sdelay $0x4  }
0x397: {  	[tilespmem:$0xE620] =	vst v1  }
0x398: {  	v1 =	vld [tilespmem:s13+$0x30];
	_ =	sdelay $0x4  }
0x399: {  	s14 =	spop (v2sf);
	[tilespmem:$0xE630] =	vst v1  }
0x39a: {  	v1 =	vld [tilespmem:s14+$0x0];
	_ =	sdelay $0x4  }
0x39b: {  	[tilespmem:$0xE680] =	vst v1  }
0x39c: {  	v1 =	vld [tilespmem:s14+$0x10];
	_ =	sdelay $0x1  }
0x39d: {  	(v2sf) =	vpush v0, $0x6;
	_ =	sdelay $0x2  }
0x39e: {  	[tilespmem:$0xE690] =	vst v1  }
0x39f: {  	v1 =	vld [tilespmem:s14+$0x20];
	_ =	sdelay $0x4  }
0x3a0: {  	[tilespmem:$0xE6A0] =	vst v1  }
0x3a1: {  	v1 =	vld [tilespmem:s14+$0x30];
	_ =	sdelay $0x4  }
0x3a2: {  	s15 =	spop (v2sf);
	[tilespmem:$0xE6B0] =	vst v1  }
0x3a3: {  	v1 =	vld [tilespmem:s15+$0x0];
	_ =	sdelay $0x4  }
0x3a4: {  	[tilespmem:$0xE700] =	vst v1  }
0x3a5: {  	v1 =	vld [tilespmem:s15+$0x10];
	_ =	sdelay $0x1  }
0x3a6: {  	(v2sf) =	vpush v0, $0x7;
	_ =	sdelay $0x2  }
0x3a7: {  	[tilespmem:$0xE710] =	vst v1  }
0x3a8: {  	v1 =	vld [tilespmem:s15+$0x20];
	_ =	sdelay $0x4  }
0x3a9: {  	[tilespmem:$0xE720] =	vst v1  }
0x3aa: {  	v1 =	vld [tilespmem:s15+$0x30];
	_ =	sdelay $0x4  }
0x3ab: {  	s16 =	spop (v2sf);
	[tilespmem:$0xE730] =	vst v1  }
0x3ac: {  	v1 =	vld [tilespmem:s16+$0x0];
	_ =	sdelay $0x4  }
0x3ad: {  	[tilespmem:$0xE780] =	vst v1  }
0x3ae: {  	v1 =	vld [tilespmem:s16+$0x10];
	_ =	sdelay $0x1  }
0x3af: {  	(v2sf) =	vpush v0, $0x8;
	_ =	sdelay $0x2  }
0x3b0: {  	[tilespmem:$0xE790] =	vst v1  }
0x3b1: {  	v1 =	vld [tilespmem:s16+$0x20];
	_ =	sdelay $0x4  }
0x3b2: {  	[tilespmem:$0xE7A0] =	vst v1  }
0x3b3: {  	v1 =	vld [tilespmem:s16+$0x30];
	_ =	sdelay $0x4  }
0x3b4: {  	s17 =	spop (v2sf);
	[tilespmem:$0xE7B0] =	vst v1  }
0x3b5: {  	v1 =	vld [tilespmem:s17+$0x0];
	_ =	sdelay $0x4  }
0x3b6: {  	[tilespmem:$0xE800] =	vst v1  }
0x3b7: {  	v1 =	vld [tilespmem:s17+$0x10];
	_ =	sdelay $0x1  }
0x3b8: {  	(v2sf) =	vpush v0, $0x9;
	_ =	sdelay $0x2  }
0x3b9: {  	[tilespmem:$0xE810] =	vst v1  }
0x3ba: {  	v1 =	vld [tilespmem:s17+$0x20];
	_ =	sdelay $0x4  }
0x3bb: {  	[tilespmem:$0xE820] =	vst v1  }
0x3bc: {  	v1 =	vld [tilespmem:s17+$0x30];
	_ =	sdelay $0x4  }
0x3bd: {  	s18 =	spop (v2sf);
	[tilespmem:$0xE830] =	vst v1  }
0x3be: {  	v1 =	vld [tilespmem:s18+$0x0];
	_ =	sdelay $0x4  }
0x3bf: {  	[tilespmem:$0xE880] =	vst v1  }
0x3c0: {  	v1 =	vld [tilespmem:s18+$0x10];
	_ =	sdelay $0x1  }
0x3c1: {  	(v2sf) =	vpush v0, $0xA;
	_ =	sdelay $0x2  }
0x3c2: {  	[tilespmem:$0xE890] =	vst v1  }
0x3c3: {  	v1 =	vld [tilespmem:s18+$0x20];
	_ =	sdelay $0x4  }
0x3c4: {  	[tilespmem:$0xE8A0] =	vst v1  }
0x3c5: {  	v1 =	vld [tilespmem:s18+$0x30];
	_ =	sdelay $0x4  }
0x3c6: {  	s19 =	spop (v2sf);
	[tilespmem:$0xE8B0] =	vst v1  }
0x3c7: {  	v1 =	vld [tilespmem:s19+$0x0];
	_ =	sdelay $0x4  }
0x3c8: {  	[tilespmem:$0xE900] =	vst v1  }
0x3c9: {  	v1 =	vld [tilespmem:s19+$0x10];
	_ =	sdelay $0x1  }
0x3ca: {  	(v2sf) =	vpush v0, $0xB;
	_ =	sdelay $0x2  }
0x3cb: {  	[tilespmem:$0xE910] =	vst v1  }
0x3cc: {  	v1 =	vld [tilespmem:s19+$0x20];
	_ =	sdelay $0x4  }
0x3cd: {  	[tilespmem:$0xE920] =	vst v1  }
0x3ce: {  	v1 =	vld [tilespmem:s19+$0x30];
	_ =	sdelay $0x2  }
0x3cf: {  	(v2sf) =	vpush v0, $0xC  }
0x3d0: {  	(v2sf) =	vpush v0, $0xD  }
0x3d1: {  	(v2sf) =	vpush v0, $0xE;
	s20 =	spop (v2sf);
	[tilespmem:$0xE930] =	vst v1  }
0x3d2: {  	(v2sf) =	vpush v0, $0xF;
	v0 =	vld [tilespmem:s20+$0x0];
	_ =	sdelay $0x4  }
0x3d3: {  	[tilespmem:$0xE980] =	vst v0  }
0x3d4: {  	v0 =	vld [tilespmem:s20+$0x10];
	_ =	sdelay $0x4  }
0x3d5: {  	[tilespmem:$0xE990] =	vst v0  }
0x3d6: {  	v0 =	vld [tilespmem:s20+$0x20];
	_ =	sdelay $0x4  }
0x3d7: {  	[tilespmem:$0xE9A0] =	vst v0  }
0x3d8: {  	v0 =	vld [tilespmem:s20+$0x30];
	_ =	sdelay $0x4  }
0x3d9: {  	s21 =	spop (v2sf);
	[tilespmem:$0xE9B0] =	vst v0  }
0x3da: {  	v0 =	vld [tilespmem:s21+$0x0];
	_ =	sdelay $0x4  }
0x3db: {  	[tilespmem:$0xEA00] =	vst v0  }
0x3dc: {  	v0 =	vld [tilespmem:s21+$0x10];
	_ =	sdelay $0x4  }
0x3dd: {  	[tilespmem:$0xEA10] =	vst v0  }
0x3de: {  	v0 =	vld [tilespmem:s21+$0x20];
	_ =	sdelay $0x4  }
0x3df: {  	[tilespmem:$0xEA20] =	vst v0  }
0x3e0: {  	v0 =	vld [tilespmem:s21+$0x30];
	_ =	sdelay $0x4  }
0x3e1: {  	s22 =	spop (v2sf);
	[tilespmem:$0xEA30] =	vst v0  }
0x3e2: {  	v0 =	vld [tilespmem:s22+$0x0];
	_ =	sdelay $0x4  }
0x3e3: {  	[tilespmem:$0xEA80] =	vst v0  }
0x3e4: {  	v0 =	vld [tilespmem:s22+$0x10];
	_ =	sdelay $0x4  }
0x3e5: {  	[tilespmem:$0xEA90] =	vst v0  }
0x3e6: {  	v0 =	vld [tilespmem:s22+$0x20];
	_ =	sdelay $0x3  }
0x3e7: {  	s23 =	spop (v2sf)  }
0x3e8: {  	s24 =	spop (v2sf);
	[tilespmem:$0xEAA0] =	vst v0  }
0x3e9: {  	v0 =	vld [tilespmem:s22+$0x30];
	_ =	sdelay $0x4  }
0x3ea: {  	[tilespmem:$0xEAB0] =	vst v0  }
0x3eb: {  	v0 =	vld [tilespmem:s23+$0x0];
	_ =	sdelay $0x4  }
0x3ec: {  	[tilespmem:$0xEB00] =	vst v0  }
0x3ed: {  	v0 =	vld [tilespmem:s23+$0x10];
	_ =	sdelay $0x4  }
0x3ee: {  	[tilespmem:$0xEB10] =	vst v0  }
0x3ef: {  	v0 =	vld [tilespmem:s23+$0x20];
	_ =	sdelay $0x4  }
0x3f0: {  	[tilespmem:$0xEB20] =	vst v0  }
0x3f1: {  	v0 =	vld [tilespmem:s23+$0x30];
	_ =	sdelay $0x4  }
0x3f2: {  	[tilespmem:$0xEB30] =	vst v0  }
0x3f3: {  	v0 =	vld [tilespmem:s24+$0x0];
	_ =	sdelay $0x4  }
0x3f4: {  	[tilespmem:$0xEB80] =	vst v0  }
0x3f5: {  	v0 =	vld [tilespmem:s24+$0x10];
	_ =	sdelay $0x4  }
0x3f6: {  	[tilespmem:$0xEB90] =	vst v0  }
0x3f7: {  	v0 =	vld [tilespmem:s24+$0x20];
	_ =	sdelay $0x2  }
0x3f8: {  	s1 =	sld [smem:$0x7F7];
	_ =	sdelay $0x1  }
0x3f9: {  	[tilespmem:$0xEBA0] =	vst v0  }
0x3fa: {  	s0 =	rddreg [dreg:$0x1e];
	p0 =	seq.s32 s1, $0x7F;
	v0 =	vld [tilespmem:s24+$0x30]  }
0x3fb: {  	s25 =	rddreg [dreg:$0x1c];
	s2 =	smul.u32 @!p0 $0x320, s1  }
0x3fc: {  	s5 =	simm.s32 $0x0;
	s29 =	rddreg [dreg:$0x1a];
	s1 =	sshll.u32 s1, $0x2  }
0x3fd: {  	s26 =	sor.u32 s25, s1;
	[smem:$0x7F3] =	sst s2;
	s0 =	sadd.s32 @!p0 s2, s0  }
0x3fe: {  	s1 =	simm.s32 @!p0 $0x0;
	s2 =	rddreg [dreg:$0x1];
	s0 =	sshrl.u32 @!p0 s0, $0x3  }
0x3ff: {  	s28 =	smul.u32 $0xC80, s26;
	s0 =	sadd.s32 @!p0 s2, s0;
	s2 =	simm.s32 @!p0 $0x2000;
	[tilespmem:$0xEBB0] =	vst v0  }
0x400: {  	[tilespmem:s2], [sflag:$0x1] =	stream.linear.gather @!p0 [hbm4b:s0+s1], $0x190, $0x38;
	[tilespmem:$0x1B400] =	vst v63  }
0x401: {  	s6 =	simm.s32 $0x2400;
	s1 =	sadd.s32 s29, s28;
	s2 =	smul.u32 $0x6400, s26  }
0x402: {  	[hbm4b:s1+s5] =	stream.linear.scatter [tilespmem:s6], [sflag:$0x4], $0x6400, $0x38;
	[tilespmem:$0x1B400] =	vst v63  }
0x403: {  	s7 =	sshrl.u32 s2, $0x3  }
0x404: {  	s8 =	simm.s32 $0x8800;
	s0 =	sadd.s32 s29, s7  }
0x405: {  	s9 =	simm.s32 $0x2;
	[smem:$0x7F4] =	sst s26;
	s0 =	sadd.s32 $0xC80, s0  }
0x406: {  	[hbm4b:s0+s5] =	stream.linear.scatter [tilespmem:s8], [sflag:$0x4], $0x6400, $0x38;
	[tilespmem:$0x1B400] =	vst v63  }
0x407: {  	_ =	swait.ge [sflag:s9], $0x190  }
0x408: {  	[sflag:s9] =	ssyncset.done $0x0  }
0x409: {  	s0 =	simm.s32 @!p1 $0x5;
	[sflag:s9] =	ssyncadd.s32 $0xFFFFFE70  }
0x40a: {  	_ =	swait.ge @!p1 [sflag:s0], $0x6400  }
0x40b: {  	[sflag:s0] =	ssyncset.done @!p1 $0x0  }
0x40c: {  	[sflag:s0] =	ssyncadd.s32 @!p1 $0xFFFF9C00  }
0x40d: {  	_ =	swait.ge @!p1 [sflag:s0], $0x6400  }
0x40e: {  	[sflag:s0] =	ssyncset.done @!p1 $0x0  }
0x40f: {  	s10 =	simm.s32 $0x2210;
	[sflag:s0] =	ssyncadd.s32 @!p1 $0xFFFF9C00  }
0x410: {  	v0 =	vld [tilespmem:s10+$0x0];
	_ =	sdelay $0x4  }
0x411: {  	v1 =	vshll.u32 v0, $0x6  }
0x412: {  	(v2sf) =	vpush v1, $0x0  }
0x413: {  	v0 =	vld [tilespmem:s10+$0xFFFFFFF0];
	_ =	sdelay $0x4  }
0x414: {  	v0 =	vshll.u32 v0, $0x6  }
0x415: {  	(v2sf) =	vpush v0, $0x0  }
0x416: {  	(v2sf) =	vpush v0, $0x1  }
0x417: {  	(v2sf) =	vpush v0, $0x2  }
0x418: {  	(v2sf) =	vpush v0, $0x3  }
0x419: {  	(v2sf) =	vpush v0, $0x4  }
0x41a: {  	(v2sf) =	vpush v0, $0x5  }
0x41b: {  	(v2sf) =	vpush v0, $0x6  }
0x41c: {  	(v2sf) =	vpush v0, $0x7  }
0x41d: {  	(v2sf) =	vpush v0, $0x8;
	s11 =	spop (v2sf)  }
0x41e: {  	(v2sf) =	vpush v0, $0x9;
	v2 =	vld [tilespmem:s11+$0x0]  }
0x41f: {  	(v2sf) =	vpush v0, $0xA  }
0x420: {  	(v2sf) =	vpush v0, $0xB  }
0x421: {  	(v2sf) =	vpush v0, $0xC  }
0x422: {  	s0 =	simm.s32 $0xF400;
	(v2sf) =	vpush v0, $0xD  }
0x423: {  	(v2sf) =	vpush v0, $0xE;
	[tilespmem:s0+$0x0] =	vst v2  }
0x424: {  	s13 =	spop (v2sf);
	(v2sf) =	vpush v0, $0xF;
	v2 =	vld [tilespmem:s11+$0x10]  }
0x425: {  	s16 =	spop (v2sf)  }
0x426: {  	(v2sf) =	vpush v1, $0x1;
	s17 =	spop (v2sf)  }
0x427: {  	s18 =	spop (v2sf)  }
0x428: {  	v0 =	vld [tilespmem:s13+$0x0];
	s19 =	spop (v2sf)  }
0x429: {  	s12 =	spop (v2sf);
	[tilespmem:s0+$0x10] =	vst v2  }
0x42a: {  	s8 =	spop (v2sf);
	v2 =	vld [tilespmem:s11+$0x20]  }
0x42b: {  	s6 =	spop (v2sf)  }
0x42c: {  	s3 =	spop (v2sf)  }
0x42d: {  	[tilespmem:s0+$0xFFFFF800] =	vst v0;
	s1 =	spop (v2sf)  }
0x42e: {  	v0 =	vld [tilespmem:s13+$0x10];
	s31 =	spop (v2sf)  }
0x42f: {  	s14 =	spop (v2sf);
	[tilespmem:s0+$0x20] =	vst v2  }
0x430: {  	s7 =	spop (v2sf);
	v2 =	vld [tilespmem:s11+$0x30]  }
0x431: {  	s5 =	spop (v2sf)  }
0x432: {  	s2 =	spop (v2sf)  }
0x433: {  	[tilespmem:s0+$0xFFFFF810] =	vst v0;
	s20 =	spop (v2sf)  }
0x434: {  	v0 =	vld [tilespmem:s13+$0x20];
	[smem:$0x7F5] =	sst s20  }
0x435: {  	s21 =	spop (v2sf);
	[tilespmem:s0+$0x30] =	vst v2  }
0x436: {  	v2 =	vld [tilespmem:s21+$0x0];
	_ =	sdelay $0x2  }
0x437: {  	[tilespmem:s0+$0xFFFFF820] =	vst v0  }
0x438: {  	v0 =	vld [tilespmem:s13+$0x30]  }
0x439: {  	[tilespmem:s0+$0x80] =	vst v2  }
0x43a: {  	v2 =	vld [tilespmem:s21+$0x10];
	_ =	sdelay $0x1  }
0x43b: {  	(v2sf) =	vpush v1, $0x2  }
0x43c: {  	[tilespmem:s0+$0xFFFFF830] =	vst v0  }
0x43d: {  	v0 =	vld [tilespmem:s16+$0x0]  }
0x43e: {  	[tilespmem:s0+$0x90] =	vst v2  }
0x43f: {  	v2 =	vld [tilespmem:s21+$0x20];
	_ =	sdelay $0x2  }
0x440: {  	[tilespmem:s0+$0xFFFFF880] =	vst v0  }
0x441: {  	v0 =	vld [tilespmem:s16+$0x10]  }
0x442: {  	[tilespmem:s0+$0xA0] =	vst v2  }
0x443: {  	v2 =	vld [tilespmem:s21+$0x30];
	_ =	sdelay $0x2  }
0x444: {  	[tilespmem:s0+$0xFFFFF890] =	vst v0  }
0x445: {  	v0 =	vld [tilespmem:s16+$0x20]  }
0x446: {  	s22 =	spop (v2sf);
	[tilespmem:s0+$0xB0] =	vst v2  }
0x447: {  	v2 =	vld [tilespmem:s22+$0x0];
	_ =	sdelay $0x2  }
0x448: {  	[tilespmem:s0+$0xFFFFF8A0] =	vst v0  }
0x449: {  	v0 =	vld [tilespmem:s16+$0x30]  }
0x44a: {  	[tilespmem:s0+$0x100] =	vst v2  }
0x44b: {  	v2 =	vld [tilespmem:s22+$0x10];
	_ =	sdelay $0x1  }
0x44c: {  	(v2sf) =	vpush v1, $0x3  }
0x44d: {  	[tilespmem:s0+$0xFFFFF8B0] =	vst v0  }
0x44e: {  	v0 =	vld [tilespmem:s17+$0x0]  }
0x44f: {  	[tilespmem:s0+$0x110] =	vst v2  }
0x450: {  	v2 =	vld [tilespmem:s22+$0x20];
	_ =	sdelay $0x2  }
0x451: {  	[tilespmem:s0+$0xFFFFF900] =	vst v0  }
0x452: {  	v0 =	vld [tilespmem:s17+$0x10]  }
0x453: {  	[tilespmem:s0+$0x120] =	vst v2  }
0x454: {  	v2 =	vld [tilespmem:s22+$0x30];
	_ =	sdelay $0x2  }
0x455: {  	[tilespmem:s0+$0xFFFFF910] =	vst v0  }
0x456: {  	v0 =	vld [tilespmem:s17+$0x20]  }
0x457: {  	s23 =	spop (v2sf);
	[tilespmem:s0+$0x130] =	vst v2  }
0x458: {  	v2 =	vld [tilespmem:s23+$0x0];
	_ =	sdelay $0x2  }
0x459: {  	[tilespmem:s0+$0xFFFFF920] =	vst v0  }
0x45a: {  	v0 =	vld [tilespmem:s17+$0x30]  }
0x45b: {  	[tilespmem:s0+$0x180] =	vst v2  }
0x45c: {  	v2 =	vld [tilespmem:s23+$0x10];
	_ =	sdelay $0x1  }
0x45d: {  	(v2sf) =	vpush v1, $0x4  }
0x45e: {  	[tilespmem:s0+$0xFFFFF930] =	vst v0  }
0x45f: {  	v0 =	vld [tilespmem:s18+$0x0]  }
0x460: {  	[tilespmem:s0+$0x190] =	vst v2  }
0x461: {  	v2 =	vld [tilespmem:s23+$0x20];
	_ =	sdelay $0x2  }
0x462: {  	[tilespmem:s0+$0xFFFFF980] =	vst v0  }
0x463: {  	v0 =	vld [tilespmem:s18+$0x10]  }
0x464: {  	[tilespmem:s0+$0x1A0] =	vst v2  }
0x465: {  	v2 =	vld [tilespmem:s23+$0x30];
	_ =	sdelay $0x2  }
0x466: {  	[tilespmem:s0+$0xFFFFF990] =	vst v0  }
0x467: {  	v0 =	vld [tilespmem:s18+$0x20]  }
0x468: {  	s24 =	spop (v2sf);
	[tilespmem:s0+$0x1B0] =	vst v2  }
0x469: {  	v2 =	vld [tilespmem:s24+$0x0];
	_ =	sdelay $0x2  }
0x46a: {  	[tilespmem:s0+$0xFFFFF9A0] =	vst v0  }
0x46b: {  	v0 =	vld [tilespmem:s18+$0x30]  }
0x46c: {  	[tilespmem:s0+$0x200] =	vst v2  }
0x46d: {  	v2 =	vld [tilespmem:s24+$0x10];
	_ =	sdelay $0x1  }
0x46e: {  	(v2sf) =	vpush v1, $0x5  }
0x46f: {  	[tilespmem:s0+$0xFFFFF9B0] =	vst v0  }
0x470: {  	s25 =	simm.s32 $0x2230;
	v0 =	vld [tilespmem:s19+$0x0]  }
0x471: {  	v3 =	vld [tilespmem:s25+$0x0];
	[tilespmem:s0+$0x210] =	vst v2  }
0x472: {  	v4 =	vld [tilespmem:s24+$0x20]  }
0x473: {  	v5 =	vld [tilespmem:s25+$0xFFFFFFF0];
	_ =	sdelay $0x1  }
0x474: {  	[tilespmem:s0+$0xFFFFFA00] =	vst v0  }
0x475: {  	v2 =	vshll.u32 v3, $0x6;
	v0 =	vld [tilespmem:s19+$0x10]  }
0x476: {  	(v2sf) =	vpush v2, $0x0;
	[tilespmem:s0+$0x220] =	vst v4  }
0x477: {  	v3 =	vshll.u32 v5, $0x6;
	v4 =	vld [tilespmem:s24+$0x30]  }
0x478: {  	(v2sf) =	vpush v3, $0x0;
	_ =	sdelay $0x1  }
0x479: {  	(v2sf) =	vpush v3, $0x1;
	[tilespmem:s0+$0xFFFFFA10] =	vst v0  }
0x47a: {  	(v2sf) =	vpush v3, $0x2;
	v0 =	vld [tilespmem:s19+$0x20]  }
0x47b: {  	s26 =	spop (v2sf);
	(v2sf) =	vpush v3, $0x3;
	[tilespmem:s0+$0x230] =	vst v4  }
0x47c: {  	(v2sf) =	vpush v3, $0x4;
	v4 =	vld [tilespmem:s26+$0x0]  }
0x47d: {  	(v2sf) =	vpush v3, $0x5  }
0x47e: {  	(v2sf) =	vpush v3, $0x6  }
0x47f: {  	(v2sf) =	vpush v3, $0x7;
	[tilespmem:s0+$0xFFFFFA20] =	vst v0  }
0x480: {  	(v2sf) =	vpush v3, $0x8;
	v0 =	vld [tilespmem:s19+$0x30]  }
0x481: {  	(v2sf) =	vpush v3, $0x9;
	[tilespmem:s0+$0x280] =	vst v4  }
0x482: {  	(v2sf) =	vpush v3, $0xA;
	v4 =	vld [tilespmem:s26+$0x10]  }
0x483: {  	(v2sf) =	vpush v3, $0xB  }
0x484: {  	(v2sf) =	vpush v1, $0x6;
	s28 =	spop (v2sf)  }
0x485: {  	v5 =	vld [tilespmem:s28+$0x0];
	[tilespmem:s0+$0xFFFFFA30] =	vst v0  }
0x486: {  	s22 =	spop (v2sf);
	v0 =	vld [tilespmem:s12+$0x0]  }
0x487: {  	v6 =	vld [tilespmem:s22+$0x0];
	[tilespmem:s0+$0x290] =	vst v4  }
0x488: {  	(v2sf) =	vpush v3, $0xC;
	s21 =	spop (v2sf);
	v4 =	vld [tilespmem:s26+$0x20]  }
0x489: {  	s30 =	simm.s32 $0x10400;
	(v2sf) =	vpush v3, $0xD;
	s20 =	spop (v2sf)  }
0x48a: {  	(v2sf) =	vpush v3, $0xE;
	s13 =	spop (v2sf);
	[tilespmem:s30+$0x0] =	vst v5  }
0x48b: {  	(v2sf) =	vpush v3, $0xF;
	s11 =	spop (v2sf);
	v5 =	vld [tilespmem:s28+$0x10];
	[tilespmem:s0+$0xFFFFFA80] =	vst v0  }
0x48c: {  	s4 =	spop (v2sf);
	[tilespmem:s30+$0xFFFFF800] =	vst v6;
	v0 =	vld [tilespmem:s12+$0x10]  }
0x48d: {  	(v2sf) =	vpush v2, $0x1;
	s19 =	spop (v2sf);
	v3 =	vld [tilespmem:s22+$0x10];
	[tilespmem:s0+$0x2A0] =	vst v4  }
0x48e: {  	s18 =	spop (v2sf);
	v4 =	vld [tilespmem:s26+$0x30]  }
0x48f: {  	s17 =	spop (v2sf)  }
0x490: {  	s10 =	spop (v2sf);
	[tilespmem:s30+$0x10] =	vst v5  }
0x491: {  	s16 =	spop (v2sf);
	v5 =	vld [tilespmem:s28+$0x20];
	[tilespmem:s0+$0xFFFFFA90] =	vst v0  }
0x492: {  	s25 =	spop (v2sf);
	[tilespmem:s30+$0xFFFFF810] =	vst v3;
	v0 =	vld [tilespmem:s12+$0x20]  }
0x493: {  	s29 =	spop (v2sf);
	v3 =	vld [tilespmem:s22+$0x20];
	[tilespmem:s0+$0x2B0] =	vst v4  }
0x494: {  	v4 =	vld [tilespmem:s29+$0x0];
	_ =	sdelay $0x1  }
0x495: {  	[tilespmem:s30+$0x20] =	vst v5  }
0x496: {  	s9 =	spop (v2sf);
	v5 =	vld [tilespmem:s28+$0x30];
	[tilespmem:s0+$0xFFFFFAA0] =	vst v0  }
0x497: {  	s15 =	spop (v2sf);
	[tilespmem:s30+$0xFFFFF820] =	vst v3  }
0x498: {  	s24 =	spop (v2sf);
	v0 =	vld [tilespmem:s12+$0x30];
	[tilespmem:s0+$0x300] =	vst v4  }
0x499: {  	s26 =	spop (v2sf);
	v3 =	vld [tilespmem:s22+$0x30];
	[smem:$0x7F6] =	sst s24  }
0x49a: {  	v4 =	vld [tilespmem:s29+$0x10];
	[dreg:$0x3] =	wrdreg s26  }
0x49b: {  	s28 =	spop (v2sf);
	[tilespmem:s30+$0x30] =	vst v5  }
0x49c: {  	(v2sf) =	vpush v1, $0x7;
	v5 =	vld [tilespmem:s28+$0x0]  }
0x49d: {  	[tilespmem:s0+$0xFFFFFAB0] =	vst v0  }
0x49e: {  	v0 =	vld [tilespmem:s8+$0x0]  }
0x49f: {  	[tilespmem:s0+$0x310] =	vst v4  }
0x4a0: {  	[tilespmem:s30+$0xFFFFF830] =	vst v3;
	v4 =	vld [tilespmem:s29+$0x20]  }
0x4a1: {  	v3 =	vld [tilespmem:s21+$0x0];
	[tilespmem:s30+$0x80] =	vst v5  }
0x4a2: {  	v5 =	vld [tilespmem:s28+$0x10]  }
0x4a3: {  	[tilespmem:s0+$0xFFFFFB00] =	vst v0  }
0x4a4: {  	(v2sf) =	vpush v2, $0x2;
	v0 =	vld [tilespmem:s8+$0x10]  }
0x4a5: {  	[tilespmem:s0+$0x320] =	vst v4  }
0x4a6: {  	[tilespmem:s30+$0xFFFFF880] =	vst v3;
	v4 =	vld [tilespmem:s29+$0x30]  }
0x4a7: {  	v3 =	vld [tilespmem:s21+$0x10];
	[tilespmem:s30+$0x90] =	vst v5  }
0x4a8: {  	v5 =	vld [tilespmem:s28+$0x20]  }
0x4a9: {  	[tilespmem:s0+$0xFFFFFB10] =	vst v0  }
0x4aa: {  	v0 =	vld [tilespmem:s8+$0x20]  }
0x4ab: {  	s29 =	spop (v2sf);
	[tilespmem:s0+$0x330] =	vst v4  }
0x4ac: {  	[tilespmem:s30+$0xFFFFF890] =	vst v3;
	v4 =	vld [tilespmem:s29+$0x0]  }
0x4ad: {  	v3 =	vld [tilespmem:s21+$0x20];
	[tilespmem:s30+$0xA0] =	vst v5  }
0x4ae: {  	v5 =	vld [tilespmem:s28+$0x30]  }
0x4af: {  	[tilespmem:s0+$0xFFFFFB20] =	vst v0  }
0x4b0: {  	v0 =	vld [tilespmem:s8+$0x30]  }
0x4b1: {  	[tilespmem:s0+$0x380] =	vst v4  }
0x4b2: {  	[tilespmem:s30+$0xFFFFF8A0] =	vst v3;
	v4 =	vld [tilespmem:s29+$0x10]  }
0x4b3: {  	v3 =	vld [tilespmem:s21+$0x30];
	s21 =	spop (v2sf);
	[tilespmem:s30+$0xB0] =	vst v5  }
0x4b4: {  	(v2sf) =	vpush v1, $0x8;
	v5 =	vld [tilespmem:s21+$0x0]  }
0x4b5: {  	[tilespmem:s0+$0xFFFFFB30] =	vst v0  }
0x4b6: {  	v0 =	vld [tilespmem:s6+$0x0]  }
0x4b7: {  	[tilespmem:s0+$0x390] =	vst v4  }
0x4b8: {  	[tilespmem:s30+$0xFFFFF8B0] =	vst v3;
	v4 =	vld [tilespmem:s29+$0x20]  }
0x4b9: {  	v3 =	vld [tilespmem:s20+$0x0];
	[tilespmem:s30+$0x100] =	vst v5  }
0x4ba: {  	v5 =	vld [tilespmem:s21+$0x10]  }
0x4bb: {  	[tilespmem:s0+$0xFFFFFB80] =	vst v0  }
0x4bc: {  	(v2sf) =	vpush v2, $0x3;
	v0 =	vld [tilespmem:s6+$0x10]  }
0x4bd: {  	[tilespmem:s0+$0x3A0] =	vst v4  }
0x4be: {  	[tilespmem:s30+$0xFFFFF900] =	vst v3;
	v4 =	vld [tilespmem:s29+$0x30]  }
0x4bf: {  	v3 =	vld [tilespmem:s20+$0x10];
	[tilespmem:s30+$0x110] =	vst v5  }
0x4c0: {  	v5 =	vld [tilespmem:s21+$0x20]  }
0x4c1: {  	[tilespmem:s0+$0xFFFFFB90] =	vst v0  }
0x4c2: {  	v0 =	vld [tilespmem:s6+$0x20]  }
0x4c3: {  	s22 =	spop (v2sf);
	[tilespmem:s0+$0x3B0] =	vst v4  }
0x4c4: {  	[tilespmem:s30+$0xFFFFF910] =	vst v3;
	v4 =	vld [tilespmem:s22+$0x0]  }
0x4c5: {  	v3 =	vld [tilespmem:s20+$0x20];
	[tilespmem:s30+$0x120] =	vst v5  }
0x4c6: {  	v5 =	vld [tilespmem:s21+$0x30]  }
0x4c7: {  	[tilespmem:s0+$0xFFFFFBA0] =	vst v0  }
0x4c8: {  	v0 =	vld [tilespmem:s6+$0x30]  }
0x4c9: {  	[tilespmem:s0+$0x400] =	vst v4  }
0x4ca: {  	[tilespmem:s30+$0xFFFFF920] =	vst v3;
	v4 =	vld [tilespmem:s22+$0x10]  }
0x4cb: {  	s23 =	spop (v2sf);
	v3 =	vld [tilespmem:s20+$0x30];
	[tilespmem:s30+$0x130] =	vst v5  }
0x4cc: {  	(v2sf) =	vpush v1, $0x9;
	v5 =	vld [tilespmem:s23+$0x0]  }
0x4cd: {  	[tilespmem:s0+$0xFFFFFBB0] =	vst v0  }
0x4ce: {  	v0 =	vld [tilespmem:s3+$0x0]  }
0x4cf: {  	[tilespmem:s0+$0x410] =	vst v4  }
0x4d0: {  	[tilespmem:s30+$0xFFFFF930] =	vst v3;
	v4 =	vld [tilespmem:s22+$0x20]  }
0x4d1: {  	v3 =	vld [tilespmem:s13+$0x0];
	[tilespmem:s30+$0x180] =	vst v5  }
0x4d2: {  	v5 =	vld [tilespmem:s23+$0x10]  }
0x4d3: {  	[tilespmem:s0+$0xFFFFFC00] =	vst v0  }
0x4d4: {  	(v2sf) =	vpush v2, $0x4;
	v0 =	vld [tilespmem:s3+$0x10]  }
0x4d5: {  	[tilespmem:s0+$0x420] =	vst v4  }
0x4d6: {  	[tilespmem:s30+$0xFFFFF980] =	vst v3;
	v4 =	vld [tilespmem:s22+$0x30]  }
0x4d7: {  	v3 =	vld [tilespmem:s13+$0x10];
	[tilespmem:s30+$0x190] =	vst v5  }
0x4d8: {  	v5 =	vld [tilespmem:s23+$0x20]  }
0x4d9: {  	[tilespmem:s0+$0xFFFFFC10] =	vst v0  }
0x4da: {  	v0 =	vld [tilespmem:s3+$0x20]  }
0x4db: {  	s24 =	spop (v2sf);
	[tilespmem:s0+$0x430] =	vst v4  }
0x4dc: {  	[tilespmem:s30+$0xFFFFF990] =	vst v3;
	v4 =	vld [tilespmem:s24+$0x0]  }
0x4dd: {  	v3 =	vld [tilespmem:s13+$0x20];
	[tilespmem:s30+$0x1A0] =	vst v5  }
0x4de: {  	v5 =	vld [tilespmem:s23+$0x30]  }
0x4df: {  	[tilespmem:s0+$0xFFFFFC20] =	vst v0  }
0x4e0: {  	v0 =	vld [tilespmem:s3+$0x30]  }
0x4e1: {  	[tilespmem:s0+$0x480] =	vst v4  }
0x4e2: {  	[tilespmem:s30+$0xFFFFF9A0] =	vst v3;
	v4 =	vld [tilespmem:s24+$0x10]  }
0x4e3: {  	s26 =	spop (v2sf);
	v3 =	vld [tilespmem:s13+$0x30];
	[tilespmem:s30+$0x1B0] =	vst v5  }
0x4e4: {  	(v2sf) =	vpush v1, $0xA;
	v5 =	vld [tilespmem:s26+$0x0]  }
0x4e5: {  	[tilespmem:s0+$0xFFFFFC30] =	vst v0  }
0x4e6: {  	v0 =	vld [tilespmem:s1+$0x0]  }
0x4e7: {  	[tilespmem:s0+$0x490] =	vst v4  }
0x4e8: {  	[tilespmem:s30+$0xFFFFF9B0] =	vst v3;
	v4 =	vld [tilespmem:s24+$0x20]  }
0x4e9: {  	v3 =	vld [tilespmem:s11+$0x0];
	[tilespmem:s30+$0x200] =	vst v5  }
0x4ea: {  	s28 =	simm.s32 $0x2250;
	v5 =	vld [tilespmem:s26+$0x10]  }
0x4eb: {  	v6 =	vld [tilespmem:s28+$0x0];
	[tilespmem:s0+$0xFFFFFC80] =	vst v0  }
0x4ec: {  	(v2sf) =	vpush v2, $0x5;
	v0 =	vld [tilespmem:s1+$0x10]  }
0x4ed: {  	v7 =	vld [tilespmem:s28+$0xFFFFFFF0];
	[tilespmem:s0+$0x4A0] =	vst v4  }
0x4ee: {  	[tilespmem:s30+$0xFFFFFA00] =	vst v3;
	v4 =	vld [tilespmem:s24+$0x30]  }
0x4ef: {  	v3 =	vld [tilespmem:s11+$0x10];
	[tilespmem:s30+$0x210] =	vst v5  }
0x4f0: {  	v5 =	vld [tilespmem:s26+$0x20]  }
0x4f1: {  	[tilespmem:s0+$0xFFFFFC90] =	vst v0  }
0x4f2: {  	v8 =	vld [tilespmem:s1+$0x20]  }
0x4f3: {  	s29 =	spop (v2sf);
	v0 =	vshll.u32 v6, $0x6;
	[tilespmem:s0+$0x4B0] =	vst v4  }
0x4f4: {  	[tilespmem:s30+$0xFFFFFA10] =	vst v3;
	v3 =	vshll.u32 v7, $0x6;
	(v2sf) =	vpush v0, $0x0;
	v4 =	vld [tilespmem:s29+$0x0]  }
0x4f5: {  	v6 =	vld [tilespmem:s11+$0x20];
	(v2sf) =	vpush v3, $0x0;
	[tilespmem:s30+$0x220] =	vst v5  }
0x4f6: {  	(v2sf) =	vpush v3, $0x1;
	v5 =	vld [tilespmem:s26+$0x30]  }
0x4f7: {  	(v2sf) =	vpush v3, $0x2;
	[tilespmem:s0+$0xFFFFFCA0] =	vst v8  }
0x4f8: {  	(v2sf) =	vpush v1, $0xB;
	v7 =	vld [tilespmem:s1+$0x30]  }
0x4f9: {  	(v2sf) =	vpush v3, $0x3;
	[tilespmem:s0+$0x500] =	vst v4  }
0x4fa: {  	[tilespmem:s30+$0xFFFFFA20] =	vst v6;
	(v2sf) =	vpush v3, $0x4;
	v4 =	vld [tilespmem:s29+$0x10]  }
0x4fb: {  	s8 =	spop (v2sf);
	v6 =	vld [tilespmem:s11+$0x30];
	(v2sf) =	vpush v3, $0x5;
	[tilespmem:s30+$0x230] =	vst v5  }
0x4fc: {  	(v2sf) =	vpush v3, $0x6;
	v5 =	vld [tilespmem:s8+$0x0]  }
0x4fd: {  	(v2sf) =	vpush v3, $0x7;
	[tilespmem:s0+$0xFFFFFCB0] =	vst v7  }
0x4fe: {  	(v2sf) =	vpush v3, $0x8;
	v7 =	vld [tilespmem:s31+$0x0]  }
0x4ff: {  	(v2sf) =	vpush v3, $0x9;
	[tilespmem:s0+$0x510] =	vst v4  }
0x500: {  	[tilespmem:s30+$0xFFFFFA30] =	vst v6;
	(v2sf) =	vpush v3, $0xA;
	v4 =	vld [tilespmem:s29+$0x20]  }
0x501: {  	v6 =	vld [tilespmem:s4+$0x0];
	[tilespmem:s30+$0x280] =	vst v5  }
0x502: {  	(v2sf) =	vpush v3, $0xB;
	v5 =	vld [tilespmem:s8+$0x10]  }
0x503: {  	s12 =	spop (v2sf);
	[tilespmem:s0+$0xFFFFFD00] =	vst v7  }
0x504: {  	(v2sf) =	vpush v2, $0x6;
	s13 =	spop (v2sf);
	v7 =	vld [tilespmem:s31+$0x10]  }
0x505: {  	v8 =	vld [tilespmem:s12+$0x0];
	s28 =	spop (v2sf);
	[tilespmem:s0+$0x520] =	vst v4  }
0x506: {  	[tilespmem:s30+$0xFFFFFA80] =	vst v6;
	s23 =	spop (v2sf);
	v4 =	vld [tilespmem:s29+$0x30]  }
0x507: {  	v6 =	vld [tilespmem:s4+$0x10];
	s29 =	spop (v2sf);
	[tilespmem:s30+$0x290] =	vst v5  }
0x508: {  	s22 =	spop (v2sf);
	v5 =	vld [tilespmem:s8+$0x20]  }
0x509: {  	s1 =	simm.s32 $0x11400;
	[tilespmem:s0+$0xFFFFFD10] =	vst v7;
	v7 =	vld [tilespmem:s13+$0x0];
	s20 =	spop (v2sf)  }
0x50a: {  	[tilespmem:s1+$0x0] =	vst v8;
	v9 =	vld [tilespmem:s31+$0x20];
	s21 =	spop (v2sf)  }
0x50b: {  	s3 =	spop (v2sf);
	[tilespmem:s0+$0x530] =	vst v4  }
0x50c: {  	[tilespmem:s30+$0xFFFFFA90] =	vst v6;
	s24 =	spop (v2sf);
	v4 =	vld [tilespmem:s29+$0x0]  }
0x50d: {  	v6 =	vld [tilespmem:s4+$0x20];
	(v2sf) =	vpush v3, $0xC;
	s26 =	spop (v2sf);
	[tilespmem:s30+$0x2A0] =	vst v5  }
0x50e: {  	(v2sf) =	vpush v3, $0xD;
	[tilespmem:s1+$0xFFFFF800] =	vst v7;
	s6 =	spop (v2sf);
	v5 =	vld [tilespmem:s8+$0x30]  }
0x50f: {  	(v2sf) =	vpush v3, $0xE;
	v7 =	vld [tilespmem:s12+$0x10];
	[tilespmem:s0+$0xFFFFFD20] =	vst v9;
	s11 =	spop (v2sf)  }
0x510: {  	(v2sf) =	vpush v3, $0xF;
	v3 =	vld [tilespmem:s13+$0x10];
	[dreg:$0xd] =	wrdreg s11  }
0x511: {  	s11 =	spop (v2sf);
	[tilespmem:s0+$0x580] =	vst v4  }
0x512: {  	v8 =	vld [tilespmem:s31+$0x30];
	[dreg:$0xb] =	wrdreg s11  }
0x513: {  	s31 =	spop (v2sf);
	v4 =	vld [tilespmem:s29+$0x10];
	[tilespmem:s30+$0x2B0] =	vst v5  }
0x514: {  	[tilespmem:s30+$0xFFFFFAA0] =	vst v6;
	v5 =	vld [tilespmem:s31+$0x0]  }
0x515: {  	(v2sf) =	vpush v0, $0x1;
	[tilespmem:s1+$0x10] =	vst v7;
	v6 =	vld [tilespmem:s4+$0x30]  }
0x516: {  	[tilespmem:s1+$0xFFFFF810] =	vst v3;
	v3 =	vld [tilespmem:s12+$0x20]  }
0x517: {  	v7 =	vld [tilespmem:s13+$0x20];
	[tilespmem:s0+$0xFFFFFD30] =	vst v8  }
0x518: {  	v8 =	vld [tilespmem:s14+$0x0];
	[tilespmem:s0+$0x590] =	vst v4  }
0x519: {  	[tilespmem:s30+$0x300] =	vst v5  }
0x51a: {  	v4 =	vld [tilespmem:s29+$0x20];
	[tilespmem:s30+$0xFFFFFAB0] =	vst v6  }
0x51b: {  	[tilespmem:s1+$0x20] =	vst v3;
	v5 =	vld [tilespmem:s31+$0x10]  }
0x51c: {  	[tilespmem:s1+$0xFFFFF820] =	vst v7;
	v3 =	vld [tilespmem:s19+$0x0]  }
0x51d: {  	(v2sf) =	vpush v1, $0xC;
	v6 =	vld [tilespmem:s12+$0x30];
	s12 =	spop (v2sf);
	[tilespmem:s0+$0xFFFFFD80] =	vst v8  }
0x51e: {  	v7 =	vld [tilespmem:s13+$0x30];
	[dreg:$0x9] =	wrdreg s12  }
0x51f: {  	(v2sf) =	vpush v2, $0x7;
	s13 =	spop (v2sf);
	[tilespmem:s0+$0x5A0] =	vst v4  }
0x520: {  	v8 =	vld [tilespmem:s14+$0x10];
	[dreg:$0x8] =	wrdreg s13  }
0x521: {  	s13 =	spop (v2sf);
	[tilespmem:s30+$0x310] =	vst v5  }
0x522: {  	v4 =	vld [tilespmem:s29+$0x30];
	[tilespmem:s30+$0xFFFFFB00] =	vst v3;
	s4 =	spop (v2sf)  }
0x523: {  	v3 =	vld [tilespmem:s31+$0x20];
	[dreg:$0x6] =	wrdreg s4  }
0x524: {  	s8 =	spop (v2sf);
	[tilespmem:s1+$0x30] =	vst v6  }
0x525: {  	[tilespmem:s1+$0xFFFFF830] =	vst v7;
	v6 =	vld [tilespmem:s8+$0x0]  }
0x526: {  	v7 =	vld [tilespmem:s28+$0x0]  }
0x527: {  	[tilespmem:s0+$0xFFFFFD90] =	vst v8  }
0x528: {  	v8 =	vld [tilespmem:s14+$0x20];
	[tilespmem:s30+$0x320] =	vst v3  }
0x529: {  	v3 =	vld [tilespmem:s31+$0x30]  }
0x52a: {  	v5 =	vld [tilespmem:s19+$0x10];
	[tilespmem:s1+$0x80] =	vst v6  }
0x52b: {  	[tilespmem:s1+$0xFFFFF880] =	vst v7;
	v6 =	vld [tilespmem:s8+$0x10]  }
0x52c: {  	[tilespmem:s0+$0x5B0] =	vst v4;
	s11 =	spop (v2sf);
	v7 =	vld [tilespmem:s28+$0x10]  }
0x52d: {  	[tilespmem:s0+$0xFFFFFDA0] =	vst v8;
	(v2sf) =	vpush v0, $0x2;
	v4 =	vld [tilespmem:s11+$0x0]  }
0x52e: {  	v8 =	vld [tilespmem:s14+$0x30];
	s31 =	spop (v2sf);
	[tilespmem:s30+$0x330] =	vst v3  }
0x52f: {  	[tilespmem:s30+$0xFFFFFB10] =	vst v5;
	v3 =	vld [tilespmem:s31+$0x0]  }
0x530: {  	[tilespmem:s1+$0x90] =	vst v6;
	v6 =	vld [tilespmem:s19+$0x20]  }
0x531: {  	[tilespmem:s1+$0xFFFFF890] =	vst v7;
	v5 =	vld [tilespmem:s8+$0x20]  }
0x532: {  	[tilespmem:s0+$0x600] =	vst v4;
	v7 =	vld [tilespmem:s28+$0x20]  }
0x533: {  	[tilespmem:s0+$0xFFFFFDB0] =	vst v8;
	v4 =	vld [tilespmem:s11+$0x10]  }
0x534: {  	v8 =	vld [tilespmem:s7+$0x0];
	[tilespmem:s30+$0x380] =	vst v3  }
0x535: {  	(v2sf) =	vpush v1, $0xD;
	v3 =	vld [tilespmem:s31+$0x10];
	[tilespmem:s30+$0xFFFFFB20] =	vst v6  }
0x536: {  	[tilespmem:s1+$0xA0] =	vst v5;
	v6 =	vld [tilespmem:s19+$0x30]  }
0x537: {  	(v2sf) =	vpush v2, $0x8;
	[tilespmem:s1+$0xFFFFF8A0] =	vst v7;
	v5 =	vld [tilespmem:s8+$0x30]  }
0x538: {  	[tilespmem:s0+$0x610] =	vst v4;
	v7 =	vld [tilespmem:s28+$0x30]  }
0x539: {  	[tilespmem:s0+$0xFFFFFE00] =	vst v8;
	v4 =	vld [tilespmem:s11+$0x20]  }
0x53a: {  	v8 =	vld [tilespmem:s7+$0x10];
	[tilespmem:s30+$0x390] =	vst v3  }
0x53b: {  	v3 =	vld [tilespmem:s31+$0x20];
	[tilespmem:s30+$0xFFFFFB30] =	vst v6  }
0x53c: {  	s19 =	spop (v2sf);
	[tilespmem:s1+$0xB0] =	vst v5;
	v6 =	vld [tilespmem:s18+$0x0]  }
0x53d: {  	[tilespmem:s1+$0xFFFFF8B0] =	vst v7;
	v5 =	vld [tilespmem:s19+$0x0]  }
0x53e: {  	[tilespmem:s0+$0x620] =	vst v4;
	v7 =	vld [tilespmem:s23+$0x0]  }
0x53f: {  	[tilespmem:s0+$0xFFFFFE10] =	vst v8;
	v4 =	vld [tilespmem:s11+$0x30]  }
0x540: {  	v8 =	vld [tilespmem:s7+$0x20];
	[tilespmem:s30+$0x3A0] =	vst v3  }
0x541: {  	v3 =	vld [tilespmem:s31+$0x30];
	[tilespmem:s30+$0xFFFFFB80] =	vst v6  }
0x542: {  	[tilespmem:s1+$0x100] =	vst v5;
	v6 =	vld [tilespmem:s18+$0x10]  }
0x543: {  	[tilespmem:s1+$0xFFFFF900] =	vst v7;
	v5 =	vld [tilespmem:s19+$0x10]  }
0x544: {  	s28 =	spop (v2sf);
	[tilespmem:s0+$0x630] =	vst v4;
	v7 =	vld [tilespmem:s23+$0x10]  }
0x545: {  	[tilespmem:s0+$0xFFFFFE20] =	vst v8;
	v4 =	vld [tilespmem:s28+$0x0]  }
0x546: {  	(v2sf) =	vpush v0, $0x3;
	s29 =	spop (v2sf);
	v8 =	vld [tilespmem:s7+$0x30];
	[tilespmem:s30+$0x3B0] =	vst v3  }
0x547: {  	v3 =	vld [tilespmem:s29+$0x0];
	[tilespmem:s30+$0xFFFFFB90] =	vst v6  }
0x548: {  	[tilespmem:s1+$0x110] =	vst v5;
	v6 =	vld [tilespmem:s18+$0x20]  }
0x549: {  	[tilespmem:s1+$0xFFFFF910] =	vst v7;
	v5 =	vld [tilespmem:s19+$0x20]  }
0x54a: {  	[tilespmem:s0+$0x680] =	vst v4;
	v7 =	vld [tilespmem:s23+$0x20]  }
0x54b: {  	[tilespmem:s0+$0xFFFFFE30] =	vst v8;
	v4 =	vld [tilespmem:s28+$0x10]  }
0x54c: {  	v8 =	vld [tilespmem:s5+$0x0];
	[tilespmem:s30+$0x400] =	vst v3  }
0x54d: {  	(v2sf) =	vpush v1, $0xE;
	v3 =	vld [tilespmem:s29+$0x10];
	[tilespmem:s30+$0xFFFFFBA0] =	vst v6  }
0x54e: {  	[tilespmem:s1+$0x120] =	vst v5;
	v6 =	vld [tilespmem:s18+$0x30]  }
0x54f: {  	[tilespmem:s1+$0xFFFFF920] =	vst v7;
	v5 =	vld [tilespmem:s19+$0x30]  }
0x550: {  	(v2sf) =	vpush v2, $0x9;
	[tilespmem:s0+$0x690] =	vst v4;
	v7 =	vld [tilespmem:s23+$0x30]  }
0x551: {  	s23 =	simm.s32 $0xF400;
	v4 =	vld [tilespmem:s28+$0x20]  }
0x552: {  	[tilespmem:s23+$0xFFFFFE80] =	vst v8  }
0x553: {  	v8 =	vld [tilespmem:s5+$0x10];
	[tilespmem:s30+$0x410] =	vst v3  }
0x554: {  	v3 =	vld [tilespmem:s29+$0x20];
	[tilespmem:s30+$0xFFFFFBB0] =	vst v6  }
0x555: {  	s0 =	spop (v2sf);
	[tilespmem:s1+$0x130] =	vst v5;
	v6 =	vld [tilespmem:s17+$0x0]  }
0x556: {  	v5 =	vld [tilespmem:s0+$0x0];
	[tilespmem:s23+$0x6A0] =	vst v4  }
0x557: {  	v4 =	vld [tilespmem:s28+$0x30];
	s12 =	sld [smem:$0x7F5];
	[tilespmem:s1+$0xFFFFF930] =	vst v7  }
0x558: {  	[tilespmem:s23+$0xFFFFFE90] =	vst v8;
	v7 =	vld [tilespmem:s22+$0x0]  }
0x559: {  	v8 =	vld [tilespmem:s5+$0x20];
	[tilespmem:s30+$0x420] =	vst v3  }
0x55a: {  	v3 =	vld [tilespmem:s29+$0x30];
	[tilespmem:s30+$0xFFFFFC00] =	vst v6  }
0x55b: {  	[tilespmem:s1+$0x180] =	vst v5;
	v6 =	vld [tilespmem:s17+$0x10]  }
0x55c: {  	s4 =	spop (v2sf);
	v5 =	vld [tilespmem:s0+$0x10];
	[tilespmem:s23+$0x6B0] =	vst v4  }
0x55d: {  	v4 =	vld [tilespmem:s4+$0x0];
	[tilespmem:s1+$0xFFFFF980] =	vst v7  }
0x55e: {  	(v2sf) =	vpush v0, $0x4;
	[tilespmem:s23+$0xFFFFFEA0] =	vst v8;
	v7 =	vld [tilespmem:s22+$0x10]  }
0x55f: {  	s8 =	spop (v2sf);
	v8 =	vld [tilespmem:s5+$0x30];
	[tilespmem:s30+$0x430] =	vst v3  }
0x560: {  	v3 =	vld [tilespmem:s8+$0x0];
	[tilespmem:s30+$0xFFFFFC10] =	vst v6  }
0x561: {  	[tilespmem:s1+$0x190] =	vst v5;
	v6 =	vld [tilespmem:s17+$0x20]  }
0x562: {  	v5 =	vld [tilespmem:s0+$0x20];
	[tilespmem:s23+$0x700] =	vst v4  }
0x563: {  	v4 =	vld [tilespmem:s4+$0x10];
	[tilespmem:s1+$0xFFFFF990] =	vst v7  }
0x564: {  	[tilespmem:s23+$0xFFFFFEB0] =	vst v8;
	v7 =	vld [tilespmem:s22+$0x20]  }
0x565: {  	v8 =	vld [tilespmem:s2+$0x0];
	[tilespmem:s30+$0x480] =	vst v3  }
0x566: {  	v3 =	vld [tilespmem:s8+$0x10];
	[tilespmem:s30+$0xFFFFFC20] =	vst v6  }
0x567: {  	[tilespmem:s1+$0x1A0] =	vst v5;
	v6 =	vld [tilespmem:s17+$0x30]  }
0x568: {  	(v2sf) =	vpush v1, $0xF;
	s17 =	simm.s32 $0x2270;
	v5 =	vld [tilespmem:s0+$0x30];
	[tilespmem:s23+$0x710] =	vst v4  }
0x569: {  	v62 =	vld [tilespmem:s17+$0xFFFFFFF0];
	[tilespmem:s1+$0xFFFFF9A0] =	vst v7  }
0x56a: {  	v4 =	vld [tilespmem:s4+$0x20];
	[tilespmem:s23+$0xFFFFFF00] =	vst v8  }
0x56b: {  	[tilespmem:s30+$0x490] =	vst v3;
	v3 =	vld [tilespmem:s22+$0x30]  }
0x56c: {  	(v2sf) =	vpush v2, $0xA;
	v8 =	vld [tilespmem:s17+$0x0];
	[tilespmem:s30+$0xFFFFFC30] =	vst v6  }
0x56d: {  	s11 =	spop (v2sf);
	[tilespmem:s1+$0x1B0] =	vst v5;
	v6 =	vld [tilespmem:s10+$0x0]  }
0x56e: {  	v5 =	vld [tilespmem:s11+$0x0]  }
0x56f: {  	v7 =	vld [tilespmem:s2+$0x10]  }
0x570: {  	v1 =	vld [tilespmem:s8+$0x20];
	[tilespmem:s1+$0xFFFFF9B0] =	vst v3  }
0x571: {  	[tilespmem:s23+$0x720] =	vst v4;
	v3 =	vld [tilespmem:s20+$0x0]  }
0x572: {  	v4 =	vld [tilespmem:s4+$0x30];
	[tilespmem:s30+$0xFFFFFC80] =	vst v6  }
0x573: {  	[tilespmem:s1+$0x200] =	vst v5;
	v6 =	vld [tilespmem:s10+$0x10]  }
0x574: {  	[tilespmem:s23+$0xFFFFFF10] =	vst v7;
	v5 =	vld [tilespmem:s11+$0x10]  }
0x575: {  	v7 =	vld [tilespmem:s2+$0x20];
	[tilespmem:s30+$0x4A0] =	vst v1  }
0x576: {  	(v2sf) =	vpush v0, $0x5;
	v1 =	vld [tilespmem:s8+$0x30];
	[tilespmem:s1+$0xFFFFFA00] =	vst v3  }
0x577: {  	s18 =	spop (v2sf);
	[tilespmem:s23+$0x730] =	vst v4;
	v3 =	vld [tilespmem:s20+$0x10]  }
0x578: {  	[tilespmem:s30+$0xFFFFFC90] =	vst v6;
	v6 =	vld [tilespmem:s18+$0x0]  }
0x579: {  	[tilespmem:s1+$0x210] =	vst v5;
	v4 =	vld [tilespmem:s10+$0x20]  }
0x57a: {  	[tilespmem:s23+$0xFFFFFF20] =	vst v7;
	v5 =	vld [tilespmem:s11+$0x20]  }
0x57b: {  	s19 =	spop (v2sf);
	v7 =	vld [tilespmem:s2+$0x30];
	[tilespmem:s30+$0x4B0] =	vst v1  }
0x57c: {  	[tilespmem:s1+$0xFFFFFA10] =	vst v3;
	v3 =	vld [tilespmem:s19+$0x0]  }
0x57d: {  	v10 =	vld [tilespmem:s20+$0x20];
	[tilespmem:s23+$0x780] =	vst v6  }
0x57e: {  	v1 =	vshll.u32 v8, $0x6;
	[tilespmem:s30+$0xFFFFFCA0] =	vst v4;
	v6 =	vld [tilespmem:s18+$0x10]  }
0x57f: {  	(v2sf) =	vpush v1, $0x0;
	v4 =	vshll.u32 v62, $0x6;
	[tilespmem:s1+$0x220] =	vst v5;
	v8 =	vld [tilespmem:s10+$0x30]  }
0x580: {  	[tilespmem:s23+$0xFFFFFF30] =	vst v7;
	(v2sf) =	vpush v4, $0x0;
	v5 =	vld [tilespmem:s11+$0x30]  }
0x581: {  	(v2sf) =	vpush v4, $0x1;
	[tilespmem:s30+$0x500] =	vst v3;
	v3 =	vld [tilespmem:s12+$0x0]  }
0x582: {  	(v2sf) =	vpush v4, $0x2;
	[tilespmem:s1+$0xFFFFFA20] =	vst v10;
	v7 =	vld [tilespmem:s19+$0x10]  }
0x583: {  	(v2sf) =	vpush v2, $0xB;
	v63 =	vld [tilespmem:s20+$0x30];
	[tilespmem:s23+$0x790] =	vst v6  }
0x584: {  	(v2sf) =	vpush v4, $0x3;
	[tilespmem:s30+$0xFFFFFCB0] =	vst v8;
	v8 =	vld [tilespmem:s18+$0x20]  }
0x585: {  	s20 =	spop (v2sf);
	(v2sf) =	vpush v4, $0x4;
	[tilespmem:s1+$0x230] =	vst v5;
	v6 =	vld [tilespmem:s16+$0x0]  }
0x586: {  	(v2sf) =	vpush v4, $0x5;
	v5 =	vld [tilespmem:s20+$0x0];
	[tilespmem:s23+$0xFFFFFF80] =	vst v3  }
0x587: {  	(v2sf) =	vpush v4, $0x6;
	[tilespmem:s30+$0x510] =	vst v7;
	v3 =	vld [tilespmem:s12+$0x10]  }
0x588: {  	(v2sf) =	vpush v4, $0x7;
	[tilespmem:s1+$0xFFFFFA30] =	vst v63;
	v7 =	vld [tilespmem:s19+$0x20]  }
0x589: {  	(v2sf) =	vpush v4, $0x8;
	v9 =	vld [tilespmem:s21+$0x0];
	[tilespmem:s23+$0x7A0] =	vst v8  }
0x58a: {  	(v2sf) =	vpush v4, $0x9;
	[tilespmem:s30+$0xFFFFFD00] =	vst v6;
	v8 =	vld [tilespmem:s18+$0x30]  }
0x58b: {  	(v2sf) =	vpush v4, $0xA;
	[tilespmem:s1+$0x280] =	vst v5;
	v6 =	vld [tilespmem:s16+$0x10]  }
0x58c: {  	(v2sf) =	vpush v4, $0xB;
	v5 =	vld [tilespmem:s20+$0x10];
	[tilespmem:s23+$0xFFFFFF90] =	vst v3  }
0x58d: {  	[tilespmem:s30+$0x520] =	vst v7;
	v3 =	vld [tilespmem:s12+$0x20]  }
0x58e: {  	s22 =	spop (v2sf);
	[tilespmem:s1+$0xFFFFFA80] =	vst v9;
	v7 =	vld [tilespmem:s19+$0x30]  }
0x58f: {  	s19 =	spop (v2sf);
	v9 =	vld [tilespmem:s21+$0x10];
	[tilespmem:s23+$0x7B0] =	vst v8  }
0x590: {  	s0 =	spop (v2sf);
	v8 =	vld [tilespmem:s22+$0x0];
	[tilespmem:s30+$0xFFFFFD10] =	vst v6  }
0x591: {  	(v2sf) =	vpush v0, $0x6;
	s29 =	spop (v2sf);
	[tilespmem:s1+$0x290] =	vst v5;
	v6 =	vld [tilespmem:s16+$0x20]  }
0x592: {  	s8 =	spop (v2sf);
	v5 =	vld [tilespmem:s20+$0x20];
	[tilespmem:s23+$0xFFFFFFA0] =	vst v3  }
0x593: {  	s28 =	spop (v2sf);
	v3 =	vld [tilespmem:s19+$0x0];
	[tilespmem:s30+$0x530] =	vst v7  }
0x594: {  	s14 =	simm.s32 $0x12400;
	s5 =	spop (v2sf);
	[tilespmem:s1+$0xFFFFFA90] =	vst v9  }
0x595: {  	v7 =	vld [tilespmem:s8+$0x0];
	s10 =	spop (v2sf);
	[tilespmem:s14+$0x0] =	vst v8  }
0x596: {  	v9 =	vld [tilespmem:s21+$0x20];
	s7 =	spop (v2sf);
	[tilespmem:s30+$0xFFFFFD20] =	vst v6  }
0x597: {  	s2 =	spop (v2sf);
	[tilespmem:s1+$0x2A0] =	vst v5;
	v6 =	vld [tilespmem:s16+$0x30]  }
0x598: {  	(v2sf) =	vpush v4, $0xC;
	s11 =	spop (v2sf);
	[tilespmem:s14+$0xFFFFF800] =	vst v3;
	v3 =	vld [tilespmem:s22+$0x10]  }
0x599: {  	(v2sf) =	vpush v4, $0xD;
	v5 =	vld [tilespmem:s20+$0x30];
	s20 =	spop (v2sf)  }
0x59a: {  	(v2sf) =	vpush v4, $0xE;
	[tilespmem:s30+$0x580] =	vst v7;
	s31 =	spop (v2sf)  }
0x59b: {  	(v2sf) =	vpush v4, $0xF;
	v4 =	vld [tilespmem:s19+$0x10];
	[tilespmem:s1+$0xFFFFFAA0] =	vst v9;
	s18 =	spop (v2sf)  }
0x59c: {  	(v2sf) =	vpush v1, $0x1;
	v7 =	vld [tilespmem:s8+$0x10];
	[dreg:$0xf] =	wrdreg s18  }
0x59d: {  	[tilespmem:s30+$0xFFFFFD30] =	vst v6  }
0x59e: {  	v8 =	vld [tilespmem:s21+$0x30];
	[tilespmem:s14+$0x10] =	vst v3  }
0x59f: {  	(v2sf) =	vpush v2, $0xC;
	[tilespmem:s1+$0x2B0] =	vst v5;
	v3 =	vld [tilespmem:s25+$0x0]  }
0x5a0: {  	s4 =	spop (v2sf);
	[tilespmem:s14+$0xFFFFF810] =	vst v4;
	v4 =	vld [tilespmem:s22+$0x20]  }
0x5a1: {  	v5 =	vld [tilespmem:s4+$0x0]  }
0x5a2: {  	v6 =	vld [tilespmem:s19+$0x20];
	[tilespmem:s30+$0x590] =	vst v7  }
0x5a3: {  	v7 =	vld [tilespmem:s8+$0x20];
	[tilespmem:s1+$0xFFFFFAB0] =	vst v8  }
0x5a4: {  	v8 =	vld [tilespmem:s3+$0x0];
	[tilespmem:s30+$0xFFFFFD80] =	vst v3  }
0x5a5: {  	[tilespmem:s14+$0x20] =	vst v4;
	v3 =	vld [tilespmem:s25+$0x10]  }
0x5a6: {  	[tilespmem:s1+$0x300] =	vst v5;
	v4 =	vld [tilespmem:s22+$0x30]  }
0x5a7: {  	s18 =	spop (v2sf);
	[tilespmem:s14+$0xFFFFF820] =	vst v6;
	v5 =	vld [tilespmem:s4+$0x10]  }
0x5a8: {  	s22 =	spop (v2sf);
	v6 =	vld [tilespmem:s19+$0x30];
	[tilespmem:s30+$0x5A0] =	vst v7  }
0x5a9: {  	(v2sf) =	vpush v0, $0x7;
	s21 =	spop (v2sf);
	v7 =	vld [tilespmem:s8+$0x30];
	[tilespmem:s1+$0xFFFFFB00] =	vst v8  }
0x5aa: {  	s8 =	spop (v2sf);
	v8 =	vld [tilespmem:s3+$0x10];
	[tilespmem:s30+$0xFFFFFD90] =	vst v3  }
0x5ab: {  	s17 =	spop (v2sf);
	[tilespmem:s14+$0x30] =	vst v4;
	v3 =	vld [tilespmem:s25+$0x20]  }
0x5ac: {  	[tilespmem:s1+$0x310] =	vst v5;
	v4 =	vld [tilespmem:s17+$0x0]  }
0x5ad: {  	[tilespmem:s14+$0xFFFFF830] =	vst v6;
	v5 =	vld [tilespmem:s4+$0x20]  }
0x5ae: {  	s19 =	spop (v2sf);
	v6 =	vld [tilespmem:s0+$0x0];
	[tilespmem:s30+$0x5B0] =	vst v7  }
0x5af: {  	v7 =	vld [tilespmem:s19+$0x0];
	[tilespmem:s1+$0xFFFFFB10] =	vst v8  }
0x5b0: {  	v8 =	vld [tilespmem:s3+$0x20];
	[tilespmem:s30+$0xFFFFFDA0] =	vst v3  }
0x5b1: {  	[tilespmem:s14+$0x80] =	vst v4;
	v3 =	vld [tilespmem:s25+$0x30]  }
0x5b2: {  	[tilespmem:s1+$0x320] =	vst v5;
	v4 =	vld [tilespmem:s17+$0x10]  }
0x5b3: {  	[tilespmem:s14+$0xFFFFF880] =	vst v6;
	v5 =	vld [tilespmem:s4+$0x30]  }
0x5b4: {  	(v2sf) =	vpush v1, $0x2;
	v6 =	vld [tilespmem:s0+$0x10];
	[tilespmem:s30+$0x600] =	vst v7  }
0x5b5: {  	v7 =	vld [tilespmem:s19+$0x10];
	[tilespmem:s1+$0xFFFFFB20] =	vst v8  }
0x5b6: {  	v8 =	vld [tilespmem:s3+$0x30];
	[tilespmem:s30+$0xFFFFFDB0] =	vst v3  }
0x5b7: {  	(v2sf) =	vpush v2, $0xD;
	[tilespmem:s14+$0x90] =	vst v4;
	v3 =	vld [tilespmem:s9+$0x0]  }
0x5b8: {  	s4 =	spop (v2sf);
	[tilespmem:s1+$0x330] =	vst v5;
	v4 =	vld [tilespmem:s17+$0x20]  }
0x5b9: {  	[tilespmem:s14+$0xFFFFF890] =	vst v6;
	v5 =	vld [tilespmem:s4+$0x0]  }
0x5ba: {  	v6 =	vld [tilespmem:s0+$0x20];
	[tilespmem:s30+$0x610] =	vst v7  }
0x5bb: {  	v7 =	vld [tilespmem:s19+$0x20];
	[tilespmem:s1+$0xFFFFFB30] =	vst v8  }
0x5bc: {  	v8 =	vld [tilespmem:s24+$0x0];
	[tilespmem:s30+$0xFFFFFE00] =	vst v3  }
0x5bd: {  	[tilespmem:s14+$0xA0] =	vst v4;
	v3 =	vld [tilespmem:s9+$0x10]  }
0x5be: {  	[tilespmem:s1+$0x380] =	vst v5;
	v4 =	vld [tilespmem:s17+$0x30]  }
0x5bf: {  	[tilespmem:s14+$0xFFFFF8A0] =	vst v6;
	v5 =	vld [tilespmem:s4+$0x10]  }
0x5c0: {  	v6 =	vld [tilespmem:s0+$0x30];
	[tilespmem:s30+$0x620] =	vst v7  }
0x5c1: {  	(v2sf) =	vpush v0, $0x8;
	v7 =	vld [tilespmem:s19+$0x30];
	[tilespmem:s1+$0xFFFFFB80] =	vst v8  }
0x5c2: {  	v8 =	vld [tilespmem:s24+$0x10];
	[tilespmem:s30+$0xFFFFFE10] =	vst v3  }
0x5c3: {  	s16 =	spop (v2sf);
	[tilespmem:s14+$0xB0] =	vst v4;
	v3 =	vld [tilespmem:s9+$0x20]  }
0x5c4: {  	[tilespmem:s1+$0x390] =	vst v5;
	v4 =	vld [tilespmem:s16+$0x0]  }
0x5c5: {  	[tilespmem:s14+$0xFFFFF8B0] =	vst v6;
	v5 =	vld [tilespmem:s4+$0x20]  }
0x5c6: {  	s17 =	spop (v2sf);
	v6 =	vld [tilespmem:s29+$0x0];
	[tilespmem:s30+$0x630] =	vst v7  }
0x5c7: {  	v7 =	vld [tilespmem:s17+$0x0];
	[tilespmem:s1+$0xFFFFFB90] =	vst v8  }
0x5c8: {  	v8 =	vld [tilespmem:s24+$0x20];
	[tilespmem:s30+$0xFFFFFE20] =	vst v3  }
0x5c9: {  	[tilespmem:s14+$0x100] =	vst v4;
	v3 =	vld [tilespmem:s9+$0x30]  }
0x5ca: {  	[tilespmem:s1+$0x3A0] =	vst v5;
	v4 =	vld [tilespmem:s16+$0x10]  }
0x5cb: {  	[tilespmem:s14+$0xFFFFF900] =	vst v6;
	v5 =	vld [tilespmem:s4+$0x30]  }
0x5cc: {  	(v2sf) =	vpush v1, $0x3;
	v6 =	vld [tilespmem:s29+$0x10];
	[tilespmem:s30+$0x680] =	vst v7  }
0x5cd: {  	v7 =	vld [tilespmem:s17+$0x10];
	[tilespmem:s1+$0xFFFFFBA0] =	vst v8  }
0x5ce: {  	v8 =	vld [tilespmem:s24+$0x30];
	[tilespmem:s30+$0xFFFFFE30] =	vst v3  }
0x5cf: {  	(v2sf) =	vpush v2, $0xE;
	[tilespmem:s14+$0x110] =	vst v4;
	v3 =	vld [tilespmem:s15+$0x0]  }
0x5d0: {  	s19 =	spop (v2sf);
	[tilespmem:s1+$0x3B0] =	vst v5;
	v4 =	vld [tilespmem:s16+$0x20]  }
0x5d1: {  	[tilespmem:s14+$0xFFFFF910] =	vst v6;
	v5 =	vld [tilespmem:s19+$0x0]  }
0x5d2: {  	v6 =	vld [tilespmem:s29+$0x20];
	[tilespmem:s30+$0x690] =	vst v7  }
0x5d3: {  	v7 =	vld [tilespmem:s17+$0x20];
	[tilespmem:s1+$0xFFFFFBB0] =	vst v8  }
0x5d4: {  	v8 =	vld [tilespmem:s26+$0x0];
	[tilespmem:s30+$0xFFFFFE80] =	vst v3  }
0x5d5: {  	[tilespmem:s14+$0x120] =	vst v4;
	v3 =	vld [tilespmem:s15+$0x10]  }
0x5d6: {  	[tilespmem:s1+$0x400] =	vst v5;
	v4 =	vld [tilespmem:s16+$0x30]  }
0x5d7: {  	[tilespmem:s14+$0xFFFFF920] =	vst v6;
	v5 =	vld [tilespmem:s19+$0x10]  }
0x5d8: {  	v6 =	vld [tilespmem:s29+$0x30];
	[tilespmem:s30+$0x6A0] =	vst v7  }
0x5d9: {  	(v2sf) =	vpush v0, $0x9;
	v7 =	vld [tilespmem:s17+$0x30];
	[tilespmem:s1+$0xFFFFFC00] =	vst v8  }
0x5da: {  	v8 =	vld [tilespmem:s26+$0x10];
	[tilespmem:s30+$0xFFFFFE90] =	vst v3  }
0x5db: {  	s24 =	spop (v2sf);
	[tilespmem:s14+$0x130] =	vst v4;
	v3 =	vld [tilespmem:s15+$0x20]  }
0x5dc: {  	[tilespmem:s1+$0x410] =	vst v5;
	v4 =	vld [tilespmem:s24+$0x0]  }
0x5dd: {  	[tilespmem:s14+$0xFFFFF930] =	vst v6;
	v5 =	vld [tilespmem:s19+$0x20]  }
0x5de: {  	s25 =	spop (v2sf);
	v6 =	vld [tilespmem:s28+$0x0];
	[tilespmem:s30+$0x6B0] =	vst v7  }
0x5df: {  	v7 =	vld [tilespmem:s25+$0x0];
	[tilespmem:s1+$0xFFFFFC10] =	vst v8  }
0x5e0: {  	v8 =	vld [tilespmem:s26+$0x20];
	[tilespmem:s30+$0xFFFFFEA0] =	vst v3  }
0x5e1: {  	[tilespmem:s14+$0x180] =	vst v4;
	v3 =	vld [tilespmem:s15+$0x30]  }
0x5e2: {  	[tilespmem:s1+$0x420] =	vst v5;
	v4 =	vld [tilespmem:s24+$0x10]  }
0x5e3: {  	[tilespmem:s14+$0xFFFFF980] =	vst v6;
	v5 =	vld [tilespmem:s19+$0x30]  }
0x5e4: {  	[tilespmem:s30+$0x700] =	vst v7  }
0x5e5: {  	v6 =	vld [tilespmem:s28+$0x10];
	[tilespmem:s1+$0xFFFFFC20] =	vst v8  }
0x5e6: {  	(v2sf) =	vpush v1, $0x4;
	[tilespmem:s30+$0xFFFFFEB0] =	vst v3  }
0x5e7: {  	v7 =	vld [tilespmem:s25+$0x10];
	[tilespmem:s14+$0x190] =	vst v4  }
0x5e8: {  	v8 =	vld [tilespmem:s26+$0x30];
	s26 =	spop (v2sf);
	[tilespmem:s1+$0x430] =	vst v5  }
0x5e9: {  	(v2sf) =	vpush v2, $0xF;
	v2 =	vld [tilespmem:s26+$0x0];
	s29 =	sld [smem:$0x7F6]  }
0x5ea: {  	v4 =	vld [tilespmem:s24+$0x20];
	[tilespmem:s14+$0xFFFFF990] =	vst v6  }
0x5eb: {  	v5 =	vld [tilespmem:s28+$0x20]  }
0x5ec: {  	[tilespmem:s30+$0x710] =	vst v7;
	v3 =	vld [tilespmem:s29+$0x0]  }
0x5ed: {  	v6 =	vld [tilespmem:s25+$0x20];
	[tilespmem:s1+$0xFFFFFC30] =	vst v8  }
0x5ee: {  	v7 =	vld [tilespmem:s6+$0x0];
	[tilespmem:s1+$0x480] =	vst v2  }
0x5ef: {  	[tilespmem:s14+$0x1A0] =	vst v4;
	v2 =	vld [tilespmem:s26+$0x10]  }
0x5f0: {  	v4 =	vld [tilespmem:s24+$0x30];
	[tilespmem:s14+$0xFFFFF9A0] =	vst v5  }
0x5f1: {  	v5 =	vld [tilespmem:s28+$0x30];
	[tilespmem:s30+$0xFFFFFF00] =	vst v3  }
0x5f2: {  	[tilespmem:s30+$0x720] =	vst v6;
	v3 =	vld [tilespmem:s29+$0x10]  }
0x5f3: {  	v6 =	vld [tilespmem:s25+$0x30];
	[tilespmem:s1+$0xFFFFFC80] =	vst v7  }
0x5f4: {  	v7 =	vld [tilespmem:s6+$0x10];
	[tilespmem:s1+$0x490] =	vst v2  }
0x5f5: {  	s0 =	spop (v2sf);
	[tilespmem:s14+$0x1B0] =	vst v4;
	v2 =	vld [tilespmem:s26+$0x20]  }
0x5f6: {  	[tilespmem:s14+$0xFFFFF9B0] =	vst v5;
	v5 =	vld [tilespmem:s0+$0x0]  }
0x5f7: {  	v8 =	vld [tilespmem:s5+$0x0];
	[tilespmem:s30+$0xFFFFFF10] =	vst v3  }
0x5f8: {  	s15 =	spop (v2sf);
	[tilespmem:s30+$0x730] =	vst v6;
	v3 =	vld [tilespmem:s29+$0x20]  }
0x5f9: {  	[tilespmem:s1+$0xFFFFFC90] =	vst v7;
	v7 =	vld [tilespmem:s15+$0x0]  }
0x5fa: {  	v9 =	vld [tilespmem:s6+$0x20];
	[tilespmem:s1+$0x4A0] =	vst v2  }
0x5fb: {  	[tilespmem:s14+$0x200] =	vst v5;
	v4 =	vld [tilespmem:s26+$0x30]  }
0x5fc: {  	[tilespmem:s14+$0xFFFFFA00] =	vst v8;
	v6 =	vld [tilespmem:s0+$0x10]  }
0x5fd: {  	v5 =	vld [tilespmem:s5+$0x10];
	[tilespmem:s30+$0xFFFFFF20] =	vst v3  }
0x5fe: {  	(v2sf) =	vpush v0, $0xA;
	[tilespmem:s30+$0x780] =	vst v7;
	v3 =	vld [tilespmem:s29+$0x30]  }
0x5ff: {  	s3 =	simm.s32 $0x6;
	s9 =	simm.s32 $0x2290;
	(v2sf) =	vpush v1, $0x5;
	[tilespmem:s1+$0xFFFFFCA0] =	vst v9;
	v2 =	vld [tilespmem:s15+$0x10]  }
.LBB2_5:
0x600: {  	_ =	sdelay $0xa  }
0x601: {  	v7 =	vld [tilespmem:s9+$0x0];
	[tilespmem:s14+$0x210] =	vst v6  }
0x602: {  	[tilespmem:s14+$0xFFFFFA10] =	vst v5;
	v5 =	vld [tilespmem:s0+$0x20]  }
0x603: {  	[tilespmem:s1+$0x4B0] =	vst v4;
	v6 =	vld [tilespmem:s9+$0xFFFFFFF0];
	s16 =	spop (v2sf)  }
0x604: {  	[tilespmem:s30+$0xFFFFFF30] =	vst v3;
	v4 =	vld [tilespmem:s16+$0x0]  }
0x605: {  	v3 =	vld [tilespmem:s5+$0x20];
	[tilespmem:s30+$0x790] =	vst v2  }
0x606: {  	v8 =	vld [tilespmem:s15+$0x20]  }
0x607: {  	[tilespmem:s14+$0x220] =	vst v5;
	v5 =	vld [tilespmem:s6+$0x30]  }
0x608: {  	s17 =	rddreg [dreg:$0x3];
	v2 =	vshll.u32 v7, $0x6;
	v7 =	vld [tilespmem:s0+$0x30]  }
0x609: {  	v6 =	vshll.u32 v6, $0x6;
	(v2sf) =	vpush v2, $0x0;
	[tilespmem:s1+$0x500] =	vst v4;
	v4 =	vld [tilespmem:s17+$0x0]  }
0x60a: {  	(v2sf) =	vpush v6, $0x0;
	[tilespmem:s14+$0xFFFFFA20] =	vst v3;
	v3 =	vld [tilespmem:s16+$0x10]  }
0x60b: {  	(v2sf) =	vpush v6, $0x1;
	v9 =	vld [tilespmem:s5+$0x30];
	[tilespmem:s30+$0x7A0] =	vst v8  }
0x60c: {  	s19 =	rddreg [dreg:$0xd];
	(v2sf) =	vpush v6, $0x2;
	[tilespmem:s1+$0xFFFFFCB0] =	vst v5;
	v5 =	vld [tilespmem:s15+$0x30]  }
0x60d: {  	(v2sf) =	vpush v0, $0xB;
	[tilespmem:s14+$0x230] =	vst v7;
	v7 =	vld [tilespmem:s19+$0x0]  }
0x60e: {  	s4 =	smov.u32 s20;
	s20 =	spop (v2sf);
	(v2sf) =	vpush v6, $0x3  }
0x60f: {  	(v2sf) =	vpush v6, $0x4;
	v8 =	vld [tilespmem:s20+$0x0];
	[tilespmem:s30+$0xFFFFFF80] =	vst v4  }
0x610: {  	(v2sf) =	vpush v6, $0x5;
	[tilespmem:s1+$0x510] =	vst v3;
	v3 =	vld [tilespmem:s17+$0x10]  }
0x611: {  	(v2sf) =	vpush v6, $0x6;
	[tilespmem:s14+$0xFFFFFA30] =	vst v9;
	v4 =	vld [tilespmem:s16+$0x20]  }
0x612: {  	(v2sf) =	vpush v6, $0x7;
	v9 =	vld [tilespmem:s10+$0x0];
	[tilespmem:s1+$0xFFFFFD00] =	vst v7  }
0x613: {  	(v2sf) =	vpush v6, $0x8;
	[tilespmem:s30+$0x7B0] =	vst v5;
	v5 =	vld [tilespmem:s12+$0x30]  }
0x614: {  	(v2sf) =	vpush v6, $0x9;
	[tilespmem:s14+$0x280] =	vst v8;
	v7 =	vld [tilespmem:s19+$0x10]  }
0x615: {  	[dreg:$0x18] =	wrdreg s4;
	s4 =	smov.u32 s13;
	s13 =	smov.u32 s17;
	(v2sf) =	vpush v6, $0xA;
	v8 =	vld [tilespmem:s20+$0x10];
	[tilespmem:s30+$0xFFFFFF90] =	vst v3  }
0x616: {  	(v2sf) =	vpush v6, $0xB;
	[tilespmem:s1+$0x520] =	vst v4;
	v3 =	vld [tilespmem:s13+$0x20]  }
0x617: {  	[dreg:$0x17] =	wrdreg s22;
	(v2sf) =	vpush v1, $0x6;
	[tilespmem:s14+$0xFFFFFA80] =	vst v9;
	v4 =	vld [tilespmem:s16+$0x30]  }
0x618: {  	s12 =	smov.u32 s30;
	(v2sf) =	vpush v6, $0xC;
	s22 =	spop (v2sf);
	s30 =	smov.u32 s1;
	v9 =	vld [tilespmem:s10+$0x10];
	[tilespmem:s23+$0xFFFFFFB0] =	vst v5  }
0x619: {  	v5 =	vld [tilespmem:s22+$0x0];
	s23 =	spop (v2sf);
	(v2sf) =	vpush v6, $0xD;
	[tilespmem:s30+$0xFFFFFD10] =	vst v7  }
0x61a: {  	s24 =	rddreg [dreg:$0x6];
	s26 =	smov.u32 s8;
	v7 =	vld [tilespmem:s23+$0x0];
	s0 =	spop (v2sf);
	(v2sf) =	vpush v6, $0xE;
	[tilespmem:s14+$0x290] =	vst v8  }
0x61b: {  	[dreg:$0x6] =	wrdreg s26;
	s26 =	spop (v2sf);
	(v2sf) =	vpush v6, $0xF;
	v6 =	vld [tilespmem:s20+$0x20];
	[tilespmem:s12+$0xFFFFFFA0] =	vst v3  }
0x61c: {  	s1 =	smov.u32 s14;
	s16 =	spop (v2sf);
	v3 =	vld [tilespmem:s19+$0x20];
	[tilespmem:s30+$0x530] =	vst v4  }
0x61d: {  	s14 =	sadd.s32 $0x1000, s14;
	s15 =	spop (v2sf);
	[tilespmem:s1+$0xFFFFFA90] =	vst v9;
	v4 =	vld [tilespmem:s16+$0x0]  }
0x61e: {  	s5 =	spop (v2sf);
	[tilespmem:s14+$0x0] =	vst v5;
	v5 =	vld [tilespmem:s10+$0x20]  }
0x61f: {  	[tilespmem:s14+$0xFFFFF800] =	vst v7;
	s17 =	spop (v2sf);
	v7 =	vld [tilespmem:s22+$0x10]  }
0x620: {  	[dreg:$0x12] =	wrdreg s21;
	v8 =	vld [tilespmem:s23+$0x10];
	s21 =	spop (v2sf);
	[tilespmem:s1+$0x2A0] =	vst v6  }
0x621: {  	s25 =	smov.u32 s24;
	s29 =	spop (v2sf);
	(v2sf) =	vpush v2, $0x1;
	v6 =	vld [tilespmem:s20+$0x30];
	[tilespmem:s30+$0xFFFFFD20] =	vst v3  }
0x622: {  	[dreg:$0x3] =	wrdreg s25;
	s25 =	spop (v2sf);
	v3 =	vld [tilespmem:s19+$0x30];
	[tilespmem:s30+$0x580] =	vst v4  }
0x623: {  	s24 =	spop (v2sf);
	[tilespmem:s1+$0xFFFFFAA0] =	vst v5;
	v4 =	vld [tilespmem:s16+$0x10]  }
0x624: {  	s20 =	spop (v2sf);
	[tilespmem:s14+$0x10] =	vst v7;
	v5 =	vld [tilespmem:s10+$0x30]  }
0x625: {  	s10 =	smov.u32 s17;
	[tilespmem:s14+$0xFFFFF810] =	vst v8;
	s17 =	spop (v2sf);
	(v2sf) =	vpush v0, $0xC;
	v7 =	vld [tilespmem:s22+$0x20]  }
0x626: {  	v8 =	vld [tilespmem:s23+$0x20];
	[tilespmem:s1+$0x2B0] =	vst v6;
	s19 =	spop (v2sf)  }
0x627: {  	s6 =	smov.u32 s18;
	s18 =	rddreg [dreg:$0xb];
	v6 =	vld [tilespmem:s19+$0x0];
	[tilespmem:s30+$0xFFFFFD30] =	vst v3  }
0x628: {  	v3 =	vld [tilespmem:s18+$0x0];
	[tilespmem:s30+$0x590] =	vst v4  }
0x629: {  	[tilespmem:s1+$0xFFFFFAB0] =	vst v5;
	v4 =	vld [tilespmem:s16+$0x20]  }
0x62a: {  	[tilespmem:s14+$0x20] =	vst v7;
	v5 =	vld [tilespmem:s7+$0x0]  }
0x62b: {  	[tilespmem:s14+$0xFFFFF820] =	vst v8;
	v7 =	vld [tilespmem:s22+$0x30]  }
0x62c: {  	s28 =	smov.u32 s31;
	s31 =	spop (v2sf);
	v8 =	vld [tilespmem:s23+$0x30];
	[tilespmem:s1+$0x300] =	vst v6  }
0x62d: {  	[dreg:$0xd] =	wrdreg s28;
	s28 =	spop (v2sf);
	v6 =	vld [tilespmem:s19+$0x10];
	[tilespmem:s30+$0xFFFFFD80] =	vst v3  }
0x62e: {  	s8 =	spop (v2sf);
	v3 =	vld [tilespmem:s18+$0x10];
	[tilespmem:s30+$0x5A0] =	vst v4  }
0x62f: {  	[dreg:$0x15] =	wrdreg s8;
	s8 =	spop (v2sf);
	(v2sf) =	vpush v1, $0x7;
	[tilespmem:s1+$0xFFFFFB00] =	vst v5;
	v4 =	vld [tilespmem:s16+$0x30]  }
0x630: {  	[tilespmem:s14+$0x30] =	vst v7;
	s16 =	spop (v2sf);
	v5 =	vld [tilespmem:s7+$0x10]  }
0x631: {  	[tilespmem:s14+$0xFFFFF830] =	vst v8;
	v7 =	vld [tilespmem:s16+$0x0]  }
0x632: {  	v8 =	vld [tilespmem:s0+$0x0];
	[tilespmem:s1+$0x310] =	vst v6  }
0x633: {  	v6 =	vld [tilespmem:s19+$0x20];
	[tilespmem:s30+$0xFFFFFD90] =	vst v3  }
0x634: {  	s22 =	spop (v2sf);
	v3 =	vld [tilespmem:s18+$0x20];
	[tilespmem:s30+$0x5B0] =	vst v4  }
0x635: {  	[tilespmem:s1+$0xFFFFFB10] =	vst v5;
	v4 =	vld [tilespmem:s22+$0x0]  }
0x636: {  	[tilespmem:s14+$0x80] =	vst v7;
	v5 =	vld [tilespmem:s7+$0x20]  }
0x637: {  	[tilespmem:s14+$0xFFFFF880] =	vst v8;
	v7 =	vld [tilespmem:s16+$0x10]  }
0x638: {  	v8 =	vld [tilespmem:s0+$0x10];
	[tilespmem:s1+$0x320] =	vst v6  }
0x639: {  	(v2sf) =	vpush v2, $0x2;
	v6 =	vld [tilespmem:s19+$0x30];
	[tilespmem:s30+$0xFFFFFDA0] =	vst v3  }
0x63a: {  	v3 =	vld [tilespmem:s18+$0x30];
	[tilespmem:s30+$0x600] =	vst v4  }
0x63b: {  	[tilespmem:s1+$0xFFFFFB20] =	vst v5;
	v4 =	vld [tilespmem:s22+$0x10]  }
0x63c: {  	[tilespmem:s14+$0x90] =	vst v7;
	v5 =	vld [tilespmem:s7+$0x30]  }
0x63d: {  	s23 =	smov.u32 s12;
	s12 =	smov.u32 s13;
	s13 =	rddreg [dreg:$0xf];
	(v2sf) =	vpush v0, $0xD;
	[tilespmem:s14+$0xFFFFF890] =	vst v8;
	v7 =	vld [tilespmem:s16+$0x20]  }
0x63e: {  	s19 =	smov.u32 s13;
	s13 =	spop (v2sf);
	v8 =	vld [tilespmem:s0+$0x20];
	[tilespmem:s1+$0x330] =	vst v6  }
0x63f: {  	s18 =	rddreg [dreg:$0x9];
	v6 =	vld [tilespmem:s13+$0x0];
	[tilespmem:s30+$0xFFFFFDB0] =	vst v3  }
0x640: {  	v3 =	vld [tilespmem:s18+$0x0];
	[tilespmem:s30+$0x610] =	vst v4  }
0x641: {  	[tilespmem:s1+$0xFFFFFB30] =	vst v5;
	v4 =	vld [tilespmem:s22+$0x20]  }
0x642: {  	[tilespmem:s14+$0xA0] =	vst v7;
	v5 =	vld [tilespmem:s2+$0x0]  }
0x643: {  	[tilespmem:s14+$0xFFFFF8A0] =	vst v8;
	v7 =	vld [tilespmem:s16+$0x30]  }
0x644: {  	v8 =	vld [tilespmem:s0+$0x30];
	[tilespmem:s1+$0x380] =	vst v6  }
0x645: {  	v6 =	vld [tilespmem:s13+$0x10];
	[tilespmem:s30+$0xFFFFFE00] =	vst v3  }
0x646: {  	v3 =	vld [tilespmem:s18+$0x10];
	[tilespmem:s30+$0x620] =	vst v4  }
0x647: {  	(v2sf) =	vpush v1, $0x8;
	[dreg:$0xb] =	wrdreg s19;
	s19 =	smov.u32 s17;
	[tilespmem:s1+$0xFFFFFB80] =	vst v5;
	v4 =	vld [tilespmem:s22+$0x30]  }
0x648: {  	[dreg:$0xf] =	wrdreg s19;
	s19 =	spop (v2sf);
	[tilespmem:s14+$0xB0] =	vst v7;
	v5 =	vld [tilespmem:s2+$0x10]  }
0x649: {  	[tilespmem:s14+$0xFFFFF8B0] =	vst v8;
	v7 =	vld [tilespmem:s19+$0x0]  }
0x64a: {  	v8 =	vld [tilespmem:s26+$0x0];
	[tilespmem:s1+$0x390] =	vst v6  }
0x64b: {  	v6 =	vld [tilespmem:s13+$0x20];
	[tilespmem:s30+$0xFFFFFE10] =	vst v3  }
0x64c: {  	s7 =	smov.u32 s21;
	s21 =	spop (v2sf);
	v3 =	vld [tilespmem:s18+$0x20];
	[tilespmem:s30+$0x630] =	vst v4  }
0x64d: {  	[tilespmem:s1+$0xFFFFFB90] =	vst v5;
	v4 =	vld [tilespmem:s21+$0x0]  }
0x64e: {  	[tilespmem:s14+$0x100] =	vst v7;
	v5 =	vld [tilespmem:s2+$0x20]  }
0x64f: {  	[tilespmem:s14+$0xFFFFF900] =	vst v8;
	v7 =	vld [tilespmem:s19+$0x10]  }
0x650: {  	v8 =	vld [tilespmem:s26+$0x10];
	[tilespmem:s1+$0x3A0] =	vst v6  }
0x651: {  	(v2sf) =	vpush v2, $0x3;
	v6 =	vld [tilespmem:s13+$0x30];
	[tilespmem:s30+$0xFFFFFE20] =	vst v3  }
0x652: {  	v3 =	vld [tilespmem:s18+$0x30];
	[tilespmem:s30+$0x680] =	vst v4  }
0x653: {  	[tilespmem:s1+$0xFFFFFBA0] =	vst v5;
	v4 =	vld [tilespmem:s21+$0x10]  }
0x654: {  	[tilespmem:s14+$0x110] =	vst v7;
	v5 =	vld [tilespmem:s2+$0x30]  }
0x655: {  	(v2sf) =	vpush v0, $0xE;
	s18 =	smov.u32 s31;
	[tilespmem:s14+$0xFFFFF910] =	vst v8;
	v7 =	vld [tilespmem:s19+$0x20]  }
0x656: {  	s31 =	smov.u32 s20;
	s20 =	smov.u32 s24;
	s24 =	spop (v2sf);
	v8 =	vld [tilespmem:s26+$0x20];
	[tilespmem:s1+$0x3B0] =	vst v6  }
0x657: {  	s2 =	smov.u32 s29;
	s29 =	rddreg [dreg:$0x8];
	v6 =	vld [tilespmem:s24+$0x0];
	[tilespmem:s30+$0xFFFFFE30] =	vst v3  }
0x658: {  	v3 =	vld [tilespmem:s29+$0x0];
	[tilespmem:s30+$0x690] =	vst v4  }
0x659: {  	[tilespmem:s1+$0xFFFFFBB0] =	vst v5;
	v4 =	vld [tilespmem:s21+$0x20]  }
0x65a: {  	[tilespmem:s14+$0x120] =	vst v7;
	v5 =	vld [tilespmem:s11+$0x0]  }
0x65b: {  	[tilespmem:s14+$0xFFFFF920] =	vst v8;
	v7 =	vld [tilespmem:s19+$0x30]  }
0x65c: {  	v8 =	vld [tilespmem:s26+$0x30];
	[tilespmem:s1+$0x400] =	vst v6  }
0x65d: {  	v6 =	vld [tilespmem:s24+$0x10];
	[tilespmem:s30+$0xFFFFFE80] =	vst v3  }
0x65e: {  	v3 =	vld [tilespmem:s29+$0x10];
	[tilespmem:s30+$0x6A0] =	vst v4  }
0x65f: {  	(v2sf) =	vpush v1, $0x9;
	[tilespmem:s1+$0xFFFFFC00] =	vst v5;
	v4 =	vld [tilespmem:s21+$0x30]  }
0x660: {  	s19 =	spop (v2sf);
	[tilespmem:s14+$0x130] =	vst v7;
	v5 =	vld [tilespmem:s11+$0x10]  }
0x661: {  	[tilespmem:s14+$0xFFFFF930] =	vst v8;
	v7 =	vld [tilespmem:s19+$0x0]  }
0x662: {  	v8 =	vld [tilespmem:s15+$0x0];
	[tilespmem:s1+$0x410] =	vst v6  }
0x663: {  	v6 =	vld [tilespmem:s24+$0x20];
	[tilespmem:s30+$0xFFFFFE90] =	vst v3  }
0x664: {  	s21 =	spop (v2sf);
	v3 =	vld [tilespmem:s29+$0x20];
	[tilespmem:s30+$0x6B0] =	vst v4  }
0x665: {  	[tilespmem:s1+$0xFFFFFC10] =	vst v5;
	v4 =	vld [tilespmem:s21+$0x0]  }
0x666: {  	[tilespmem:s14+$0x180] =	vst v7;
	v5 =	vld [tilespmem:s11+$0x20]  }
0x667: {  	[tilespmem:s14+$0xFFFFF980] =	vst v8;
	v7 =	vld [tilespmem:s19+$0x10]  }
0x668: {  	v8 =	vld [tilespmem:s15+$0x10];
	[tilespmem:s1+$0x420] =	vst v6  }
0x669: {  	(v2sf) =	vpush v2, $0x4;
	v6 =	vld [tilespmem:s24+$0x30];
	[tilespmem:s30+$0xFFFFFEA0] =	vst v3  }
0x66a: {  	v3 =	vld [tilespmem:s29+$0x30];
	[tilespmem:s30+$0x700] =	vst v4  }
0x66b: {  	[tilespmem:s1+$0xFFFFFC20] =	vst v5;
	v4 =	vld [tilespmem:s21+$0x10]  }
0x66c: {  	[tilespmem:s14+$0x190] =	vst v7;
	v5 =	vld [tilespmem:s11+$0x30]  }
0x66d: {  	(v2sf) =	vpush v0, $0xF;
	[tilespmem:s14+$0xFFFFF990] =	vst v8;
	v7 =	vld [tilespmem:s19+$0x20]  }
0x66e: {  	v0 =	vmov v1;
	v1 =	vmov v2;
	s26 =	spop (v2sf);
	v2 =	vld [tilespmem:s15+$0x20];
	[tilespmem:s1+$0x430] =	vst v6  }
0x66f: {  	v6 =	vld [tilespmem:s26+$0x0];
	[tilespmem:s30+$0xFFFFFEB0] =	vst v3  }
0x670: {  	v3 =	vld [tilespmem:s4+$0x0];
	[tilespmem:s30+$0x710] =	vst v4  }
0x671: {  	s22 =	smov.u32 s6;
	s6 =	rddreg [dreg:$0x18];
	[tilespmem:s1+$0xFFFFFC30] =	vst v5;
	v4 =	vld [tilespmem:s21+$0x20]  }
0x672: {  	[tilespmem:s14+$0x1A0] =	vst v7;
	v5 =	vld [tilespmem:s6+$0x0]  }
0x673: {  	[tilespmem:s14+$0xFFFFF9A0] =	vst v2;
	v2 =	vld [tilespmem:s19+$0x30]  }
0x674: {  	v7 =	vld [tilespmem:s15+$0x30];
	[tilespmem:s1+$0x480] =	vst v6  }
0x675: {  	v6 =	vld [tilespmem:s26+$0x10];
	[tilespmem:s30+$0xFFFFFF00] =	vst v3  }
0x676: {  	v3 =	vld [tilespmem:s4+$0x10];
	[tilespmem:s30+$0x720] =	vst v4  }
0x677: {  	[tilespmem:s1+$0xFFFFFC80] =	vst v5;
	v4 =	vld [tilespmem:s21+$0x30]  }
0x678: {  	s0 =	spop (v2sf);
	[tilespmem:s14+$0x1B0] =	vst v2;
	v2 =	vld [tilespmem:s6+$0x10]  }
0x679: {  	[tilespmem:s14+$0xFFFFF9B0] =	vst v7;
	v5 =	vld [tilespmem:s0+$0x0]  }
0x67a: {  	v7 =	vld [tilespmem:s5+$0x0];
	[tilespmem:s1+$0x490] =	vst v6  }
0x67b: {  	v8 =	vld [tilespmem:s26+$0x20];
	[tilespmem:s30+$0xFFFFFF10] =	vst v3  }
0x67c: {  	s15 =	spop (v2sf);
	v3 =	vld [tilespmem:s4+$0x20];
	[tilespmem:s30+$0x730] =	vst v4  }
0x67d: {  	s3 =	sadd.s32 $0x2, s3;
	[tilespmem:s1+$0xFFFFFC90] =	vst v2;
	v2 =	vld [tilespmem:s15+$0x0]  }
0x67e: {  	p1 =	slt.u32 s3, $0x16;
	[dreg:$0x9] =	wrdreg s22;
	[tilespmem:s14+$0x200] =	vst v5;
	v9 =	vld [tilespmem:s6+$0x20]  }
.Ltmp1:
0x67f: {  	s22 =	rddreg [dreg:$0x17];
	[tilespmem:s14+$0xFFFFFA00] =	vst v7;
	v6 =	vld [tilespmem:s0+$0x10];
	(pc) =	sbr.rel @p1 .LBB2_5-.Ltmp1, $4  }
0x680: {  	s24 =	smov.u32 s22;
	s22 =	smov.u32 s28;
	s28 =	rddreg [dreg:$0x12];
	v5 =	vld [tilespmem:s5+$0x10];
	[tilespmem:s1+$0x4A0] =	vst v8  }
0x681: {  	[dreg:$0x8] =	wrdreg s24;
	v4 =	vld [tilespmem:s26+$0x30];
	[tilespmem:s30+$0xFFFFFF20] =	vst v3  }
0x682: {  	s9 =	sadd.s32 $0x20, s9;
	(v2sf) =	vpush v0, $0xA;
	s29 =	rddreg [dreg:$0x15];
	v3 =	vld [tilespmem:s4+$0x30];
	[tilespmem:s30+$0x780] =	vst v2  }
0x683: {  	s13 =	smov.u32 s28;
	s11 =	smov.u32 s25;
	(v2sf) =	vpush v1, $0x5;
	s21 =	smov.u32 s29;
	[tilespmem:s1+$0xFFFFFCA0] =	vst v9;
	v2 =	vld [tilespmem:s15+$0x10]  }
0x684: {  	_ = 	snop  }
0x685: {  	[tilespmem:s14+$0x210] =	vst v6  }
0x686: {  	v6 =	vld [tilespmem:s0+$0x20];
	_ =	sdelay $0x3  }
0x687: {  	[tilespmem:s14+$0xFFFFFA10] =	vst v5  }
0x688: {  	v5 =	vld [tilespmem:s5+$0x20];
	[tilespmem:s14+$0x220] =	vst v6  }
0x689: {  	v6 =	vld [tilespmem:s0+$0x30];
	_ =	sdelay $0x3  }
0x68a: {  	[tilespmem:s14+$0xFFFFFA20] =	vst v5  }
0x68b: {  	v5 =	vld [tilespmem:s5+$0x30];
	[tilespmem:s14+$0x230] =	vst v6;
	s16 =	spop (v2sf)  }
0x68c: {  	s0 =	spop (v2sf)  }
0x68d: {  	v55 =	vld [tilespmem:s0+$0x0];
	_ =	sdelay $0x2  }
0x68e: {  	[tilespmem:s14+$0xFFFFFA30] =	vst v5  }
0x68f: {  	v5 =	vld [tilespmem:s10+$0x0]  }
0x690: {  	[tilespmem:s14+$0x280] =	vst v55  }
0x691: {  	v6 =	vld [tilespmem:s0+$0x10]  }
0x692: {  	(v2sf) =	vpush v0, $0xB  }
0x693: {  	(v2sf) =	vpush v1, $0x6  }
0x694: {  	[tilespmem:s14+$0xFFFFFA80] =	vst v5  }
0x695: {  	v5 =	vld [tilespmem:s10+$0x10]  }
0x696: {  	[tilespmem:s14+$0x290] =	vst v6  }
0x697: {  	v6 =	vld [tilespmem:s0+$0x20];
	_ =	sdelay $0x2  }
0x698: {  	[tilespmem:s14+$0xFFFFFA90] =	vst v5  }
0x699: {  	v5 =	vld [tilespmem:s10+$0x20]  }
0x69a: {  	[tilespmem:s14+$0x2A0] =	vst v6  }
0x69b: {  	v6 =	vld [tilespmem:s0+$0x30];
	_ =	sdelay $0x2  }
0x69c: {  	[tilespmem:s14+$0xFFFFFAA0] =	vst v5  }
0x69d: {  	s9 =	spop (v2sf);
	v5 =	vld [tilespmem:s10+$0x30]  }
0x69e: {  	s28 =	spop (v2sf);
	[tilespmem:s14+$0x2B0] =	vst v6  }
0x69f: {  	v6 =	vld [tilespmem:s28+$0x0];
	_ =	sdelay $0x2  }
0x6a0: {  	[tilespmem:s14+$0xFFFFFAB0] =	vst v5  }
0x6a1: {  	v5 =	vld [tilespmem:s7+$0x0]  }
0x6a2: {  	[tilespmem:s14+$0x300] =	vst v6  }
0x6a3: {  	v6 =	vld [tilespmem:s28+$0x10]  }
0x6a4: {  	(v2sf) =	vpush v0, $0xC  }
0x6a5: {  	(v2sf) =	vpush v1, $0x7  }
0x6a6: {  	[tilespmem:s14+$0xFFFFFB00] =	vst v5  }
0x6a7: {  	v5 =	vld [tilespmem:s7+$0x10]  }
0x6a8: {  	[tilespmem:s14+$0x310] =	vst v6  }
0x6a9: {  	v6 =	vld [tilespmem:s28+$0x20];
	_ =	sdelay $0x2  }
0x6aa: {  	[tilespmem:s14+$0xFFFFFB10] =	vst v5  }
0x6ab: {  	v5 =	vld [tilespmem:s7+$0x20]  }
0x6ac: {  	[tilespmem:s14+$0x320] =	vst v6  }
0x6ad: {  	v6 =	vld [tilespmem:s28+$0x30];
	_ =	sdelay $0x2  }
0x6ae: {  	[tilespmem:s14+$0xFFFFFB20] =	vst v5  }
0x6af: {  	s29 =	spop (v2sf);
	v5 =	vld [tilespmem:s7+$0x30]  }
0x6b0: {  	s3 =	spop (v2sf);
	[tilespmem:s14+$0x330] =	vst v6  }
0x6b1: {  	v6 =	vld [tilespmem:s3+$0x0];
	_ =	sdelay $0x2  }
0x6b2: {  	[tilespmem:s14+$0xFFFFFB30] =	vst v5  }
0x6b3: {  	v5 =	vld [tilespmem:s2+$0x0]  }
0x6b4: {  	[tilespmem:s14+$0x380] =	vst v6  }
0x6b5: {  	v6 =	vld [tilespmem:s3+$0x10]  }
0x6b6: {  	(v2sf) =	vpush v0, $0xD  }
0x6b7: {  	(v2sf) =	vpush v1, $0x8  }
0x6b8: {  	[tilespmem:s14+$0xFFFFFB80] =	vst v5  }
0x6b9: {  	v5 =	vld [tilespmem:s2+$0x10]  }
0x6ba: {  	[tilespmem:s14+$0x390] =	vst v6  }
0x6bb: {  	v6 =	vld [tilespmem:s3+$0x20];
	_ =	sdelay $0x2  }
0x6bc: {  	[tilespmem:s14+$0xFFFFFB90] =	vst v5  }
0x6bd: {  	v5 =	vld [tilespmem:s2+$0x20]  }
0x6be: {  	[tilespmem:s14+$0x3A0] =	vst v6  }
0x6bf: {  	v6 =	vld [tilespmem:s3+$0x30];
	_ =	sdelay $0x2  }
0x6c0: {  	[tilespmem:s14+$0xFFFFFBA0] =	vst v5  }
0x6c1: {  	s5 =	spop (v2sf);
	v5 =	vld [tilespmem:s2+$0x30]  }
0x6c2: {  	s7 =	spop (v2sf);
	[tilespmem:s14+$0x3B0] =	vst v6  }
0x6c3: {  	v6 =	vld [tilespmem:s7+$0x0];
	_ =	sdelay $0x2  }
0x6c4: {  	[tilespmem:s14+$0xFFFFFBB0] =	vst v5  }
0x6c5: {  	v5 =	vld [tilespmem:s11+$0x0]  }
0x6c6: {  	[tilespmem:s14+$0x400] =	vst v6  }
0x6c7: {  	v6 =	vld [tilespmem:s7+$0x10]  }
0x6c8: {  	(v2sf) =	vpush v0, $0xE  }
0x6c9: {  	(v2sf) =	vpush v1, $0x9  }
0x6ca: {  	[tilespmem:s14+$0xFFFFFC00] =	vst v5  }
0x6cb: {  	v5 =	vld [tilespmem:s11+$0x10]  }
0x6cc: {  	[tilespmem:s14+$0x410] =	vst v6  }
0x6cd: {  	v6 =	vld [tilespmem:s7+$0x20];
	_ =	sdelay $0x2  }
0x6ce: {  	[tilespmem:s14+$0xFFFFFC10] =	vst v5  }
0x6cf: {  	v5 =	vld [tilespmem:s11+$0x20]  }
0x6d0: {  	[tilespmem:s14+$0x420] =	vst v6  }
0x6d1: {  	v6 =	vld [tilespmem:s7+$0x30];
	_ =	sdelay $0x2  }
0x6d2: {  	[tilespmem:s14+$0xFFFFFC20] =	vst v5  }
0x6d3: {  	s3 =	spop (v2sf);
	v5 =	vld [tilespmem:s11+$0x30]  }
0x6d4: {  	s10 =	spop (v2sf);
	[tilespmem:s14+$0x430] =	vst v6  }
0x6d5: {  	v6 =	vld [tilespmem:s10+$0x0];
	_ =	sdelay $0x2  }
0x6d6: {  	[tilespmem:s14+$0xFFFFFC30] =	vst v5  }
0x6d7: {  	v5 =	vld [tilespmem:s20+$0x0]  }
0x6d8: {  	[tilespmem:s14+$0x480] =	vst v6  }
0x6d9: {  	v6 =	vld [tilespmem:s10+$0x10]  }
0x6da: {  	(v2sf) =	vpush v0, $0xF  }
0x6db: {  	(v2sf) =	vpush v1, $0xA  }
0x6dc: {  	[tilespmem:s14+$0xFFFFFC80] =	vst v5  }
0x6dd: {  	v56 =	vld [tilespmem:s20+$0x10]  }
0x6de: {  	[tilespmem:s14+$0x490] =	vst v6  }
0x6df: {  	v57 =	vld [tilespmem:s10+$0x20];
	_ =	sdelay $0x2  }
0x6e0: {  	[tilespmem:s14+$0xFFFFFC90] =	vst v56  }
0x6e1: {  	v0 =	vld [tilespmem:s20+$0x20]  }
0x6e2: {  	v58 =	vld [tilespmem:s6+$0x30];
	[tilespmem:s14+$0x4A0] =	vst v57  }
0x6e3: {  	v5 =	vld [tilespmem:s10+$0x30];
	_ =	sdelay $0x1  }
0x6e4: {  	[tilespmem:s1+$0x4B0] =	vst v4  }
0x6e5: {  	[tilespmem:s14+$0xFFFFFCA0] =	vst v0  }
0x6e6: {  	[tilespmem:s1+$0xFFFFFCB0] =	vst v58;
	s11 =	spop (v2sf);
	v0 =	vld [tilespmem:s20+$0x30]  }
0x6e7: {  	v4 =	vld [tilespmem:s16+$0x0];
	s17 =	spop (v2sf);
	[tilespmem:s14+$0x4B0] =	vst v5  }
0x6e8: {  	v5 =	vld [tilespmem:s17+$0x0];
	s4 =	rddreg [dreg:$0xd]  }
0x6e9: {  	v6 =	vld [tilespmem:s4+$0x0];
	_ =	sdelay $0x1  }
0x6ea: {  	[tilespmem:s14+$0xFFFFFCB0] =	vst v0  }
0x6eb: {  	[tilespmem:s1+$0x500] =	vst v4;
	v0 =	vld [tilespmem:s31+$0x0]  }
0x6ec: {  	v4 =	vld [tilespmem:s16+$0x10];
	[tilespmem:s14+$0x500] =	vst v5  }
0x6ed: {  	[tilespmem:s1+$0xFFFFFD00] =	vst v6;
	v5 =	vld [tilespmem:s17+$0x10]  }
0x6ee: {  	v6 =	vld [tilespmem:s4+$0x10];
	_ =	sdelay $0x1  }
0x6ef: {  	(v2sf) =	vpush v1, $0xB;
	[tilespmem:s14+$0xFFFFFD00] =	vst v0  }
0x6f0: {  	[tilespmem:s1+$0x510] =	vst v4;
	v0 =	vld [tilespmem:s31+$0x10]  }
0x6f1: {  	v4 =	vld [tilespmem:s16+$0x20];
	[tilespmem:s14+$0x510] =	vst v5  }
0x6f2: {  	[tilespmem:s1+$0xFFFFFD10] =	vst v6;
	v5 =	vld [tilespmem:s17+$0x20]  }
0x6f3: {  	v6 =	vld [tilespmem:s4+$0x20];
	_ =	sdelay $0x1  }
0x6f4: {  	[tilespmem:s14+$0xFFFFFD10] =	vst v0  }
0x6f5: {  	[tilespmem:s1+$0x520] =	vst v4;
	v0 =	vld [tilespmem:s31+$0x20]  }
0x6f6: {  	v4 =	vld [tilespmem:s16+$0x30];
	[tilespmem:s14+$0x520] =	vst v5  }
0x6f7: {  	v5 =	vld [tilespmem:s17+$0x30];
	[tilespmem:s1+$0xFFFFFD20] =	vst v6  }
0x6f8: {  	v6 =	vld [tilespmem:s4+$0x30];
	_ =	sdelay $0x1  }
0x6f9: {  	[tilespmem:s14+$0xFFFFFD20] =	vst v0  }
0x6fa: {  	[tilespmem:s1+$0x530] =	vst v4;
	v0 =	vld [tilespmem:s31+$0x30]  }
0x6fb: {  	[tilespmem:s14+$0x530] =	vst v5  }
0x6fc: {  	s19 =	spop (v2sf);
	v4 =	vld [tilespmem:s9+$0x0];
	[tilespmem:s1+$0xFFFFFD30] =	vst v6  }
0x6fd: {  	v5 =	vld [tilespmem:s19+$0x0];
	s20 =	rddreg [dreg:$0xb]  }
0x6fe: {  	v6 =	vld [tilespmem:s20+$0x0]  }
0x6ff: {  	[tilespmem:s14+$0xFFFFFD30] =	vst v0  }
0x700: {  	s24 =	rddreg [dreg:$0xf]  }
0x701: {  	[tilespmem:s1+$0x580] =	vst v4;
	v0 =	vld [tilespmem:s24+$0x0]  }
0x702: {  	v4 =	vld [tilespmem:s9+$0x10];
	[tilespmem:s14+$0x580] =	vst v5  }
0x703: {  	v5 =	vld [tilespmem:s19+$0x10];
	[tilespmem:s1+$0xFFFFFD80] =	vst v6  }
0x704: {  	v6 =	vld [tilespmem:s20+$0x10];
	_ =	sdelay $0x1  }
0x705: {  	(v2sf) =	vpush v1, $0xC;
	[tilespmem:s14+$0xFFFFFD80] =	vst v0  }
0x706: {  	[tilespmem:s1+$0x590] =	vst v4;
	v0 =	vld [tilespmem:s24+$0x10]  }
0x707: {  	v4 =	vld [tilespmem:s9+$0x20];
	[tilespmem:s14+$0x590] =	vst v5  }
0x708: {  	v5 =	vld [tilespmem:s19+$0x20];
	[tilespmem:s1+$0xFFFFFD90] =	vst v6  }
0x709: {  	v6 =	vld [tilespmem:s20+$0x20];
	_ =	sdelay $0x1  }
0x70a: {  	[tilespmem:s14+$0xFFFFFD90] =	vst v0  }
0x70b: {  	[tilespmem:s1+$0x5A0] =	vst v4;
	v0 =	vld [tilespmem:s24+$0x20]  }
0x70c: {  	v4 =	vld [tilespmem:s9+$0x30];
	[tilespmem:s14+$0x5A0] =	vst v5  }
0x70d: {  	v5 =	vld [tilespmem:s19+$0x30];
	[tilespmem:s1+$0xFFFFFDA0] =	vst v6  }
0x70e: {  	v6 =	vld [tilespmem:s20+$0x30];
	_ =	sdelay $0x1  }
0x70f: {  	[tilespmem:s14+$0xFFFFFDA0] =	vst v0  }
0x710: {  	[tilespmem:s1+$0x5B0] =	vst v4  }
0x711: {  	v0 =	vld [tilespmem:s24+$0x30];
	[tilespmem:s14+$0x5B0] =	vst v5  }
0x712: {  	s25 =	spop (v2sf);
	v4 =	vld [tilespmem:s29+$0x0];
	[tilespmem:s1+$0xFFFFFDB0] =	vst v6  }
0x713: {  	v5 =	vld [tilespmem:s25+$0x0];
	s26 =	rddreg [dreg:$0x9]  }
0x714: {  	v6 =	vld [tilespmem:s26+$0x0];
	_ =	sdelay $0x1  }
0x715: {  	[tilespmem:s14+$0xFFFFFDB0] =	vst v0  }
0x716: {  	[tilespmem:s1+$0x600] =	vst v4;
	v0 =	vld [tilespmem:s18+$0x0]  }
0x717: {  	v4 =	vld [tilespmem:s29+$0x10];
	[tilespmem:s14+$0x600] =	vst v5  }
0x718: {  	v5 =	vld [tilespmem:s25+$0x10];
	[tilespmem:s1+$0xFFFFFE00] =	vst v6  }
0x719: {  	v6 =	vld [tilespmem:s26+$0x10];
	_ =	sdelay $0x1  }
0x71a: {  	(v2sf) =	vpush v1, $0xD;
	[tilespmem:s14+$0xFFFFFE00] =	vst v0  }
0x71b: {  	[tilespmem:s1+$0x610] =	vst v4;
	v0 =	vld [tilespmem:s18+$0x10]  }
0x71c: {  	v4 =	vld [tilespmem:s29+$0x20];
	[tilespmem:s14+$0x610] =	vst v5  }
0x71d: {  	v5 =	vld [tilespmem:s25+$0x20];
	[tilespmem:s1+$0xFFFFFE10] =	vst v6  }
0x71e: {  	v6 =	vld [tilespmem:s26+$0x20];
	_ =	sdelay $0x1  }
0x71f: {  	[tilespmem:s14+$0xFFFFFE10] =	vst v0  }
0x720: {  	[tilespmem:s1+$0x620] =	vst v4;
	v0 =	vld [tilespmem:s18+$0x20]  }
0x721: {  	v4 =	vld [tilespmem:s29+$0x30];
	[tilespmem:s14+$0x620] =	vst v5  }
0x722: {  	v5 =	vld [tilespmem:s25+$0x30];
	[tilespmem:s1+$0xFFFFFE20] =	vst v6  }
0x723: {  	v6 =	vld [tilespmem:s26+$0x30];
	_ =	sdelay $0x1  }
0x724: {  	[tilespmem:s14+$0xFFFFFE20] =	vst v0  }
0x725: {  	[tilespmem:s1+$0x630] =	vst v4;
	v0 =	vld [tilespmem:s18+$0x30]  }
0x726: {  	[tilespmem:s14+$0x630] =	vst v5  }
0x727: {  	s28 =	spop (v2sf);
	v4 =	vld [tilespmem:s5+$0x0];
	[tilespmem:s1+$0xFFFFFE30] =	vst v6  }
0x728: {  	v5 =	vld [tilespmem:s28+$0x0];
	s29 =	rddreg [dreg:$0x8]  }
0x729: {  	v6 =	vld [tilespmem:s29+$0x0]  }
0x72a: {  	[tilespmem:s14+$0xFFFFFE30] =	vst v0  }
0x72b: {  	v0 =	vld [tilespmem:s22+$0x0]  }
0x72c: {  	[tilespmem:s1+$0x680] =	vst v4  }
0x72d: {  	v4 =	vld [tilespmem:s5+$0x10];
	[tilespmem:s14+$0x680] =	vst v5  }
0x72e: {  	v5 =	vld [tilespmem:s28+$0x10];
	[tilespmem:s1+$0xFFFFFE80] =	vst v6  }
0x72f: {  	v6 =	vld [tilespmem:s29+$0x10]  }
0x730: {  	(v2sf) =	vpush v1, $0xE;
	[tilespmem:s14+$0xFFFFFE80] =	vst v0  }
0x731: {  	v0 =	vld [tilespmem:s22+$0x10]  }
0x732: {  	[tilespmem:s1+$0x690] =	vst v4  }
0x733: {  	v4 =	vld [tilespmem:s5+$0x20];
	[tilespmem:s14+$0x690] =	vst v5  }
0x734: {  	v5 =	vld [tilespmem:s28+$0x20];
	[tilespmem:s1+$0xFFFFFE90] =	vst v6  }
0x735: {  	v6 =	vld [tilespmem:s29+$0x20]  }
0x736: {  	[tilespmem:s14+$0xFFFFFE90] =	vst v0  }
0x737: {  	v0 =	vld [tilespmem:s22+$0x20]  }
0x738: {  	[tilespmem:s1+$0x6A0] =	vst v4  }
0x739: {  	v4 =	vld [tilespmem:s5+$0x30];
	[tilespmem:s14+$0x6A0] =	vst v5  }
0x73a: {  	v5 =	vld [tilespmem:s28+$0x30];
	[tilespmem:s1+$0xFFFFFEA0] =	vst v6  }
0x73b: {  	v6 =	vld [tilespmem:s29+$0x30]  }
0x73c: {  	[tilespmem:s14+$0xFFFFFEA0] =	vst v0  }
0x73d: {  	v0 =	vld [tilespmem:s22+$0x30]  }
0x73e: {  	[tilespmem:s1+$0x6B0] =	vst v4  }
0x73f: {  	s31 =	spop (v2sf);
	v4 =	vld [tilespmem:s3+$0x0];
	[tilespmem:s14+$0x6B0] =	vst v5  }
0x740: {  	v5 =	vld [tilespmem:s31+$0x0];
	[tilespmem:s1+$0xFFFFFEB0] =	vst v6  }
0x741: {  	v6 =	vld [tilespmem:s13+$0x0]  }
0x742: {  	[tilespmem:s14+$0xFFFFFEB0] =	vst v0  }
0x743: {  	v0 =	vld [tilespmem:s21+$0x0]  }
0x744: {  	[tilespmem:s1+$0x700] =	vst v4  }
0x745: {  	v4 =	vld [tilespmem:s3+$0x10];
	[tilespmem:s14+$0x700] =	vst v5  }
0x746: {  	v5 =	vld [tilespmem:s31+$0x10];
	[tilespmem:s1+$0xFFFFFF00] =	vst v6  }
0x747: {  	v6 =	vld [tilespmem:s13+$0x10]  }
0x748: {  	[tilespmem:s14+$0xFFFFFF00] =	vst v0  }
0x749: {  	(v2sf) =	vpush v1, $0xF;
	v0 =	vld [tilespmem:s21+$0x10]  }
0x74a: {  	[tilespmem:s1+$0x710] =	vst v4  }
0x74b: {  	v59 =	vld [tilespmem:s3+$0x20];
	[tilespmem:s14+$0x710] =	vst v5  }
0x74c: {  	v60 =	vld [tilespmem:s31+$0x20];
	[tilespmem:s1+$0xFFFFFF10] =	vst v6  }
0x74d: {  	v61 =	vld [tilespmem:s13+$0x20]  }
0x74e: {  	[tilespmem:s14+$0xFFFFFF10] =	vst v0  }
0x74f: {  	v0 =	vld [tilespmem:s21+$0x20]  }
0x750: {  	[tilespmem:s1+$0x720] =	vst v59  }
0x751: {  	v1 =	vld [tilespmem:s3+$0x30];
	[tilespmem:s14+$0x720] =	vst v60  }
0x752: {  	v4 =	vld [tilespmem:s31+$0x30];
	[tilespmem:s1+$0xFFFFFF20] =	vst v61  }
0x753: {  	v5 =	vld [tilespmem:s13+$0x30]  }
0x754: {  	[tilespmem:s14+$0xFFFFFF20] =	vst v0  }
0x755: {  	[tilespmem:s30+$0xFFFFFF30] =	vst v3;
	v0 =	vld [tilespmem:s21+$0x30]  }
0x756: {  	v62 =	vld [tilespmem:s12+$0x30];
	[tilespmem:s1+$0x730] =	vst v1  }
0x757: {  	v1 =	vld [tilespmem:s11+$0x0];
	s0 =	rddreg [dreg:$0x3];
	[tilespmem:s14+$0x730] =	vst v4  }
0x758: {  	s4 =	spop (v2sf);
	v3 =	vld [tilespmem:s0+$0x0];
	[tilespmem:s1+$0xFFFFFF30] =	vst v5  }
0x759: {  	v4 =	vld [tilespmem:s4+$0x0];
	s5 =	rddreg [dreg:$0x6]  }
0x75a: {  	[tilespmem:s14+$0xFFFFFF30] =	vst v0;
	v5 =	vld [tilespmem:s5+$0x0]  }
0x75b: {  	[tilespmem:s23+$0xFFFFFFB0] =	vst v62;
	v0 =	vld [tilespmem:s8+$0x0]  }
0x75c: {  	[tilespmem:s1+$0x780] =	vst v1  }
0x75d: {  	[tilespmem:s30+$0xFFFFFF80] =	vst v3;
	v1 =	vld [tilespmem:s11+$0x10]  }
0x75e: {  	v3 =	vld [tilespmem:s0+$0x10];
	[tilespmem:s14+$0x780] =	vst v4  }
0x75f: {  	v4 =	vld [tilespmem:s4+$0x10];
	[tilespmem:s1+$0xFFFFFF80] =	vst v5  }
0x760: {  	[tilespmem:s14+$0xFFFFFF80] =	vst v0;
	v5 =	vld [tilespmem:s5+$0x10]  }
0x761: {  	[tilespmem:s30+$0x790] =	vst v2;
	v0 =	vld [tilespmem:s8+$0x10]  }
0x762: {  	v2 =	vld [tilespmem:s15+$0x20];
	[tilespmem:s1+$0x790] =	vst v1  }
0x763: {  	[tilespmem:s30+$0xFFFFFF90] =	vst v3;
	v1 =	vld [tilespmem:s11+$0x20]  }
0x764: {  	v3 =	vld [tilespmem:s0+$0x20];
	[tilespmem:s14+$0x790] =	vst v4  }
0x765: {  	v4 =	vld [tilespmem:s4+$0x20];
	[tilespmem:s1+$0xFFFFFF90] =	vst v5  }
0x766: {  	[tilespmem:s14+$0xFFFFFF90] =	vst v0;
	v5 =	vld [tilespmem:s5+$0x20]  }
0x767: {  	[tilespmem:s30+$0x7A0] =	vst v2;
	v0 =	vld [tilespmem:s8+$0x20]  }
0x768: {  	v2 =	vld [tilespmem:s15+$0x30];
	[tilespmem:s1+$0x7A0] =	vst v1  }
0x769: {  	[tilespmem:s30+$0xFFFFFFA0] =	vst v3;
	v1 =	vld [tilespmem:s11+$0x30]  }
0x76a: {  	v3 =	vld [tilespmem:s0+$0x30];
	[tilespmem:s14+$0x7A0] =	vst v4  }
0x76b: {  	v4 =	vld [tilespmem:s4+$0x30];
	[tilespmem:s1+$0xFFFFFFA0] =	vst v5  }
0x76c: {  	[tilespmem:s14+$0xFFFFFFA0] =	vst v0;
	v5 =	vld [tilespmem:s5+$0x30]  }
0x76d: {  	[tilespmem:s30+$0x7B0] =	vst v2;
	v0 =	vld [tilespmem:s8+$0x30]  }
0x76e: {  	[tilespmem:s1+$0x7B0] =	vst v1  }
0x76f: {  	[tilespmem:s30+$0xFFFFFFB0] =	vst v3  }
0x770: {  	[tilespmem:s14+$0x7B0] =	vst v4  }
0x771: {  	[tilespmem:s1+$0xFFFFFFB0] =	vst v5  }
0x772: {  	[tilespmem:s14+$0xFFFFFFB0] =	vst v0  }
0x773: {  	v0 =	vld [tilespmem:$0x2380];
	_ =	sdelay $0x4  }
0x774: {  	v0 =	vshll.u32 v0, $0x6  }
0x775: {  	(v2sf) =	vpush v0, $0x0;
	_ =	sdelay $0xe  }
0x776: {  	s6 =	spop (v2sf)  }
0x777: {  	v1 =	vld [tilespmem:s6+$0x0];
	_ =	sdelay $0x4  }
0x778: {  	[tilespmem:$0x1AC00] =	vst v1  }
0x779: {  	v1 =	vld [tilespmem:s6+$0x10];
	_ =	sdelay $0x1  }
0x77a: {  	(v2sf) =	vpush v0, $0x1;
	_ =	sdelay $0x2  }
0x77b: {  	[tilespmem:$0x1AC10] =	vst v1  }
0x77c: {  	v1 =	vld [tilespmem:s6+$0x20];
	_ =	sdelay $0x4  }
0x77d: {  	[tilespmem:$0x1AC20] =	vst v1  }
0x77e: {  	v1 =	vld [tilespmem:s6+$0x30];
	_ =	sdelay $0x4  }
0x77f: {  	s7 =	spop (v2sf);
	[tilespmem:$0x1AC30] =	vst v1  }
0x780: {  	v1 =	vld [tilespmem:s7+$0x0];
	_ =	sdelay $0x4  }
0x781: {  	[tilespmem:$0x1AC80] =	vst v1  }
0x782: {  	v1 =	vld [tilespmem:s7+$0x10];
	_ =	sdelay $0x1  }
0x783: {  	(v2sf) =	vpush v0, $0x2;
	_ =	sdelay $0x2  }
0x784: {  	[tilespmem:$0x1AC90] =	vst v1  }
0x785: {  	v1 =	vld [tilespmem:s7+$0x20];
	_ =	sdelay $0x4  }
0x786: {  	[tilespmem:$0x1ACA0] =	vst v1  }
0x787: {  	v1 =	vld [tilespmem:s7+$0x30];
	_ =	sdelay $0x4  }
0x788: {  	s8 =	spop (v2sf);
	[tilespmem:$0x1ACB0] =	vst v1  }
0x789: {  	v1 =	vld [tilespmem:s8+$0x0];
	_ =	sdelay $0x4  }
0x78a: {  	[tilespmem:$0x1AD00] =	vst v1  }
0x78b: {  	v1 =	vld [tilespmem:s8+$0x10];
	_ =	sdelay $0x1  }
0x78c: {  	(v2sf) =	vpush v0, $0x3;
	_ =	sdelay $0x2  }
0x78d: {  	[tilespmem:$0x1AD10] =	vst v1  }
0x78e: {  	v1 =	vld [tilespmem:s8+$0x20];
	_ =	sdelay $0x4  }
0x78f: {  	[tilespmem:$0x1AD20] =	vst v1  }
0x790: {  	v1 =	vld [tilespmem:s8+$0x30];
	_ =	sdelay $0x4  }
0x791: {  	s9 =	spop (v2sf);
	[tilespmem:$0x1AD30] =	vst v1  }
0x792: {  	v1 =	vld [tilespmem:s9+$0x0];
	_ =	sdelay $0x4  }
0x793: {  	[tilespmem:$0x1AD80] =	vst v1  }
0x794: {  	v1 =	vld [tilespmem:s9+$0x10];
	_ =	sdelay $0x1  }
0x795: {  	(v2sf) =	vpush v0, $0x4;
	_ =	sdelay $0x2  }
0x796: {  	[tilespmem:$0x1AD90] =	vst v1  }
0x797: {  	v1 =	vld [tilespmem:s9+$0x20];
	_ =	sdelay $0x4  }
0x798: {  	[tilespmem:$0x1ADA0] =	vst v1  }
0x799: {  	v1 =	vld [tilespmem:s9+$0x30];
	_ =	sdelay $0x4  }
0x79a: {  	s10 =	spop (v2sf);
	[tilespmem:$0x1ADB0] =	vst v1  }
0x79b: {  	v1 =	vld [tilespmem:s10+$0x0];
	_ =	sdelay $0x4  }
0x79c: {  	[tilespmem:$0x1AE00] =	vst v1  }
0x79d: {  	v1 =	vld [tilespmem:s10+$0x10];
	_ =	sdelay $0x1  }
0x79e: {  	(v2sf) =	vpush v0, $0x5;
	_ =	sdelay $0x2  }
0x79f: {  	[tilespmem:$0x1AE10] =	vst v1  }
0x7a0: {  	v1 =	vld [tilespmem:s10+$0x20];
	_ =	sdelay $0x4  }
0x7a1: {  	[tilespmem:$0x1AE20] =	vst v1  }
0x7a2: {  	v1 =	vld [tilespmem:s10+$0x30];
	_ =	sdelay $0x4  }
0x7a3: {  	s11 =	spop (v2sf);
	[tilespmem:$0x1AE30] =	vst v1  }
0x7a4: {  	v1 =	vld [tilespmem:s11+$0x0];
	_ =	sdelay $0x4  }
0x7a5: {  	[tilespmem:$0x1AE80] =	vst v1  }
0x7a6: {  	v1 =	vld [tilespmem:s11+$0x10];
	_ =	sdelay $0x1  }
0x7a7: {  	(v2sf) =	vpush v0, $0x6;
	_ =	sdelay $0x2  }
0x7a8: {  	[tilespmem:$0x1AE90] =	vst v1  }
0x7a9: {  	v1 =	vld [tilespmem:s11+$0x20];
	_ =	sdelay $0x4  }
0x7aa: {  	[tilespmem:$0x1AEA0] =	vst v1  }
0x7ab: {  	v1 =	vld [tilespmem:s11+$0x30];
	_ =	sdelay $0x4  }
0x7ac: {  	s12 =	spop (v2sf);
	[tilespmem:$0x1AEB0] =	vst v1  }
0x7ad: {  	v1 =	vld [tilespmem:s12+$0x0];
	_ =	sdelay $0x4  }
0x7ae: {  	[tilespmem:$0x1AF00] =	vst v1  }
0x7af: {  	v1 =	vld [tilespmem:s12+$0x10];
	_ =	sdelay $0x1  }
0x7b0: {  	(v2sf) =	vpush v0, $0x7;
	_ =	sdelay $0x2  }
0x7b1: {  	[tilespmem:$0x1AF10] =	vst v1  }
0x7b2: {  	v1 =	vld [tilespmem:s12+$0x20];
	_ =	sdelay $0x4  }
0x7b3: {  	[tilespmem:$0x1AF20] =	vst v1  }
0x7b4: {  	v1 =	vld [tilespmem:s12+$0x30];
	_ =	sdelay $0x4  }
0x7b5: {  	s13 =	spop (v2sf);
	[tilespmem:$0x1AF30] =	vst v1  }
0x7b6: {  	v1 =	vld [tilespmem:s13+$0x0];
	_ =	sdelay $0x4  }
0x7b7: {  	[tilespmem:$0x1AF80] =	vst v1  }
0x7b8: {  	v1 =	vld [tilespmem:s13+$0x10];
	_ =	sdelay $0x1  }
0x7b9: {  	(v2sf) =	vpush v0, $0x8;
	_ =	sdelay $0x2  }
0x7ba: {  	[tilespmem:$0x1AF90] =	vst v1  }
0x7bb: {  	v1 =	vld [tilespmem:s13+$0x20];
	_ =	sdelay $0x4  }
0x7bc: {  	[tilespmem:$0x1AFA0] =	vst v1  }
0x7bd: {  	v1 =	vld [tilespmem:s13+$0x30];
	_ =	sdelay $0x4  }
0x7be: {  	s14 =	spop (v2sf);
	[tilespmem:$0x1AFB0] =	vst v1  }
0x7bf: {  	v1 =	vld [tilespmem:s14+$0x0];
	_ =	sdelay $0x4  }
0x7c0: {  	[tilespmem:$0x1B000] =	vst v1  }
0x7c1: {  	v1 =	vld [tilespmem:s14+$0x10];
	_ =	sdelay $0x1  }
0x7c2: {  	(v2sf) =	vpush v0, $0x9;
	_ =	sdelay $0x2  }
0x7c3: {  	[tilespmem:$0x1B010] =	vst v1  }
0x7c4: {  	v1 =	vld [tilespmem:s14+$0x20];
	_ =	sdelay $0x4  }
0x7c5: {  	[tilespmem:$0x1B020] =	vst v1  }
0x7c6: {  	v1 =	vld [tilespmem:s14+$0x30];
	_ =	sdelay $0x4  }
0x7c7: {  	s15 =	spop (v2sf);
	[tilespmem:$0x1B030] =	vst v1  }
0x7c8: {  	v1 =	vld [tilespmem:s15+$0x0];
	_ =	sdelay $0x4  }
0x7c9: {  	[tilespmem:$0x1B080] =	vst v1  }
0x7ca: {  	v1 =	vld [tilespmem:s15+$0x10];
	_ =	sdelay $0x1  }
0x7cb: {  	(v2sf) =	vpush v0, $0xA;
	_ =	sdelay $0x2  }
0x7cc: {  	[tilespmem:$0x1B090] =	vst v1  }
0x7cd: {  	v1 =	vld [tilespmem:s15+$0x20];
	_ =	sdelay $0x4  }
0x7ce: {  	[tilespmem:$0x1B0A0] =	vst v1  }
0x7cf: {  	v1 =	vld [tilespmem:s15+$0x30];
	_ =	sdelay $0x4  }
0x7d0: {  	s16 =	spop (v2sf);
	[tilespmem:$0x1B0B0] =	vst v1  }
0x7d1: {  	v1 =	vld [tilespmem:s16+$0x0];
	_ =	sdelay $0x4  }
0x7d2: {  	[tilespmem:$0x1B100] =	vst v1  }
0x7d3: {  	v1 =	vld [tilespmem:s16+$0x10];
	_ =	sdelay $0x1  }
0x7d4: {  	(v2sf) =	vpush v0, $0xB;
	_ =	sdelay $0x2  }
0x7d5: {  	[tilespmem:$0x1B110] =	vst v1  }
0x7d6: {  	v1 =	vld [tilespmem:s16+$0x20];
	_ =	sdelay $0x4  }
0x7d7: {  	[tilespmem:$0x1B120] =	vst v1  }
0x7d8: {  	v1 =	vld [tilespmem:s16+$0x30];
	_ =	sdelay $0x4  }
0x7d9: {  	s17 =	spop (v2sf);
	[tilespmem:$0x1B130] =	vst v1  }
0x7da: {  	v1 =	vld [tilespmem:s17+$0x0];
	_ =	sdelay $0x4  }
0x7db: {  	[tilespmem:$0x1B180] =	vst v1  }
0x7dc: {  	v1 =	vld [tilespmem:s17+$0x10];
	_ =	sdelay $0x1  }
0x7dd: {  	(v2sf) =	vpush v0, $0xC;
	_ =	sdelay $0x2  }
0x7de: {  	[tilespmem:$0x1B190] =	vst v1  }
0x7df: {  	v1 =	vld [tilespmem:s17+$0x20];
	_ =	sdelay $0x4  }
0x7e0: {  	[tilespmem:$0x1B1A0] =	vst v1  }
0x7e1: {  	v1 =	vld [tilespmem:s17+$0x30];
	_ =	sdelay $0x4  }
0x7e2: {  	s18 =	spop (v2sf);
	[tilespmem:$0x1B1B0] =	vst v1  }
0x7e3: {  	v1 =	vld [tilespmem:s18+$0x0];
	_ =	sdelay $0x4  }
0x7e4: {  	[tilespmem:$0x1B200] =	vst v1  }
0x7e5: {  	v1 =	vld [tilespmem:s18+$0x10];
	_ =	sdelay $0x1  }
0x7e6: {  	(v2sf) =	vpush v0, $0xD;
	_ =	sdelay $0x2  }
0x7e7: {  	[tilespmem:$0x1B210] =	vst v1  }
0x7e8: {  	v1 =	vld [tilespmem:s18+$0x20];
	_ =	sdelay $0x4  }
0x7e9: {  	[tilespmem:$0x1B220] =	vst v1  }
0x7ea: {  	v1 =	vld [tilespmem:s18+$0x30];
	_ =	sdelay $0x4  }
0x7eb: {  	s19 =	spop (v2sf);
	[tilespmem:$0x1B230] =	vst v1  }
0x7ec: {  	v1 =	vld [tilespmem:s19+$0x0];
	_ =	sdelay $0x4  }
0x7ed: {  	[tilespmem:$0x1B280] =	vst v1  }
0x7ee: {  	v1 =	vld [tilespmem:s19+$0x10];
	_ =	sdelay $0x1  }
0x7ef: {  	(v2sf) =	vpush v0, $0xE;
	_ =	sdelay $0x2  }
0x7f0: {  	[tilespmem:$0x1B290] =	vst v1  }
0x7f1: {  	v1 =	vld [tilespmem:s19+$0x20];
	_ =	sdelay $0x4  }
0x7f2: {  	[tilespmem:$0x1B2A0] =	vst v1  }
0x7f3: {  	v1 =	vld [tilespmem:s19+$0x30];
	_ =	sdelay $0x4  }
0x7f4: {  	s20 =	spop (v2sf);
	[tilespmem:$0x1B2B0] =	vst v1  }
0x7f5: {  	v1 =	vld [tilespmem:s20+$0x0];
	_ =	sdelay $0x4  }
0x7f6: {  	[tilespmem:$0x1B300] =	vst v1  }
0x7f7: {  	v1 =	vld [tilespmem:s20+$0x10];
	_ =	sdelay $0x1  }
0x7f8: {  	(v2sf) =	vpush v0, $0xF;
	_ =	sdelay $0x2  }
0x7f9: {  	[tilespmem:$0x1B310] =	vst v1  }
0x7fa: {  	v63 =	vld [tilespmem:s20+$0x20];
	_ =	sdelay $0x4  }
0x7fb: {  	[tilespmem:$0x1B320] =	vst v63  }
0x7fc: {  	v0 =	vld [tilespmem:s20+$0x30];
	_ =	sdelay $0x4  }
0x7fd: {  	s21 =	spop (v2sf);
	[tilespmem:$0x1B330] =	vst v0  }
0x7fe: {  	v0 =	vld [tilespmem:s21+$0x0];
	_ =	sdelay $0x4  }
0x7ff: {  	[tilespmem:$0x1B380] =	vst v0  }
0x800: {  	v0 =	vld [tilespmem:s21+$0x10];
	_ =	sdelay $0x4  }
0x801: {  	[tilespmem:$0x1B390] =	vst v0  }
0x802: {  	v0 =	vld [tilespmem:s21+$0x20];
	_ =	sdelay $0x1  }
0x803: {  	s1 =	sld [smem:$0x7F3]  }
0x804: {  	s0 =	rddreg [dreg:$0x1f]  }
0x805: {  	s22 =	sld [smem:$0x7F4]  }
0x806: {  	s0 =	sadd.s32 @!p0 s1, s0;
	[tilespmem:$0x1B3A0] =	vst v0  }
0x807: {  	s1 =	rddreg [dreg:$0x1];
	s0 =	sshrl.u32 @!p0 s0, $0x3;
	v0 =	vld [tilespmem:s21+$0x30]  }
0x808: {  	s0 =	sadd.s32 @!p0 s1, s0;
	s1 =	sor.u32 $0x2, s22  }
0x809: {  	s31 =	sld [smem:$0x7F7];
	s23 =	smul.u32 $0xC80, s1  }
0x80a: {  	s1 =	smul.u32 $0x6400, s1  }
0x80b: {  	s2 =	simm.s32 @!p0 $0x0  }
0x80c: {  	s3 =	simm.s32 @!p0 $0x2200;
	s29 =	sshrl.u32 s1, $0x3;
	s1 =	sadd.s32 $0x1, s31;
	[tilespmem:$0x1B3B0] =	vst v0  }
0x80d: {  	[tilespmem:s3], [sflag:$0x2] =	stream.linear.gather @!p0 [hbm4b:s0+s2], $0x190, $0x38;
	[tilespmem:$0x1B400] =	vst v63  }
0x80e: {  	p0 =	sne.s32 s1, $0x80  }
.Ltmp2:
0x80f: {  	s26 =	simm.s32 $0x0;
	s24 =	rddreg [dreg:$0x1a];
	(pc) =	sbr.rel @p0 .LBB2_2-.Ltmp2, $4  }
0x810: {  	s28 =	simm.s32 $0xEC00;
	s25 =	sadd.s32 s24, s23;
	s0 =	sadd.s32 s24, s29  }
0x811: {  	[hbm4b:s25+s26] =	stream.linear.scatter [tilespmem:s28], [sflag:$0x5], $0x6400, $0x38;
	[tilespmem:$0x1B400] =	vst v63  }
0x812: {  	s30 =	simm.s32 $0x15000;
	s0 =	sadd.s32 $0xC80, s0  }
0x813: {  	[hbm4b:s0+s26] =	stream.linear.scatter [tilespmem:s30], [sflag:$0x5], $0x6400, $0x38;
	[tilespmem:$0x1B400] =	vst v63  }
0x814: {  	s0 =	simm.s32 $0x4  }
0x815: {  	_ =	swait.ge [sflag:s0], $0x6400  }
0x816: {  	[sflag:s0] =	ssyncset.done $0x0  }
0x817: {  	[sflag:s0] =	ssyncadd.s32 $0xFFFF9C00  }
0x818: {  	_ =	swait.ge [sflag:s0], $0x6400  }
0x819: {  	[sflag:s0] =	ssyncset.done $0x0  }
0x81a: {  	s1 =	simm.s32 $0x5;
	[sflag:s0] =	ssyncadd.s32 $0xFFFF9C00  }
0x81b: {  	_ =	swait.ge [sflag:s1], $0x6400  }
0x81c: {  	[sflag:s1] =	ssyncset.done $0x0  }
0x81d: {  	[sflag:s1] =	ssyncadd.s32 $0xFFFF9C00  }
0x81e: {  	_ =	swait.ge [sflag:s1], $0x6400  }
0x81f: {  	s2 =	sld [smem:$0x7FC]  }
0x820: {  	s31 =	sld [smem:$0x7FD];
	_ =	sdelay $0x1  }
0x821: {  	s2 =	sadd.s32 $0x1, s2  }
0x822: {  	p0 =	sne.s32 s2, s31  }
.Ltmp3:
0x823: {  	_ = 	snop;
	(pc) =	sbr.rel @p0 .LBB2_1-.Ltmp3, $3  }
0x824: {  	_ =	sdelay $0x1  }
0x825: {  	[sflag:s1] =	ssyncset.done $0x0  }
0x826: {  	[sflag:s1] =	ssyncadd.s32 $0xFFFF9C00  }
0x827: {  	_ =	sfence.sel $0x180000  }
0x828: {  	[bflag:$0x0] =	sbarrier.arrive $0xFFFF  }
0x829: {  	_ =	strace $0x90000047  }
0x82a: {  	s0 =	stileid.u32;
	[bflag:$0x2] =	sbarrier.arrive $0xFFFF  }
0x82b: {  	p0 =	sne.s32 s0, $0x0;
	s0 =	rddreg [dreg:$0x2]  }
0x82c: {  	s0 =	sadd.s32 @!p0 $0x100000, s0  }
0x82d: {  	[sflag:s0] =	ssyncadd.tile.s32 @!p0 $0x1;
	_ =	shalt  }
.Lfunc_end2:
_tile_overlayer_lowered:
.L_overlay_start_2:
0x82e: {  	(tag) =	ssettag $0x2  }
0x82f: {  	s0 =	rddreg [dreg:$0x0];
	s2 =	stileid.u32  }
0x830: {  	s1 =	rddreg [dreg:$0x1];
	p0 =	sne.s32 s2, $0x0  }
0x831: {  	s3 =	rddreg [dreg:$0x2];
	[bflag:$0x3] =	sbarrier.arrive $0xFFFF;
	s2 =	simm.s32 @!p0 $0x1C06  }
0x832: {  	[timem:s3], [sflag:s2] =	dma.local @!p0 [hbm:s0], s1  }
0x833: {  	s0 =	simm.s32 @!p0 $0x6  }
0x834: {  	_ =	swait.ge @!p0 [sflag:s0], s1  }
0x835: {  	s1 =	ssub.s32 @!p0 $0x0, s1;
	[sflag:s0] =	ssyncset.done @!p0 $0x0  }
0x836: {  	[sflag:s0] =	ssyncadd.s32 @!p0 s1  }
0x837: {  	[bflag:$0x3] =	sbarrier.arrive $0xFFFF  }
0x838: {  	_ =	shalt  }

</sc_bundles>
